<compile_context>
chip_gen: v7x
topology: tpu7x:2x2x1
jax: 0.10.2.dev20260603
libtpu: 0.0.44.dev20260713+nightly
codegen_flags: <defaults>
</compile_context>

<pallas_src>
import jax
import jax.numpy as jnp
from jax import lax
from jax.experimental import pallas as pl
from jax.experimental.pallas import tpu as pltpu
from jax.experimental.pallas import tpu_sc as plsc

N = 1_000_000
LANES = 16
NCORES = 2
NSUB = 16
NW = NCORES * NSUB
CHUNK = 31_248
NVREG = CHUNK // LANES
BLK = 63
NBLK = NVREG // BLK
BLK_E = BLK * LANES
TAIL_BASE = NW * CHUNK
TAIL_TILES = (N - TAIL_BASE) // LANES
SLICE_BLOCKS = (8, 8, 8, 7)
INNER_V = 21
NACC = 6
PACK = 3 * LANES

I32_MAX = 2**31 - 1
SIGN_MASK = 0x7FFFFFFF


def _sc_body(in_hbm, p_hbm, out_k, out_i, out_v,
             chunk, pvm, bmref, pd, pi, pub, sh, allp,
             sem0, sem1, sem2, sem3, sem4):
    cid = lax.axis_index("c")
    sid = lax.axis_index("s")
    wid = sid * NCORES + cid
    base = wid * CHUNK
    iota = lax.iota(jnp.int32, LANES)
    maxv = jnp.full((LANES,), I32_MAX, jnp.int32)

    pltpu.sync_copy(p_hbm, pvm)

    sems = (sem0, sem1, sem2, sem3)
    copies = []
    off = 0
    for q, nb in enumerate(SLICE_BLOCKS):
        ne = nb * BLK_E
        copies.append(pltpu.async_copy(
            in_hbm.at[pl.ds(base + off, ne)], chunk.at[pl.ds(off, ne)],
            sems[q]))
        off += ne
    has_tail = wid < TAIL_TILES
    e_off = TAIL_BASE + jnp.where(has_tail, wid, 0) * LANES
    tail_copy = pltpu.async_copy(
        in_hbm.at[pl.ds(e_off, LANES)], chunk.at[pl.ds(CHUNK, LANES)], sem4)

    pvec = pvm[...]

    def keys_of(x):
        return lax.bitcast_convert_type(x - pvec, jnp.int32) & SIGN_MASK

    sb = 0
    for q, nb in enumerate(SLICE_BLOCKS):
        copies[q].wait()

        def blk(b, _, sb=sb):
            eoff = (b + sb) * BLK_E

            def inner(t, accs):
                o2 = eoff + t * (INNER_V * LANES)
                accs = list(accs)
                for v in range(INNER_V):
                    xi = keys_of(chunk[pl.ds(o2 + v * LANES, LANES)])
                    accs[v % NACC] = jnp.minimum(accs[v % NACC], xi)
                return tuple(accs)

            accs = list(lax.fori_loop(0, BLK // INNER_V, inner,
                                      (maxv,) * NACC))
            while len(accs) > 1:
                accs = [jnp.minimum(a, b2) for a, b2 in zip(accs[::2], accs[1::2])] \
                    + ([accs[-1]] if len(accs) % 2 else [])
            bmref[pl.ds((b + sb) * LANES, LANES)] = accs[0]
            return 0

        lax.fori_loop(0, nb, blk, 0)
        sb += nb

    def bfly_min(v):
        for s in (8, 4, 2, 1):
            pd[...] = v
            v = jnp.minimum(v, plsc.load_gather(pd, [(iota + s) & (LANES - 1)]))
        return v

    def bfly_lex(k, i):
        for s in (8, 4, 2, 1):
            pd[...] = k
            pi[...] = i
            perm = (iota + s) & (LANES - 1)
            rk = plsc.load_gather(pd, [perm])
            ri = plsc.load_gather(pi, [perm])
            better = (rk < k) | ((rk == k) & (ri < i))
            k = jnp.where(better, rk, k)
            i = jnp.where(better, ri, i)
        return k, i

    macc = maxv
    for r in range(NBLK):
        macc = jnp.minimum(macc, bmref[pl.ds(r * LANES, LANES)])
    m_all = bfly_min(macc)

    bb = maxv
    for r in range(NBLK):
        hit = bmref[pl.ds(r * LANES, LANES)] == m_all
        bb = jnp.minimum(bb, jnp.where(hit, jnp.full((LANES,), r, jnp.int32),
                                       maxv))
    b_all = bfly_min(bb)

    bi = maxv
    addr0 = b_all * BLK_E + iota
    for t in range(BLK):
        av = addr0 + t * LANES
        xi = keys_of(plsc.load_gather(chunk, [av]))
        bi = jnp.minimum(bi, jnp.where(xi == m_all, av, maxv))
    i_all = bfly_min(bi)

    tail_copy.wait()
    kt = keys_of(chunk[pl.ds(CHUNK, LANES)])
    kt = jnp.where(jnp.full((LANES,), has_tail), kt, maxv)
    it = jnp.full((LANES,), CHUNK, jnp.int32) + iota
    better = (kt < m_all) | ((kt == m_all) & (it < i_all))
    fk = jnp.where(better, kt, m_all)
    fi = jnp.where(better, it, i_all)
    fk, fi = bfly_lex(fk, fi)

    fv = plsc.load_gather(chunk, [fi])
    in_main = fi < CHUNK
    fg = jnp.where(in_main, fi + base, fi - CHUNK + (TAIL_BASE + wid * LANES))

    pub[pl.ds(0, LANES)] = lax.bitcast_convert_type(fk, jnp.float32)
    pub[pl.ds(LANES, LANES)] = fg.astype(jnp.float32)
    pub[pl.ds(2 * LANES, LANES)] = fv
    pltpu.sync_copy(pub, sh.at[pl.ds(sid * PACK, PACK)])
    plsc.subcore_barrier()

    @pl.when(sid == 0)
    def _():
        pltpu.sync_copy(sh, allp)
        gd = allp[pl.ds(0, LANES)]
        gi = allp[pl.ds(LANES, LANES)]
        gv = allp[pl.ds(2 * LANES, LANES)]
        for r in range(1, NSUB):
            rd = allp[pl.ds(r * PACK, LANES)]
            ri = allp[pl.ds(r * PACK + LANES, LANES)]
            rv = allp[pl.ds(r * PACK + 2 * LANES, LANES)]
            better = (rd < gd) | ((rd == gd) & (ri < gi))
            gd = jnp.where(better, rd, gd)
            gi = jnp.where(better, ri, gi)
            gv = jnp.where(better, rv, gv)
        pub[pl.ds(0, LANES)] = gd
        pub[pl.ds(LANES, LANES)] = gi
        pub[pl.ds(2 * LANES, LANES)] = gv
        pltpu.sync_copy(pub.at[pl.ds(0, LANES)],
                        out_k.at[pl.ds(cid * LANES, LANES)])
        pltpu.sync_copy(pub.at[pl.ds(LANES, LANES)],
                        out_i.at[pl.ds(cid * LANES, LANES)])
        pltpu.sync_copy(pub.at[pl.ds(2 * LANES, LANES)],
                        out_v.at[pl.ds(cid * LANES, LANES)])


def _merge_body(k_ref, i_ref, v_ref, o_ref):
    def step(t, carry):
        bk, bi, bv = carry
        kt = k_ref[t]
        it = i_ref[t]
        vt = v_ref[t]
        better = (kt < bk) | ((kt == bk) & (it < bi))
        return (jnp.where(better, kt, bk), jnp.where(better, it, bi),
                jnp.where(better, vt, bv))

    inf = jnp.float32(jnp.inf)
    _, _, bv = lax.fori_loop(0, NCORES * LANES, step,
                             (inf, inf, jnp.float32(0.0)))
    o_ref[0] = bv


@jax.jit
def _closest_sc(inp, p16):
    mesh = plsc.VectorSubcoreMesh(
        core_axis_name="c", subcore_axis_name="s", num_cores=NCORES)
    f = pl.kernel(
        _sc_body,
        out_type=(jax.ShapeDtypeStruct((NCORES * LANES,), jnp.float32),
                  jax.ShapeDtypeStruct((NCORES * LANES,), jnp.float32),
                  jax.ShapeDtypeStruct((NCORES * LANES,), jnp.float32)),
        mesh=mesh,
        compiler_params=pltpu.CompilerParams(
            needs_layout_passes=False, use_tc_tiling_on_sc=False),
        scratch_types=[
            pltpu.VMEM((CHUNK + LANES,), jnp.float32),
            pltpu.VMEM((LANES,), jnp.float32),
            pltpu.VMEM((NBLK * LANES,), jnp.int32),
            pltpu.VMEM((LANES,), jnp.int32),
            pltpu.VMEM((LANES,), jnp.int32),
            pltpu.VMEM((PACK,), jnp.float32),
            pltpu.VMEM_SHARED((NSUB * PACK,), jnp.float32),
            pltpu.VMEM((NSUB * PACK,), jnp.float32),
            pltpu.SemaphoreType.DMA,
            pltpu.SemaphoreType.DMA,
            pltpu.SemaphoreType.DMA,
            pltpu.SemaphoreType.DMA,
            pltpu.SemaphoreType.DMA,
        ],
    )
    ck, ci, cv = f(inp, p16)
    merge = pl.pallas_call(
        _merge_body,
        out_shape=jax.ShapeDtypeStruct((1,), jnp.float32),
        in_specs=[pl.BlockSpec(memory_space=pltpu.SMEM)] * 3,
        out_specs=pl.BlockSpec(memory_space=pltpu.SMEM),
    )
    return merge(ck, ci, cv)


def kernel(input, prev_output):
    p16 = jnp.broadcast_to(prev_output, (LANES,))
    return _closest_sc(input, p16)

# --- scband reference (transcript-rebuilt; emitter-appended) ---
"""Pipeline reference for scband-simple-closest-value-30236569764060 (READ-ONLY COPY).

The authoritative reference and input builder live on the scoring server;
editing this copy changes nothing except your own understanding.
"""

import jax, jax.numpy as jnp
import numpy as np


def setup_inputs(seed: int = 0) -> dict:
    key = jax.random.key(seed)
    k_in, = jax.random.split(key, 1)
    inp = jax.random.normal(k_in, (1000000,), dtype=jnp.float32)
    # Registered buffer 'prev_output' initialized from init_kwargs initial_value=0.0
    prev_output = jnp.array([0.0], dtype=jnp.float32)
    return {"input": inp, "prev_output": prev_output}


def reference(input, prev_output):
    # Faithful translation of SimpleClosestValue.forward for a 1D input.
    diff = jnp.abs(input - prev_output)          # [N] broadcast against [1]
    min_idx = jnp.argmin(diff)                   # scalar index of closest value
    closest_val = input[min_idx][None]           # unsqueeze(0) -> shape [1]
    # (stateful buffer update self.prev_output = closest_val.detach() is a side
    #  effect; the functional forward output is closest_val)
    return closest_val

if __name__ == "__main__":
    import jax
    _d = setup_inputs()
    print(jax.jit(kernel)(*tuple(_d.values())))

</pallas_src>

<mosaic_0001>
#map = affine_map<(d0, d1) -> (0)>
module attributes {stable_mosaic.version = 14 : i64} {
  func.func @_sc_body(%arg0: i32, %arg1: i32, %arg2: memref<1000000xf32, #tpu.memory_space<hbm>>, %arg3: memref<16xf32, #tpu.memory_space<hbm>>, %arg4: memref<32xf32, #tpu.memory_space<hbm>>, %arg5: memref<32xf32, #tpu.memory_space<hbm>>, %arg6: memref<32xf32, #tpu.memory_space<hbm>>, %arg7: memref<31264xf32, #tpu.memory_space<vmem>>, %arg8: memref<16xf32, #tpu.memory_space<vmem>>, %arg9: memref<496xi32, #tpu.memory_space<vmem>>, %arg10: memref<16xi32, #tpu.memory_space<vmem>>, %arg11: memref<16xi32, #tpu.memory_space<vmem>>, %arg12: memref<48xf32, #tpu.memory_space<vmem>>, %arg13: memref<768xf32, #tpu.memory_space<vmem_shared>>, %arg14: memref<768xf32, #tpu.memory_space<vmem>>, %arg15: memref<!tpu.dma_semaphore, #tpu.memory_space<semaphore_mem>>, %arg16: memref<!tpu.dma_semaphore, #tpu.memory_space<semaphore_mem>>, %arg17: memref<!tpu.dma_semaphore, #tpu.memory_space<semaphore_mem>>, %arg18: memref<!tpu.dma_semaphore, #tpu.memory_space<semaphore_mem>>, %arg19: memref<!tpu.dma_semaphore, #tpu.memory_space<semaphore_mem>>) attributes {dimension_semantics = [#tpu.dimension_semantics<core_parallel>, #tpu.dimension_semantics<subcore_parallel>], iteration_bounds = array<i64: 2, 16>, scalar_prefetch = 0 : i64, scratch_operands = 13 : i64, tpu.core_type = #tpu.core_type<sc_vector_subcore>, window_params = [{transform_indices = #map}, {transform_indices = #map}, {transform_indices = #map}, {transform_indices = #map}, {transform_indices = #map}]} {
    %mul3A = arith.constant 2 : i32
    %mul3A_0 = arith.muli %arg1, %mul3A : i32
    %add3A = arith.addi %mul3A_0, %arg0 : i32
    %mul3A_1 = arith.constant 31248 : i32
    %mul3A_2 = arith.muli %add3A, %mul3A_1 : i32
    %iota3A = tpu.iota {dimensions = array<i32: 0>} : vector<16xi32>
    %broadcast_in_dim3A = arith.constant 2147483647 : i32
    %broadcast_in_dim3A_3 = vector.broadcast %broadcast_in_dim3A : i32 to vector<16xi32>
    "tpu.region"() ({
      %run_scoped3A = tpu.sem_alloc : memref<!tpu.dma_semaphore, #tpu.memory_space<semaphore_mem>>
      tpu.enqueue_dma source(%arg3 : memref<16xf32, #tpu.memory_space<hbm>>) target(%arg8 : memref<16xf32, #tpu.memory_space<vmem>>) target_semaphore(%run_scoped3A : memref<!tpu.dma_semaphore, #tpu.memory_space<semaphore_mem>>)
      tpu.wait_dma2 semaphore(%run_scoped3A : memref<!tpu.dma_semaphore, #tpu.memory_space<semaphore_mem>>) src(%arg3 : memref<16xf32, #tpu.memory_space<hbm>>) dst(%arg8 : memref<16xf32, #tpu.memory_space<vmem>>)
      tpu.yield
    }) : () -> ()
    %add3A_4 = arith.constant 0 : i32
    %add3A_5 = arith.addi %mul3A_2, %add3A_4 : i32
    %dma_start3A = arith.constant 0 : i32
    %dma_start3A_6 = tpu.memref_slice %arg7[%dma_start3A] : memref<31264xf32, #tpu.memory_space<vmem>> -> memref<8064xf32, #tpu.memory_space<vmem>>
    %dma_start3A_7 = tpu.memref_slice %arg2[%add3A_5] : memref<1000000xf32, #tpu.memory_space<hbm>> -> memref<8064xf32, #tpu.memory_space<hbm>>
    %dma_start3A_8 = arith.constant 0 : i32
    %dma_start3A_9 = tpu.memref_slice %arg7[%dma_start3A_8] : memref<31264xf32, #tpu.memory_space<vmem>> -> memref<8064xf32, #tpu.memory_space<vmem>>
    %dma_start3A_10 = tpu.memref_slice %arg2[%add3A_5] : memref<1000000xf32, #tpu.memory_space<hbm>> -> memref<8064xf32, #tpu.memory_space<hbm>>
    tpu.enqueue_dma source(%dma_start3A_10 : memref<8064xf32, #tpu.memory_space<hbm>>) target(%dma_start3A_9 : memref<8064xf32, #tpu.memory_space<vmem>>) target_semaphore(%arg15 : memref<!tpu.dma_semaphore, #tpu.memory_space<semaphore_mem>>)
    %add3A_11 = arith.constant 8064 : i32
    %add3A_12 = arith.addi %mul3A_2, %add3A_11 : i32
    %dma_start3A_13 = arith.constant 8064 : i32
    %dma_start3A_14 = tpu.memref_slice %arg7[%dma_start3A_13] : memref<31264xf32, #tpu.memory_space<vmem>> -> memref<8064xf32, #tpu.memory_space<vmem>>
    %dma_start3A_15 = tpu.memref_slice %arg2[%add3A_12] : memref<1000000xf32, #tpu.memory_space<hbm>> -> memref<8064xf32, #tpu.memory_space<hbm>>
    %dma_start3A_16 = arith.constant 8064 : i32
    %dma_start3A_17 = tpu.memref_slice %arg7[%dma_start3A_16] : memref<31264xf32, #tpu.memory_space<vmem>> -> memref<8064xf32, #tpu.memory_space<vmem>>
    %dma_start3A_18 = tpu.memref_slice %arg2[%add3A_12] : memref<1000000xf32, #tpu.memory_space<hbm>> -> memref<8064xf32, #tpu.memory_space<hbm>>
    tpu.enqueue_dma source(%dma_start3A_18 : memref<8064xf32, #tpu.memory_space<hbm>>) target(%dma_start3A_17 : memref<8064xf32, #tpu.memory_space<vmem>>) target_semaphore(%arg16 : memref<!tpu.dma_semaphore, #tpu.memory_space<semaphore_mem>>)
    %add3A_19 = arith.constant 16128 : i32
    %add3A_20 = arith.addi %mul3A_2, %add3A_19 : i32
    %dma_start3A_21 = arith.constant 16128 : i32
    %dma_start3A_22 = tpu.memref_slice %arg7[%dma_start3A_21] : memref<31264xf32, #tpu.memory_space<vmem>> -> memref<8064xf32, #tpu.memory_space<vmem>>
    %dma_start3A_23 = tpu.memref_slice %arg2[%add3A_20] : memref<1000000xf32, #tpu.memory_space<hbm>> -> memref<8064xf32, #tpu.memory_space<hbm>>
    %dma_start3A_24 = arith.constant 16128 : i32
    %dma_start3A_25 = tpu.memref_slice %arg7[%dma_start3A_24] : memref<31264xf32, #tpu.memory_space<vmem>> -> memref<8064xf32, #tpu.memory_space<vmem>>
    %dma_start3A_26 = tpu.memref_slice %arg2[%add3A_20] : memref<1000000xf32, #tpu.memory_space<hbm>> -> memref<8064xf32, #tpu.memory_space<hbm>>
    tpu.enqueue_dma source(%dma_start3A_26 : memref<8064xf32, #tpu.memory_space<hbm>>) target(%dma_start3A_25 : memref<8064xf32, #tpu.memory_space<vmem>>) target_semaphore(%arg17 : memref<!tpu.dma_semaphore, #tpu.memory_space<semaphore_mem>>)
    %add3A_27 = arith.constant 24192 : i32
    %add3A_28 = arith.addi %mul3A_2, %add3A_27 : i32
    %dma_start3A_29 = arith.constant 24192 : i32
    %dma_start3A_30 = tpu.memref_slice %arg7[%dma_start3A_29] : memref<31264xf32, #tpu.memory_space<vmem>> -> memref<7056xf32, #tpu.memory_space<vmem>>
    %dma_start3A_31 = tpu.memref_slice %arg2[%add3A_28] : memref<1000000xf32, #tpu.memory_space<hbm>> -> memref<7056xf32, #tpu.memory_space<hbm>>
    %dma_start3A_32 = arith.constant 24192 : i32
    %dma_start3A_33 = tpu.memref_slice %arg7[%dma_start3A_32] : memref<31264xf32, #tpu.memory_space<vmem>> -> memref<7056xf32, #tpu.memory_space<vmem>>
    %dma_start3A_34 = tpu.memref_slice %arg2[%add3A_28] : memref<1000000xf32, #tpu.memory_space<hbm>> -> memref<7056xf32, #tpu.memory_space<hbm>>
    tpu.enqueue_dma source(%dma_start3A_34 : memref<7056xf32, #tpu.memory_space<hbm>>) target(%dma_start3A_33 : memref<7056xf32, #tpu.memory_space<vmem>>) target_semaphore(%arg18 : memref<!tpu.dma_semaphore, #tpu.memory_space<semaphore_mem>>)
    %lt3A = arith.constant 4 : i32
    %lt3A_35 = arith.cmpi slt, %add3A, %lt3A : i32
    %jit3A = arith.constant 0 : i32
    %select_n3A = arith.select %lt3A_35, %add3A, %jit3A : i32
    %mul3A_36 = arith.constant 16 : i32
    %mul3A_37 = arith.muli %select_n3A, %mul3A_36 : i32
    %add3A_38 = arith.constant 999936 : i32
    %add3A_39 = arith.addi %add3A_38, %mul3A_37 : i32
    %dma_start3A_40 = arith.constant 31248 : i32
    %dma_start3A_41 = tpu.memref_slice %arg7[%dma_start3A_40] : memref<31264xf32, #tpu.memory_space<vmem>> -> memref<16xf32, #tpu.memory_space<vmem>>
    %dma_start3A_42 = tpu.memref_slice %arg2[%add3A_39] : memref<1000000xf32, #tpu.memory_space<hbm>> -> memref<16xf32, #tpu.memory_space<hbm>>
    %dma_start3A_43 = arith.constant 31248 : i32
    %dma_start3A_44 = tpu.memref_slice %arg7[%dma_start3A_43] : memref<31264xf32, #tpu.memory_space<vmem>> -> memref<16xf32, #tpu.memory_space<vmem>>
    %dma_start3A_45 = tpu.memref_slice %arg2[%add3A_39] : memref<1000000xf32, #tpu.memory_space<hbm>> -> memref<16xf32, #tpu.memory_space<hbm>>
    tpu.enqueue_dma source(%dma_start3A_45 : memref<16xf32, #tpu.memory_space<hbm>>) target(%dma_start3A_44 : memref<16xf32, #tpu.memory_space<vmem>>) target_semaphore(%arg19 : memref<!tpu.dma_semaphore, #tpu.memory_space<semaphore_mem>>)
    %get3A = arith.constant 0 : index
    %get3A_46 = tpu.vector_load %arg8[%get3A] {strides = array<i32>} : memref<16xf32, #tpu.memory_space<vmem>>, vector<16xf32>,
    %dma_wait3A = arith.constant 0 : i32
    %dma_wait3A_47 = tpu.memref_slice %arg7[%dma_wait3A] : memref<31264xf32, #tpu.memory_space<vmem>> -> memref<8064xf32, #tpu.memory_space<vmem>>
    %dma_wait3A_48 = tpu.memref_slice %arg2[%add3A_5] : memref<1000000xf32, #tpu.memory_space<hbm>> -> memref<8064xf32, #tpu.memory_space<hbm>>
    %dma_wait3A_49 = arith.constant 0 : i32
    %dma_wait3A_50 = tpu.memref_slice %arg7[%dma_wait3A_49] : memref<31264xf32, #tpu.memory_space<vmem>> -> memref<8064xf32, #tpu.memory_space<vmem>>
    %dma_wait3A_51 = tpu.memref_slice %arg2[%add3A_5] : memref<1000000xf32, #tpu.memory_space<hbm>> -> memref<8064xf32, #tpu.memory_space<hbm>>
    tpu.wait_dma2 semaphore(%arg15 : memref<!tpu.dma_semaphore, #tpu.memory_space<semaphore_mem>>) src(%dma_wait3A_51 : memref<8064xf32, #tpu.memory_space<hbm>>) dst(%dma_wait3A_50 : memref<8064xf32, #tpu.memory_space<vmem>>)
    %scan3A = arith.constant 0 : i32
    %scan3A_52 = arith.constant 0 : i32
    %scan3A_53 = arith.constant 8 : i32
    %scan3A_54 = arith.addi %scan3A_52, %scan3A_53 : i32
    %scan3A_55 = arith.constant 1 : i32
    %scan3A_56 = scf.for %scan3A_1409 = %scan3A_52 to %scan3A_54 step %scan3A_55 iter_args(%scan3A_1410 = %scan3A) -> (i32)  : i32 {
      %add3A_1411 = arith.constant 0 : i32
      %add3A_1412 = arith.addi %scan3A_1409, %add3A_1411 : i32
      %mul3A_1413 = arith.constant 1008 : i32
      %mul3A_1414 = arith.muli %add3A_1412, %mul3A_1413 : i32
      %scan3A_1415 = arith.constant 0 : i32
      %scan3A_1416 = arith.constant 3 : i32
      %scan3A_1417 = arith.addi %scan3A_1415, %scan3A_1416 : i32
      %scan3A_1418 = arith.constant 1 : i32
      %scan3A_1419:6 = scf.for %scan3A_1433 = %scan3A_1415 to %scan3A_1417 step %scan3A_1418 iter_args(%scan3A_1434 = %broadcast_in_dim3A_3, %scan3A_1435 = %broadcast_in_dim3A_3, %scan3A_1436 = %broadcast_in_dim3A_3, %scan3A_1437 = %broadcast_in_dim3A_3, %scan3A_1438 = %broadcast_in_dim3A_3, %scan3A_1439 = %broadcast_in_dim3A_3) -> (vector<16xi32>, vector<16xi32>, vector<16xi32>, vector<16xi32>, vector<16xi32>, vector<16xi32>)  : i32 {
        %mul3A_1440 = arith.constant 336 : i32
        %mul3A_1441 = arith.muli %scan3A_1433, %mul3A_1440 : i32
        %add3A_1442 = arith.addi %mul3A_1414, %mul3A_1441 : i32
        %add3A_1443 = arith.constant 0 : i32
        %add3A_1444 = arith.addi %add3A_1442, %add3A_1443 : i32
        %get3A_1445 = arith.index_cast %add3A_1444 : i32 to index
        %get3A_1446 = tpu.vector_load %arg7[%get3A_1445] {strides = array<i32>} : memref<31264xf32, #tpu.memory_space<vmem>>, vector<16xf32>,
        %sub3A_1447 = arith.subf %get3A_1446, %get3A_46 : vector<16xf32>
        %bitcast_convert_type3A_1448 = tpu.bitcast %sub3A_1447 : vector<16xf32> -> vector<16xi32>
        %and3A_1449 = arith.constant 2147483647 : i32
        %and3A_1450 = vector.broadcast %and3A_1449 : i32 to vector<16xi32>
        %and3A_1451 = arith.andi %bitcast_convert_type3A_1448, %and3A_1450 : vector<16xi32>
        %min3A_1452 = arith.minsi %scan3A_1434, %and3A_1451 : vector<16xi32>
        %add3A_1453 = arith.constant 16 : i32
        %add3A_1454 = arith.addi %add3A_1442, %add3A_1453 : i32
        %get3A_1455 = arith.index_cast %add3A_1454 : i32 to index
        %get3A_1456 = tpu.vector_load %arg7[%get3A_1455] {strides = array<i32>} : memref<31264xf32, #tpu.memory_space<vmem>>, vector<16xf32>,
        %sub3A_1457 = arith.subf %get3A_1456, %get3A_46 : vector<16xf32>
        %bitcast_convert_type3A_1458 = tpu.bitcast %sub3A_1457 : vector<16xf32> -> vector<16xi32>
        %and3A_1459 = arith.constant 2147483647 : i32
        %and3A_1460 = vector.broadcast %and3A_1459 : i32 to vector<16xi32>
        %and3A_1461 = arith.andi %bitcast_convert_type3A_1458, %and3A_1460 : vector<16xi32>
        %min3A_1462 = arith.minsi %scan3A_1435, %and3A_1461 : vector<16xi32>
        %add3A_1463 = arith.constant 32 : i32
        %add3A_1464 = arith.addi %add3A_1442, %add3A_1463 : i32
        %get3A_1465 = arith.index_cast %add3A_1464 : i32 to index
        %get3A_1466 = tpu.vector_load %arg7[%get3A_1465] {strides = array<i32>} : memref<31264xf32, #tpu.memory_space<vmem>>, vector<16xf32>,
        %sub3A_1467 = arith.subf %get3A_1466, %get3A_46 : vector<16xf32>
        %bitcast_convert_type3A_1468 = tpu.bitcast %sub3A_1467 : vector<16xf32> -> vector<16xi32>
        %and3A_1469 = arith.constant 2147483647 : i32
        %and3A_1470 = vector.broadcast %and3A_1469 : i32 to vector<16xi32>
        %and3A_1471 = arith.andi %bitcast_convert_type3A_1468, %and3A_1470 : vector<16xi32>
        %min3A_1472 = arith.minsi %scan3A_1436, %and3A_1471 : vector<16xi32>
        %add3A_1473 = arith.constant 48 : i32
        %add3A_1474 = arith.addi %add3A_1442, %add3A_1473 : i32
        %get3A_1475 = arith.index_cast %add3A_1474 : i32 to index
        %get3A_1476 = tpu.vector_load %arg7[%get3A_1475] {strides = array<i32>} : memref<31264xf32, #tpu.memory_space<vmem>>, vector<16xf32>,
        %sub3A_1477 = arith.subf %get3A_1476, %get3A_46 : vector<16xf32>
        %bitcast_convert_type3A_1478 = tpu.bitcast %sub3A_1477 : vector<16xf32> -> vector<16xi32>
        %and3A_1479 = arith.constant 2147483647 : i32
        %and3A_1480 = vector.broadcast %and3A_1479 : i32 to vector<16xi32>
        %and3A_1481 = arith.andi %bitcast_convert_type3A_1478, %and3A_1480 : vector<16xi32>
        %min3A_1482 = arith.minsi %scan3A_1437, %and3A_1481 : vector<16xi32>
        %add3A_1483 = arith.constant 64 : i32
        %add3A_1484 = arith.addi %add3A_1442, %add3A_1483 : i32
        %get3A_1485 = arith.index_cast %add3A_1484 : i32 to index
        %get3A_1486 = tpu.vector_load %arg7[%get3A_1485] {strides = array<i32>} : memref<31264xf32, #tpu.memory_space<vmem>>, vector<16xf32>,
        %sub3A_1487 = arith.subf %get3A_1486, %get3A_46 : vector<16xf32>
        %bitcast_convert_type3A_1488 = tpu.bitcast %sub3A_1487 : vector<16xf32> -> vector<16xi32>
        %and3A_1489 = arith.constant 2147483647 : i32
        %and3A_1490 = vector.broadcast %and3A_1489 : i32 to vector<16xi32>
        %and3A_1491 = arith.andi %bitcast_convert_type3A_1488, %and3A_1490 : vector<16xi32>
        %min3A_1492 = arith.minsi %scan3A_1438, %and3A_1491 : vector<16xi32>
        %add3A_1493 = arith.constant 80 : i32
        %add3A_1494 = arith.addi %add3A_1442, %add3A_1493 : i32
        %get3A_1495 = arith.index_cast %add3A_1494 : i32 to index
        %get3A_1496 = tpu.vector_load %arg7[%get3A_1495] {strides = array<i32>} : memref<31264xf32, #tpu.memory_space<vmem>>, vector<16xf32>,
        %sub3A_1497 = arith.subf %get3A_1496, %get3A_46 : vector<16xf32>
        %bitcast_convert_type3A_1498 = tpu.bitcast %sub3A_1497 : vector<16xf32> -> vector<16xi32>
        %and3A_1499 = arith.constant 2147483647 : i32
        %and3A_1500 = vector.broadcast %and3A_1499 : i32 to vector<16xi32>
        %and3A_1501 = arith.andi %bitcast_convert_type3A_1498, %and3A_1500 : vector<16xi32>
        %min3A_1502 = arith.minsi %scan3A_1439, %and3A_1501 : vector<16xi32>
        %add3A_1503 = arith.constant 96 : i32
        %add3A_1504 = arith.addi %add3A_1442, %add3A_1503 : i32
        %get3A_1505 = arith.index_cast %add3A_1504 : i32 to index
        %get3A_1506 = tpu.vector_load %arg7[%get3A_1505] {strides = array<i32>} : memref<31264xf32, #tpu.memory_space<vmem>>, vector<16xf32>,
        %sub3A_1507 = arith.subf %get3A_1506, %get3A_46 : vector<16xf32>
        %bitcast_convert_type3A_1508 = tpu.bitcast %sub3A_1507 : vector<16xf32> -> vector<16xi32>
        %and3A_1509 = arith.constant 2147483647 : i32
        %and3A_1510 = vector.broadcast %and3A_1509 : i32 to vector<16xi32>
        %and3A_1511 = arith.andi %bitcast_convert_type3A_1508, %and3A_1510 : vector<16xi32>
        %min3A_1512 = arith.minsi %min3A_1452, %and3A_1511 : vector<16xi32>
        %add3A_1513 = arith.constant 112 : i32
        %add3A_1514 = arith.addi %add3A_1442, %add3A_1513 : i32
        %get3A_1515 = arith.index_cast %add3A_1514 : i32 to index
        %get3A_1516 = tpu.vector_load %arg7[%get3A_1515] {strides = array<i32>} : memref<31264xf32, #tpu.memory_space<vmem>>, vector<16xf32>,
        %sub3A_1517 = arith.subf %get3A_1516, %get3A_46 : vector<16xf32>
        %bitcast_convert_type3A_1518 = tpu.bitcast %sub3A_1517 : vector<16xf32> -> vector<16xi32>
        %and3A_1519 = arith.constant 2147483647 : i32
        %and3A_1520 = vector.broadcast %and3A_1519 : i32 to vector<16xi32>
        %and3A_1521 = arith.andi %bitcast_convert_type3A_1518, %and3A_1520 : vector<16xi32>
        %min3A_1522 = arith.minsi %min3A_1462, %and3A_1521 : vector<16xi32>
        %add3A_1523 = arith.constant 128 : i32
        %add3A_1524 = arith.addi %add3A_1442, %add3A_1523 : i32
        %get3A_1525 = arith.index_cast %add3A_1524 : i32 to index
        %get3A_1526 = tpu.vector_load %arg7[%get3A_1525] {strides = array<i32>} : memref<31264xf32, #tpu.memory_space<vmem>>, vector<16xf32>,
        %sub3A_1527 = arith.subf %get3A_1526, %get3A_46 : vector<16xf32>
        %bitcast_convert_type3A_1528 = tpu.bitcast %sub3A_1527 : vector<16xf32> -> vector<16xi32>
        %and3A_1529 = arith.constant 2147483647 : i32
        %and3A_1530 = vector.broadcast %and3A_1529 : i32 to vector<16xi32>
        %and3A_1531 = arith.andi %bitcast_convert_type3A_1528, %and3A_1530 : vector<16xi32>
        %min3A_1532 = arith.minsi %min3A_1472, %and3A_1531 : vector<16xi32>
        %add3A_1533 = arith.constant 144 : i32
        %add3A_1534 = arith.addi %add3A_1442, %add3A_1533 : i32
        %get3A_1535 = arith.index_cast %add3A_1534 : i32 to index
        %get3A_1536 = tpu.vector_load %arg7[%get3A_1535] {strides = array<i32>} : memref<31264xf32, #tpu.memory_space<vmem>>, vector<16xf32>,
        %sub3A_1537 = arith.subf %get3A_1536, %get3A_46 : vector<16xf32>
        %bitcast_convert_type3A_1538 = tpu.bitcast %sub3A_1537 : vector<16xf32> -> vector<16xi32>
        %and3A_1539 = arith.constant 2147483647 : i32
        %and3A_1540 = vector.broadcast %and3A_1539 : i32 to vector<16xi32>
        %and3A_1541 = arith.andi %bitcast_convert_type3A_1538, %and3A_1540 : vector<16xi32>
        %min3A_1542 = arith.minsi %min3A_1482, %and3A_1541 : vector<16xi32>
        %add3A_1543 = arith.constant 160 : i32
        %add3A_1544 = arith.addi %add3A_1442, %add3A_1543 : i32
        %get3A_1545 = arith.index_cast %add3A_1544 : i32 to index
        %get3A_1546 = tpu.vector_load %arg7[%get3A_1545] {strides = array<i32>} : memref<31264xf32, #tpu.memory_space<vmem>>, vector<16xf32>,
        %sub3A_1547 = arith.subf %get3A_1546, %get3A_46 : vector<16xf32>
        %bitcast_convert_type3A_1548 = tpu.bitcast %sub3A_1547 : vector<16xf32> -> vector<16xi32>
        %and3A_1549 = arith.constant 2147483647 : i32
        %and3A_1550 = vector.broadcast %and3A_1549 : i32 to vector<16xi32>
        %and3A_1551 = arith.andi %bitcast_convert_type3A_1548, %and3A_1550 : vector<16xi32>
        %min3A_1552 = arith.minsi %min3A_1492, %and3A_1551 : vector<16xi32>
        %add3A_1553 = arith.constant 176 : i32
        %add3A_1554 = arith.addi %add3A_1442, %add3A_1553 : i32
        %get3A_1555 = arith.index_cast %add3A_1554 : i32 to index
        %get3A_1556 = tpu.vector_load %arg7[%get3A_1555] {strides = array<i32>} : memref<31264xf32, #tpu.memory_space<vmem>>, vector<16xf32>,
        %sub3A_1557 = arith.subf %get3A_1556, %get3A_46 : vector<16xf32>
        %bitcast_convert_type3A_1558 = tpu.bitcast %sub3A_1557 : vector<16xf32> -> vector<16xi32>
        %and3A_1559 = arith.constant 2147483647 : i32
        %and3A_1560 = vector.broadcast %and3A_1559 : i32 to vector<16xi32>
        %and3A_1561 = arith.andi %bitcast_convert_type3A_1558, %and3A_1560 : vector<16xi32>
        %min3A_1562 = arith.minsi %min3A_1502, %and3A_1561 : vector<16xi32>
        %add3A_1563 = arith.constant 192 : i32
        %add3A_1564 = arith.addi %add3A_1442, %add3A_1563 : i32
        %get3A_1565 = arith.index_cast %add3A_1564 : i32 to index
        %get3A_1566 = tpu.vector_load %arg7[%get3A_1565] {strides = array<i32>} : memref<31264xf32, #tpu.memory_space<vmem>>, vector<16xf32>,
        %sub3A_1567 = arith.subf %get3A_1566, %get3A_46 : vector<16xf32>
        %bitcast_convert_type3A_1568 = tpu.bitcast %sub3A_1567 : vector<16xf32> -> vector<16xi32>
        %and3A_1569 = arith.constant 2147483647 : i32
        %and3A_1570 = vector.broadcast %and3A_1569 : i32 to vector<16xi32>
        %and3A_1571 = arith.andi %bitcast_convert_type3A_1568, %and3A_1570 : vector<16xi32>
        %min3A_1572 = arith.minsi %min3A_1512, %and3A_1571 : vector<16xi32>
        %add3A_1573 = arith.constant 208 : i32
        %add3A_1574 = arith.addi %add3A_1442, %add3A_1573 : i32
        %get3A_1575 = arith.index_cast %add3A_1574 : i32 to index
        %get3A_1576 = tpu.vector_load %arg7[%get3A_1575] {strides = array<i32>} : memref<31264xf32, #tpu.memory_space<vmem>>, vector<16xf32>,
        %sub3A_1577 = arith.subf %get3A_1576, %get3A_46 : vector<16xf32>
        %bitcast_convert_type3A_1578 = tpu.bitcast %sub3A_1577 : vector<16xf32> -> vector<16xi32>
        %and3A_1579 = arith.constant 2147483647 : i32
        %and3A_1580 = vector.broadcast %and3A_1579 : i32 to vector<16xi32>
        %and3A_1581 = arith.andi %bitcast_convert_type3A_1578, %and3A_1580 : vector<16xi32>
        %min3A_1582 = arith.minsi %min3A_1522, %and3A_1581 : vector<16xi32>
        %add3A_1583 = arith.constant 224 : i32
        %add3A_1584 = arith.addi %add3A_1442, %add3A_1583 : i32
        %get3A_1585 = arith.index_cast %add3A_1584 : i32 to index
        %get3A_1586 = tpu.vector_load %arg7[%get3A_1585] {strides = array<i32>} : memref<31264xf32, #tpu.memory_space<vmem>>, vector<16xf32>,
        %sub3A_1587 = arith.subf %get3A_1586, %get3A_46 : vector<16xf32>
        %bitcast_convert_type3A_1588 = tpu.bitcast %sub3A_1587 : vector<16xf32> -> vector<16xi32>
        %and3A_1589 = arith.constant 2147483647 : i32
        %and3A_1590 = vector.broadcast %and3A_1589 : i32 to vector<16xi32>
        %and3A_1591 = arith.andi %bitcast_convert_type3A_1588, %and3A_1590 : vector<16xi32>
        %min3A_1592 = arith.minsi %min3A_1532, %and3A_1591 : vector<16xi32>
        %add3A_1593 = arith.constant 240 : i32
        %add3A_1594 = arith.addi %add3A_1442, %add3A_1593 : i32
        %get3A_1595 = arith.index_cast %add3A_1594 : i32 to index
        %get3A_1596 = tpu.vector_load %arg7[%get3A_1595] {strides = array<i32>} : memref<31264xf32, #tpu.memory_space<vmem>>, vector<16xf32>,
        %sub3A_1597 = arith.subf %get3A_1596, %get3A_46 : vector<16xf32>
        %bitcast_convert_type3A_1598 = tpu.bitcast %sub3A_1597 : vector<16xf32> -> vector<16xi32>
        %and3A_1599 = arith.constant 2147483647 : i32
        %and3A_1600 = vector.broadcast %and3A_1599 : i32 to vector<16xi32>
        %and3A_1601 = arith.andi %bitcast_convert_type3A_1598, %and3A_1600 : vector<16xi32>
        %min3A_1602 = arith.minsi %min3A_1542, %and3A_1601 : vector<16xi32>
        %add3A_1603 = arith.constant 256 : i32
        %add3A_1604 = arith.addi %add3A_1442, %add3A_1603 : i32
        %get3A_1605 = arith.index_cast %add3A_1604 : i32 to index
        %get3A_1606 = tpu.vector_load %arg7[%get3A_1605] {strides = array<i32>} : memref<31264xf32, #tpu.memory_space<vmem>>, vector<16xf32>,
        %sub3A_1607 = arith.subf %get3A_1606, %get3A_46 : vector<16xf32>
        %bitcast_convert_type3A_1608 = tpu.bitcast %sub3A_1607 : vector<16xf32> -> vector<16xi32>
        %and3A_1609 = arith.constant 2147483647 : i32
        %and3A_1610 = vector.broadcast %and3A_1609 : i32 to vector<16xi32>
        %and3A_1611 = arith.andi %bitcast_convert_type3A_1608, %and3A_1610 : vector<16xi32>
        %min3A_1612 = arith.minsi %min3A_1552, %and3A_1611 : vector<16xi32>
        %add3A_1613 = arith.constant 272 : i32
        %add3A_1614 = arith.addi %add3A_1442, %add3A_1613 : i32
        %get3A_1615 = arith.index_cast %add3A_1614 : i32 to index
        %get3A_1616 = tpu.vector_load %arg7[%get3A_1615] {strides = array<i32>} : memref<31264xf32, #tpu.memory_space<vmem>>, vector<16xf32>,
        %sub3A_1617 = arith.subf %get3A_1616, %get3A_46 : vector<16xf32>
        %bitcast_convert_type3A_1618 = tpu.bitcast %sub3A_1617 : vector<16xf32> -> vector<16xi32>
        %and3A_1619 = arith.constant 2147483647 : i32
        %and3A_1620 = vector.broadcast %and3A_1619 : i32 to vector<16xi32>
        %and3A_1621 = arith.andi %bitcast_convert_type3A_1618, %and3A_1620 : vector<16xi32>
        %min3A_1622 = arith.minsi %min3A_1562, %and3A_1621 : vector<16xi32>
        %add3A_1623 = arith.constant 288 : i32
        %add3A_1624 = arith.addi %add3A_1442, %add3A_1623 : i32
        %get3A_1625 = arith.index_cast %add3A_1624 : i32 to index
        %get3A_1626 = tpu.vector_load %arg7[%get3A_1625] {strides = array<i32>} : memref<31264xf32, #tpu.memory_space<vmem>>, vector<16xf32>,
        %sub3A_1627 = arith.subf %get3A_1626, %get3A_46 : vector<16xf32>
        %bitcast_convert_type3A_1628 = tpu.bitcast %sub3A_1627 : vector<16xf32> -> vector<16xi32>
        %and3A_1629 = arith.constant 2147483647 : i32
        %and3A_1630 = vector.broadcast %and3A_1629 : i32 to vector<16xi32>
        %and3A_1631 = arith.andi %bitcast_convert_type3A_1628, %and3A_1630 : vector<16xi32>
        %min3A_1632 = arith.minsi %min3A_1572, %and3A_1631 : vector<16xi32>
        %add3A_1633 = arith.constant 304 : i32
        %add3A_1634 = arith.addi %add3A_1442, %add3A_1633 : i32
        %get3A_1635 = arith.index_cast %add3A_1634 : i32 to index
        %get3A_1636 = tpu.vector_load %arg7[%get3A_1635] {strides = array<i32>} : memref<31264xf32, #tpu.memory_space<vmem>>, vector<16xf32>,
        %sub3A_1637 = arith.subf %get3A_1636, %get3A_46 : vector<16xf32>
        %bitcast_convert_type3A_1638 = tpu.bitcast %sub3A_1637 : vector<16xf32> -> vector<16xi32>
        %and3A_1639 = arith.constant 2147483647 : i32
        %and3A_1640 = vector.broadcast %and3A_1639 : i32 to vector<16xi32>
        %and3A_1641 = arith.andi %bitcast_convert_type3A_1638, %and3A_1640 : vector<16xi32>
        %min3A_1642 = arith.minsi %min3A_1582, %and3A_1641 : vector<16xi32>
        %add3A_1643 = arith.constant 320 : i32
        %add3A_1644 = arith.addi %add3A_1442, %add3A_1643 : i32
        %get3A_1645 = arith.index_cast %add3A_1644 : i32 to index
        %get3A_1646 = tpu.vector_load %arg7[%get3A_1645] {strides = array<i32>} : memref<31264xf32, #tpu.memory_space<vmem>>, vector<16xf32>,
        %sub3A_1647 = arith.subf %get3A_1646, %get3A_46 : vector<16xf32>
        %bitcast_convert_type3A_1648 = tpu.bitcast %sub3A_1647 : vector<16xf32> -> vector<16xi32>
        %and3A_1649 = arith.constant 2147483647 : i32
        %and3A_1650 = vector.broadcast %and3A_1649 : i32 to vector<16xi32>
        %and3A_1651 = arith.andi %bitcast_convert_type3A_1648, %and3A_1650 : vector<16xi32>
        %min3A_1652 = arith.minsi %min3A_1592, %and3A_1651 : vector<16xi32>
        scf.yield %min3A_1632, %min3A_1642, %min3A_1652, %min3A_1602, %min3A_1612, %min3A_1622 : vector<16xi32>, vector<16xi32>, vector<16xi32>, vector<16xi32>, vector<16xi32>, vector<16xi32>
      }
      %scan3A_1420 = arith.constant 3 : i32
      %min3A_1421 = arith.minsi %scan3A_1419#0, %scan3A_1419#1 : vector<16xi32>
      %min3A_1422 = arith.minsi %scan3A_1419#2, %scan3A_1419#3 : vector<16xi32>
      %min3A_1423 = arith.minsi %scan3A_1419#4, %scan3A_1419#5 : vector<16xi32>
      %min3A_1424 = arith.minsi %min3A_1421, %min3A_1422 : vector<16xi32>
      %min3A_1425 = arith.minsi %min3A_1424, %min3A_1423 : vector<16xi32>
      %add3A_1426 = arith.constant 0 : i32
      %add3A_1427 = arith.addi %scan3A_1409, %add3A_1426 : i32
      %mul3A_1428 = arith.constant 16 : i32
      %mul3A_1429 = arith.muli %add3A_1427, %mul3A_1428 : i32
      %swap3A_1430 = arith.index_cast %mul3A_1429 : i32 to index
      %swap3A_1431 = tpu.vector_load %arg9[%swap3A_1430] {strides = array<i32>} : memref<496xi32, #tpu.memory_space<vmem>>, vector<16xi32>,
      tpu.vector_store %arg9[%swap3A_1430], %min3A_1425 {strides = array<i32>} : memref<496xi32, #tpu.memory_space<vmem>>, vector<16xi32>,
      %scan3A_1432 = arith.constant 0 : i32
      scf.yield %scan3A_1432 : i32
    }
    %scan3A_57 = arith.constant 8 : i32
    %dma_wait3A_58 = arith.constant 8064 : i32
    %dma_wait3A_59 = tpu.memref_slice %arg7[%dma_wait3A_58] : memref<31264xf32, #tpu.memory_space<vmem>> -> memref<8064xf32, #tpu.memory_space<vmem>>
    %dma_wait3A_60 = tpu.memref_slice %arg2[%add3A_12] : memref<1000000xf32, #tpu.memory_space<hbm>> -> memref<8064xf32, #tpu.memory_space<hbm>>
    %dma_wait3A_61 = arith.constant 8064 : i32
    %dma_wait3A_62 = tpu.memref_slice %arg7[%dma_wait3A_61] : memref<31264xf32, #tpu.memory_space<vmem>> -> memref<8064xf32, #tpu.memory_space<vmem>>
    %dma_wait3A_63 = tpu.memref_slice %arg2[%add3A_12] : memref<1000000xf32, #tpu.memory_space<hbm>> -> memref<8064xf32, #tpu.memory_space<hbm>>
    tpu.wait_dma2 semaphore(%arg16 : memref<!tpu.dma_semaphore, #tpu.memory_space<semaphore_mem>>) src(%dma_wait3A_63 : memref<8064xf32, #tpu.memory_space<hbm>>) dst(%dma_wait3A_62 : memref<8064xf32, #tpu.memory_space<vmem>>)
    %scan3A_64 = arith.constant 0 : i32
    %scan3A_65 = arith.constant 0 : i32
    %scan3A_66 = arith.constant 8 : i32
    %scan3A_67 = arith.addi %scan3A_65, %scan3A_66 : i32
    %scan3A_68 = arith.constant 1 : i32
    %scan3A_69 = scf.for %scan3A_1409 = %scan3A_65 to %scan3A_67 step %scan3A_68 iter_args(%scan3A_1410 = %scan3A_64) -> (i32)  : i32 {
      %add3A_1411 = arith.constant 8 : i32
      %add3A_1412 = arith.addi %scan3A_1409, %add3A_1411 : i32
      %mul3A_1413 = arith.constant 1008 : i32
      %mul3A_1414 = arith.muli %add3A_1412, %mul3A_1413 : i32
      %scan3A_1415 = arith.constant 0 : i32
      %scan3A_1416 = arith.constant 3 : i32
      %scan3A_1417 = arith.addi %scan3A_1415, %scan3A_1416 : i32
      %scan3A_1418 = arith.constant 1 : i32
      %scan3A_1419:6 = scf.for %scan3A_1433 = %scan3A_1415 to %scan3A_1417 step %scan3A_1418 iter_args(%scan3A_1434 = %broadcast_in_dim3A_3, %scan3A_1435 = %broadcast_in_dim3A_3, %scan3A_1436 = %broadcast_in_dim3A_3, %scan3A_1437 = %broadcast_in_dim3A_3, %scan3A_1438 = %broadcast_in_dim3A_3, %scan3A_1439 = %broadcast_in_dim3A_3) -> (vector<16xi32>, vector<16xi32>, vector<16xi32>, vector<16xi32>, vector<16xi32>, vector<16xi32>)  : i32 {
        %mul3A_1440 = arith.constant 336 : i32
        %mul3A_1441 = arith.muli %scan3A_1433, %mul3A_1440 : i32
        %add3A_1442 = arith.addi %mul3A_1414, %mul3A_1441 : i32
        %add3A_1443 = arith.constant 0 : i32
        %add3A_1444 = arith.addi %add3A_1442, %add3A_1443 : i32
        %get3A_1445 = arith.index_cast %add3A_1444 : i32 to index
        %get3A_1446 = tpu.vector_load %arg7[%get3A_1445] {strides = array<i32>} : memref<31264xf32, #tpu.memory_space<vmem>>, vector<16xf32>,
        %sub3A_1447 = arith.subf %get3A_1446, %get3A_46 : vector<16xf32>
        %bitcast_convert_type3A_1448 = tpu.bitcast %sub3A_1447 : vector<16xf32> -> vector<16xi32>
        %and3A_1449 = arith.constant 2147483647 : i32
        %and3A_1450 = vector.broadcast %and3A_1449 : i32 to vector<16xi32>
        %and3A_1451 = arith.andi %bitcast_convert_type3A_1448, %and3A_1450 : vector<16xi32>
        %min3A_1452 = arith.minsi %scan3A_1434, %and3A_1451 : vector<16xi32>
        %add3A_1453 = arith.constant 16 : i32
        %add3A_1454 = arith.addi %add3A_1442, %add3A_1453 : i32
        %get3A_1455 = arith.index_cast %add3A_1454 : i32 to index
        %get3A_1456 = tpu.vector_load %arg7[%get3A_1455] {strides = array<i32>} : memref<31264xf32, #tpu.memory_space<vmem>>, vector<16xf32>,
        %sub3A_1457 = arith.subf %get3A_1456, %get3A_46 : vector<16xf32>
        %bitcast_convert_type3A_1458 = tpu.bitcast %sub3A_1457 : vector<16xf32> -> vector<16xi32>
        %and3A_1459 = arith.constant 2147483647 : i32
        %and3A_1460 = vector.broadcast %and3A_1459 : i32 to vector<16xi32>
        %and3A_1461 = arith.andi %bitcast_convert_type3A_1458, %and3A_1460 : vector<16xi32>
        %min3A_1462 = arith.minsi %scan3A_1435, %and3A_1461 : vector<16xi32>
        %add3A_1463 = arith.constant 32 : i32
        %add3A_1464 = arith.addi %add3A_1442, %add3A_1463 : i32
        %get3A_1465 = arith.index_cast %add3A_1464 : i32 to index
        %get3A_1466 = tpu.vector_load %arg7[%get3A_1465] {strides = array<i32>} : memref<31264xf32, #tpu.memory_space<vmem>>, vector<16xf32>,
        %sub3A_1467 = arith.subf %get3A_1466, %get3A_46 : vector<16xf32>
        %bitcast_convert_type3A_1468 = tpu.bitcast %sub3A_1467 : vector<16xf32> -> vector<16xi32>
        %and3A_1469 = arith.constant 2147483647 : i32
        %and3A_1470 = vector.broadcast %and3A_1469 : i32 to vector<16xi32>
        %and3A_1471 = arith.andi %bitcast_convert_type3A_1468, %and3A_1470 : vector<16xi32>
        %min3A_1472 = arith.minsi %scan3A_1436, %and3A_1471 : vector<16xi32>
        %add3A_1473 = arith.constant 48 : i32
        %add3A_1474 = arith.addi %add3A_1442, %add3A_1473 : i32
        %get3A_1475 = arith.index_cast %add3A_1474 : i32 to index
        %get3A_1476 = tpu.vector_load %arg7[%get3A_1475] {strides = array<i32>} : memref<31264xf32, #tpu.memory_space<vmem>>, vector<16xf32>,
        %sub3A_1477 = arith.subf %get3A_1476, %get3A_46 : vector<16xf32>
        %bitcast_convert_type3A_1478 = tpu.bitcast %sub3A_1477 : vector<16xf32> -> vector<16xi32>
        %and3A_1479 = arith.constant 2147483647 : i32
        %and3A_1480 = vector.broadcast %and3A_1479 : i32 to vector<16xi32>
        %and3A_1481 = arith.andi %bitcast_convert_type3A_1478, %and3A_1480 : vector<16xi32>
        %min3A_1482 = arith.minsi %scan3A_1437, %and3A_1481 : vector<16xi32>
        %add3A_1483 = arith.constant 64 : i32
        %add3A_1484 = arith.addi %add3A_1442, %add3A_1483 : i32
        %get3A_1485 = arith.index_cast %add3A_1484 : i32 to index
        %get3A_1486 = tpu.vector_load %arg7[%get3A_1485] {strides = array<i32>} : memref<31264xf32, #tpu.memory_space<vmem>>, vector<16xf32>,
        %sub3A_1487 = arith.subf %get3A_1486, %get3A_46 : vector<16xf32>
        %bitcast_convert_type3A_1488 = tpu.bitcast %sub3A_1487 : vector<16xf32> -> vector<16xi32>
        %and3A_1489 = arith.constant 2147483647 : i32
        %and3A_1490 = vector.broadcast %and3A_1489 : i32 to vector<16xi32>
        %and3A_1491 = arith.andi %bitcast_convert_type3A_1488, %and3A_1490 : vector<16xi32>
        %min3A_1492 = arith.minsi %scan3A_1438, %and3A_1491 : vector<16xi32>
        %add3A_1493 = arith.constant 80 : i32
        %add3A_1494 = arith.addi %add3A_1442, %add3A_1493 : i32
        %get3A_1495 = arith.index_cast %add3A_1494 : i32 to index
        %get3A_1496 = tpu.vector_load %arg7[%get3A_1495] {strides = array<i32>} : memref<31264xf32, #tpu.memory_space<vmem>>, vector<16xf32>,
        %sub3A_1497 = arith.subf %get3A_1496, %get3A_46 : vector<16xf32>
        %bitcast_convert_type3A_1498 = tpu.bitcast %sub3A_1497 : vector<16xf32> -> vector<16xi32>
        %and3A_1499 = arith.constant 2147483647 : i32
        %and3A_1500 = vector.broadcast %and3A_1499 : i32 to vector<16xi32>
        %and3A_1501 = arith.andi %bitcast_convert_type3A_1498, %and3A_1500 : vector<16xi32>
        %min3A_1502 = arith.minsi %scan3A_1439, %and3A_1501 : vector<16xi32>
        %add3A_1503 = arith.constant 96 : i32
        %add3A_1504 = arith.addi %add3A_1442, %add3A_1503 : i32
        %get3A_1505 = arith.index_cast %add3A_1504 : i32 to index
        %get3A_1506 = tpu.vector_load %arg7[%get3A_1505] {strides = array<i32>} : memref<31264xf32, #tpu.memory_space<vmem>>, vector<16xf32>,
        %sub3A_1507 = arith.subf %get3A_1506, %get3A_46 : vector<16xf32>
        %bitcast_convert_type3A_1508 = tpu.bitcast %sub3A_1507 : vector<16xf32> -> vector<16xi32>
        %and3A_1509 = arith.constant 2147483647 : i32
        %and3A_1510 = vector.broadcast %and3A_1509 : i32 to vector<16xi32>
        %and3A_1511 = arith.andi %bitcast_convert_type3A_1508, %and3A_1510 : vector<16xi32>
        %min3A_1512 = arith.minsi %min3A_1452, %and3A_1511 : vector<16xi32>
        %add3A_1513 = arith.constant 112 : i32
        %add3A_1514 = arith.addi %add3A_1442, %add3A_1513 : i32
        %get3A_1515 = arith.index_cast %add3A_1514 : i32 to index
        %get3A_1516 = tpu.vector_load %arg7[%get3A_1515] {strides = array<i32>} : memref<31264xf32, #tpu.memory_space<vmem>>, vector<16xf32>,
        %sub3A_1517 = arith.subf %get3A_1516, %get3A_46 : vector<16xf32>
        %bitcast_convert_type3A_1518 = tpu.bitcast %sub3A_1517 : vector<16xf32> -> vector<16xi32>
        %and3A_1519 = arith.constant 2147483647 : i32
        %and3A_1520 = vector.broadcast %and3A_1519 : i32 to vector<16xi32>
        %and3A_1521 = arith.andi %bitcast_convert_type3A_1518, %and3A_1520 : vector<16xi32>
        %min3A_1522 = arith.minsi %min3A_1462, %and3A_1521 : vector<16xi32>
        %add3A_1523 = arith.constant 128 : i32
        %add3A_1524 = arith.addi %add3A_1442, %add3A_1523 : i32
        %get3A_1525 = arith.index_cast %add3A_1524 : i32 to index
        %get3A_1526 = tpu.vector_load %arg7[%get3A_1525] {strides = array<i32>} : memref<31264xf32, #tpu.memory_space<vmem>>, vector<16xf32>,
        %sub3A_1527 = arith.subf %get3A_1526, %get3A_46 : vector<16xf32>
        %bitcast_convert_type3A_1528 = tpu.bitcast %sub3A_1527 : vector<16xf32> -> vector<16xi32>
        %and3A_1529 = arith.constant 2147483647 : i32
        %and3A_1530 = vector.broadcast %and3A_1529 : i32 to vector<16xi32>
        %and3A_1531 = arith.andi %bitcast_convert_type3A_1528, %and3A_1530 : vector<16xi32>
        %min3A_1532 = arith.minsi %min3A_1472, %and3A_1531 : vector<16xi32>
        %add3A_1533 = arith.constant 144 : i32
        %add3A_1534 = arith.addi %add3A_1442, %add3A_1533 : i32
        %get3A_1535 = arith.index_cast %add3A_1534 : i32 to index
        %get3A_1536 = tpu.vector_load %arg7[%get3A_1535] {strides = array<i32>} : memref<31264xf32, #tpu.memory_space<vmem>>, vector<16xf32>,
        %sub3A_1537 = arith.subf %get3A_1536, %get3A_46 : vector<16xf32>
        %bitcast_convert_type3A_1538 = tpu.bitcast %sub3A_1537 : vector<16xf32> -> vector<16xi32>
        %and3A_1539 = arith.constant 2147483647 : i32
        %and3A_1540 = vector.broadcast %and3A_1539 : i32 to vector<16xi32>
        %and3A_1541 = arith.andi %bitcast_convert_type3A_1538, %and3A_1540 : vector<16xi32>
        %min3A_1542 = arith.minsi %min3A_1482, %and3A_1541 : vector<16xi32>
        %add3A_1543 = arith.constant 160 : i32
        %add3A_1544 = arith.addi %add3A_1442, %add3A_1543 : i32
        %get3A_1545 = arith.index_cast %add3A_1544 : i32 to index
        %get3A_1546 = tpu.vector_load %arg7[%get3A_1545] {strides = array<i32>} : memref<31264xf32, #tpu.memory_space<vmem>>, vector<16xf32>,
        %sub3A_1547 = arith.subf %get3A_1546, %get3A_46 : vector<16xf32>
        %bitcast_convert_type3A_1548 = tpu.bitcast %sub3A_1547 : vector<16xf32> -> vector<16xi32>
        %and3A_1549 = arith.constant 2147483647 : i32
        %and3A_1550 = vector.broadcast %and3A_1549 : i32 to vector<16xi32>
        %and3A_1551 = arith.andi %bitcast_convert_type3A_1548, %and3A_1550 : vector<16xi32>
        %min3A_1552 = arith.minsi %min3A_1492, %and3A_1551 : vector<16xi32>
        %add3A_1553 = arith.constant 176 : i32
        %add3A_1554 = arith.addi %add3A_1442, %add3A_1553 : i32
        %get3A_1555 = arith.index_cast %add3A_1554 : i32 to index
        %get3A_1556 = tpu.vector_load %arg7[%get3A_1555] {strides = array<i32>} : memref<31264xf32, #tpu.memory_space<vmem>>, vector<16xf32>,
        %sub3A_1557 = arith.subf %get3A_1556, %get3A_46 : vector<16xf32>
        %bitcast_convert_type3A_1558 = tpu.bitcast %sub3A_1557 : vector<16xf32> -> vector<16xi32>
        %and3A_1559 = arith.constant 2147483647 : i32
        %and3A_1560 = vector.broadcast %and3A_1559 : i32 to vector<16xi32>
        %and3A_1561 = arith.andi %bitcast_convert_type3A_1558, %and3A_1560 : vector<16xi32>
        %min3A_1562 = arith.minsi %min3A_1502, %and3A_1561 : vector<16xi32>
        %add3A_1563 = arith.constant 192 : i32
        %add3A_1564 = arith.addi %add3A_1442, %add3A_1563 : i32
        %get3A_1565 = arith.index_cast %add3A_1564 : i32 to index
        %get3A_1566 = tpu.vector_load %arg7[%get3A_1565] {strides = array<i32>} : memref<31264xf32, #tpu.memory_space<vmem>>, vector<16xf32>,
        %sub3A_1567 = arith.subf %get3A_1566, %get3A_46 : vector<16xf32>
        %bitcast_convert_type3A_1568 = tpu.bitcast %sub3A_1567 : vector<16xf32> -> vector<16xi32>
        %and3A_1569 = arith.constant 2147483647 : i32
        %and3A_1570 = vector.broadcast %and3A_1569 : i32 to vector<16xi32>
        %and3A_1571 = arith.andi %bitcast_convert_type3A_1568, %and3A_1570 : vector<16xi32>
        %min3A_1572 = arith.minsi %min3A_1512, %and3A_1571 : vector<16xi32>
        %add3A_1573 = arith.constant 208 : i32
        %add3A_1574 = arith.addi %add3A_1442, %add3A_1573 : i32
        %get3A_1575 = arith.index_cast %add3A_1574 : i32 to index
        %get3A_1576 = tpu.vector_load %arg7[%get3A_1575] {strides = array<i32>} : memref<31264xf32, #tpu.memory_space<vmem>>, vector<16xf32>,
        %sub3A_1577 = arith.subf %get3A_1576, %get3A_46 : vector<16xf32>
        %bitcast_convert_type3A_1578 = tpu.bitcast %sub3A_1577 : vector<16xf32> -> vector<16xi32>
        %and3A_1579 = arith.constant 2147483647 : i32
        %and3A_1580 = vector.broadcast %and3A_1579 : i32 to vector<16xi32>
        %and3A_1581 = arith.andi %bitcast_convert_type3A_1578, %and3A_1580 : vector<16xi32>
        %min3A_1582 = arith.minsi %min3A_1522, %and3A_1581 : vector<16xi32>
        %add3A_1583 = arith.constant 224 : i32
        %add3A_1584 = arith.addi %add3A_1442, %add3A_1583 : i32
        %get3A_1585 = arith.index_cast %add3A_1584 : i32 to index
        %get3A_1586 = tpu.vector_load %arg7[%get3A_1585] {strides = array<i32>} : memref<31264xf32, #tpu.memory_space<vmem>>, vector<16xf32>,
        %sub3A_1587 = arith.subf %get3A_1586, %get3A_46 : vector<16xf32>
        %bitcast_convert_type3A_1588 = tpu.bitcast %sub3A_1587 : vector<16xf32> -> vector<16xi32>
        %and3A_1589 = arith.constant 2147483647 : i32
        %and3A_1590 = vector.broadcast %and3A_1589 : i32 to vector<16xi32>
        %and3A_1591 = arith.andi %bitcast_convert_type3A_1588, %and3A_1590 : vector<16xi32>
        %min3A_1592 = arith.minsi %min3A_1532, %and3A_1591 : vector<16xi32>
        %add3A_1593 = arith.constant 240 : i32
        %add3A_1594 = arith.addi %add3A_1442, %add3A_1593 : i32
        %get3A_1595 = arith.index_cast %add3A_1594 : i32 to index
        %get3A_1596 = tpu.vector_load %arg7[%get3A_1595] {strides = array<i32>} : memref<31264xf32, #tpu.memory_space<vmem>>, vector<16xf32>,
        %sub3A_1597 = arith.subf %get3A_1596, %get3A_46 : vector<16xf32>
        %bitcast_convert_type3A_1598 = tpu.bitcast %sub3A_1597 : vector<16xf32> -> vector<16xi32>
        %and3A_1599 = arith.constant 2147483647 : i32
        %and3A_1600 = vector.broadcast %and3A_1599 : i32 to vector<16xi32>
        %and3A_1601 = arith.andi %bitcast_convert_type3A_1598, %and3A_1600 : vector<16xi32>
        %min3A_1602 = arith.minsi %min3A_1542, %and3A_1601 : vector<16xi32>
        %add3A_1603 = arith.constant 256 : i32
        %add3A_1604 = arith.addi %add3A_1442, %add3A_1603 : i32
        %get3A_1605 = arith.index_cast %add3A_1604 : i32 to index
        %get3A_1606 = tpu.vector_load %arg7[%get3A_1605] {strides = array<i32>} : memref<31264xf32, #tpu.memory_space<vmem>>, vector<16xf32>,
        %sub3A_1607 = arith.subf %get3A_1606, %get3A_46 : vector<16xf32>
        %bitcast_convert_type3A_1608 = tpu.bitcast %sub3A_1607 : vector<16xf32> -> vector<16xi32>
        %and3A_1609 = arith.constant 2147483647 : i32
        %and3A_1610 = vector.broadcast %and3A_1609 : i32 to vector<16xi32>
        %and3A_1611 = arith.andi %bitcast_convert_type3A_1608, %and3A_1610 : vector<16xi32>
        %min3A_1612 = arith.minsi %min3A_1552, %and3A_1611 : vector<16xi32>
        %add3A_1613 = arith.constant 272 : i32
        %add3A_1614 = arith.addi %add3A_1442, %add3A_1613 : i32
        %get3A_1615 = arith.index_cast %add3A_1614 : i32 to index
        %get3A_1616 = tpu.vector_load %arg7[%get3A_1615] {strides = array<i32>} : memref<31264xf32, #tpu.memory_space<vmem>>, vector<16xf32>,
        %sub3A_1617 = arith.subf %get3A_1616, %get3A_46 : vector<16xf32>
        %bitcast_convert_type3A_1618 = tpu.bitcast %sub3A_1617 : vector<16xf32> -> vector<16xi32>
        %and3A_1619 = arith.constant 2147483647 : i32
        %and3A_1620 = vector.broadcast %and3A_1619 : i32 to vector<16xi32>
        %and3A_1621 = arith.andi %bitcast_convert_type3A_1618, %and3A_1620 : vector<16xi32>
        %min3A_1622 = arith.minsi %min3A_1562, %and3A_1621 : vector<16xi32>
        %add3A_1623 = arith.constant 288 : i32
        %add3A_1624 = arith.addi %add3A_1442, %add3A_1623 : i32
        %get3A_1625 = arith.index_cast %add3A_1624 : i32 to index
        %get3A_1626 = tpu.vector_load %arg7[%get3A_1625] {strides = array<i32>} : memref<31264xf32, #tpu.memory_space<vmem>>, vector<16xf32>,
        %sub3A_1627 = arith.subf %get3A_1626, %get3A_46 : vector<16xf32>
        %bitcast_convert_type3A_1628 = tpu.bitcast %sub3A_1627 : vector<16xf32> -> vector<16xi32>
        %and3A_1629 = arith.constant 2147483647 : i32
        %and3A_1630 = vector.broadcast %and3A_1629 : i32 to vector<16xi32>
        %and3A_1631 = arith.andi %bitcast_convert_type3A_1628, %and3A_1630 : vector<16xi32>
        %min3A_1632 = arith.minsi %min3A_1572, %and3A_1631 : vector<16xi32>
        %add3A_1633 = arith.constant 304 : i32
        %add3A_1634 = arith.addi %add3A_1442, %add3A_1633 : i32
        %get3A_1635 = arith.index_cast %add3A_1634 : i32 to index
        %get3A_1636 = tpu.vector_load %arg7[%get3A_1635] {strides = array<i32>} : memref<31264xf32, #tpu.memory_space<vmem>>, vector<16xf32>,
        %sub3A_1637 = arith.subf %get3A_1636, %get3A_46 : vector<16xf32>
        %bitcast_convert_type3A_1638 = tpu.bitcast %sub3A_1637 : vector<16xf32> -> vector<16xi32>
        %and3A_1639 = arith.constant 2147483647 : i32
        %and3A_1640 = vector.broadcast %and3A_1639 : i32 to vector<16xi32>
        %and3A_1641 = arith.andi %bitcast_convert_type3A_1638, %and3A_1640 : vector<16xi32>
        %min3A_1642 = arith.minsi %min3A_1582, %and3A_1641 : vector<16xi32>
        %add3A_1643 = arith.constant 320 : i32
        %add3A_1644 = arith.addi %add3A_1442, %add3A_1643 : i32
        %get3A_1645 = arith.index_cast %add3A_1644 : i32 to index
        %get3A_1646 = tpu.vector_load %arg7[%get3A_1645] {strides = array<i32>} : memref<31264xf32, #tpu.memory_space<vmem>>, vector<16xf32>,
        %sub3A_1647 = arith.subf %get3A_1646, %get3A_46 : vector<16xf32>
        %bitcast_convert_type3A_1648 = tpu.bitcast %sub3A_1647 : vector<16xf32> -> vector<16xi32>
        %and3A_1649 = arith.constant 2147483647 : i32
        %and3A_1650 = vector.broadcast %and3A_1649 : i32 to vector<16xi32>
        %and3A_1651 = arith.andi %bitcast_convert_type3A_1648, %and3A_1650 : vector<16xi32>
        %min3A_1652 = arith.minsi %min3A_1592, %and3A_1651 : vector<16xi32>
        scf.yield %min3A_1632, %min3A_1642, %min3A_1652, %min3A_1602, %min3A_1612, %min3A_1622 : vector<16xi32>, vector<16xi32>, vector<16xi32>, vector<16xi32>, vector<16xi32>, vector<16xi32>
      }
      %scan3A_1420 = arith.constant 3 : i32
      %min3A_1421 = arith.minsi %scan3A_1419#0, %scan3A_1419#1 : vector<16xi32>
      %min3A_1422 = arith.minsi %scan3A_1419#2, %scan3A_1419#3 : vector<16xi32>
      %min3A_1423 = arith.minsi %scan3A_1419#4, %scan3A_1419#5 : vector<16xi32>
      %min3A_1424 = arith.minsi %min3A_1421, %min3A_1422 : vector<16xi32>
      %min3A_1425 = arith.minsi %min3A_1424, %min3A_1423 : vector<16xi32>
      %add3A_1426 = arith.constant 8 : i32
      %add3A_1427 = arith.addi %scan3A_1409, %add3A_1426 : i32
      %mul3A_1428 = arith.constant 16 : i32
      %mul3A_1429 = arith.muli %add3A_1427, %mul3A_1428 : i32
      %swap3A_1430 = arith.index_cast %mul3A_1429 : i32 to index
      %swap3A_1431 = tpu.vector_load %arg9[%swap3A_1430] {strides = array<i32>} : memref<496xi32, #tpu.memory_space<vmem>>, vector<16xi32>,
      tpu.vector_store %arg9[%swap3A_1430], %min3A_1425 {strides = array<i32>} : memref<496xi32, #tpu.memory_space<vmem>>, vector<16xi32>,
      %scan3A_1432 = arith.constant 0 : i32
      scf.yield %scan3A_1432 : i32
    }
    %scan3A_70 = arith.constant 8 : i32
    %dma_wait3A_71 = arith.constant 16128 : i32
    %dma_wait3A_72 = tpu.memref_slice %arg7[%dma_wait3A_71] : memref<31264xf32, #tpu.memory_space<vmem>> -> memref<8064xf32, #tpu.memory_space<vmem>>
    %dma_wait3A_73 = tpu.memref_slice %arg2[%add3A_20] : memref<1000000xf32, #tpu.memory_space<hbm>> -> memref<8064xf32, #tpu.memory_space<hbm>>
    %dma_wait3A_74 = arith.constant 16128 : i32
    %dma_wait3A_75 = tpu.memref_slice %arg7[%dma_wait3A_74] : memref<31264xf32, #tpu.memory_space<vmem>> -> memref<8064xf32, #tpu.memory_space<vmem>>
    %dma_wait3A_76 = tpu.memref_slice %arg2[%add3A_20] : memref<1000000xf32, #tpu.memory_space<hbm>> -> memref<8064xf32, #tpu.memory_space<hbm>>
    tpu.wait_dma2 semaphore(%arg17 : memref<!tpu.dma_semaphore, #tpu.memory_space<semaphore_mem>>) src(%dma_wait3A_76 : memref<8064xf32, #tpu.memory_space<hbm>>) dst(%dma_wait3A_75 : memref<8064xf32, #tpu.memory_space<vmem>>)
    %scan3A_77 = arith.constant 0 : i32
    %scan3A_78 = arith.constant 0 : i32
    %scan3A_79 = arith.constant 8 : i32
    %scan3A_80 = arith.addi %scan3A_78, %scan3A_79 : i32
    %scan3A_81 = arith.constant 1 : i32
    %scan3A_82 = scf.for %scan3A_1409 = %scan3A_78 to %scan3A_80 step %scan3A_81 iter_args(%scan3A_1410 = %scan3A_77) -> (i32)  : i32 {
      %add3A_1411 = arith.constant 16 : i32
      %add3A_1412 = arith.addi %scan3A_1409, %add3A_1411 : i32
      %mul3A_1413 = arith.constant 1008 : i32
      %mul3A_1414 = arith.muli %add3A_1412, %mul3A_1413 : i32
      %scan3A_1415 = arith.constant 0 : i32
      %scan3A_1416 = arith.constant 3 : i32
      %scan3A_1417 = arith.addi %scan3A_1415, %scan3A_1416 : i32
      %scan3A_1418 = arith.constant 1 : i32
      %scan3A_1419:6 = scf.for %scan3A_1433 = %scan3A_1415 to %scan3A_1417 step %scan3A_1418 iter_args(%scan3A_1434 = %broadcast_in_dim3A_3, %scan3A_1435 = %broadcast_in_dim3A_3, %scan3A_1436 = %broadcast_in_dim3A_3, %scan3A_1437 = %broadcast_in_dim3A_3, %scan3A_1438 = %broadcast_in_dim3A_3, %scan3A_1439 = %broadcast_in_dim3A_3) -> (vector<16xi32>, vector<16xi32>, vector<16xi32>, vector<16xi32>, vector<16xi32>, vector<16xi32>)  : i32 {
        %mul3A_1440 = arith.constant 336 : i32
        %mul3A_1441 = arith.muli %scan3A_1433, %mul3A_1440 : i32
        %add3A_1442 = arith.addi %mul3A_1414, %mul3A_1441 : i32
        %add3A_1443 = arith.constant 0 : i32
        %add3A_1444 = arith.addi %add3A_1442, %add3A_1443 : i32
        %get3A_1445 = arith.index_cast %add3A_1444 : i32 to index
        %get3A_1446 = tpu.vector_load %arg7[%get3A_1445] {strides = array<i32>} : memref<31264xf32, #tpu.memory_space<vmem>>, vector<16xf32>,
        %sub3A_1447 = arith.subf %get3A_1446, %get3A_46 : vector<16xf32>
        %bitcast_convert_type3A_1448 = tpu.bitcast %sub3A_1447 : vector<16xf32> -> vector<16xi32>
        %and3A_1449 = arith.constant 2147483647 : i32
        %and3A_1450 = vector.broadcast %and3A_1449 : i32 to vector<16xi32>
        %and3A_1451 = arith.andi %bitcast_convert_type3A_1448, %and3A_1450 : vector<16xi32>
        %min3A_1452 = arith.minsi %scan3A_1434, %and3A_1451 : vector<16xi32>
        %add3A_1453 = arith.constant 16 : i32
        %add3A_1454 = arith.addi %add3A_1442, %add3A_1453 : i32
        %get3A_1455 = arith.index_cast %add3A_1454 : i32 to index
        %get3A_1456 = tpu.vector_load %arg7[%get3A_1455] {strides = array<i32>} : memref<31264xf32, #tpu.memory_space<vmem>>, vector<16xf32>,
        %sub3A_1457 = arith.subf %get3A_1456, %get3A_46 : vector<16xf32>
        %bitcast_convert_type3A_1458 = tpu.bitcast %sub3A_1457 : vector<16xf32> -> vector<16xi32>
        %and3A_1459 = arith.constant 2147483647 : i32
        %and3A_1460 = vector.broadcast %and3A_1459 : i32 to vector<16xi32>
        %and3A_1461 = arith.andi %bitcast_convert_type3A_1458, %and3A_1460 : vector<16xi32>
        %min3A_1462 = arith.minsi %scan3A_1435, %and3A_1461 : vector<16xi32>
        %add3A_1463 = arith.constant 32 : i32
        %add3A_1464 = arith.addi %add3A_1442, %add3A_1463 : i32
        %get3A_1465 = arith.index_cast %add3A_1464 : i32 to index
        %get3A_1466 = tpu.vector_load %arg7[%get3A_1465] {strides = array<i32>} : memref<31264xf32, #tpu.memory_space<vmem>>, vector<16xf32>,
        %sub3A_1467 = arith.subf %get3A_1466, %get3A_46 : vector<16xf32>
        %bitcast_convert_type3A_1468 = tpu.bitcast %sub3A_1467 : vector<16xf32> -> vector<16xi32>
        %and3A_1469 = arith.constant 2147483647 : i32
        %and3A_1470 = vector.broadcast %and3A_1469 : i32 to vector<16xi32>
        %and3A_1471 = arith.andi %bitcast_convert_type3A_1468, %and3A_1470 : vector<16xi32>
        %min3A_1472 = arith.minsi %scan3A_1436, %and3A_1471 : vector<16xi32>
        %add3A_1473 = arith.constant 48 : i32
        %add3A_1474 = arith.addi %add3A_1442, %add3A_1473 : i32
        %get3A_1475 = arith.index_cast %add3A_1474 : i32 to index
        %get3A_1476 = tpu.vector_load %arg7[%get3A_1475] {strides = array<i32>} : memref<31264xf32, #tpu.memory_space<vmem>>, vector<16xf32>,
        %sub3A_1477 = arith.subf %get3A_1476, %get3A_46 : vector<16xf32>
        %bitcast_convert_type3A_1478 = tpu.bitcast %sub3A_1477 : vector<16xf32> -> vector<16xi32>
        %and3A_1479 = arith.constant 2147483647 : i32
        %and3A_1480 = vector.broadcast %and3A_1479 : i32 to vector<16xi32>
        %and3A_1481 = arith.andi %bitcast_convert_type3A_1478, %and3A_1480 : vector<16xi32>
        %min3A_1482 = arith.minsi %scan3A_1437, %and3A_1481 : vector<16xi32>
        %add3A_1483 = arith.constant 64 : i32
        %add3A_1484 = arith.addi %add3A_1442, %add3A_1483 : i32
        %get3A_1485 = arith.index_cast %add3A_1484 : i32 to index
        %get3A_1486 = tpu.vector_load %arg7[%get3A_1485] {strides = array<i32>} : memref<31264xf32, #tpu.memory_space<vmem>>, vector<16xf32>,
        %sub3A_1487 = arith.subf %get3A_1486, %get3A_46 : vector<16xf32>
        %bitcast_convert_type3A_1488 = tpu.bitcast %sub3A_1487 : vector<16xf32> -> vector<16xi32>
        %and3A_1489 = arith.constant 2147483647 : i32
        %and3A_1490 = vector.broadcast %and3A_1489 : i32 to vector<16xi32>
        %and3A_1491 = arith.andi %bitcast_convert_type3A_1488, %and3A_1490 : vector<16xi32>
        %min3A_1492 = arith.minsi %scan3A_1438, %and3A_1491 : vector<16xi32>
        %add3A_1493 = arith.constant 80 : i32
        %add3A_1494 = arith.addi %add3A_1442, %add3A_1493 : i32
        %get3A_1495 = arith.index_cast %add3A_1494 : i32 to index
        %get3A_1496 = tpu.vector_load %arg7[%get3A_1495] {strides = array<i32>} : memref<31264xf32, #tpu.memory_space<vmem>>, vector<16xf32>,
        %sub3A_1497 = arith.subf %get3A_1496, %get3A_46 : vector<16xf32>
        %bitcast_convert_type3A_1498 = tpu.bitcast %sub3A_1497 : vector<16xf32> -> vector<16xi32>
        %and3A_1499 = arith.constant 2147483647 : i32
        %and3A_1500 = vector.broadcast %and3A_1499 : i32 to vector<16xi32>
        %and3A_1501 = arith.andi %bitcast_convert_type3A_1498, %and3A_1500 : vector<16xi32>
        %min3A_1502 = arith.minsi %scan3A_1439, %and3A_1501 : vector<16xi32>
        %add3A_1503 = arith.constant 96 : i32
        %add3A_1504 = arith.addi %add3A_1442, %add3A_1503 : i32
        %get3A_1505 = arith.index_cast %add3A_1504 : i32 to index
        %get3A_1506 = tpu.vector_load %arg7[%get3A_1505] {strides = array<i32>} : memref<31264xf32, #tpu.memory_space<vmem>>, vector<16xf32>,
        %sub3A_1507 = arith.subf %get3A_1506, %get3A_46 : vector<16xf32>
        %bitcast_convert_type3A_1508 = tpu.bitcast %sub3A_1507 : vector<16xf32> -> vector<16xi32>
        %and3A_1509 = arith.constant 2147483647 : i32
        %and3A_1510 = vector.broadcast %and3A_1509 : i32 to vector<16xi32>
        %and3A_1511 = arith.andi %bitcast_convert_type3A_1508, %and3A_1510 : vector<16xi32>
        %min3A_1512 = arith.minsi %min3A_1452, %and3A_1511 : vector<16xi32>
        %add3A_1513 = arith.constant 112 : i32
        %add3A_1514 = arith.addi %add3A_1442, %add3A_1513 : i32
        %get3A_1515 = arith.index_cast %add3A_1514 : i32 to index
        %get3A_1516 = tpu.vector_load %arg7[%get3A_1515] {strides = array<i32>} : memref<31264xf32, #tpu.memory_space<vmem>>, vector<16xf32>,
        %sub3A_1517 = arith.subf %get3A_1516, %get3A_46 : vector<16xf32>
        %bitcast_convert_type3A_1518 = tpu.bitcast %sub3A_1517 : vector<16xf32> -> vector<16xi32>
        %and3A_1519 = arith.constant 2147483647 : i32
        %and3A_1520 = vector.broadcast %and3A_1519 : i32 to vector<16xi32>
        %and3A_1521 = arith.andi %bitcast_convert_type3A_1518, %and3A_1520 : vector<16xi32>
        %min3A_1522 = arith.minsi %min3A_1462, %and3A_1521 : vector<16xi32>
        %add3A_1523 = arith.constant 128 : i32
        %add3A_1524 = arith.addi %add3A_1442, %add3A_1523 : i32
        %get3A_1525 = arith.index_cast %add3A_1524 : i32 to index
        %get3A_1526 = tpu.vector_load %arg7[%get3A_1525] {strides = array<i32>} : memref<31264xf32, #tpu.memory_space<vmem>>, vector<16xf32>,
        %sub3A_1527 = arith.subf %get3A_1526, %get3A_46 : vector<16xf32>
        %bitcast_convert_type3A_1528 = tpu.bitcast %sub3A_1527 : vector<16xf32> -> vector<16xi32>
        %and3A_1529 = arith.constant 2147483647 : i32
        %and3A_1530 = vector.broadcast %and3A_1529 : i32 to vector<16xi32>
        %and3A_1531 = arith.andi %bitcast_convert_type3A_1528, %and3A_1530 : vector<16xi32>
        %min3A_1532 = arith.minsi %min3A_1472, %and3A_1531 : vector<16xi32>
        %add3A_1533 = arith.constant 144 : i32
        %add3A_1534 = arith.addi %add3A_1442, %add3A_1533 : i32
        %get3A_1535 = arith.index_cast %add3A_1534 : i32 to index
        %get3A_1536 = tpu.vector_load %arg7[%get3A_1535] {strides = array<i32>} : memref<31264xf32, #tpu.memory_space<vmem>>, vector<16xf32>,
        %sub3A_1537 = arith.subf %get3A_1536, %get3A_46 : vector<16xf32>
        %bitcast_convert_type3A_1538 = tpu.bitcast %sub3A_1537 : vector<16xf32> -> vector<16xi32>
        %and3A_1539 = arith.constant 2147483647 : i32
        %and3A_1540 = vector.broadcast %and3A_1539 : i32 to vector<16xi32>
        %and3A_1541 = arith.andi %bitcast_convert_type3A_1538, %and3A_1540 : vector<16xi32>
        %min3A_1542 = arith.minsi %min3A_1482, %and3A_1541 : vector<16xi32>
        %add3A_1543 = arith.constant 160 : i32
        %add3A_1544 = arith.addi %add3A_1442, %add3A_1543 : i32
        %get3A_1545 = arith.index_cast %add3A_1544 : i32 to index
        %get3A_1546 = tpu.vector_load %arg7[%get3A_1545] {strides = array<i32>} : memref<31264xf32, #tpu.memory_space<vmem>>, vector<16xf32>,
        %sub3A_1547 = arith.subf %get3A_1546, %get3A_46 : vector<16xf32>
        %bitcast_convert_type3A_1548 = tpu.bitcast %sub3A_1547 : vector<16xf32> -> vector<16xi32>
        %and3A_1549 = arith.constant 2147483647 : i32
        %and3A_1550 = vector.broadcast %and3A_1549 : i32 to vector<16xi32>
        %and3A_1551 = arith.andi %bitcast_convert_type3A_1548, %and3A_1550 : vector<16xi32>
        %min3A_1552 = arith.minsi %min3A_1492, %and3A_1551 : vector<16xi32>
        %add3A_1553 = arith.constant 176 : i32
        %add3A_1554 = arith.addi %add3A_1442, %add3A_1553 : i32
        %get3A_1555 = arith.index_cast %add3A_1554 : i32 to index
        %get3A_1556 = tpu.vector_load %arg7[%get3A_1555] {strides = array<i32>} : memref<31264xf32, #tpu.memory_space<vmem>>, vector<16xf32>,
        %sub3A_1557 = arith.subf %get3A_1556, %get3A_46 : vector<16xf32>
        %bitcast_convert_type3A_1558 = tpu.bitcast %sub3A_1557 : vector<16xf32> -> vector<16xi32>
        %and3A_1559 = arith.constant 2147483647 : i32
        %and3A_1560 = vector.broadcast %and3A_1559 : i32 to vector<16xi32>
        %and3A_1561 = arith.andi %bitcast_convert_type3A_1558, %and3A_1560 : vector<16xi32>
        %min3A_1562 = arith.minsi %min3A_1502, %and3A_1561 : vector<16xi32>
        %add3A_1563 = arith.constant 192 : i32
        %add3A_1564 = arith.addi %add3A_1442, %add3A_1563 : i32
        %get3A_1565 = arith.index_cast %add3A_1564 : i32 to index
        %get3A_1566 = tpu.vector_load %arg7[%get3A_1565] {strides = array<i32>} : memref<31264xf32, #tpu.memory_space<vmem>>, vector<16xf32>,
        %sub3A_1567 = arith.subf %get3A_1566, %get3A_46 : vector<16xf32>
        %bitcast_convert_type3A_1568 = tpu.bitcast %sub3A_1567 : vector<16xf32> -> vector<16xi32>
        %and3A_1569 = arith.constant 2147483647 : i32
        %and3A_1570 = vector.broadcast %and3A_1569 : i32 to vector<16xi32>
        %and3A_1571 = arith.andi %bitcast_convert_type3A_1568, %and3A_1570 : vector<16xi32>
        %min3A_1572 = arith.minsi %min3A_1512, %and3A_1571 : vector<16xi32>
        %add3A_1573 = arith.constant 208 : i32
        %add3A_1574 = arith.addi %add3A_1442, %add3A_1573 : i32
        %get3A_1575 = arith.index_cast %add3A_1574 : i32 to index
        %get3A_1576 = tpu.vector_load %arg7[%get3A_1575] {strides = array<i32>} : memref<31264xf32, #tpu.memory_space<vmem>>, vector<16xf32>,
        %sub3A_1577 = arith.subf %get3A_1576, %get3A_46 : vector<16xf32>
        %bitcast_convert_type3A_1578 = tpu.bitcast %sub3A_1577 : vector<16xf32> -> vector<16xi32>
        %and3A_1579 = arith.constant 2147483647 : i32
        %and3A_1580 = vector.broadcast %and3A_1579 : i32 to vector<16xi32>
        %and3A_1581 = arith.andi %bitcast_convert_type3A_1578, %and3A_1580 : vector<16xi32>
        %min3A_1582 = arith.minsi %min3A_1522, %and3A_1581 : vector<16xi32>
        %add3A_1583 = arith.constant 224 : i32
        %add3A_1584 = arith.addi %add3A_1442, %add3A_1583 : i32
        %get3A_1585 = arith.index_cast %add3A_1584 : i32 to index
        %get3A_1586 = tpu.vector_load %arg7[%get3A_1585] {strides = array<i32>} : memref<31264xf32, #tpu.memory_space<vmem>>, vector<16xf32>,
        %sub3A_1587 = arith.subf %get3A_1586, %get3A_46 : vector<16xf32>
        %bitcast_convert_type3A_1588 = tpu.bitcast %sub3A_1587 : vector<16xf32> -> vector<16xi32>
        %and3A_1589 = arith.constant 2147483647 : i32
        %and3A_1590 = vector.broadcast %and3A_1589 : i32 to vector<16xi32>
        %and3A_1591 = arith.andi %bitcast_convert_type3A_1588, %and3A_1590 : vector<16xi32>
        %min3A_1592 = arith.minsi %min3A_1532, %and3A_1591 : vector<16xi32>
        %add3A_1593 = arith.constant 240 : i32
        %add3A_1594 = arith.addi %add3A_1442, %add3A_1593 : i32
        %get3A_1595 = arith.index_cast %add3A_1594 : i32 to index
        %get3A_1596 = tpu.vector_load %arg7[%get3A_1595] {strides = array<i32>} : memref<31264xf32, #tpu.memory_space<vmem>>, vector<16xf32>,
        %sub3A_1597 = arith.subf %get3A_1596, %get3A_46 : vector<16xf32>
        %bitcast_convert_type3A_1598 = tpu.bitcast %sub3A_1597 : vector<16xf32> -> vector<16xi32>
        %and3A_1599 = arith.constant 2147483647 : i32
        %and3A_1600 = vector.broadcast %and3A_1599 : i32 to vector<16xi32>
        %and3A_1601 = arith.andi %bitcast_convert_type3A_1598, %and3A_1600 : vector<16xi32>
        %min3A_1602 = arith.minsi %min3A_1542, %and3A_1601 : vector<16xi32>
        %add3A_1603 = arith.constant 256 : i32
        %add3A_1604 = arith.addi %add3A_1442, %add3A_1603 : i32
        %get3A_1605 = arith.index_cast %add3A_1604 : i32 to index
        %get3A_1606 = tpu.vector_load %arg7[%get3A_1605] {strides = array<i32>} : memref<31264xf32, #tpu.memory_space<vmem>>, vector<16xf32>,
        %sub3A_1607 = arith.subf %get3A_1606, %get3A_46 : vector<16xf32>
        %bitcast_convert_type3A_1608 = tpu.bitcast %sub3A_1607 : vector<16xf32> -> vector<16xi32>
        %and3A_1609 = arith.constant 2147483647 : i32
        %and3A_1610 = vector.broadcast %and3A_1609 : i32 to vector<16xi32>
        %and3A_1611 = arith.andi %bitcast_convert_type3A_1608, %and3A_1610 : vector<16xi32>
        %min3A_1612 = arith.minsi %min3A_1552, %and3A_1611 : vector<16xi32>
        %add3A_1613 = arith.constant 272 : i32
        %add3A_1614 = arith.addi %add3A_1442, %add3A_1613 : i32
        %get3A_1615 = arith.index_cast %add3A_1614 : i32 to index
        %get3A_1616 = tpu.vector_load %arg7[%get3A_1615] {strides = array<i32>} : memref<31264xf32, #tpu.memory_space<vmem>>, vector<16xf32>,
        %sub3A_1617 = arith.subf %get3A_1616, %get3A_46 : vector<16xf32>
        %bitcast_convert_type3A_1618 = tpu.bitcast %sub3A_1617 : vector<16xf32> -> vector<16xi32>
        %and3A_1619 = arith.constant 2147483647 : i32
        %and3A_1620 = vector.broadcast %and3A_1619 : i32 to vector<16xi32>
        %and3A_1621 = arith.andi %bitcast_convert_type3A_1618, %and3A_1620 : vector<16xi32>
        %min3A_1622 = arith.minsi %min3A_1562, %and3A_1621 : vector<16xi32>
        %add3A_1623 = arith.constant 288 : i32
        %add3A_1624 = arith.addi %add3A_1442, %add3A_1623 : i32
        %get3A_1625 = arith.index_cast %add3A_1624 : i32 to index
        %get3A_1626 = tpu.vector_load %arg7[%get3A_1625] {strides = array<i32>} : memref<31264xf32, #tpu.memory_space<vmem>>, vector<16xf32>,
        %sub3A_1627 = arith.subf %get3A_1626, %get3A_46 : vector<16xf32>
        %bitcast_convert_type3A_1628 = tpu.bitcast %sub3A_1627 : vector<16xf32> -> vector<16xi32>
        %and3A_1629 = arith.constant 2147483647 : i32
        %and3A_1630 = vector.broadcast %and3A_1629 : i32 to vector<16xi32>
        %and3A_1631 = arith.andi %bitcast_convert_type3A_1628, %and3A_1630 : vector<16xi32>
        %min3A_1632 = arith.minsi %min3A_1572, %and3A_1631 : vector<16xi32>
        %add3A_1633 = arith.constant 304 : i32
        %add3A_1634 = arith.addi %add3A_1442, %add3A_1633 : i32
        %get3A_1635 = arith.index_cast %add3A_1634 : i32 to index
        %get3A_1636 = tpu.vector_load %arg7[%get3A_1635] {strides = array<i32>} : memref<31264xf32, #tpu.memory_space<vmem>>, vector<16xf32>,
        %sub3A_1637 = arith.subf %get3A_1636, %get3A_46 : vector<16xf32>
        %bitcast_convert_type3A_1638 = tpu.bitcast %sub3A_1637 : vector<16xf32> -> vector<16xi32>
        %and3A_1639 = arith.constant 2147483647 : i32
        %and3A_1640 = vector.broadcast %and3A_1639 : i32 to vector<16xi32>
        %and3A_1641 = arith.andi %bitcast_convert_type3A_1638, %and3A_1640 : vector<16xi32>
        %min3A_1642 = arith.minsi %min3A_1582, %and3A_1641 : vector<16xi32>
        %add3A_1643 = arith.constant 320 : i32
        %add3A_1644 = arith.addi %add3A_1442, %add3A_1643 : i32
        %get3A_1645 = arith.index_cast %add3A_1644 : i32 to index
        %get3A_1646 = tpu.vector_load %arg7[%get3A_1645] {strides = array<i32>} : memref<31264xf32, #tpu.memory_space<vmem>>, vector<16xf32>,
        %sub3A_1647 = arith.subf %get3A_1646, %get3A_46 : vector<16xf32>
        %bitcast_convert_type3A_1648 = tpu.bitcast %sub3A_1647 : vector<16xf32> -> vector<16xi32>
        %and3A_1649 = arith.constant 2147483647 : i32
        %and3A_1650 = vector.broadcast %and3A_1649 : i32 to vector<16xi32>
        %and3A_1651 = arith.andi %bitcast_convert_type3A_1648, %and3A_1650 : vector<16xi32>
        %min3A_1652 = arith.minsi %min3A_1592, %and3A_1651 : vector<16xi32>
        scf.yield %min3A_1632, %min3A_1642, %min3A_1652, %min3A_1602, %min3A_1612, %min3A_1622 : vector<16xi32>, vector<16xi32>, vector<16xi32>, vector<16xi32>, vector<16xi32>, vector<16xi32>
      }
      %scan3A_1420 = arith.constant 3 : i32
      %min3A_1421 = arith.minsi %scan3A_1419#0, %scan3A_1419#1 : vector<16xi32>
      %min3A_1422 = arith.minsi %scan3A_1419#2, %scan3A_1419#3 : vector<16xi32>
      %min3A_1423 = arith.minsi %scan3A_1419#4, %scan3A_1419#5 : vector<16xi32>
      %min3A_1424 = arith.minsi %min3A_1421, %min3A_1422 : vector<16xi32>
      %min3A_1425 = arith.minsi %min3A_1424, %min3A_1423 : vector<16xi32>
      %add3A_1426 = arith.constant 16 : i32
      %add3A_1427 = arith.addi %scan3A_1409, %add3A_1426 : i32
      %mul3A_1428 = arith.constant 16 : i32
      %mul3A_1429 = arith.muli %add3A_1427, %mul3A_1428 : i32
      %swap3A_1430 = arith.index_cast %mul3A_1429 : i32 to index
      %swap3A_1431 = tpu.vector_load %arg9[%swap3A_1430] {strides = array<i32>} : memref<496xi32, #tpu.memory_space<vmem>>, vector<16xi32>,
      tpu.vector_store %arg9[%swap3A_1430], %min3A_1425 {strides = array<i32>} : memref<496xi32, #tpu.memory_space<vmem>>, vector<16xi32>,
      %scan3A_1432 = arith.constant 0 : i32
      scf.yield %scan3A_1432 : i32
    }
    %scan3A_83 = arith.constant 8 : i32
    %dma_wait3A_84 = arith.constant 24192 : i32
    %dma_wait3A_85 = tpu.memref_slice %arg7[%dma_wait3A_84] : memref<31264xf32, #tpu.memory_space<vmem>> -> memref<7056xf32, #tpu.memory_space<vmem>>
    %dma_wait3A_86 = tpu.memref_slice %arg2[%add3A_28] : memref<1000000xf32, #tpu.memory_space<hbm>> -> memref<7056xf32, #tpu.memory_space<hbm>>
    %dma_wait3A_87 = arith.constant 24192 : i32
    %dma_wait3A_88 = tpu.memref_slice %arg7[%dma_wait3A_87] : memref<31264xf32, #tpu.memory_space<vmem>> -> memref<7056xf32, #tpu.memory_space<vmem>>
    %dma_wait3A_89 = tpu.memref_slice %arg2[%add3A_28] : memref<1000000xf32, #tpu.memory_space<hbm>> -> memref<7056xf32, #tpu.memory_space<hbm>>
    tpu.wait_dma2 semaphore(%arg18 : memref<!tpu.dma_semaphore, #tpu.memory_space<semaphore_mem>>) src(%dma_wait3A_89 : memref<7056xf32, #tpu.memory_space<hbm>>) dst(%dma_wait3A_88 : memref<7056xf32, #tpu.memory_space<vmem>>)
    %scan3A_90 = arith.constant 0 : i32
    %scan3A_91 = arith.constant 0 : i32
    %scan3A_92 = arith.constant 7 : i32
    %scan3A_93 = arith.addi %scan3A_91, %scan3A_92 : i32
    %scan3A_94 = arith.constant 1 : i32
    %scan3A_95 = scf.for %scan3A_1409 = %scan3A_91 to %scan3A_93 step %scan3A_94 iter_args(%scan3A_1410 = %scan3A_90) -> (i32)  : i32 {
      %add3A_1411 = arith.constant 24 : i32
      %add3A_1412 = arith.addi %scan3A_1409, %add3A_1411 : i32
      %mul3A_1413 = arith.constant 1008 : i32
      %mul3A_1414 = arith.muli %add3A_1412, %mul3A_1413 : i32
      %scan3A_1415 = arith.constant 0 : i32
      %scan3A_1416 = arith.constant 3 : i32
      %scan3A_1417 = arith.addi %scan3A_1415, %scan3A_1416 : i32
      %scan3A_1418 = arith.constant 1 : i32
      %scan3A_1419:6 = scf.for %scan3A_1433 = %scan3A_1415 to %scan3A_1417 step %scan3A_1418 iter_args(%scan3A_1434 = %broadcast_in_dim3A_3, %scan3A_1435 = %broadcast_in_dim3A_3, %scan3A_1436 = %broadcast_in_dim3A_3, %scan3A_1437 = %broadcast_in_dim3A_3, %scan3A_1438 = %broadcast_in_dim3A_3, %scan3A_1439 = %broadcast_in_dim3A_3) -> (vector<16xi32>, vector<16xi32>, vector<16xi32>, vector<16xi32>, vector<16xi32>, vector<16xi32>)  : i32 {
        %mul3A_1440 = arith.constant 336 : i32
        %mul3A_1441 = arith.muli %scan3A_1433, %mul3A_1440 : i32
        %add3A_1442 = arith.addi %mul3A_1414, %mul3A_1441 : i32
        %add3A_1443 = arith.constant 0 : i32
        %add3A_1444 = arith.addi %add3A_1442, %add3A_1443 : i32
        %get3A_1445 = arith.index_cast %add3A_1444 : i32 to index
        %get3A_1446 = tpu.vector_load %arg7[%get3A_1445] {strides = array<i32>} : memref<31264xf32, #tpu.memory_space<vmem>>, vector<16xf32>,
        %sub3A_1447 = arith.subf %get3A_1446, %get3A_46 : vector<16xf32>
        %bitcast_convert_type3A_1448 = tpu.bitcast %sub3A_1447 : vector<16xf32> -> vector<16xi32>
        %and3A_1449 = arith.constant 2147483647 : i32
        %and3A_1450 = vector.broadcast %and3A_1449 : i32 to vector<16xi32>
        %and3A_1451 = arith.andi %bitcast_convert_type3A_1448, %and3A_1450 : vector<16xi32>
        %min3A_1452 = arith.minsi %scan3A_1434, %and3A_1451 : vector<16xi32>
        %add3A_1453 = arith.constant 16 : i32
        %add3A_1454 = arith.addi %add3A_1442, %add3A_1453 : i32
        %get3A_1455 = arith.index_cast %add3A_1454 : i32 to index
        %get3A_1456 = tpu.vector_load %arg7[%get3A_1455] {strides = array<i32>} : memref<31264xf32, #tpu.memory_space<vmem>>, vector<16xf32>,
        %sub3A_1457 = arith.subf %get3A_1456, %get3A_46 : vector<16xf32>
        %bitcast_convert_type3A_1458 = tpu.bitcast %sub3A_1457 : vector<16xf32> -> vector<16xi32>
        %and3A_1459 = arith.constant 2147483647 : i32
        %and3A_1460 = vector.broadcast %and3A_1459 : i32 to vector<16xi32>
        %and3A_1461 = arith.andi %bitcast_convert_type3A_1458, %and3A_1460 : vector<16xi32>
        %min3A_1462 = arith.minsi %scan3A_1435, %and3A_1461 : vector<16xi32>
        %add3A_1463 = arith.constant 32 : i32
        %add3A_1464 = arith.addi %add3A_1442, %add3A_1463 : i32
        %get3A_1465 = arith.index_cast %add3A_1464 : i32 to index
        %get3A_1466 = tpu.vector_load %arg7[%get3A_1465] {strides = array<i32>} : memref<31264xf32, #tpu.memory_space<vmem>>, vector<16xf32>,
        %sub3A_1467 = arith.subf %get3A_1466, %get3A_46 : vector<16xf32>
        %bitcast_convert_type3A_1468 = tpu.bitcast %sub3A_1467 : vector<16xf32> -> vector<16xi32>
        %and3A_1469 = arith.constant 2147483647 : i32
        %and3A_1470 = vector.broadcast %and3A_1469 : i32 to vector<16xi32>
        %and3A_1471 = arith.andi %bitcast_convert_type3A_1468, %and3A_1470 : vector<16xi32>
        %min3A_1472 = arith.minsi %scan3A_1436, %and3A_1471 : vector<16xi32>
        %add3A_1473 = arith.constant 48 : i32
        %add3A_1474 = arith.addi %add3A_1442, %add3A_1473 : i32
        %get3A_1475 = arith.index_cast %add3A_1474 : i32 to index
        %get3A_1476 = tpu.vector_load %arg7[%get3A_1475] {strides = array<i32>} : memref<31264xf32, #tpu.memory_space<vmem>>, vector<16xf32>,
        %sub3A_1477 = arith.subf %get3A_1476, %get3A_46 : vector<16xf32>
        %bitcast_convert_type3A_1478 = tpu.bitcast %sub3A_1477 : vector<16xf32> -> vector<16xi32>
        %and3A_1479 = arith.constant 2147483647 : i32
        %and3A_1480 = vector.broadcast %and3A_1479 : i32 to vector<16xi32>
        %and3A_1481 = arith.andi %bitcast_convert_type3A_1478, %and3A_1480 : vector<16xi32>
        %min3A_1482 = arith.minsi %scan3A_1437, %and3A_1481 : vector<16xi32>
        %add3A_1483 = arith.constant 64 : i32
        %add3A_1484 = arith.addi %add3A_1442, %add3A_1483 : i32
        %get3A_1485 = arith.index_cast %add3A_1484 : i32 to index
        %get3A_1486 = tpu.vector_load %arg7[%get3A_1485] {strides = array<i32>} : memref<31264xf32, #tpu.memory_space<vmem>>, vector<16xf32>,
        %sub3A_1487 = arith.subf %get3A_1486, %get3A_46 : vector<16xf32>
        %bitcast_convert_type3A_1488 = tpu.bitcast %sub3A_1487 : vector<16xf32> -> vector<16xi32>
        %and3A_1489 = arith.constant 2147483647 : i32
        %and3A_1490 = vector.broadcast %and3A_1489 : i32 to vector<16xi32>
        %and3A_1491 = arith.andi %bitcast_convert_type3A_1488, %and3A_1490 : vector<16xi32>
        %min3A_1492 = arith.minsi %scan3A_1438, %and3A_1491 : vector<16xi32>
        %add3A_1493 = arith.constant 80 : i32
        %add3A_1494 = arith.addi %add3A_1442, %add3A_1493 : i32
        %get3A_1495 = arith.index_cast %add3A_1494 : i32 to index
        %get3A_1496 = tpu.vector_load %arg7[%get3A_1495] {strides = array<i32>} : memref<31264xf32, #tpu.memory_space<vmem>>, vector<16xf32>,
        %sub3A_1497 = arith.subf %get3A_1496, %get3A_46 : vector<16xf32>
        %bitcast_convert_type3A_1498 = tpu.bitcast %sub3A_1497 : vector<16xf32> -> vector<16xi32>
        %and3A_1499 = arith.constant 2147483647 : i32
        %and3A_1500 = vector.broadcast %and3A_1499 : i32 to vector<16xi32>
        %and3A_1501 = arith.andi %bitcast_convert_type3A_1498, %and3A_1500 : vector<16xi32>
        %min3A_1502 = arith.minsi %scan3A_1439, %and3A_1501 : vector<16xi32>
        %add3A_1503 = arith.constant 96 : i32
        %add3A_1504 = arith.addi %add3A_1442, %add3A_1503 : i32
        %get3A_1505 = arith.index_cast %add3A_1504 : i32 to index
        %get3A_1506 = tpu.vector_load %arg7[%get3A_1505] {strides = array<i32>} : memref<31264xf32, #tpu.memory_space<vmem>>, vector<16xf32>,
        %sub3A_1507 = arith.subf %get3A_1506, %get3A_46 : vector<16xf32>
        %bitcast_convert_type3A_1508 = tpu.bitcast %sub3A_1507 : vector<16xf32> -> vector<16xi32>
        %and3A_1509 = arith.constant 2147483647 : i32
        %and3A_1510 = vector.broadcast %and3A_1509 : i32 to vector<16xi32>
        %and3A_1511 = arith.andi %bitcast_convert_type3A_1508, %and3A_1510 : vector<16xi32>
        %min3A_1512 = arith.minsi %min3A_1452, %and3A_1511 : vector<16xi32>
        %add3A_1513 = arith.constant 112 : i32
        %add3A_1514 = arith.addi %add3A_1442, %add3A_1513 : i32
        %get3A_1515 = arith.index_cast %add3A_1514 : i32 to index
        %get3A_1516 = tpu.vector_load %arg7[%get3A_1515] {strides = array<i32>} : memref<31264xf32, #tpu.memory_space<vmem>>, vector<16xf32>,
        %sub3A_1517 = arith.subf %get3A_1516, %get3A_46 : vector<16xf32>
        %bitcast_convert_type3A_1518 = tpu.bitcast %sub3A_1517 : vector<16xf32> -> vector<16xi32>
        %and3A_1519 = arith.constant 2147483647 : i32
        %and3A_1520 = vector.broadcast %and3A_1519 : i32 to vector<16xi32>
        %and3A_1521 = arith.andi %bitcast_convert_type3A_1518, %and3A_1520 : vector<16xi32>
        %min3A_1522 = arith.minsi %min3A_1462, %and3A_1521 : vector<16xi32>
        %add3A_1523 = arith.constant 128 : i32
        %add3A_1524 = arith.addi %add3A_1442, %add3A_1523 : i32
        %get3A_1525 = arith.index_cast %add3A_1524 : i32 to index
        %get3A_1526 = tpu.vector_load %arg7[%get3A_1525] {strides = array<i32>} : memref<31264xf32, #tpu.memory_space<vmem>>, vector<16xf32>,
        %sub3A_1527 = arith.subf %get3A_1526, %get3A_46 : vector<16xf32>
        %bitcast_convert_type3A_1528 = tpu.bitcast %sub3A_1527 : vector<16xf32> -> vector<16xi32>
        %and3A_1529 = arith.constant 2147483647 : i32
        %and3A_1530 = vector.broadcast %and3A_1529 : i32 to vector<16xi32>
        %and3A_1531 = arith.andi %bitcast_convert_type3A_1528, %and3A_1530 : vector<16xi32>
        %min3A_1532 = arith.minsi %min3A_1472, %and3A_1531 : vector<16xi32>
        %add3A_1533 = arith.constant 144 : i32
        %add3A_1534 = arith.addi %add3A_1442, %add3A_1533 : i32
        %get3A_1535 = arith.index_cast %add3A_1534 : i32 to index
        %get3A_1536 = tpu.vector_load %arg7[%get3A_1535] {strides = array<i32>} : memref<31264xf32, #tpu.memory_space<vmem>>, vector<16xf32>,
        %sub3A_1537 = arith.subf %get3A_1536, %get3A_46 : vector<16xf32>
        %bitcast_convert_type3A_1538 = tpu.bitcast %sub3A_1537 : vector<16xf32> -> vector<16xi32>
        %and3A_1539 = arith.constant 2147483647 : i32
        %and3A_1540 = vector.broadcast %and3A_1539 : i32 to vector<16xi32>
        %and3A_1541 = arith.andi %bitcast_convert_type3A_1538, %and3A_1540 : vector<16xi32>
        %min3A_1542 = arith.minsi %min3A_1482, %and3A_1541 : vector<16xi32>
        %add3A_1543 = arith.constant 160 : i32
        %add3A_1544 = arith.addi %add3A_1442, %add3A_1543 : i32
        %get3A_1545 = arith.index_cast %add3A_1544 : i32 to index
        %get3A_1546 = tpu.vector_load %arg7[%get3A_1545] {strides = array<i32>} : memref<31264xf32, #tpu.memory_space<vmem>>, vector<16xf32>,
        %sub3A_1547 = arith.subf %get3A_1546, %get3A_46 : vector<16xf32>
        %bitcast_convert_type3A_1548 = tpu.bitcast %sub3A_1547 : vector<16xf32> -> vector<16xi32>
        %and3A_1549 = arith.constant 2147483647 : i32
        %and3A_1550 = vector.broadcast %and3A_1549 : i32 to vector<16xi32>
        %and3A_1551 = arith.andi %bitcast_convert_type3A_1548, %and3A_1550 : vector<16xi32>
        %min3A_1552 = arith.minsi %min3A_1492, %and3A_1551 : vector<16xi32>
        %add3A_1553 = arith.constant 176 : i32
        %add3A_1554 = arith.addi %add3A_1442, %add3A_1553 : i32
        %get3A_1555 = arith.index_cast %add3A_1554 : i32 to index
        %get3A_1556 = tpu.vector_load %arg7[%get3A_1555] {strides = array<i32>} : memref<31264xf32, #tpu.memory_space<vmem>>, vector<16xf32>,
        %sub3A_1557 = arith.subf %get3A_1556, %get3A_46 : vector<16xf32>
        %bitcast_convert_type3A_1558 = tpu.bitcast %sub3A_1557 : vector<16xf32> -> vector<16xi32>
        %and3A_1559 = arith.constant 2147483647 : i32
        %and3A_1560 = vector.broadcast %and3A_1559 : i32 to vector<16xi32>
        %and3A_1561 = arith.andi %bitcast_convert_type3A_1558, %and3A_1560 : vector<16xi32>
        %min3A_1562 = arith.minsi %min3A_1502, %and3A_1561 : vector<16xi32>
        %add3A_1563 = arith.constant 192 : i32
        %add3A_1564 = arith.addi %add3A_1442, %add3A_1563 : i32
        %get3A_1565 = arith.index_cast %add3A_1564 : i32 to index
        %get3A_1566 = tpu.vector_load %arg7[%get3A_1565] {strides = array<i32>} : memref<31264xf32, #tpu.memory_space<vmem>>, vector<16xf32>,
        %sub3A_1567 = arith.subf %get3A_1566, %get3A_46 : vector<16xf32>
        %bitcast_convert_type3A_1568 = tpu.bitcast %sub3A_1567 : vector<16xf32> -> vector<16xi32>
        %and3A_1569 = arith.constant 2147483647 : i32
        %and3A_1570 = vector.broadcast %and3A_1569 : i32 to vector<16xi32>
        %and3A_1571 = arith.andi %bitcast_convert_type3A_1568, %and3A_1570 : vector<16xi32>
        %min3A_1572 = arith.minsi %min3A_1512, %and3A_1571 : vector<16xi32>
        %add3A_1573 = arith.constant 208 : i32
        %add3A_1574 = arith.addi %add3A_1442, %add3A_1573 : i32
        %get3A_1575 = arith.index_cast %add3A_1574 : i32 to index
        %get3A_1576 = tpu.vector_load %arg7[%get3A_1575] {strides = array<i32>} : memref<31264xf32, #tpu.memory_space<vmem>>, vector<16xf32>,
        %sub3A_1577 = arith.subf %get3A_1576, %get3A_46 : vector<16xf32>
        %bitcast_convert_type3A_1578 = tpu.bitcast %sub3A_1577 : vector<16xf32> -> vector<16xi32>
        %and3A_1579 = arith.constant 2147483647 : i32
        %and3A_1580 = vector.broadcast %and3A_1579 : i32 to vector<16xi32>
        %and3A_1581 = arith.andi %bitcast_convert_type3A_1578, %and3A_1580 : vector<16xi32>
        %min3A_1582 = arith.minsi %min3A_1522, %and3A_1581 : vector<16xi32>
        %add3A_1583 = arith.constant 224 : i32
        %add3A_1584 = arith.addi %add3A_1442, %add3A_1583 : i32
        %get3A_1585 = arith.index_cast %add3A_1584 : i32 to index
        %get3A_1586 = tpu.vector_load %arg7[%get3A_1585] {strides = array<i32>} : memref<31264xf32, #tpu.memory_space<vmem>>, vector<16xf32>,
        %sub3A_1587 = arith.subf %get3A_1586, %get3A_46 : vector<16xf32>
        %bitcast_convert_type3A_1588 = tpu.bitcast %sub3A_1587 : vector<16xf32> -> vector<16xi32>
        %and3A_1589 = arith.constant 2147483647 : i32
        %and3A_1590 = vector.broadcast %and3A_1589 : i32 to vector<16xi32>
        %and3A_1591 = arith.andi %bitcast_convert_type3A_1588, %and3A_1590 : vector<16xi32>
        %min3A_1592 = arith.minsi %min3A_1532, %and3A_1591 : vector<16xi32>
        %add3A_1593 = arith.constant 240 : i32
        %add3A_1594 = arith.addi %add3A_1442, %add3A_1593 : i32
        %get3A_1595 = arith.index_cast %add3A_1594 : i32 to index
        %get3A_1596 = tpu.vector_load %arg7[%get3A_1595] {strides = array<i32>} : memref<31264xf32, #tpu.memory_space<vmem>>, vector<16xf32>,
        %sub3A_1597 = arith.subf %get3A_1596, %get3A_46 : vector<16xf32>
        %bitcast_convert_type3A_1598 = tpu.bitcast %sub3A_1597 : vector<16xf32> -> vector<16xi32>
        %and3A_1599 = arith.constant 2147483647 : i32
        %and3A_1600 = vector.broadcast %and3A_1599 : i32 to vector<16xi32>
        %and3A_1601 = arith.andi %bitcast_convert_type3A_1598, %and3A_1600 : vector<16xi32>
        %min3A_1602 = arith.minsi %min3A_1542, %and3A_1601 : vector<16xi32>
        %add3A_1603 = arith.constant 256 : i32
        %add3A_1604 = arith.addi %add3A_1442, %add3A_1603 : i32
        %get3A_1605 = arith.index_cast %add3A_1604 : i32 to index
        %get3A_1606 = tpu.vector_load %arg7[%get3A_1605] {strides = array<i32>} : memref<31264xf32, #tpu.memory_space<vmem>>, vector<16xf32>,
        %sub3A_1607 = arith.subf %get3A_1606, %get3A_46 : vector<16xf32>
        %bitcast_convert_type3A_1608 = tpu.bitcast %sub3A_1607 : vector<16xf32> -> vector<16xi32>
        %and3A_1609 = arith.constant 2147483647 : i32
        %and3A_1610 = vector.broadcast %and3A_1609 : i32 to vector<16xi32>
        %and3A_1611 = arith.andi %bitcast_convert_type3A_1608, %and3A_1610 : vector<16xi32>
        %min3A_1612 = arith.minsi %min3A_1552, %and3A_1611 : vector<16xi32>
        %add3A_1613 = arith.constant 272 : i32
        %add3A_1614 = arith.addi %add3A_1442, %add3A_1613 : i32
        %get3A_1615 = arith.index_cast %add3A_1614 : i32 to index
        %get3A_1616 = tpu.vector_load %arg7[%get3A_1615] {strides = array<i32>} : memref<31264xf32, #tpu.memory_space<vmem>>, vector<16xf32>,
        %sub3A_1617 = arith.subf %get3A_1616, %get3A_46 : vector<16xf32>
        %bitcast_convert_type3A_1618 = tpu.bitcast %sub3A_1617 : vector<16xf32> -> vector<16xi32>
        %and3A_1619 = arith.constant 2147483647 : i32
        %and3A_1620 = vector.broadcast %and3A_1619 : i32 to vector<16xi32>
        %and3A_1621 = arith.andi %bitcast_convert_type3A_1618, %and3A_1620 : vector<16xi32>
        %min3A_1622 = arith.minsi %min3A_1562, %and3A_1621 : vector<16xi32>
        %add3A_1623 = arith.constant 288 : i32
        %add3A_1624 = arith.addi %add3A_1442, %add3A_1623 : i32
        %get3A_1625 = arith.index_cast %add3A_1624 : i32 to index
        %get3A_1626 = tpu.vector_load %arg7[%get3A_1625] {strides = array<i32>} : memref<31264xf32, #tpu.memory_space<vmem>>, vector<16xf32>,
        %sub3A_1627 = arith.subf %get3A_1626, %get3A_46 : vector<16xf32>
        %bitcast_convert_type3A_1628 = tpu.bitcast %sub3A_1627 : vector<16xf32> -> vector<16xi32>
        %and3A_1629 = arith.constant 2147483647 : i32
        %and3A_1630 = vector.broadcast %and3A_1629 : i32 to vector<16xi32>
        %and3A_1631 = arith.andi %bitcast_convert_type3A_1628, %and3A_1630 : vector<16xi32>
        %min3A_1632 = arith.minsi %min3A_1572, %and3A_1631 : vector<16xi32>
        %add3A_1633 = arith.constant 304 : i32
        %add3A_1634 = arith.addi %add3A_1442, %add3A_1633 : i32
        %get3A_1635 = arith.index_cast %add3A_1634 : i32 to index
        %get3A_1636 = tpu.vector_load %arg7[%get3A_1635] {strides = array<i32>} : memref<31264xf32, #tpu.memory_space<vmem>>, vector<16xf32>,
        %sub3A_1637 = arith.subf %get3A_1636, %get3A_46 : vector<16xf32>
        %bitcast_convert_type3A_1638 = tpu.bitcast %sub3A_1637 : vector<16xf32> -> vector<16xi32>
        %and3A_1639 = arith.constant 2147483647 : i32
        %and3A_1640 = vector.broadcast %and3A_1639 : i32 to vector<16xi32>
        %and3A_1641 = arith.andi %bitcast_convert_type3A_1638, %and3A_1640 : vector<16xi32>
        %min3A_1642 = arith.minsi %min3A_1582, %and3A_1641 : vector<16xi32>
        %add3A_1643 = arith.constant 320 : i32
        %add3A_1644 = arith.addi %add3A_1442, %add3A_1643 : i32
        %get3A_1645 = arith.index_cast %add3A_1644 : i32 to index
        %get3A_1646 = tpu.vector_load %arg7[%get3A_1645] {strides = array<i32>} : memref<31264xf32, #tpu.memory_space<vmem>>, vector<16xf32>,
        %sub3A_1647 = arith.subf %get3A_1646, %get3A_46 : vector<16xf32>
        %bitcast_convert_type3A_1648 = tpu.bitcast %sub3A_1647 : vector<16xf32> -> vector<16xi32>
        %and3A_1649 = arith.constant 2147483647 : i32
        %and3A_1650 = vector.broadcast %and3A_1649 : i32 to vector<16xi32>
        %and3A_1651 = arith.andi %bitcast_convert_type3A_1648, %and3A_1650 : vector<16xi32>
        %min3A_1652 = arith.minsi %min3A_1592, %and3A_1651 : vector<16xi32>
        scf.yield %min3A_1632, %min3A_1642, %min3A_1652, %min3A_1602, %min3A_1612, %min3A_1622 : vector<16xi32>, vector<16xi32>, vector<16xi32>, vector<16xi32>, vector<16xi32>, vector<16xi32>
      }
      %scan3A_1420 = arith.constant 3 : i32
      %min3A_1421 = arith.minsi %scan3A_1419#0, %scan3A_1419#1 : vector<16xi32>
      %min3A_1422 = arith.minsi %scan3A_1419#2, %scan3A_1419#3 : vector<16xi32>
      %min3A_1423 = arith.minsi %scan3A_1419#4, %scan3A_1419#5 : vector<16xi32>
      %min3A_1424 = arith.minsi %min3A_1421, %min3A_1422 : vector<16xi32>
      %min3A_1425 = arith.minsi %min3A_1424, %min3A_1423 : vector<16xi32>
      %add3A_1426 = arith.constant 24 : i32
      %add3A_1427 = arith.addi %scan3A_1409, %add3A_1426 : i32
      %mul3A_1428 = arith.constant 16 : i32
      %mul3A_1429 = arith.muli %add3A_1427, %mul3A_1428 : i32
      %swap3A_1430 = arith.index_cast %mul3A_1429 : i32 to index
      %swap3A_1431 = tpu.vector_load %arg9[%swap3A_1430] {strides = array<i32>} : memref<496xi32, #tpu.memory_space<vmem>>, vector<16xi32>,
      tpu.vector_store %arg9[%swap3A_1430], %min3A_1425 {strides = array<i32>} : memref<496xi32, #tpu.memory_space<vmem>>, vector<16xi32>,
      %scan3A_1432 = arith.constant 0 : i32
      scf.yield %scan3A_1432 : i32
    }
    %scan3A_96 = arith.constant 7 : i32
    %get3A_97 = arith.constant 0 : index
    %get3A_98 = tpu.vector_load %arg9[%get3A_97] {strides = array<i32>} : memref<496xi32, #tpu.memory_space<vmem>>, vector<16xi32>,
    %min3A = arith.minsi %broadcast_in_dim3A_3, %get3A_98 : vector<16xi32>
    %get3A_99 = arith.constant 16 : index
    %get3A_100 = tpu.vector_load %arg9[%get3A_99] {strides = array<i32>} : memref<496xi32, #tpu.memory_space<vmem>>, vector<16xi32>,
    %min3A_101 = arith.minsi %min3A, %get3A_100 : vector<16xi32>
    %get3A_102 = arith.constant 32 : index
    %get3A_103 = tpu.vector_load %arg9[%get3A_102] {strides = array<i32>} : memref<496xi32, #tpu.memory_space<vmem>>, vector<16xi32>,
    %min3A_104 = arith.minsi %min3A_101, %get3A_103 : vector<16xi32>
    %get3A_105 = arith.constant 48 : index
    %get3A_106 = tpu.vector_load %arg9[%get3A_105] {strides = array<i32>} : memref<496xi32, #tpu.memory_space<vmem>>, vector<16xi32>,
    %min3A_107 = arith.minsi %min3A_104, %get3A_106 : vector<16xi32>
    %get3A_108 = arith.constant 64 : index
    %get3A_109 = tpu.vector_load %arg9[%get3A_108] {strides = array<i32>} : memref<496xi32, #tpu.memory_space<vmem>>, vector<16xi32>,
    %min3A_110 = arith.minsi %min3A_107, %get3A_109 : vector<16xi32>
    %get3A_111 = arith.constant 80 : index
    %get3A_112 = tpu.vector_load %arg9[%get3A_111] {strides = array<i32>} : memref<496xi32, #tpu.memory_space<vmem>>, vector<16xi32>,
    %min3A_113 = arith.minsi %min3A_110, %get3A_112 : vector<16xi32>
    %get3A_114 = arith.constant 96 : index
    %get3A_115 = tpu.vector_load %arg9[%get3A_114] {strides = array<i32>} : memref<496xi32, #tpu.memory_space<vmem>>, vector<16xi32>,
    %min3A_116 = arith.minsi %min3A_113, %get3A_115 : vector<16xi32>
    %get3A_117 = arith.constant 112 : index
    %get3A_118 = tpu.vector_load %arg9[%get3A_117] {strides = array<i32>} : memref<496xi32, #tpu.memory_space<vmem>>, vector<16xi32>,
    %min3A_119 = arith.minsi %min3A_116, %get3A_118 : vector<16xi32>
    %get3A_120 = arith.constant 128 : index
    %get3A_121 = tpu.vector_load %arg9[%get3A_120] {strides = array<i32>} : memref<496xi32, #tpu.memory_space<vmem>>, vector<16xi32>,
    %min3A_122 = arith.minsi %min3A_119, %get3A_121 : vector<16xi32>
    %get3A_123 = arith.constant 144 : index
    %get3A_124 = tpu.vector_load %arg9[%get3A_123] {strides = array<i32>} : memref<496xi32, #tpu.memory_space<vmem>>, vector<16xi32>,
    %min3A_125 = arith.minsi %min3A_122, %get3A_124 : vector<16xi32>
    %get3A_126 = arith.constant 160 : index
    %get3A_127 = tpu.vector_load %arg9[%get3A_126] {strides = array<i32>} : memref<496xi32, #tpu.memory_space<vmem>>, vector<16xi32>,
    %min3A_128 = arith.minsi %min3A_125, %get3A_127 : vector<16xi32>
    %get3A_129 = arith.constant 176 : index
    %get3A_130 = tpu.vector_load %arg9[%get3A_129] {strides = array<i32>} : memref<496xi32, #tpu.memory_space<vmem>>, vector<16xi32>,
    %min3A_131 = arith.minsi %min3A_128, %get3A_130 : vector<16xi32>
    %get3A_132 = arith.constant 192 : index
    %get3A_133 = tpu.vector_load %arg9[%get3A_132] {strides = array<i32>} : memref<496xi32, #tpu.memory_space<vmem>>, vector<16xi32>,
    %min3A_134 = arith.minsi %min3A_131, %get3A_133 : vector<16xi32>
    %get3A_135 = arith.constant 208 : index
    %get3A_136 = tpu.vector_load %arg9[%get3A_135] {strides = array<i32>} : memref<496xi32, #tpu.memory_space<vmem>>, vector<16xi32>,
    %min3A_137 = arith.minsi %min3A_134, %get3A_136 : vector<16xi32>
    %get3A_138 = arith.constant 224 : index
    %get3A_139 = tpu.vector_load %arg9[%get3A_138] {strides = array<i32>} : memref<496xi32, #tpu.memory_space<vmem>>, vector<16xi32>,
    %min3A_140 = arith.minsi %min3A_137, %get3A_139 : vector<16xi32>
    %get3A_141 = arith.constant 240 : index
    %get3A_142 = tpu.vector_load %arg9[%get3A_141] {strides = array<i32>} : memref<496xi32, #tpu.memory_space<vmem>>, vector<16xi32>,
    %min3A_143 = arith.minsi %min3A_140, %get3A_142 : vector<16xi32>
    %get3A_144 = arith.constant 256 : index
    %get3A_145 = tpu.vector_load %arg9[%get3A_144] {strides = array<i32>} : memref<496xi32, #tpu.memory_space<vmem>>, vector<16xi32>,
    %min3A_146 = arith.minsi %min3A_143, %get3A_145 : vector<16xi32>
    %get3A_147 = arith.constant 272 : index
    %get3A_148 = tpu.vector_load %arg9[%get3A_147] {strides = array<i32>} : memref<496xi32, #tpu.memory_space<vmem>>, vector<16xi32>,
    %min3A_149 = arith.minsi %min3A_146, %get3A_148 : vector<16xi32>
    %get3A_150 = arith.constant 288 : index
    %get3A_151 = tpu.vector_load %arg9[%get3A_150] {strides = array<i32>} : memref<496xi32, #tpu.memory_space<vmem>>, vector<16xi32>,
    %min3A_152 = arith.minsi %min3A_149, %get3A_151 : vector<16xi32>
    %get3A_153 = arith.constant 304 : index
    %get3A_154 = tpu.vector_load %arg9[%get3A_153] {strides = array<i32>} : memref<496xi32, #tpu.memory_space<vmem>>, vector<16xi32>,
    %min3A_155 = arith.minsi %min3A_152, %get3A_154 : vector<16xi32>
    %get3A_156 = arith.constant 320 : index
    %get3A_157 = tpu.vector_load %arg9[%get3A_156] {strides = array<i32>} : memref<496xi32, #tpu.memory_space<vmem>>, vector<16xi32>,
    %min3A_158 = arith.minsi %min3A_155, %get3A_157 : vector<16xi32>
    %get3A_159 = arith.constant 336 : index
    %get3A_160 = tpu.vector_load %arg9[%get3A_159] {strides = array<i32>} : memref<496xi32, #tpu.memory_space<vmem>>, vector<16xi32>,
    %min3A_161 = arith.minsi %min3A_158, %get3A_160 : vector<16xi32>
    %get3A_162 = arith.constant 352 : index
    %get3A_163 = tpu.vector_load %arg9[%get3A_162] {strides = array<i32>} : memref<496xi32, #tpu.memory_space<vmem>>, vector<16xi32>,
    %min3A_164 = arith.minsi %min3A_161, %get3A_163 : vector<16xi32>
    %get3A_165 = arith.constant 368 : index
    %get3A_166 = tpu.vector_load %arg9[%get3A_165] {strides = array<i32>} : memref<496xi32, #tpu.memory_space<vmem>>, vector<16xi32>,
    %min3A_167 = arith.minsi %min3A_164, %get3A_166 : vector<16xi32>
    %get3A_168 = arith.constant 384 : index
    %get3A_169 = tpu.vector_load %arg9[%get3A_168] {strides = array<i32>} : memref<496xi32, #tpu.memory_space<vmem>>, vector<16xi32>,
    %min3A_170 = arith.minsi %min3A_167, %get3A_169 : vector<16xi32>
    %get3A_171 = arith.constant 400 : index
    %get3A_172 = tpu.vector_load %arg9[%get3A_171] {strides = array<i32>} : memref<496xi32, #tpu.memory_space<vmem>>, vector<16xi32>,
    %min3A_173 = arith.minsi %min3A_170, %get3A_172 : vector<16xi32>
    %get3A_174 = arith.constant 416 : index
    %get3A_175 = tpu.vector_load %arg9[%get3A_174] {strides = array<i32>} : memref<496xi32, #tpu.memory_space<vmem>>, vector<16xi32>,
    %min3A_176 = arith.minsi %min3A_173, %get3A_175 : vector<16xi32>
    %get3A_177 = arith.constant 432 : index
    %get3A_178 = tpu.vector_load %arg9[%get3A_177] {strides = array<i32>} : memref<496xi32, #tpu.memory_space<vmem>>, vector<16xi32>,
    %min3A_179 = arith.minsi %min3A_176, %get3A_178 : vector<16xi32>
    %get3A_180 = arith.constant 448 : index
    %get3A_181 = tpu.vector_load %arg9[%get3A_180] {strides = array<i32>} : memref<496xi32, #tpu.memory_space<vmem>>, vector<16xi32>,
    %min3A_182 = arith.minsi %min3A_179, %get3A_181 : vector<16xi32>
    %get3A_183 = arith.constant 464 : index
    %get3A_184 = tpu.vector_load %arg9[%get3A_183] {strides = array<i32>} : memref<496xi32, #tpu.memory_space<vmem>>, vector<16xi32>,
    %min3A_185 = arith.minsi %min3A_182, %get3A_184 : vector<16xi32>
    %get3A_186 = arith.constant 480 : index
    %get3A_187 = tpu.vector_load %arg9[%get3A_186] {strides = array<i32>} : memref<496xi32, #tpu.memory_space<vmem>>, vector<16xi32>,
    %min3A_188 = arith.minsi %min3A_185, %get3A_187 : vector<16xi32>
    %swap3A = arith.constant 0 : index
    %swap3A_189 = tpu.vector_load %arg10[%swap3A] {strides = array<i32>} : memref<16xi32, #tpu.memory_space<vmem>>, vector<16xi32>,
    tpu.vector_store %arg10[%swap3A], %min3A_188 {strides = array<i32>} : memref<16xi32, #tpu.memory_space<vmem>>, vector<16xi32>,
    %add3A_190 = arith.constant 8 : i32
    %add3A_191 = vector.broadcast %add3A_190 : i32 to vector<16xi32>
    %add3A_192 = arith.addi %iota3A, %add3A_191 : vector<16xi32>
    %and3A = arith.constant 15 : i32
    %and3A_193 = vector.broadcast %and3A : i32 to vector<16xi32>
    %and3A_194 = arith.andi %add3A_192, %and3A_193 : vector<16xi32>
    %gather3A = tpu.vector_load_idx %arg10[%and3A_194] : memref<16xi32, #tpu.memory_space<vmem>>[vector<16xi32>], vector<16xi32>,
    %min3A_195 = arith.minsi %min3A_188, %gather3A : vector<16xi32>
    %swap3A_196 = arith.constant 0 : index
    %swap3A_197 = tpu.vector_load %arg10[%swap3A_196] {strides = array<i32>} : memref<16xi32, #tpu.memory_space<vmem>>, vector<16xi32>,
    tpu.vector_store %arg10[%swap3A_196], %min3A_195 {strides = array<i32>} : memref<16xi32, #tpu.memory_space<vmem>>, vector<16xi32>,
    %add3A_198 = arith.constant 4 : i32
    %add3A_199 = vector.broadcast %add3A_198 : i32 to vector<16xi32>
    %add3A_200 = arith.addi %iota3A, %add3A_199 : vector<16xi32>
    %and3A_201 = arith.constant 15 : i32
    %and3A_202 = vector.broadcast %and3A_201 : i32 to vector<16xi32>
    %and3A_203 = arith.andi %add3A_200, %and3A_202 : vector<16xi32>
    %gather3A_204 = tpu.vector_load_idx %arg10[%and3A_203] : memref<16xi32, #tpu.memory_space<vmem>>[vector<16xi32>], vector<16xi32>,
    %min3A_205 = arith.minsi %min3A_195, %gather3A_204 : vector<16xi32>
    %swap3A_206 = arith.constant 0 : index
    %swap3A_207 = tpu.vector_load %arg10[%swap3A_206] {strides = array<i32>} : memref<16xi32, #tpu.memory_space<vmem>>, vector<16xi32>,
    tpu.vector_store %arg10[%swap3A_206], %min3A_205 {strides = array<i32>} : memref<16xi32, #tpu.memory_space<vmem>>, vector<16xi32>,
    %add3A_208 = arith.constant 2 : i32
    %add3A_209 = vector.broadcast %add3A_208 : i32 to vector<16xi32>
    %add3A_210 = arith.addi %iota3A, %add3A_209 : vector<16xi32>
    %and3A_211 = arith.constant 15 : i32
    %and3A_212 = vector.broadcast %and3A_211 : i32 to vector<16xi32>
    %and3A_213 = arith.andi %add3A_210, %and3A_212 : vector<16xi32>
    %gather3A_214 = tpu.vector_load_idx %arg10[%and3A_213] : memref<16xi32, #tpu.memory_space<vmem>>[vector<16xi32>], vector<16xi32>,
    %min3A_215 = arith.minsi %min3A_205, %gather3A_214 : vector<16xi32>
    %swap3A_216 = arith.constant 0 : index
    %swap3A_217 = tpu.vector_load %arg10[%swap3A_216] {strides = array<i32>} : memref<16xi32, #tpu.memory_space<vmem>>, vector<16xi32>,
    tpu.vector_store %arg10[%swap3A_216], %min3A_215 {strides = array<i32>} : memref<16xi32, #tpu.memory_space<vmem>>, vector<16xi32>,
    %add3A_218 = arith.constant 1 : i32
    %add3A_219 = vector.broadcast %add3A_218 : i32 to vector<16xi32>
    %add3A_220 = arith.addi %iota3A, %add3A_219 : vector<16xi32>
    %and3A_221 = arith.constant 15 : i32
    %and3A_222 = vector.broadcast %and3A_221 : i32 to vector<16xi32>
    %and3A_223 = arith.andi %add3A_220, %and3A_222 : vector<16xi32>
    %gather3A_224 = tpu.vector_load_idx %arg10[%and3A_223] : memref<16xi32, #tpu.memory_space<vmem>>[vector<16xi32>], vector<16xi32>,
    %min3A_225 = arith.minsi %min3A_215, %gather3A_224 : vector<16xi32>
    %get3A_226 = arith.constant 0 : index
    %get3A_227 = tpu.vector_load %arg9[%get3A_226] {strides = array<i32>} : memref<496xi32, #tpu.memory_space<vmem>>, vector<16xi32>,
    %eq3A = arith.cmpi eq, %get3A_227, %min3A_225 : vector<16xi32>
    %broadcast_in_dim3A_228 = arith.constant 0 : i32
    %broadcast_in_dim3A_229 = vector.broadcast %broadcast_in_dim3A_228 : i32 to vector<16xi32>
    %select_n3A_230 = arith.select %eq3A, %broadcast_in_dim3A_229, %broadcast_in_dim3A_3 : vector<16xi1>, vector<16xi32>
    %min3A_231 = arith.minsi %broadcast_in_dim3A_3, %select_n3A_230 : vector<16xi32>
    %get3A_232 = arith.constant 16 : index
    %get3A_233 = tpu.vector_load %arg9[%get3A_232] {strides = array<i32>} : memref<496xi32, #tpu.memory_space<vmem>>, vector<16xi32>,
    %eq3A_234 = arith.cmpi eq, %get3A_233, %min3A_225 : vector<16xi32>
    %broadcast_in_dim3A_235 = arith.constant 1 : i32
    %broadcast_in_dim3A_236 = vector.broadcast %broadcast_in_dim3A_235 : i32 to vector<16xi32>
    %select_n3A_237 = arith.select %eq3A_234, %broadcast_in_dim3A_236, %broadcast_in_dim3A_3 : vector<16xi1>, vector<16xi32>
    %min3A_238 = arith.minsi %min3A_231, %select_n3A_237 : vector<16xi32>
    %get3A_239 = arith.constant 32 : index
    %get3A_240 = tpu.vector_load %arg9[%get3A_239] {strides = array<i32>} : memref<496xi32, #tpu.memory_space<vmem>>, vector<16xi32>,
    %eq3A_241 = arith.cmpi eq, %get3A_240, %min3A_225 : vector<16xi32>
    %broadcast_in_dim3A_242 = arith.constant 2 : i32
    %broadcast_in_dim3A_243 = vector.broadcast %broadcast_in_dim3A_242 : i32 to vector<16xi32>
    %select_n3A_244 = arith.select %eq3A_241, %broadcast_in_dim3A_243, %broadcast_in_dim3A_3 : vector<16xi1>, vector<16xi32>
    %min3A_245 = arith.minsi %min3A_238, %select_n3A_244 : vector<16xi32>
    %get3A_246 = arith.constant 48 : index
    %get3A_247 = tpu.vector_load %arg9[%get3A_246] {strides = array<i32>} : memref<496xi32, #tpu.memory_space<vmem>>, vector<16xi32>,
    %eq3A_248 = arith.cmpi eq, %get3A_247, %min3A_225 : vector<16xi32>
    %broadcast_in_dim3A_249 = arith.constant 3 : i32
    %broadcast_in_dim3A_250 = vector.broadcast %broadcast_in_dim3A_249 : i32 to vector<16xi32>
    %select_n3A_251 = arith.select %eq3A_248, %broadcast_in_dim3A_250, %broadcast_in_dim3A_3 : vector<16xi1>, vector<16xi32>
    %min3A_252 = arith.minsi %min3A_245, %select_n3A_251 : vector<16xi32>
    %get3A_253 = arith.constant 64 : index
    %get3A_254 = tpu.vector_load %arg9[%get3A_253] {strides = array<i32>} : memref<496xi32, #tpu.memory_space<vmem>>, vector<16xi32>,
    %eq3A_255 = arith.cmpi eq, %get3A_254, %min3A_225 : vector<16xi32>
    %broadcast_in_dim3A_256 = arith.constant 4 : i32
    %broadcast_in_dim3A_257 = vector.broadcast %broadcast_in_dim3A_256 : i32 to vector<16xi32>
    %select_n3A_258 = arith.select %eq3A_255, %broadcast_in_dim3A_257, %broadcast_in_dim3A_3 : vector<16xi1>, vector<16xi32>
    %min3A_259 = arith.minsi %min3A_252, %select_n3A_258 : vector<16xi32>
    %get3A_260 = arith.constant 80 : index
    %get3A_261 = tpu.vector_load %arg9[%get3A_260] {strides = array<i32>} : memref<496xi32, #tpu.memory_space<vmem>>, vector<16xi32>,
    %eq3A_262 = arith.cmpi eq, %get3A_261, %min3A_225 : vector<16xi32>
    %broadcast_in_dim3A_263 = arith.constant 5 : i32
    %broadcast_in_dim3A_264 = vector.broadcast %broadcast_in_dim3A_263 : i32 to vector<16xi32>
    %select_n3A_265 = arith.select %eq3A_262, %broadcast_in_dim3A_264, %broadcast_in_dim3A_3 : vector<16xi1>, vector<16xi32>
    %min3A_266 = arith.minsi %min3A_259, %select_n3A_265 : vector<16xi32>
    %get3A_267 = arith.constant 96 : index
    %get3A_268 = tpu.vector_load %arg9[%get3A_267] {strides = array<i32>} : memref<496xi32, #tpu.memory_space<vmem>>, vector<16xi32>,
    %eq3A_269 = arith.cmpi eq, %get3A_268, %min3A_225 : vector<16xi32>
    %broadcast_in_dim3A_270 = arith.constant 6 : i32
    %broadcast_in_dim3A_271 = vector.broadcast %broadcast_in_dim3A_270 : i32 to vector<16xi32>
    %select_n3A_272 = arith.select %eq3A_269, %broadcast_in_dim3A_271, %broadcast_in_dim3A_3 : vector<16xi1>, vector<16xi32>
    %min3A_273 = arith.minsi %min3A_266, %select_n3A_272 : vector<16xi32>
    %get3A_274 = arith.constant 112 : index
    %get3A_275 = tpu.vector_load %arg9[%get3A_274] {strides = array<i32>} : memref<496xi32, #tpu.memory_space<vmem>>, vector<16xi32>,
    %eq3A_276 = arith.cmpi eq, %get3A_275, %min3A_225 : vector<16xi32>
    %broadcast_in_dim3A_277 = arith.constant 7 : i32
    %broadcast_in_dim3A_278 = vector.broadcast %broadcast_in_dim3A_277 : i32 to vector<16xi32>
    %select_n3A_279 = arith.select %eq3A_276, %broadcast_in_dim3A_278, %broadcast_in_dim3A_3 : vector<16xi1>, vector<16xi32>
    %min3A_280 = arith.minsi %min3A_273, %select_n3A_279 : vector<16xi32>
    %get3A_281 = arith.constant 128 : index
    %get3A_282 = tpu.vector_load %arg9[%get3A_281] {strides = array<i32>} : memref<496xi32, #tpu.memory_space<vmem>>, vector<16xi32>,
    %eq3A_283 = arith.cmpi eq, %get3A_282, %min3A_225 : vector<16xi32>
    %broadcast_in_dim3A_284 = arith.constant 8 : i32
    %broadcast_in_dim3A_285 = vector.broadcast %broadcast_in_dim3A_284 : i32 to vector<16xi32>
    %select_n3A_286 = arith.select %eq3A_283, %broadcast_in_dim3A_285, %broadcast_in_dim3A_3 : vector<16xi1>, vector<16xi32>
    %min3A_287 = arith.minsi %min3A_280, %select_n3A_286 : vector<16xi32>
    %get3A_288 = arith.constant 144 : index
    %get3A_289 = tpu.vector_load %arg9[%get3A_288] {strides = array<i32>} : memref<496xi32, #tpu.memory_space<vmem>>, vector<16xi32>,
    %eq3A_290 = arith.cmpi eq, %get3A_289, %min3A_225 : vector<16xi32>
    %broadcast_in_dim3A_291 = arith.constant 9 : i32
    %broadcast_in_dim3A_292 = vector.broadcast %broadcast_in_dim3A_291 : i32 to vector<16xi32>
    %select_n3A_293 = arith.select %eq3A_290, %broadcast_in_dim3A_292, %broadcast_in_dim3A_3 : vector<16xi1>, vector<16xi32>
    %min3A_294 = arith.minsi %min3A_287, %select_n3A_293 : vector<16xi32>
    %get3A_295 = arith.constant 160 : index
    %get3A_296 = tpu.vector_load %arg9[%get3A_295] {strides = array<i32>} : memref<496xi32, #tpu.memory_space<vmem>>, vector<16xi32>,
    %eq3A_297 = arith.cmpi eq, %get3A_296, %min3A_225 : vector<16xi32>
    %broadcast_in_dim3A_298 = arith.constant 10 : i32
    %broadcast_in_dim3A_299 = vector.broadcast %broadcast_in_dim3A_298 : i32 to vector<16xi32>
    %select_n3A_300 = arith.select %eq3A_297, %broadcast_in_dim3A_299, %broadcast_in_dim3A_3 : vector<16xi1>, vector<16xi32>
    %min3A_301 = arith.minsi %min3A_294, %select_n3A_300 : vector<16xi32>
    %get3A_302 = arith.constant 176 : index
    %get3A_303 = tpu.vector_load %arg9[%get3A_302] {strides = array<i32>} : memref<496xi32, #tpu.memory_space<vmem>>, vector<16xi32>,
    %eq3A_304 = arith.cmpi eq, %get3A_303, %min3A_225 : vector<16xi32>
    %broadcast_in_dim3A_305 = arith.constant 11 : i32
    %broadcast_in_dim3A_306 = vector.broadcast %broadcast_in_dim3A_305 : i32 to vector<16xi32>
    %select_n3A_307 = arith.select %eq3A_304, %broadcast_in_dim3A_306, %broadcast_in_dim3A_3 : vector<16xi1>, vector<16xi32>
    %min3A_308 = arith.minsi %min3A_301, %select_n3A_307 : vector<16xi32>
    %get3A_309 = arith.constant 192 : index
    %get3A_310 = tpu.vector_load %arg9[%get3A_309] {strides = array<i32>} : memref<496xi32, #tpu.memory_space<vmem>>, vector<16xi32>,
    %eq3A_311 = arith.cmpi eq, %get3A_310, %min3A_225 : vector<16xi32>
    %broadcast_in_dim3A_312 = arith.constant 12 : i32
    %broadcast_in_dim3A_313 = vector.broadcast %broadcast_in_dim3A_312 : i32 to vector<16xi32>
    %select_n3A_314 = arith.select %eq3A_311, %broadcast_in_dim3A_313, %broadcast_in_dim3A_3 : vector<16xi1>, vector<16xi32>
    %min3A_315 = arith.minsi %min3A_308, %select_n3A_314 : vector<16xi32>
    %get3A_316 = arith.constant 208 : index
    %get3A_317 = tpu.vector_load %arg9[%get3A_316] {strides = array<i32>} : memref<496xi32, #tpu.memory_space<vmem>>, vector<16xi32>,
    %eq3A_318 = arith.cmpi eq, %get3A_317, %min3A_225 : vector<16xi32>
    %broadcast_in_dim3A_319 = arith.constant 13 : i32
    %broadcast_in_dim3A_320 = vector.broadcast %broadcast_in_dim3A_319 : i32 to vector<16xi32>
    %select_n3A_321 = arith.select %eq3A_318, %broadcast_in_dim3A_320, %broadcast_in_dim3A_3 : vector<16xi1>, vector<16xi32>
    %min3A_322 = arith.minsi %min3A_315, %select_n3A_321 : vector<16xi32>
    %get3A_323 = arith.constant 224 : index
    %get3A_324 = tpu.vector_load %arg9[%get3A_323] {strides = array<i32>} : memref<496xi32, #tpu.memory_space<vmem>>, vector<16xi32>,
    %eq3A_325 = arith.cmpi eq, %get3A_324, %min3A_225 : vector<16xi32>
    %broadcast_in_dim3A_326 = arith.constant 14 : i32
    %broadcast_in_dim3A_327 = vector.broadcast %broadcast_in_dim3A_326 : i32 to vector<16xi32>
    %select_n3A_328 = arith.select %eq3A_325, %broadcast_in_dim3A_327, %broadcast_in_dim3A_3 : vector<16xi1>, vector<16xi32>
    %min3A_329 = arith.minsi %min3A_322, %select_n3A_328 : vector<16xi32>
    %get3A_330 = arith.constant 240 : index
    %get3A_331 = tpu.vector_load %arg9[%get3A_330] {strides = array<i32>} : memref<496xi32, #tpu.memory_space<vmem>>, vector<16xi32>,
    %eq3A_332 = arith.cmpi eq, %get3A_331, %min3A_225 : vector<16xi32>
    %broadcast_in_dim3A_333 = arith.constant 15 : i32
    %broadcast_in_dim3A_334 = vector.broadcast %broadcast_in_dim3A_333 : i32 to vector<16xi32>
    %select_n3A_335 = arith.select %eq3A_332, %broadcast_in_dim3A_334, %broadcast_in_dim3A_3 : vector<16xi1>, vector<16xi32>
    %min3A_336 = arith.minsi %min3A_329, %select_n3A_335 : vector<16xi32>
    %get3A_337 = arith.constant 256 : index
    %get3A_338 = tpu.vector_load %arg9[%get3A_337] {strides = array<i32>} : memref<496xi32, #tpu.memory_space<vmem>>, vector<16xi32>,
    %eq3A_339 = arith.cmpi eq, %get3A_338, %min3A_225 : vector<16xi32>
    %broadcast_in_dim3A_340 = arith.constant 16 : i32
    %broadcast_in_dim3A_341 = vector.broadcast %broadcast_in_dim3A_340 : i32 to vector<16xi32>
    %select_n3A_342 = arith.select %eq3A_339, %broadcast_in_dim3A_341, %broadcast_in_dim3A_3 : vector<16xi1>, vector<16xi32>
    %min3A_343 = arith.minsi %min3A_336, %select_n3A_342 : vector<16xi32>
    %get3A_344 = arith.constant 272 : index
    %get3A_345 = tpu.vector_load %arg9[%get3A_344] {strides = array<i32>} : memref<496xi32, #tpu.memory_space<vmem>>, vector<16xi32>,
    %eq3A_346 = arith.cmpi eq, %get3A_345, %min3A_225 : vector<16xi32>
    %broadcast_in_dim3A_347 = arith.constant 17 : i32
    %broadcast_in_dim3A_348 = vector.broadcast %broadcast_in_dim3A_347 : i32 to vector<16xi32>
    %select_n3A_349 = arith.select %eq3A_346, %broadcast_in_dim3A_348, %broadcast_in_dim3A_3 : vector<16xi1>, vector<16xi32>
    %min3A_350 = arith.minsi %min3A_343, %select_n3A_349 : vector<16xi32>
    %get3A_351 = arith.constant 288 : index
    %get3A_352 = tpu.vector_load %arg9[%get3A_351] {strides = array<i32>} : memref<496xi32, #tpu.memory_space<vmem>>, vector<16xi32>,
    %eq3A_353 = arith.cmpi eq, %get3A_352, %min3A_225 : vector<16xi32>
    %broadcast_in_dim3A_354 = arith.constant 18 : i32
    %broadcast_in_dim3A_355 = vector.broadcast %broadcast_in_dim3A_354 : i32 to vector<16xi32>
    %select_n3A_356 = arith.select %eq3A_353, %broadcast_in_dim3A_355, %broadcast_in_dim3A_3 : vector<16xi1>, vector<16xi32>
    %min3A_357 = arith.minsi %min3A_350, %select_n3A_356 : vector<16xi32>
    %get3A_358 = arith.constant 304 : index
    %get3A_359 = tpu.vector_load %arg9[%get3A_358] {strides = array<i32>} : memref<496xi32, #tpu.memory_space<vmem>>, vector<16xi32>,
    %eq3A_360 = arith.cmpi eq, %get3A_359, %min3A_225 : vector<16xi32>
    %broadcast_in_dim3A_361 = arith.constant 19 : i32
    %broadcast_in_dim3A_362 = vector.broadcast %broadcast_in_dim3A_361 : i32 to vector<16xi32>
    %select_n3A_363 = arith.select %eq3A_360, %broadcast_in_dim3A_362, %broadcast_in_dim3A_3 : vector<16xi1>, vector<16xi32>
    %min3A_364 = arith.minsi %min3A_357, %select_n3A_363 : vector<16xi32>
    %get3A_365 = arith.constant 320 : index
    %get3A_366 = tpu.vector_load %arg9[%get3A_365] {strides = array<i32>} : memref<496xi32, #tpu.memory_space<vmem>>, vector<16xi32>,
    %eq3A_367 = arith.cmpi eq, %get3A_366, %min3A_225 : vector<16xi32>
    %broadcast_in_dim3A_368 = arith.constant 20 : i32
    %broadcast_in_dim3A_369 = vector.broadcast %broadcast_in_dim3A_368 : i32 to vector<16xi32>
    %select_n3A_370 = arith.select %eq3A_367, %broadcast_in_dim3A_369, %broadcast_in_dim3A_3 : vector<16xi1>, vector<16xi32>
    %min3A_371 = arith.minsi %min3A_364, %select_n3A_370 : vector<16xi32>
    %get3A_372 = arith.constant 336 : index
    %get3A_373 = tpu.vector_load %arg9[%get3A_372] {strides = array<i32>} : memref<496xi32, #tpu.memory_space<vmem>>, vector<16xi32>,
    %eq3A_374 = arith.cmpi eq, %get3A_373, %min3A_225 : vector<16xi32>
    %broadcast_in_dim3A_375 = arith.constant 21 : i32
    %broadcast_in_dim3A_376 = vector.broadcast %broadcast_in_dim3A_375 : i32 to vector<16xi32>
    %select_n3A_377 = arith.select %eq3A_374, %broadcast_in_dim3A_376, %broadcast_in_dim3A_3 : vector<16xi1>, vector<16xi32>
    %min3A_378 = arith.minsi %min3A_371, %select_n3A_377 : vector<16xi32>
    %get3A_379 = arith.constant 352 : index
    %get3A_380 = tpu.vector_load %arg9[%get3A_379] {strides = array<i32>} : memref<496xi32, #tpu.memory_space<vmem>>, vector<16xi32>,
    %eq3A_381 = arith.cmpi eq, %get3A_380, %min3A_225 : vector<16xi32>
    %broadcast_in_dim3A_382 = arith.constant 22 : i32
    %broadcast_in_dim3A_383 = vector.broadcast %broadcast_in_dim3A_382 : i32 to vector<16xi32>
    %select_n3A_384 = arith.select %eq3A_381, %broadcast_in_dim3A_383, %broadcast_in_dim3A_3 : vector<16xi1>, vector<16xi32>
    %min3A_385 = arith.minsi %min3A_378, %select_n3A_384 : vector<16xi32>
    %get3A_386 = arith.constant 368 : index
    %get3A_387 = tpu.vector_load %arg9[%get3A_386] {strides = array<i32>} : memref<496xi32, #tpu.memory_space<vmem>>, vector<16xi32>,
    %eq3A_388 = arith.cmpi eq, %get3A_387, %min3A_225 : vector<16xi32>
    %broadcast_in_dim3A_389 = arith.constant 23 : i32
    %broadcast_in_dim3A_390 = vector.broadcast %broadcast_in_dim3A_389 : i32 to vector<16xi32>
    %select_n3A_391 = arith.select %eq3A_388, %broadcast_in_dim3A_390, %broadcast_in_dim3A_3 : vector<16xi1>, vector<16xi32>
    %min3A_392 = arith.minsi %min3A_385, %select_n3A_391 : vector<16xi32>
    %get3A_393 = arith.constant 384 : index
    %get3A_394 = tpu.vector_load %arg9[%get3A_393] {strides = array<i32>} : memref<496xi32, #tpu.memory_space<vmem>>, vector<16xi32>,
    %eq3A_395 = arith.cmpi eq, %get3A_394, %min3A_225 : vector<16xi32>
    %broadcast_in_dim3A_396 = arith.constant 24 : i32
    %broadcast_in_dim3A_397 = vector.broadcast %broadcast_in_dim3A_396 : i32 to vector<16xi32>
    %select_n3A_398 = arith.select %eq3A_395, %broadcast_in_dim3A_397, %broadcast_in_dim3A_3 : vector<16xi1>, vector<16xi32>
    %min3A_399 = arith.minsi %min3A_392, %select_n3A_398 : vector<16xi32>
    %get3A_400 = arith.constant 400 : index
    %get3A_401 = tpu.vector_load %arg9[%get3A_400] {strides = array<i32>} : memref<496xi32, #tpu.memory_space<vmem>>, vector<16xi32>,
    %eq3A_402 = arith.cmpi eq, %get3A_401, %min3A_225 : vector<16xi32>
    %broadcast_in_dim3A_403 = arith.constant 25 : i32
    %broadcast_in_dim3A_404 = vector.broadcast %broadcast_in_dim3A_403 : i32 to vector<16xi32>
    %select_n3A_405 = arith.select %eq3A_402, %broadcast_in_dim3A_404, %broadcast_in_dim3A_3 : vector<16xi1>, vector<16xi32>
    %min3A_406 = arith.minsi %min3A_399, %select_n3A_405 : vector<16xi32>
    %get3A_407 = arith.constant 416 : index
    %get3A_408 = tpu.vector_load %arg9[%get3A_407] {strides = array<i32>} : memref<496xi32, #tpu.memory_space<vmem>>, vector<16xi32>,
    %eq3A_409 = arith.cmpi eq, %get3A_408, %min3A_225 : vector<16xi32>
    %broadcast_in_dim3A_410 = arith.constant 26 : i32
    %broadcast_in_dim3A_411 = vector.broadcast %broadcast_in_dim3A_410 : i32 to vector<16xi32>
    %select_n3A_412 = arith.select %eq3A_409, %broadcast_in_dim3A_411, %broadcast_in_dim3A_3 : vector<16xi1>, vector<16xi32>
    %min3A_413 = arith.minsi %min3A_406, %select_n3A_412 : vector<16xi32>
    %get3A_414 = arith.constant 432 : index
    %get3A_415 = tpu.vector_load %arg9[%get3A_414] {strides = array<i32>} : memref<496xi32, #tpu.memory_space<vmem>>, vector<16xi32>,
    %eq3A_416 = arith.cmpi eq, %get3A_415, %min3A_225 : vector<16xi32>
    %broadcast_in_dim3A_417 = arith.constant 27 : i32
    %broadcast_in_dim3A_418 = vector.broadcast %broadcast_in_dim3A_417 : i32 to vector<16xi32>
    %select_n3A_419 = arith.select %eq3A_416, %broadcast_in_dim3A_418, %broadcast_in_dim3A_3 : vector<16xi1>, vector<16xi32>
    %min3A_420 = arith.minsi %min3A_413, %select_n3A_419 : vector<16xi32>
    %get3A_421 = arith.constant 448 : index
    %get3A_422 = tpu.vector_load %arg9[%get3A_421] {strides = array<i32>} : memref<496xi32, #tpu.memory_space<vmem>>, vector<16xi32>,
    %eq3A_423 = arith.cmpi eq, %get3A_422, %min3A_225 : vector<16xi32>
    %broadcast_in_dim3A_424 = arith.constant 28 : i32
    %broadcast_in_dim3A_425 = vector.broadcast %broadcast_in_dim3A_424 : i32 to vector<16xi32>
    %select_n3A_426 = arith.select %eq3A_423, %broadcast_in_dim3A_425, %broadcast_in_dim3A_3 : vector<16xi1>, vector<16xi32>
    %min3A_427 = arith.minsi %min3A_420, %select_n3A_426 : vector<16xi32>
    %get3A_428 = arith.constant 464 : index
    %get3A_429 = tpu.vector_load %arg9[%get3A_428] {strides = array<i32>} : memref<496xi32, #tpu.memory_space<vmem>>, vector<16xi32>,
    %eq3A_430 = arith.cmpi eq, %get3A_429, %min3A_225 : vector<16xi32>
    %broadcast_in_dim3A_431 = arith.constant 29 : i32
    %broadcast_in_dim3A_432 = vector.broadcast %broadcast_in_dim3A_431 : i32 to vector<16xi32>
    %select_n3A_433 = arith.select %eq3A_430, %broadcast_in_dim3A_432, %broadcast_in_dim3A_3 : vector<16xi1>, vector<16xi32>
    %min3A_434 = arith.minsi %min3A_427, %select_n3A_433 : vector<16xi32>
    %get3A_435 = arith.constant 480 : index
    %get3A_436 = tpu.vector_load %arg9[%get3A_435] {strides = array<i32>} : memref<496xi32, #tpu.memory_space<vmem>>, vector<16xi32>,
    %eq3A_437 = arith.cmpi eq, %get3A_436, %min3A_225 : vector<16xi32>
    %broadcast_in_dim3A_438 = arith.constant 30 : i32
    %broadcast_in_dim3A_439 = vector.broadcast %broadcast_in_dim3A_438 : i32 to vector<16xi32>
    %select_n3A_440 = arith.select %eq3A_437, %broadcast_in_dim3A_439, %broadcast_in_dim3A_3 : vector<16xi1>, vector<16xi32>
    %min3A_441 = arith.minsi %min3A_434, %select_n3A_440 : vector<16xi32>
    %swap3A_442 = arith.constant 0 : index
    %swap3A_443 = tpu.vector_load %arg10[%swap3A_442] {strides = array<i32>} : memref<16xi32, #tpu.memory_space<vmem>>, vector<16xi32>,
    tpu.vector_store %arg10[%swap3A_442], %min3A_441 {strides = array<i32>} : memref<16xi32, #tpu.memory_space<vmem>>, vector<16xi32>,
    %add3A_444 = arith.constant 8 : i32
    %add3A_445 = vector.broadcast %add3A_444 : i32 to vector<16xi32>
    %add3A_446 = arith.addi %iota3A, %add3A_445 : vector<16xi32>
    %and3A_447 = arith.constant 15 : i32
    %and3A_448 = vector.broadcast %and3A_447 : i32 to vector<16xi32>
    %and3A_449 = arith.andi %add3A_446, %and3A_448 : vector<16xi32>
    %gather3A_450 = tpu.vector_load_idx %arg10[%and3A_449] : memref<16xi32, #tpu.memory_space<vmem>>[vector<16xi32>], vector<16xi32>,
    %min3A_451 = arith.minsi %min3A_441, %gather3A_450 : vector<16xi32>
    %swap3A_452 = arith.constant 0 : index
    %swap3A_453 = tpu.vector_load %arg10[%swap3A_452] {strides = array<i32>} : memref<16xi32, #tpu.memory_space<vmem>>, vector<16xi32>,
    tpu.vector_store %arg10[%swap3A_452], %min3A_451 {strides = array<i32>} : memref<16xi32, #tpu.memory_space<vmem>>, vector<16xi32>,
    %add3A_454 = arith.constant 4 : i32
    %add3A_455 = vector.broadcast %add3A_454 : i32 to vector<16xi32>
    %add3A_456 = arith.addi %iota3A, %add3A_455 : vector<16xi32>
    %and3A_457 = arith.constant 15 : i32
    %and3A_458 = vector.broadcast %and3A_457 : i32 to vector<16xi32>
    %and3A_459 = arith.andi %add3A_456, %and3A_458 : vector<16xi32>
    %gather3A_460 = tpu.vector_load_idx %arg10[%and3A_459] : memref<16xi32, #tpu.memory_space<vmem>>[vector<16xi32>], vector<16xi32>,
    %min3A_461 = arith.minsi %min3A_451, %gather3A_460 : vector<16xi32>
    %swap3A_462 = arith.constant 0 : index
    %swap3A_463 = tpu.vector_load %arg10[%swap3A_462] {strides = array<i32>} : memref<16xi32, #tpu.memory_space<vmem>>, vector<16xi32>,
    tpu.vector_store %arg10[%swap3A_462], %min3A_461 {strides = array<i32>} : memref<16xi32, #tpu.memory_space<vmem>>, vector<16xi32>,
    %add3A_464 = arith.constant 2 : i32
    %add3A_465 = vector.broadcast %add3A_464 : i32 to vector<16xi32>
    %add3A_466 = arith.addi %iota3A, %add3A_465 : vector<16xi32>
    %and3A_467 = arith.constant 15 : i32
    %and3A_468 = vector.broadcast %and3A_467 : i32 to vector<16xi32>
    %and3A_469 = arith.andi %add3A_466, %and3A_468 : vector<16xi32>
    %gather3A_470 = tpu.vector_load_idx %arg10[%and3A_469] : memref<16xi32, #tpu.memory_space<vmem>>[vector<16xi32>], vector<16xi32>,
    %min3A_471 = arith.minsi %min3A_461, %gather3A_470 : vector<16xi32>
    %swap3A_472 = arith.constant 0 : index
    %swap3A_473 = tpu.vector_load %arg10[%swap3A_472] {strides = array<i32>} : memref<16xi32, #tpu.memory_space<vmem>>, vector<16xi32>,
    tpu.vector_store %arg10[%swap3A_472], %min3A_471 {strides = array<i32>} : memref<16xi32, #tpu.memory_space<vmem>>, vector<16xi32>,
    %add3A_474 = arith.constant 1 : i32
    %add3A_475 = vector.broadcast %add3A_474 : i32 to vector<16xi32>
    %add3A_476 = arith.addi %iota3A, %add3A_475 : vector<16xi32>
    %and3A_477 = arith.constant 15 : i32
    %and3A_478 = vector.broadcast %and3A_477 : i32 to vector<16xi32>
    %and3A_479 = arith.andi %add3A_476, %and3A_478 : vector<16xi32>
    %gather3A_480 = tpu.vector_load_idx %arg10[%and3A_479] : memref<16xi32, #tpu.memory_space<vmem>>[vector<16xi32>], vector<16xi32>,
    %min3A_481 = arith.minsi %min3A_471, %gather3A_480 : vector<16xi32>
    %mul3A_482 = arith.constant 1008 : i32
    %mul3A_483 = vector.broadcast %mul3A_482 : i32 to vector<16xi32>
    %mul3A_484 = arith.muli %min3A_481, %mul3A_483 : vector<16xi32>
    %add3A_485 = arith.addi %mul3A_484, %iota3A : vector<16xi32>
    %add3A_486 = arith.constant 0 : i32
    %add3A_487 = vector.broadcast %add3A_486 : i32 to vector<16xi32>
    %add3A_488 = arith.addi %add3A_485, %add3A_487 : vector<16xi32>
    %gather3A_489 = tpu.vector_load_idx %arg7[%add3A_488] : memref<31264xf32, #tpu.memory_space<vmem>>[vector<16xi32>], vector<16xf32>,
    %sub3A = arith.subf %gather3A_489, %get3A_46 : vector<16xf32>
    %bitcast_convert_type3A = tpu.bitcast %sub3A : vector<16xf32> -> vector<16xi32>
    %and3A_490 = arith.constant 2147483647 : i32
    %and3A_491 = vector.broadcast %and3A_490 : i32 to vector<16xi32>
    %and3A_492 = arith.andi %bitcast_convert_type3A, %and3A_491 : vector<16xi32>
    %eq3A_493 = arith.cmpi eq, %and3A_492, %min3A_225 : vector<16xi32>
    %select_n3A_494 = arith.select %eq3A_493, %add3A_488, %broadcast_in_dim3A_3 : vector<16xi1>, vector<16xi32>
    %min3A_495 = arith.minsi %broadcast_in_dim3A_3, %select_n3A_494 : vector<16xi32>
    %add3A_496 = arith.constant 16 : i32
    %add3A_497 = vector.broadcast %add3A_496 : i32 to vector<16xi32>
    %add3A_498 = arith.addi %add3A_485, %add3A_497 : vector<16xi32>
    %gather3A_499 = tpu.vector_load_idx %arg7[%add3A_498] : memref<31264xf32, #tpu.memory_space<vmem>>[vector<16xi32>], vector<16xf32>,
    %sub3A_500 = arith.subf %gather3A_499, %get3A_46 : vector<16xf32>
    %bitcast_convert_type3A_501 = tpu.bitcast %sub3A_500 : vector<16xf32> -> vector<16xi32>
    %and3A_502 = arith.constant 2147483647 : i32
    %and3A_503 = vector.broadcast %and3A_502 : i32 to vector<16xi32>
    %and3A_504 = arith.andi %bitcast_convert_type3A_501, %and3A_503 : vector<16xi32>
    %eq3A_505 = arith.cmpi eq, %and3A_504, %min3A_225 : vector<16xi32>
    %select_n3A_506 = arith.select %eq3A_505, %add3A_498, %broadcast_in_dim3A_3 : vector<16xi1>, vector<16xi32>
    %min3A_507 = arith.minsi %min3A_495, %select_n3A_506 : vector<16xi32>
    %add3A_508 = arith.constant 32 : i32
    %add3A_509 = vector.broadcast %add3A_508 : i32 to vector<16xi32>
    %add3A_510 = arith.addi %add3A_485, %add3A_509 : vector<16xi32>
    %gather3A_511 = tpu.vector_load_idx %arg7[%add3A_510] : memref<31264xf32, #tpu.memory_space<vmem>>[vector<16xi32>], vector<16xf32>,
    %sub3A_512 = arith.subf %gather3A_511, %get3A_46 : vector<16xf32>
    %bitcast_convert_type3A_513 = tpu.bitcast %sub3A_512 : vector<16xf32> -> vector<16xi32>
    %and3A_514 = arith.constant 2147483647 : i32
    %and3A_515 = vector.broadcast %and3A_514 : i32 to vector<16xi32>
    %and3A_516 = arith.andi %bitcast_convert_type3A_513, %and3A_515 : vector<16xi32>
    %eq3A_517 = arith.cmpi eq, %and3A_516, %min3A_225 : vector<16xi32>
    %select_n3A_518 = arith.select %eq3A_517, %add3A_510, %broadcast_in_dim3A_3 : vector<16xi1>, vector<16xi32>
    %min3A_519 = arith.minsi %min3A_507, %select_n3A_518 : vector<16xi32>
    %add3A_520 = arith.constant 48 : i32
    %add3A_521 = vector.broadcast %add3A_520 : i32 to vector<16xi32>
    %add3A_522 = arith.addi %add3A_485, %add3A_521 : vector<16xi32>
    %gather3A_523 = tpu.vector_load_idx %arg7[%add3A_522] : memref<31264xf32, #tpu.memory_space<vmem>>[vector<16xi32>], vector<16xf32>,
    %sub3A_524 = arith.subf %gather3A_523, %get3A_46 : vector<16xf32>
    %bitcast_convert_type3A_525 = tpu.bitcast %sub3A_524 : vector<16xf32> -> vector<16xi32>
    %and3A_526 = arith.constant 2147483647 : i32
    %and3A_527 = vector.broadcast %and3A_526 : i32 to vector<16xi32>
    %and3A_528 = arith.andi %bitcast_convert_type3A_525, %and3A_527 : vector<16xi32>
    %eq3A_529 = arith.cmpi eq, %and3A_528, %min3A_225 : vector<16xi32>
    %select_n3A_530 = arith.select %eq3A_529, %add3A_522, %broadcast_in_dim3A_3 : vector<16xi1>, vector<16xi32>
    %min3A_531 = arith.minsi %min3A_519, %select_n3A_530 : vector<16xi32>
    %add3A_532 = arith.constant 64 : i32
    %add3A_533 = vector.broadcast %add3A_532 : i32 to vector<16xi32>
    %add3A_534 = arith.addi %add3A_485, %add3A_533 : vector<16xi32>
    %gather3A_535 = tpu.vector_load_idx %arg7[%add3A_534] : memref<31264xf32, #tpu.memory_space<vmem>>[vector<16xi32>], vector<16xf32>,
    %sub3A_536 = arith.subf %gather3A_535, %get3A_46 : vector<16xf32>
    %bitcast_convert_type3A_537 = tpu.bitcast %sub3A_536 : vector<16xf32> -> vector<16xi32>
    %and3A_538 = arith.constant 2147483647 : i32
    %and3A_539 = vector.broadcast %and3A_538 : i32 to vector<16xi32>
    %and3A_540 = arith.andi %bitcast_convert_type3A_537, %and3A_539 : vector<16xi32>
    %eq3A_541 = arith.cmpi eq, %and3A_540, %min3A_225 : vector<16xi32>
    %select_n3A_542 = arith.select %eq3A_541, %add3A_534, %broadcast_in_dim3A_3 : vector<16xi1>, vector<16xi32>
    %min3A_543 = arith.minsi %min3A_531, %select_n3A_542 : vector<16xi32>
    %add3A_544 = arith.constant 80 : i32
    %add3A_545 = vector.broadcast %add3A_544 : i32 to vector<16xi32>
    %add3A_546 = arith.addi %add3A_485, %add3A_545 : vector<16xi32>
    %gather3A_547 = tpu.vector_load_idx %arg7[%add3A_546] : memref<31264xf32, #tpu.memory_space<vmem>>[vector<16xi32>], vector<16xf32>,
    %sub3A_548 = arith.subf %gather3A_547, %get3A_46 : vector<16xf32>
    %bitcast_convert_type3A_549 = tpu.bitcast %sub3A_548 : vector<16xf32> -> vector<16xi32>
    %and3A_550 = arith.constant 2147483647 : i32
    %and3A_551 = vector.broadcast %and3A_550 : i32 to vector<16xi32>
    %and3A_552 = arith.andi %bitcast_convert_type3A_549, %and3A_551 : vector<16xi32>
    %eq3A_553 = arith.cmpi eq, %and3A_552, %min3A_225 : vector<16xi32>
    %select_n3A_554 = arith.select %eq3A_553, %add3A_546, %broadcast_in_dim3A_3 : vector<16xi1>, vector<16xi32>
    %min3A_555 = arith.minsi %min3A_543, %select_n3A_554 : vector<16xi32>
    %add3A_556 = arith.constant 96 : i32
    %add3A_557 = vector.broadcast %add3A_556 : i32 to vector<16xi32>
    %add3A_558 = arith.addi %add3A_485, %add3A_557 : vector<16xi32>
    %gather3A_559 = tpu.vector_load_idx %arg7[%add3A_558] : memref<31264xf32, #tpu.memory_space<vmem>>[vector<16xi32>], vector<16xf32>,
    %sub3A_560 = arith.subf %gather3A_559, %get3A_46 : vector<16xf32>
    %bitcast_convert_type3A_561 = tpu.bitcast %sub3A_560 : vector<16xf32> -> vector<16xi32>
    %and3A_562 = arith.constant 2147483647 : i32
    %and3A_563 = vector.broadcast %and3A_562 : i32 to vector<16xi32>
    %and3A_564 = arith.andi %bitcast_convert_type3A_561, %and3A_563 : vector<16xi32>
    %eq3A_565 = arith.cmpi eq, %and3A_564, %min3A_225 : vector<16xi32>
    %select_n3A_566 = arith.select %eq3A_565, %add3A_558, %broadcast_in_dim3A_3 : vector<16xi1>, vector<16xi32>
    %min3A_567 = arith.minsi %min3A_555, %select_n3A_566 : vector<16xi32>
    %add3A_568 = arith.constant 112 : i32
    %add3A_569 = vector.broadcast %add3A_568 : i32 to vector<16xi32>
    %add3A_570 = arith.addi %add3A_485, %add3A_569 : vector<16xi32>
    %gather3A_571 = tpu.vector_load_idx %arg7[%add3A_570] : memref<31264xf32, #tpu.memory_space<vmem>>[vector<16xi32>], vector<16xf32>,
    %sub3A_572 = arith.subf %gather3A_571, %get3A_46 : vector<16xf32>
    %bitcast_convert_type3A_573 = tpu.bitcast %sub3A_572 : vector<16xf32> -> vector<16xi32>
    %and3A_574 = arith.constant 2147483647 : i32
    %and3A_575 = vector.broadcast %and3A_574 : i32 to vector<16xi32>
    %and3A_576 = arith.andi %bitcast_convert_type3A_573, %and3A_575 : vector<16xi32>
    %eq3A_577 = arith.cmpi eq, %and3A_576, %min3A_225 : vector<16xi32>
    %select_n3A_578 = arith.select %eq3A_577, %add3A_570, %broadcast_in_dim3A_3 : vector<16xi1>, vector<16xi32>
    %min3A_579 = arith.minsi %min3A_567, %select_n3A_578 : vector<16xi32>
    %add3A_580 = arith.constant 128 : i32
    %add3A_581 = vector.broadcast %add3A_580 : i32 to vector<16xi32>
    %add3A_582 = arith.addi %add3A_485, %add3A_581 : vector<16xi32>
    %gather3A_583 = tpu.vector_load_idx %arg7[%add3A_582] : memref<31264xf32, #tpu.memory_space<vmem>>[vector<16xi32>], vector<16xf32>,
    %sub3A_584 = arith.subf %gather3A_583, %get3A_46 : vector<16xf32>
    %bitcast_convert_type3A_585 = tpu.bitcast %sub3A_584 : vector<16xf32> -> vector<16xi32>
    %and3A_586 = arith.constant 2147483647 : i32
    %and3A_587 = vector.broadcast %and3A_586 : i32 to vector<16xi32>
    %and3A_588 = arith.andi %bitcast_convert_type3A_585, %and3A_587 : vector<16xi32>
    %eq3A_589 = arith.cmpi eq, %and3A_588, %min3A_225 : vector<16xi32>
    %select_n3A_590 = arith.select %eq3A_589, %add3A_582, %broadcast_in_dim3A_3 : vector<16xi1>, vector<16xi32>
    %min3A_591 = arith.minsi %min3A_579, %select_n3A_590 : vector<16xi32>
    %add3A_592 = arith.constant 144 : i32
    %add3A_593 = vector.broadcast %add3A_592 : i32 to vector<16xi32>
    %add3A_594 = arith.addi %add3A_485, %add3A_593 : vector<16xi32>
    %gather3A_595 = tpu.vector_load_idx %arg7[%add3A_594] : memref<31264xf32, #tpu.memory_space<vmem>>[vector<16xi32>], vector<16xf32>,
    %sub3A_596 = arith.subf %gather3A_595, %get3A_46 : vector<16xf32>
    %bitcast_convert_type3A_597 = tpu.bitcast %sub3A_596 : vector<16xf32> -> vector<16xi32>
    %and3A_598 = arith.constant 2147483647 : i32
    %and3A_599 = vector.broadcast %and3A_598 : i32 to vector<16xi32>
    %and3A_600 = arith.andi %bitcast_convert_type3A_597, %and3A_599 : vector<16xi32>
    %eq3A_601 = arith.cmpi eq, %and3A_600, %min3A_225 : vector<16xi32>
    %select_n3A_602 = arith.select %eq3A_601, %add3A_594, %broadcast_in_dim3A_3 : vector<16xi1>, vector<16xi32>
    %min3A_603 = arith.minsi %min3A_591, %select_n3A_602 : vector<16xi32>
    %add3A_604 = arith.constant 160 : i32
    %add3A_605 = vector.broadcast %add3A_604 : i32 to vector<16xi32>
    %add3A_606 = arith.addi %add3A_485, %add3A_605 : vector<16xi32>
    %gather3A_607 = tpu.vector_load_idx %arg7[%add3A_606] : memref<31264xf32, #tpu.memory_space<vmem>>[vector<16xi32>], vector<16xf32>,
    %sub3A_608 = arith.subf %gather3A_607, %get3A_46 : vector<16xf32>
    %bitcast_convert_type3A_609 = tpu.bitcast %sub3A_608 : vector<16xf32> -> vector<16xi32>
    %and3A_610 = arith.constant 2147483647 : i32
    %and3A_611 = vector.broadcast %and3A_610 : i32 to vector<16xi32>
    %and3A_612 = arith.andi %bitcast_convert_type3A_609, %and3A_611 : vector<16xi32>
    %eq3A_613 = arith.cmpi eq, %and3A_612, %min3A_225 : vector<16xi32>
    %select_n3A_614 = arith.select %eq3A_613, %add3A_606, %broadcast_in_dim3A_3 : vector<16xi1>, vector<16xi32>
    %min3A_615 = arith.minsi %min3A_603, %select_n3A_614 : vector<16xi32>
    %add3A_616 = arith.constant 176 : i32
    %add3A_617 = vector.broadcast %add3A_616 : i32 to vector<16xi32>
    %add3A_618 = arith.addi %add3A_485, %add3A_617 : vector<16xi32>
    %gather3A_619 = tpu.vector_load_idx %arg7[%add3A_618] : memref<31264xf32, #tpu.memory_space<vmem>>[vector<16xi32>], vector<16xf32>,
    %sub3A_620 = arith.subf %gather3A_619, %get3A_46 : vector<16xf32>
    %bitcast_convert_type3A_621 = tpu.bitcast %sub3A_620 : vector<16xf32> -> vector<16xi32>
    %and3A_622 = arith.constant 2147483647 : i32
    %and3A_623 = vector.broadcast %and3A_622 : i32 to vector<16xi32>
    %and3A_624 = arith.andi %bitcast_convert_type3A_621, %and3A_623 : vector<16xi32>
    %eq3A_625 = arith.cmpi eq, %and3A_624, %min3A_225 : vector<16xi32>
    %select_n3A_626 = arith.select %eq3A_625, %add3A_618, %broadcast_in_dim3A_3 : vector<16xi1>, vector<16xi32>
    %min3A_627 = arith.minsi %min3A_615, %select_n3A_626 : vector<16xi32>
    %add3A_628 = arith.constant 192 : i32
    %add3A_629 = vector.broadcast %add3A_628 : i32 to vector<16xi32>
    %add3A_630 = arith.addi %add3A_485, %add3A_629 : vector<16xi32>
    %gather3A_631 = tpu.vector_load_idx %arg7[%add3A_630] : memref<31264xf32, #tpu.memory_space<vmem>>[vector<16xi32>], vector<16xf32>,
    %sub3A_632 = arith.subf %gather3A_631, %get3A_46 : vector<16xf32>
    %bitcast_convert_type3A_633 = tpu.bitcast %sub3A_632 : vector<16xf32> -> vector<16xi32>
    %and3A_634 = arith.constant 2147483647 : i32
    %and3A_635 = vector.broadcast %and3A_634 : i32 to vector<16xi32>
    %and3A_636 = arith.andi %bitcast_convert_type3A_633, %and3A_635 : vector<16xi32>
    %eq3A_637 = arith.cmpi eq, %and3A_636, %min3A_225 : vector<16xi32>
    %select_n3A_638 = arith.select %eq3A_637, %add3A_630, %broadcast_in_dim3A_3 : vector<16xi1>, vector<16xi32>
    %min3A_639 = arith.minsi %min3A_627, %select_n3A_638 : vector<16xi32>
    %add3A_640 = arith.constant 208 : i32
    %add3A_641 = vector.broadcast %add3A_640 : i32 to vector<16xi32>
    %add3A_642 = arith.addi %add3A_485, %add3A_641 : vector<16xi32>
    %gather3A_643 = tpu.vector_load_idx %arg7[%add3A_642] : memref<31264xf32, #tpu.memory_space<vmem>>[vector<16xi32>], vector<16xf32>,
    %sub3A_644 = arith.subf %gather3A_643, %get3A_46 : vector<16xf32>
    %bitcast_convert_type3A_645 = tpu.bitcast %sub3A_644 : vector<16xf32> -> vector<16xi32>
    %and3A_646 = arith.constant 2147483647 : i32
    %and3A_647 = vector.broadcast %and3A_646 : i32 to vector<16xi32>
    %and3A_648 = arith.andi %bitcast_convert_type3A_645, %and3A_647 : vector<16xi32>
    %eq3A_649 = arith.cmpi eq, %and3A_648, %min3A_225 : vector<16xi32>
    %select_n3A_650 = arith.select %eq3A_649, %add3A_642, %broadcast_in_dim3A_3 : vector<16xi1>, vector<16xi32>
    %min3A_651 = arith.minsi %min3A_639, %select_n3A_650 : vector<16xi32>
    %add3A_652 = arith.constant 224 : i32
    %add3A_653 = vector.broadcast %add3A_652 : i32 to vector<16xi32>
    %add3A_654 = arith.addi %add3A_485, %add3A_653 : vector<16xi32>
    %gather3A_655 = tpu.vector_load_idx %arg7[%add3A_654] : memref<31264xf32, #tpu.memory_space<vmem>>[vector<16xi32>], vector<16xf32>,
    %sub3A_656 = arith.subf %gather3A_655, %get3A_46 : vector<16xf32>
    %bitcast_convert_type3A_657 = tpu.bitcast %sub3A_656 : vector<16xf32> -> vector<16xi32>
    %and3A_658 = arith.constant 2147483647 : i32
    %and3A_659 = vector.broadcast %and3A_658 : i32 to vector<16xi32>
    %and3A_660 = arith.andi %bitcast_convert_type3A_657, %and3A_659 : vector<16xi32>
    %eq3A_661 = arith.cmpi eq, %and3A_660, %min3A_225 : vector<16xi32>
    %select_n3A_662 = arith.select %eq3A_661, %add3A_654, %broadcast_in_dim3A_3 : vector<16xi1>, vector<16xi32>
    %min3A_663 = arith.minsi %min3A_651, %select_n3A_662 : vector<16xi32>
    %add3A_664 = arith.constant 240 : i32
    %add3A_665 = vector.broadcast %add3A_664 : i32 to vector<16xi32>
    %add3A_666 = arith.addi %add3A_485, %add3A_665 : vector<16xi32>
    %gather3A_667 = tpu.vector_load_idx %arg7[%add3A_666] : memref<31264xf32, #tpu.memory_space<vmem>>[vector<16xi32>], vector<16xf32>,
    %sub3A_668 = arith.subf %gather3A_667, %get3A_46 : vector<16xf32>
    %bitcast_convert_type3A_669 = tpu.bitcast %sub3A_668 : vector<16xf32> -> vector<16xi32>
    %and3A_670 = arith.constant 2147483647 : i32
    %and3A_671 = vector.broadcast %and3A_670 : i32 to vector<16xi32>
    %and3A_672 = arith.andi %bitcast_convert_type3A_669, %and3A_671 : vector<16xi32>
    %eq3A_673 = arith.cmpi eq, %and3A_672, %min3A_225 : vector<16xi32>
    %select_n3A_674 = arith.select %eq3A_673, %add3A_666, %broadcast_in_dim3A_3 : vector<16xi1>, vector<16xi32>
    %min3A_675 = arith.minsi %min3A_663, %select_n3A_674 : vector<16xi32>
    %add3A_676 = arith.constant 256 : i32
    %add3A_677 = vector.broadcast %add3A_676 : i32 to vector<16xi32>
    %add3A_678 = arith.addi %add3A_485, %add3A_677 : vector<16xi32>
    %gather3A_679 = tpu.vector_load_idx %arg7[%add3A_678] : memref<31264xf32, #tpu.memory_space<vmem>>[vector<16xi32>], vector<16xf32>,
    %sub3A_680 = arith.subf %gather3A_679, %get3A_46 : vector<16xf32>
    %bitcast_convert_type3A_681 = tpu.bitcast %sub3A_680 : vector<16xf32> -> vector<16xi32>
    %and3A_682 = arith.constant 2147483647 : i32
    %and3A_683 = vector.broadcast %and3A_682 : i32 to vector<16xi32>
    %and3A_684 = arith.andi %bitcast_convert_type3A_681, %and3A_683 : vector<16xi32>
    %eq3A_685 = arith.cmpi eq, %and3A_684, %min3A_225 : vector<16xi32>
    %select_n3A_686 = arith.select %eq3A_685, %add3A_678, %broadcast_in_dim3A_3 : vector<16xi1>, vector<16xi32>
    %min3A_687 = arith.minsi %min3A_675, %select_n3A_686 : vector<16xi32>
    %add3A_688 = arith.constant 272 : i32
    %add3A_689 = vector.broadcast %add3A_688 : i32 to vector<16xi32>
    %add3A_690 = arith.addi %add3A_485, %add3A_689 : vector<16xi32>
    %gather3A_691 = tpu.vector_load_idx %arg7[%add3A_690] : memref<31264xf32, #tpu.memory_space<vmem>>[vector<16xi32>], vector<16xf32>,
    %sub3A_692 = arith.subf %gather3A_691, %get3A_46 : vector<16xf32>
    %bitcast_convert_type3A_693 = tpu.bitcast %sub3A_692 : vector<16xf32> -> vector<16xi32>
    %and3A_694 = arith.constant 2147483647 : i32
    %and3A_695 = vector.broadcast %and3A_694 : i32 to vector<16xi32>
    %and3A_696 = arith.andi %bitcast_convert_type3A_693, %and3A_695 : vector<16xi32>
    %eq3A_697 = arith.cmpi eq, %and3A_696, %min3A_225 : vector<16xi32>
    %select_n3A_698 = arith.select %eq3A_697, %add3A_690, %broadcast_in_dim3A_3 : vector<16xi1>, vector<16xi32>
    %min3A_699 = arith.minsi %min3A_687, %select_n3A_698 : vector<16xi32>
    %add3A_700 = arith.constant 288 : i32
    %add3A_701 = vector.broadcast %add3A_700 : i32 to vector<16xi32>
    %add3A_702 = arith.addi %add3A_485, %add3A_701 : vector<16xi32>
    %gather3A_703 = tpu.vector_load_idx %arg7[%add3A_702] : memref<31264xf32, #tpu.memory_space<vmem>>[vector<16xi32>], vector<16xf32>,
    %sub3A_704 = arith.subf %gather3A_703, %get3A_46 : vector<16xf32>
    %bitcast_convert_type3A_705 = tpu.bitcast %sub3A_704 : vector<16xf32> -> vector<16xi32>
    %and3A_706 = arith.constant 2147483647 : i32
    %and3A_707 = vector.broadcast %and3A_706 : i32 to vector<16xi32>
    %and3A_708 = arith.andi %bitcast_convert_type3A_705, %and3A_707 : vector<16xi32>
    %eq3A_709 = arith.cmpi eq, %and3A_708, %min3A_225 : vector<16xi32>
    %select_n3A_710 = arith.select %eq3A_709, %add3A_702, %broadcast_in_dim3A_3 : vector<16xi1>, vector<16xi32>
    %min3A_711 = arith.minsi %min3A_699, %select_n3A_710 : vector<16xi32>
    %add3A_712 = arith.constant 304 : i32
    %add3A_713 = vector.broadcast %add3A_712 : i32 to vector<16xi32>
    %add3A_714 = arith.addi %add3A_485, %add3A_713 : vector<16xi32>
    %gather3A_715 = tpu.vector_load_idx %arg7[%add3A_714] : memref<31264xf32, #tpu.memory_space<vmem>>[vector<16xi32>], vector<16xf32>,
    %sub3A_716 = arith.subf %gather3A_715, %get3A_46 : vector<16xf32>
    %bitcast_convert_type3A_717 = tpu.bitcast %sub3A_716 : vector<16xf32> -> vector<16xi32>
    %and3A_718 = arith.constant 2147483647 : i32
    %and3A_719 = vector.broadcast %and3A_718 : i32 to vector<16xi32>
    %and3A_720 = arith.andi %bitcast_convert_type3A_717, %and3A_719 : vector<16xi32>
    %eq3A_721 = arith.cmpi eq, %and3A_720, %min3A_225 : vector<16xi32>
    %select_n3A_722 = arith.select %eq3A_721, %add3A_714, %broadcast_in_dim3A_3 : vector<16xi1>, vector<16xi32>
    %min3A_723 = arith.minsi %min3A_711, %select_n3A_722 : vector<16xi32>
    %add3A_724 = arith.constant 320 : i32
    %add3A_725 = vector.broadcast %add3A_724 : i32 to vector<16xi32>
    %add3A_726 = arith.addi %add3A_485, %add3A_725 : vector<16xi32>
    %gather3A_727 = tpu.vector_load_idx %arg7[%add3A_726] : memref<31264xf32, #tpu.memory_space<vmem>>[vector<16xi32>], vector<16xf32>,
    %sub3A_728 = arith.subf %gather3A_727, %get3A_46 : vector<16xf32>
    %bitcast_convert_type3A_729 = tpu.bitcast %sub3A_728 : vector<16xf32> -> vector<16xi32>
    %and3A_730 = arith.constant 2147483647 : i32
    %and3A_731 = vector.broadcast %and3A_730 : i32 to vector<16xi32>
    %and3A_732 = arith.andi %bitcast_convert_type3A_729, %and3A_731 : vector<16xi32>
    %eq3A_733 = arith.cmpi eq, %and3A_732, %min3A_225 : vector<16xi32>
    %select_n3A_734 = arith.select %eq3A_733, %add3A_726, %broadcast_in_dim3A_3 : vector<16xi1>, vector<16xi32>
    %min3A_735 = arith.minsi %min3A_723, %select_n3A_734 : vector<16xi32>
    %add3A_736 = arith.constant 336 : i32
    %add3A_737 = vector.broadcast %add3A_736 : i32 to vector<16xi32>
    %add3A_738 = arith.addi %add3A_485, %add3A_737 : vector<16xi32>
    %gather3A_739 = tpu.vector_load_idx %arg7[%add3A_738] : memref<31264xf32, #tpu.memory_space<vmem>>[vector<16xi32>], vector<16xf32>,
    %sub3A_740 = arith.subf %gather3A_739, %get3A_46 : vector<16xf32>
    %bitcast_convert_type3A_741 = tpu.bitcast %sub3A_740 : vector<16xf32> -> vector<16xi32>
    %and3A_742 = arith.constant 2147483647 : i32
    %and3A_743 = vector.broadcast %and3A_742 : i32 to vector<16xi32>
    %and3A_744 = arith.andi %bitcast_convert_type3A_741, %and3A_743 : vector<16xi32>
    %eq3A_745 = arith.cmpi eq, %and3A_744, %min3A_225 : vector<16xi32>
    %select_n3A_746 = arith.select %eq3A_745, %add3A_738, %broadcast_in_dim3A_3 : vector<16xi1>, vector<16xi32>
    %min3A_747 = arith.minsi %min3A_735, %select_n3A_746 : vector<16xi32>
    %add3A_748 = arith.constant 352 : i32
    %add3A_749 = vector.broadcast %add3A_748 : i32 to vector<16xi32>
    %add3A_750 = arith.addi %add3A_485, %add3A_749 : vector<16xi32>
    %gather3A_751 = tpu.vector_load_idx %arg7[%add3A_750] : memref<31264xf32, #tpu.memory_space<vmem>>[vector<16xi32>], vector<16xf32>,
    %sub3A_752 = arith.subf %gather3A_751, %get3A_46 : vector<16xf32>
    %bitcast_convert_type3A_753 = tpu.bitcast %sub3A_752 : vector<16xf32> -> vector<16xi32>
    %and3A_754 = arith.constant 2147483647 : i32
    %and3A_755 = vector.broadcast %and3A_754 : i32 to vector<16xi32>
    %and3A_756 = arith.andi %bitcast_convert_type3A_753, %and3A_755 : vector<16xi32>
    %eq3A_757 = arith.cmpi eq, %and3A_756, %min3A_225 : vector<16xi32>
    %select_n3A_758 = arith.select %eq3A_757, %add3A_750, %broadcast_in_dim3A_3 : vector<16xi1>, vector<16xi32>
    %min3A_759 = arith.minsi %min3A_747, %select_n3A_758 : vector<16xi32>
    %add3A_760 = arith.constant 368 : i32
    %add3A_761 = vector.broadcast %add3A_760 : i32 to vector<16xi32>
    %add3A_762 = arith.addi %add3A_485, %add3A_761 : vector<16xi32>
    %gather3A_763 = tpu.vector_load_idx %arg7[%add3A_762] : memref<31264xf32, #tpu.memory_space<vmem>>[vector<16xi32>], vector<16xf32>,
    %sub3A_764 = arith.subf %gather3A_763, %get3A_46 : vector<16xf32>
    %bitcast_convert_type3A_765 = tpu.bitcast %sub3A_764 : vector<16xf32> -> vector<16xi32>
    %and3A_766 = arith.constant 2147483647 : i32
    %and3A_767 = vector.broadcast %and3A_766 : i32 to vector<16xi32>
    %and3A_768 = arith.andi %bitcast_convert_type3A_765, %and3A_767 : vector<16xi32>
    %eq3A_769 = arith.cmpi eq, %and3A_768, %min3A_225 : vector<16xi32>
    %select_n3A_770 = arith.select %eq3A_769, %add3A_762, %broadcast_in_dim3A_3 : vector<16xi1>, vector<16xi32>
    %min3A_771 = arith.minsi %min3A_759, %select_n3A_770 : vector<16xi32>
    %add3A_772 = arith.constant 384 : i32
    %add3A_773 = vector.broadcast %add3A_772 : i32 to vector<16xi32>
    %add3A_774 = arith.addi %add3A_485, %add3A_773 : vector<16xi32>
    %gather3A_775 = tpu.vector_load_idx %arg7[%add3A_774] : memref<31264xf32, #tpu.memory_space<vmem>>[vector<16xi32>], vector<16xf32>,
    %sub3A_776 = arith.subf %gather3A_775, %get3A_46 : vector<16xf32>
    %bitcast_convert_type3A_777 = tpu.bitcast %sub3A_776 : vector<16xf32> -> vector<16xi32>
    %and3A_778 = arith.constant 2147483647 : i32
    %and3A_779 = vector.broadcast %and3A_778 : i32 to vector<16xi32>
    %and3A_780 = arith.andi %bitcast_convert_type3A_777, %and3A_779 : vector<16xi32>
    %eq3A_781 = arith.cmpi eq, %and3A_780, %min3A_225 : vector<16xi32>
    %select_n3A_782 = arith.select %eq3A_781, %add3A_774, %broadcast_in_dim3A_3 : vector<16xi1>, vector<16xi32>
    %min3A_783 = arith.minsi %min3A_771, %select_n3A_782 : vector<16xi32>
    %add3A_784 = arith.constant 400 : i32
    %add3A_785 = vector.broadcast %add3A_784 : i32 to vector<16xi32>
    %add3A_786 = arith.addi %add3A_485, %add3A_785 : vector<16xi32>
    %gather3A_787 = tpu.vector_load_idx %arg7[%add3A_786] : memref<31264xf32, #tpu.memory_space<vmem>>[vector<16xi32>], vector<16xf32>,
    %sub3A_788 = arith.subf %gather3A_787, %get3A_46 : vector<16xf32>
    %bitcast_convert_type3A_789 = tpu.bitcast %sub3A_788 : vector<16xf32> -> vector<16xi32>
    %and3A_790 = arith.constant 2147483647 : i32
    %and3A_791 = vector.broadcast %and3A_790 : i32 to vector<16xi32>
    %and3A_792 = arith.andi %bitcast_convert_type3A_789, %and3A_791 : vector<16xi32>
    %eq3A_793 = arith.cmpi eq, %and3A_792, %min3A_225 : vector<16xi32>
    %select_n3A_794 = arith.select %eq3A_793, %add3A_786, %broadcast_in_dim3A_3 : vector<16xi1>, vector<16xi32>
    %min3A_795 = arith.minsi %min3A_783, %select_n3A_794 : vector<16xi32>
    %add3A_796 = arith.constant 416 : i32
    %add3A_797 = vector.broadcast %add3A_796 : i32 to vector<16xi32>
    %add3A_798 = arith.addi %add3A_485, %add3A_797 : vector<16xi32>
    %gather3A_799 = tpu.vector_load_idx %arg7[%add3A_798] : memref<31264xf32, #tpu.memory_space<vmem>>[vector<16xi32>], vector<16xf32>,
    %sub3A_800 = arith.subf %gather3A_799, %get3A_46 : vector<16xf32>
    %bitcast_convert_type3A_801 = tpu.bitcast %sub3A_800 : vector<16xf32> -> vector<16xi32>
    %and3A_802 = arith.constant 2147483647 : i32
    %and3A_803 = vector.broadcast %and3A_802 : i32 to vector<16xi32>
    %and3A_804 = arith.andi %bitcast_convert_type3A_801, %and3A_803 : vector<16xi32>
    %eq3A_805 = arith.cmpi eq, %and3A_804, %min3A_225 : vector<16xi32>
    %select_n3A_806 = arith.select %eq3A_805, %add3A_798, %broadcast_in_dim3A_3 : vector<16xi1>, vector<16xi32>
    %min3A_807 = arith.minsi %min3A_795, %select_n3A_806 : vector<16xi32>
    %add3A_808 = arith.constant 432 : i32
    %add3A_809 = vector.broadcast %add3A_808 : i32 to vector<16xi32>
    %add3A_810 = arith.addi %add3A_485, %add3A_809 : vector<16xi32>
    %gather3A_811 = tpu.vector_load_idx %arg7[%add3A_810] : memref<31264xf32, #tpu.memory_space<vmem>>[vector<16xi32>], vector<16xf32>,
    %sub3A_812 = arith.subf %gather3A_811, %get3A_46 : vector<16xf32>
    %bitcast_convert_type3A_813 = tpu.bitcast %sub3A_812 : vector<16xf32> -> vector<16xi32>
    %and3A_814 = arith.constant 2147483647 : i32
    %and3A_815 = vector.broadcast %and3A_814 : i32 to vector<16xi32>
    %and3A_816 = arith.andi %bitcast_convert_type3A_813, %and3A_815 : vector<16xi32>
    %eq3A_817 = arith.cmpi eq, %and3A_816, %min3A_225 : vector<16xi32>
    %select_n3A_818 = arith.select %eq3A_817, %add3A_810, %broadcast_in_dim3A_3 : vector<16xi1>, vector<16xi32>
    %min3A_819 = arith.minsi %min3A_807, %select_n3A_818 : vector<16xi32>
    %add3A_820 = arith.constant 448 : i32
    %add3A_821 = vector.broadcast %add3A_820 : i32 to vector<16xi32>
    %add3A_822 = arith.addi %add3A_485, %add3A_821 : vector<16xi32>
    %gather3A_823 = tpu.vector_load_idx %arg7[%add3A_822] : memref<31264xf32, #tpu.memory_space<vmem>>[vector<16xi32>], vector<16xf32>,
    %sub3A_824 = arith.subf %gather3A_823, %get3A_46 : vector<16xf32>
    %bitcast_convert_type3A_825 = tpu.bitcast %sub3A_824 : vector<16xf32> -> vector<16xi32>
    %and3A_826 = arith.constant 2147483647 : i32
    %and3A_827 = vector.broadcast %and3A_826 : i32 to vector<16xi32>
    %and3A_828 = arith.andi %bitcast_convert_type3A_825, %and3A_827 : vector<16xi32>
    %eq3A_829 = arith.cmpi eq, %and3A_828, %min3A_225 : vector<16xi32>
    %select_n3A_830 = arith.select %eq3A_829, %add3A_822, %broadcast_in_dim3A_3 : vector<16xi1>, vector<16xi32>
    %min3A_831 = arith.minsi %min3A_819, %select_n3A_830 : vector<16xi32>
    %add3A_832 = arith.constant 464 : i32
    %add3A_833 = vector.broadcast %add3A_832 : i32 to vector<16xi32>
    %add3A_834 = arith.addi %add3A_485, %add3A_833 : vector<16xi32>
    %gather3A_835 = tpu.vector_load_idx %arg7[%add3A_834] : memref<31264xf32, #tpu.memory_space<vmem>>[vector<16xi32>], vector<16xf32>,
    %sub3A_836 = arith.subf %gather3A_835, %get3A_46 : vector<16xf32>
    %bitcast_convert_type3A_837 = tpu.bitcast %sub3A_836 : vector<16xf32> -> vector<16xi32>
    %and3A_838 = arith.constant 2147483647 : i32
    %and3A_839 = vector.broadcast %and3A_838 : i32 to vector<16xi32>
    %and3A_840 = arith.andi %bitcast_convert_type3A_837, %and3A_839 : vector<16xi32>
    %eq3A_841 = arith.cmpi eq, %and3A_840, %min3A_225 : vector<16xi32>
    %select_n3A_842 = arith.select %eq3A_841, %add3A_834, %broadcast_in_dim3A_3 : vector<16xi1>, vector<16xi32>
    %min3A_843 = arith.minsi %min3A_831, %select_n3A_842 : vector<16xi32>
    %add3A_844 = arith.constant 480 : i32
    %add3A_845 = vector.broadcast %add3A_844 : i32 to vector<16xi32>
    %add3A_846 = arith.addi %add3A_485, %add3A_845 : vector<16xi32>
    %gather3A_847 = tpu.vector_load_idx %arg7[%add3A_846] : memref<31264xf32, #tpu.memory_space<vmem>>[vector<16xi32>], vector<16xf32>,
    %sub3A_848 = arith.subf %gather3A_847, %get3A_46 : vector<16xf32>
    %bitcast_convert_type3A_849 = tpu.bitcast %sub3A_848 : vector<16xf32> -> vector<16xi32>
    %and3A_850 = arith.constant 2147483647 : i32
    %and3A_851 = vector.broadcast %and3A_850 : i32 to vector<16xi32>
    %and3A_852 = arith.andi %bitcast_convert_type3A_849, %and3A_851 : vector<16xi32>
    %eq3A_853 = arith.cmpi eq, %and3A_852, %min3A_225 : vector<16xi32>
    %select_n3A_854 = arith.select %eq3A_853, %add3A_846, %broadcast_in_dim3A_3 : vector<16xi1>, vector<16xi32>
    %min3A_855 = arith.minsi %min3A_843, %select_n3A_854 : vector<16xi32>
    %add3A_856 = arith.constant 496 : i32
    %add3A_857 = vector.broadcast %add3A_856 : i32 to vector<16xi32>
    %add3A_858 = arith.addi %add3A_485, %add3A_857 : vector<16xi32>
    %gather3A_859 = tpu.vector_load_idx %arg7[%add3A_858] : memref<31264xf32, #tpu.memory_space<vmem>>[vector<16xi32>], vector<16xf32>,
    %sub3A_860 = arith.subf %gather3A_859, %get3A_46 : vector<16xf32>
    %bitcast_convert_type3A_861 = tpu.bitcast %sub3A_860 : vector<16xf32> -> vector<16xi32>
    %and3A_862 = arith.constant 2147483647 : i32
    %and3A_863 = vector.broadcast %and3A_862 : i32 to vector<16xi32>
    %and3A_864 = arith.andi %bitcast_convert_type3A_861, %and3A_863 : vector<16xi32>
    %eq3A_865 = arith.cmpi eq, %and3A_864, %min3A_225 : vector<16xi32>
    %select_n3A_866 = arith.select %eq3A_865, %add3A_858, %broadcast_in_dim3A_3 : vector<16xi1>, vector<16xi32>
    %min3A_867 = arith.minsi %min3A_855, %select_n3A_866 : vector<16xi32>
    %add3A_868 = arith.constant 512 : i32
    %add3A_869 = vector.broadcast %add3A_868 : i32 to vector<16xi32>
    %add3A_870 = arith.addi %add3A_485, %add3A_869 : vector<16xi32>
    %gather3A_871 = tpu.vector_load_idx %arg7[%add3A_870] : memref<31264xf32, #tpu.memory_space<vmem>>[vector<16xi32>], vector<16xf32>,
    %sub3A_872 = arith.subf %gather3A_871, %get3A_46 : vector<16xf32>
    %bitcast_convert_type3A_873 = tpu.bitcast %sub3A_872 : vector<16xf32> -> vector<16xi32>
    %and3A_874 = arith.constant 2147483647 : i32
    %and3A_875 = vector.broadcast %and3A_874 : i32 to vector<16xi32>
    %and3A_876 = arith.andi %bitcast_convert_type3A_873, %and3A_875 : vector<16xi32>
    %eq3A_877 = arith.cmpi eq, %and3A_876, %min3A_225 : vector<16xi32>
    %select_n3A_878 = arith.select %eq3A_877, %add3A_870, %broadcast_in_dim3A_3 : vector<16xi1>, vector<16xi32>
    %min3A_879 = arith.minsi %min3A_867, %select_n3A_878 : vector<16xi32>
    %add3A_880 = arith.constant 528 : i32
    %add3A_881 = vector.broadcast %add3A_880 : i32 to vector<16xi32>
    %add3A_882 = arith.addi %add3A_485, %add3A_881 : vector<16xi32>
    %gather3A_883 = tpu.vector_load_idx %arg7[%add3A_882] : memref<31264xf32, #tpu.memory_space<vmem>>[vector<16xi32>], vector<16xf32>,
    %sub3A_884 = arith.subf %gather3A_883, %get3A_46 : vector<16xf32>
    %bitcast_convert_type3A_885 = tpu.bitcast %sub3A_884 : vector<16xf32> -> vector<16xi32>
    %and3A_886 = arith.constant 2147483647 : i32
    %and3A_887 = vector.broadcast %and3A_886 : i32 to vector<16xi32>
    %and3A_888 = arith.andi %bitcast_convert_type3A_885, %and3A_887 : vector<16xi32>
    %eq3A_889 = arith.cmpi eq, %and3A_888, %min3A_225 : vector<16xi32>
    %select_n3A_890 = arith.select %eq3A_889, %add3A_882, %broadcast_in_dim3A_3 : vector<16xi1>, vector<16xi32>
    %min3A_891 = arith.minsi %min3A_879, %select_n3A_890 : vector<16xi32>
    %add3A_892 = arith.constant 544 : i32
    %add3A_893 = vector.broadcast %add3A_892 : i32 to vector<16xi32>
    %add3A_894 = arith.addi %add3A_485, %add3A_893 : vector<16xi32>
    %gather3A_895 = tpu.vector_load_idx %arg7[%add3A_894] : memref<31264xf32, #tpu.memory_space<vmem>>[vector<16xi32>], vector<16xf32>,
    %sub3A_896 = arith.subf %gather3A_895, %get3A_46 : vector<16xf32>
    %bitcast_convert_type3A_897 = tpu.bitcast %sub3A_896 : vector<16xf32> -> vector<16xi32>
    %and3A_898 = arith.constant 2147483647 : i32
    %and3A_899 = vector.broadcast %and3A_898 : i32 to vector<16xi32>
    %and3A_900 = arith.andi %bitcast_convert_type3A_897, %and3A_899 : vector<16xi32>
    %eq3A_901 = arith.cmpi eq, %and3A_900, %min3A_225 : vector<16xi32>
    %select_n3A_902 = arith.select %eq3A_901, %add3A_894, %broadcast_in_dim3A_3 : vector<16xi1>, vector<16xi32>
    %min3A_903 = arith.minsi %min3A_891, %select_n3A_902 : vector<16xi32>
    %add3A_904 = arith.constant 560 : i32
    %add3A_905 = vector.broadcast %add3A_904 : i32 to vector<16xi32>
    %add3A_906 = arith.addi %add3A_485, %add3A_905 : vector<16xi32>
    %gather3A_907 = tpu.vector_load_idx %arg7[%add3A_906] : memref<31264xf32, #tpu.memory_space<vmem>>[vector<16xi32>], vector<16xf32>,
    %sub3A_908 = arith.subf %gather3A_907, %get3A_46 : vector<16xf32>
    %bitcast_convert_type3A_909 = tpu.bitcast %sub3A_908 : vector<16xf32> -> vector<16xi32>
    %and3A_910 = arith.constant 2147483647 : i32
    %and3A_911 = vector.broadcast %and3A_910 : i32 to vector<16xi32>
    %and3A_912 = arith.andi %bitcast_convert_type3A_909, %and3A_911 : vector<16xi32>
    %eq3A_913 = arith.cmpi eq, %and3A_912, %min3A_225 : vector<16xi32>
    %select_n3A_914 = arith.select %eq3A_913, %add3A_906, %broadcast_in_dim3A_3 : vector<16xi1>, vector<16xi32>
    %min3A_915 = arith.minsi %min3A_903, %select_n3A_914 : vector<16xi32>
    %add3A_916 = arith.constant 576 : i32
    %add3A_917 = vector.broadcast %add3A_916 : i32 to vector<16xi32>
    %add3A_918 = arith.addi %add3A_485, %add3A_917 : vector<16xi32>
    %gather3A_919 = tpu.vector_load_idx %arg7[%add3A_918] : memref<31264xf32, #tpu.memory_space<vmem>>[vector<16xi32>], vector<16xf32>,
    %sub3A_920 = arith.subf %gather3A_919, %get3A_46 : vector<16xf32>
    %bitcast_convert_type3A_921 = tpu.bitcast %sub3A_920 : vector<16xf32> -> vector<16xi32>
    %and3A_922 = arith.constant 2147483647 : i32
    %and3A_923 = vector.broadcast %and3A_922 : i32 to vector<16xi32>
    %and3A_924 = arith.andi %bitcast_convert_type3A_921, %and3A_923 : vector<16xi32>
    %eq3A_925 = arith.cmpi eq, %and3A_924, %min3A_225 : vector<16xi32>
    %select_n3A_926 = arith.select %eq3A_925, %add3A_918, %broadcast_in_dim3A_3 : vector<16xi1>, vector<16xi32>
    %min3A_927 = arith.minsi %min3A_915, %select_n3A_926 : vector<16xi32>
    %add3A_928 = arith.constant 592 : i32
    %add3A_929 = vector.broadcast %add3A_928 : i32 to vector<16xi32>
    %add3A_930 = arith.addi %add3A_485, %add3A_929 : vector<16xi32>
    %gather3A_931 = tpu.vector_load_idx %arg7[%add3A_930] : memref<31264xf32, #tpu.memory_space<vmem>>[vector<16xi32>], vector<16xf32>,
    %sub3A_932 = arith.subf %gather3A_931, %get3A_46 : vector<16xf32>
    %bitcast_convert_type3A_933 = tpu.bitcast %sub3A_932 : vector<16xf32> -> vector<16xi32>
    %and3A_934 = arith.constant 2147483647 : i32
    %and3A_935 = vector.broadcast %and3A_934 : i32 to vector<16xi32>
    %and3A_936 = arith.andi %bitcast_convert_type3A_933, %and3A_935 : vector<16xi32>
    %eq3A_937 = arith.cmpi eq, %and3A_936, %min3A_225 : vector<16xi32>
    %select_n3A_938 = arith.select %eq3A_937, %add3A_930, %broadcast_in_dim3A_3 : vector<16xi1>, vector<16xi32>
    %min3A_939 = arith.minsi %min3A_927, %select_n3A_938 : vector<16xi32>
    %add3A_940 = arith.constant 608 : i32
    %add3A_941 = vector.broadcast %add3A_940 : i32 to vector<16xi32>
    %add3A_942 = arith.addi %add3A_485, %add3A_941 : vector<16xi32>
    %gather3A_943 = tpu.vector_load_idx %arg7[%add3A_942] : memref<31264xf32, #tpu.memory_space<vmem>>[vector<16xi32>], vector<16xf32>,
    %sub3A_944 = arith.subf %gather3A_943, %get3A_46 : vector<16xf32>
    %bitcast_convert_type3A_945 = tpu.bitcast %sub3A_944 : vector<16xf32> -> vector<16xi32>
    %and3A_946 = arith.constant 2147483647 : i32
    %and3A_947 = vector.broadcast %and3A_946 : i32 to vector<16xi32>
    %and3A_948 = arith.andi %bitcast_convert_type3A_945, %and3A_947 : vector<16xi32>
    %eq3A_949 = arith.cmpi eq, %and3A_948, %min3A_225 : vector<16xi32>
    %select_n3A_950 = arith.select %eq3A_949, %add3A_942, %broadcast_in_dim3A_3 : vector<16xi1>, vector<16xi32>
    %min3A_951 = arith.minsi %min3A_939, %select_n3A_950 : vector<16xi32>
    %add3A_952 = arith.constant 624 : i32
    %add3A_953 = vector.broadcast %add3A_952 : i32 to vector<16xi32>
    %add3A_954 = arith.addi %add3A_485, %add3A_953 : vector<16xi32>
    %gather3A_955 = tpu.vector_load_idx %arg7[%add3A_954] : memref<31264xf32, #tpu.memory_space<vmem>>[vector<16xi32>], vector<16xf32>,
    %sub3A_956 = arith.subf %gather3A_955, %get3A_46 : vector<16xf32>
    %bitcast_convert_type3A_957 = tpu.bitcast %sub3A_956 : vector<16xf32> -> vector<16xi32>
    %and3A_958 = arith.constant 2147483647 : i32
    %and3A_959 = vector.broadcast %and3A_958 : i32 to vector<16xi32>
    %and3A_960 = arith.andi %bitcast_convert_type3A_957, %and3A_959 : vector<16xi32>
    %eq3A_961 = arith.cmpi eq, %and3A_960, %min3A_225 : vector<16xi32>
    %select_n3A_962 = arith.select %eq3A_961, %add3A_954, %broadcast_in_dim3A_3 : vector<16xi1>, vector<16xi32>
    %min3A_963 = arith.minsi %min3A_951, %select_n3A_962 : vector<16xi32>
    %add3A_964 = arith.constant 640 : i32
    %add3A_965 = vector.broadcast %add3A_964 : i32 to vector<16xi32>
    %add3A_966 = arith.addi %add3A_485, %add3A_965 : vector<16xi32>
    %gather3A_967 = tpu.vector_load_idx %arg7[%add3A_966] : memref<31264xf32, #tpu.memory_space<vmem>>[vector<16xi32>], vector<16xf32>,
    %sub3A_968 = arith.subf %gather3A_967, %get3A_46 : vector<16xf32>
    %bitcast_convert_type3A_969 = tpu.bitcast %sub3A_968 : vector<16xf32> -> vector<16xi32>
    %and3A_970 = arith.constant 2147483647 : i32
    %and3A_971 = vector.broadcast %and3A_970 : i32 to vector<16xi32>
    %and3A_972 = arith.andi %bitcast_convert_type3A_969, %and3A_971 : vector<16xi32>
    %eq3A_973 = arith.cmpi eq, %and3A_972, %min3A_225 : vector<16xi32>
    %select_n3A_974 = arith.select %eq3A_973, %add3A_966, %broadcast_in_dim3A_3 : vector<16xi1>, vector<16xi32>
    %min3A_975 = arith.minsi %min3A_963, %select_n3A_974 : vector<16xi32>
    %add3A_976 = arith.constant 656 : i32
    %add3A_977 = vector.broadcast %add3A_976 : i32 to vector<16xi32>
    %add3A_978 = arith.addi %add3A_485, %add3A_977 : vector<16xi32>
    %gather3A_979 = tpu.vector_load_idx %arg7[%add3A_978] : memref<31264xf32, #tpu.memory_space<vmem>>[vector<16xi32>], vector<16xf32>,
    %sub3A_980 = arith.subf %gather3A_979, %get3A_46 : vector<16xf32>
    %bitcast_convert_type3A_981 = tpu.bitcast %sub3A_980 : vector<16xf32> -> vector<16xi32>
    %and3A_982 = arith.constant 2147483647 : i32
    %and3A_983 = vector.broadcast %and3A_982 : i32 to vector<16xi32>
    %and3A_984 = arith.andi %bitcast_convert_type3A_981, %and3A_983 : vector<16xi32>
    %eq3A_985 = arith.cmpi eq, %and3A_984, %min3A_225 : vector<16xi32>
    %select_n3A_986 = arith.select %eq3A_985, %add3A_978, %broadcast_in_dim3A_3 : vector<16xi1>, vector<16xi32>
    %min3A_987 = arith.minsi %min3A_975, %select_n3A_986 : vector<16xi32>
    %add3A_988 = arith.constant 672 : i32
    %add3A_989 = vector.broadcast %add3A_988 : i32 to vector<16xi32>
    %add3A_990 = arith.addi %add3A_485, %add3A_989 : vector<16xi32>
    %gather3A_991 = tpu.vector_load_idx %arg7[%add3A_990] : memref<31264xf32, #tpu.memory_space<vmem>>[vector<16xi32>], vector<16xf32>,
    %sub3A_992 = arith.subf %gather3A_991, %get3A_46 : vector<16xf32>
    %bitcast_convert_type3A_993 = tpu.bitcast %sub3A_992 : vector<16xf32> -> vector<16xi32>
    %and3A_994 = arith.constant 2147483647 : i32
    %and3A_995 = vector.broadcast %and3A_994 : i32 to vector<16xi32>
    %and3A_996 = arith.andi %bitcast_convert_type3A_993, %and3A_995 : vector<16xi32>
    %eq3A_997 = arith.cmpi eq, %and3A_996, %min3A_225 : vector<16xi32>
    %select_n3A_998 = arith.select %eq3A_997, %add3A_990, %broadcast_in_dim3A_3 : vector<16xi1>, vector<16xi32>
    %min3A_999 = arith.minsi %min3A_987, %select_n3A_998 : vector<16xi32>
    %add3A_1000 = arith.constant 688 : i32
    %add3A_1001 = vector.broadcast %add3A_1000 : i32 to vector<16xi32>
    %add3A_1002 = arith.addi %add3A_485, %add3A_1001 : vector<16xi32>
    %gather3A_1003 = tpu.vector_load_idx %arg7[%add3A_1002] : memref<31264xf32, #tpu.memory_space<vmem>>[vector<16xi32>], vector<16xf32>,
    %sub3A_1004 = arith.subf %gather3A_1003, %get3A_46 : vector<16xf32>
    %bitcast_convert_type3A_1005 = tpu.bitcast %sub3A_1004 : vector<16xf32> -> vector<16xi32>
    %and3A_1006 = arith.constant 2147483647 : i32
    %and3A_1007 = vector.broadcast %and3A_1006 : i32 to vector<16xi32>
    %and3A_1008 = arith.andi %bitcast_convert_type3A_1005, %and3A_1007 : vector<16xi32>
    %eq3A_1009 = arith.cmpi eq, %and3A_1008, %min3A_225 : vector<16xi32>
    %select_n3A_1010 = arith.select %eq3A_1009, %add3A_1002, %broadcast_in_dim3A_3 : vector<16xi1>, vector<16xi32>
    %min3A_1011 = arith.minsi %min3A_999, %select_n3A_1010 : vector<16xi32>
    %add3A_1012 = arith.constant 704 : i32
    %add3A_1013 = vector.broadcast %add3A_1012 : i32 to vector<16xi32>
    %add3A_1014 = arith.addi %add3A_485, %add3A_1013 : vector<16xi32>
    %gather3A_1015 = tpu.vector_load_idx %arg7[%add3A_1014] : memref<31264xf32, #tpu.memory_space<vmem>>[vector<16xi32>], vector<16xf32>,
    %sub3A_1016 = arith.subf %gather3A_1015, %get3A_46 : vector<16xf32>
    %bitcast_convert_type3A_1017 = tpu.bitcast %sub3A_1016 : vector<16xf32> -> vector<16xi32>
    %and3A_1018 = arith.constant 2147483647 : i32
    %and3A_1019 = vector.broadcast %and3A_1018 : i32 to vector<16xi32>
    %and3A_1020 = arith.andi %bitcast_convert_type3A_1017, %and3A_1019 : vector<16xi32>
    %eq3A_1021 = arith.cmpi eq, %and3A_1020, %min3A_225 : vector<16xi32>
    %select_n3A_1022 = arith.select %eq3A_1021, %add3A_1014, %broadcast_in_dim3A_3 : vector<16xi1>, vector<16xi32>
    %min3A_1023 = arith.minsi %min3A_1011, %select_n3A_1022 : vector<16xi32>
    %add3A_1024 = arith.constant 720 : i32
    %add3A_1025 = vector.broadcast %add3A_1024 : i32 to vector<16xi32>
    %add3A_1026 = arith.addi %add3A_485, %add3A_1025 : vector<16xi32>
    %gather3A_1027 = tpu.vector_load_idx %arg7[%add3A_1026] : memref<31264xf32, #tpu.memory_space<vmem>>[vector<16xi32>], vector<16xf32>,
    %sub3A_1028 = arith.subf %gather3A_1027, %get3A_46 : vector<16xf32>
    %bitcast_convert_type3A_1029 = tpu.bitcast %sub3A_1028 : vector<16xf32> -> vector<16xi32>
    %and3A_1030 = arith.constant 2147483647 : i32
    %and3A_1031 = vector.broadcast %and3A_1030 : i32 to vector<16xi32>
    %and3A_1032 = arith.andi %bitcast_convert_type3A_1029, %and3A_1031 : vector<16xi32>
    %eq3A_1033 = arith.cmpi eq, %and3A_1032, %min3A_225 : vector<16xi32>
    %select_n3A_1034 = arith.select %eq3A_1033, %add3A_1026, %broadcast_in_dim3A_3 : vector<16xi1>, vector<16xi32>
    %min3A_1035 = arith.minsi %min3A_1023, %select_n3A_1034 : vector<16xi32>
    %add3A_1036 = arith.constant 736 : i32
    %add3A_1037 = vector.broadcast %add3A_1036 : i32 to vector<16xi32>
    %add3A_1038 = arith.addi %add3A_485, %add3A_1037 : vector<16xi32>
    %gather3A_1039 = tpu.vector_load_idx %arg7[%add3A_1038] : memref<31264xf32, #tpu.memory_space<vmem>>[vector<16xi32>], vector<16xf32>,
    %sub3A_1040 = arith.subf %gather3A_1039, %get3A_46 : vector<16xf32>
    %bitcast_convert_type3A_1041 = tpu.bitcast %sub3A_1040 : vector<16xf32> -> vector<16xi32>
    %and3A_1042 = arith.constant 2147483647 : i32
    %and3A_1043 = vector.broadcast %and3A_1042 : i32 to vector<16xi32>
    %and3A_1044 = arith.andi %bitcast_convert_type3A_1041, %and3A_1043 : vector<16xi32>
    %eq3A_1045 = arith.cmpi eq, %and3A_1044, %min3A_225 : vector<16xi32>
    %select_n3A_1046 = arith.select %eq3A_1045, %add3A_1038, %broadcast_in_dim3A_3 : vector<16xi1>, vector<16xi32>
    %min3A_1047 = arith.minsi %min3A_1035, %select_n3A_1046 : vector<16xi32>
    %add3A_1048 = arith.constant 752 : i32
    %add3A_1049 = vector.broadcast %add3A_1048 : i32 to vector<16xi32>
    %add3A_1050 = arith.addi %add3A_485, %add3A_1049 : vector<16xi32>
    %gather3A_1051 = tpu.vector_load_idx %arg7[%add3A_1050] : memref<31264xf32, #tpu.memory_space<vmem>>[vector<16xi32>], vector<16xf32>,
    %sub3A_1052 = arith.subf %gather3A_1051, %get3A_46 : vector<16xf32>
    %bitcast_convert_type3A_1053 = tpu.bitcast %sub3A_1052 : vector<16xf32> -> vector<16xi32>
    %and3A_1054 = arith.constant 2147483647 : i32
    %and3A_1055 = vector.broadcast %and3A_1054 : i32 to vector<16xi32>
    %and3A_1056 = arith.andi %bitcast_convert_type3A_1053, %and3A_1055 : vector<16xi32>
    %eq3A_1057 = arith.cmpi eq, %and3A_1056, %min3A_225 : vector<16xi32>
    %select_n3A_1058 = arith.select %eq3A_1057, %add3A_1050, %broadcast_in_dim3A_3 : vector<16xi1>, vector<16xi32>
    %min3A_1059 = arith.minsi %min3A_1047, %select_n3A_1058 : vector<16xi32>
    %add3A_1060 = arith.constant 768 : i32
    %add3A_1061 = vector.broadcast %add3A_1060 : i32 to vector<16xi32>
    %add3A_1062 = arith.addi %add3A_485, %add3A_1061 : vector<16xi32>
    %gather3A_1063 = tpu.vector_load_idx %arg7[%add3A_1062] : memref<31264xf32, #tpu.memory_space<vmem>>[vector<16xi32>], vector<16xf32>,
    %sub3A_1064 = arith.subf %gather3A_1063, %get3A_46 : vector<16xf32>
    %bitcast_convert_type3A_1065 = tpu.bitcast %sub3A_1064 : vector<16xf32> -> vector<16xi32>
    %and3A_1066 = arith.constant 2147483647 : i32
    %and3A_1067 = vector.broadcast %and3A_1066 : i32 to vector<16xi32>
    %and3A_1068 = arith.andi %bitcast_convert_type3A_1065, %and3A_1067 : vector<16xi32>
    %eq3A_1069 = arith.cmpi eq, %and3A_1068, %min3A_225 : vector<16xi32>
    %select_n3A_1070 = arith.select %eq3A_1069, %add3A_1062, %broadcast_in_dim3A_3 : vector<16xi1>, vector<16xi32>
    %min3A_1071 = arith.minsi %min3A_1059, %select_n3A_1070 : vector<16xi32>
    %add3A_1072 = arith.constant 784 : i32
    %add3A_1073 = vector.broadcast %add3A_1072 : i32 to vector<16xi32>
    %add3A_1074 = arith.addi %add3A_485, %add3A_1073 : vector<16xi32>
    %gather3A_1075 = tpu.vector_load_idx %arg7[%add3A_1074] : memref<31264xf32, #tpu.memory_space<vmem>>[vector<16xi32>], vector<16xf32>,
    %sub3A_1076 = arith.subf %gather3A_1075, %get3A_46 : vector<16xf32>
    %bitcast_convert_type3A_1077 = tpu.bitcast %sub3A_1076 : vector<16xf32> -> vector<16xi32>
    %and3A_1078 = arith.constant 2147483647 : i32
    %and3A_1079 = vector.broadcast %and3A_1078 : i32 to vector<16xi32>
    %and3A_1080 = arith.andi %bitcast_convert_type3A_1077, %and3A_1079 : vector<16xi32>
    %eq3A_1081 = arith.cmpi eq, %and3A_1080, %min3A_225 : vector<16xi32>
    %select_n3A_1082 = arith.select %eq3A_1081, %add3A_1074, %broadcast_in_dim3A_3 : vector<16xi1>, vector<16xi32>
    %min3A_1083 = arith.minsi %min3A_1071, %select_n3A_1082 : vector<16xi32>
    %add3A_1084 = arith.constant 800 : i32
    %add3A_1085 = vector.broadcast %add3A_1084 : i32 to vector<16xi32>
    %add3A_1086 = arith.addi %add3A_485, %add3A_1085 : vector<16xi32>
    %gather3A_1087 = tpu.vector_load_idx %arg7[%add3A_1086] : memref<31264xf32, #tpu.memory_space<vmem>>[vector<16xi32>], vector<16xf32>,
    %sub3A_1088 = arith.subf %gather3A_1087, %get3A_46 : vector<16xf32>
    %bitcast_convert_type3A_1089 = tpu.bitcast %sub3A_1088 : vector<16xf32> -> vector<16xi32>
    %and3A_1090 = arith.constant 2147483647 : i32
    %and3A_1091 = vector.broadcast %and3A_1090 : i32 to vector<16xi32>
    %and3A_1092 = arith.andi %bitcast_convert_type3A_1089, %and3A_1091 : vector<16xi32>
    %eq3A_1093 = arith.cmpi eq, %and3A_1092, %min3A_225 : vector<16xi32>
    %select_n3A_1094 = arith.select %eq3A_1093, %add3A_1086, %broadcast_in_dim3A_3 : vector<16xi1>, vector<16xi32>
    %min3A_1095 = arith.minsi %min3A_1083, %select_n3A_1094 : vector<16xi32>
    %add3A_1096 = arith.constant 816 : i32
    %add3A_1097 = vector.broadcast %add3A_1096 : i32 to vector<16xi32>
    %add3A_1098 = arith.addi %add3A_485, %add3A_1097 : vector<16xi32>
    %gather3A_1099 = tpu.vector_load_idx %arg7[%add3A_1098] : memref<31264xf32, #tpu.memory_space<vmem>>[vector<16xi32>], vector<16xf32>,
    %sub3A_1100 = arith.subf %gather3A_1099, %get3A_46 : vector<16xf32>
    %bitcast_convert_type3A_1101 = tpu.bitcast %sub3A_1100 : vector<16xf32> -> vector<16xi32>
    %and3A_1102 = arith.constant 2147483647 : i32
    %and3A_1103 = vector.broadcast %and3A_1102 : i32 to vector<16xi32>
    %and3A_1104 = arith.andi %bitcast_convert_type3A_1101, %and3A_1103 : vector<16xi32>
    %eq3A_1105 = arith.cmpi eq, %and3A_1104, %min3A_225 : vector<16xi32>
    %select_n3A_1106 = arith.select %eq3A_1105, %add3A_1098, %broadcast_in_dim3A_3 : vector<16xi1>, vector<16xi32>
    %min3A_1107 = arith.minsi %min3A_1095, %select_n3A_1106 : vector<16xi32>
    %add3A_1108 = arith.constant 832 : i32
    %add3A_1109 = vector.broadcast %add3A_1108 : i32 to vector<16xi32>
    %add3A_1110 = arith.addi %add3A_485, %add3A_1109 : vector<16xi32>
    %gather3A_1111 = tpu.vector_load_idx %arg7[%add3A_1110] : memref<31264xf32, #tpu.memory_space<vmem>>[vector<16xi32>], vector<16xf32>,
    %sub3A_1112 = arith.subf %gather3A_1111, %get3A_46 : vector<16xf32>
    %bitcast_convert_type3A_1113 = tpu.bitcast %sub3A_1112 : vector<16xf32> -> vector<16xi32>
    %and3A_1114 = arith.constant 2147483647 : i32
    %and3A_1115 = vector.broadcast %and3A_1114 : i32 to vector<16xi32>
    %and3A_1116 = arith.andi %bitcast_convert_type3A_1113, %and3A_1115 : vector<16xi32>
    %eq3A_1117 = arith.cmpi eq, %and3A_1116, %min3A_225 : vector<16xi32>
    %select_n3A_1118 = arith.select %eq3A_1117, %add3A_1110, %broadcast_in_dim3A_3 : vector<16xi1>, vector<16xi32>
    %min3A_1119 = arith.minsi %min3A_1107, %select_n3A_1118 : vector<16xi32>
    %add3A_1120 = arith.constant 848 : i32
    %add3A_1121 = vector.broadcast %add3A_1120 : i32 to vector<16xi32>
    %add3A_1122 = arith.addi %add3A_485, %add3A_1121 : vector<16xi32>
    %gather3A_1123 = tpu.vector_load_idx %arg7[%add3A_1122] : memref<31264xf32, #tpu.memory_space<vmem>>[vector<16xi32>], vector<16xf32>,
    %sub3A_1124 = arith.subf %gather3A_1123, %get3A_46 : vector<16xf32>
    %bitcast_convert_type3A_1125 = tpu.bitcast %sub3A_1124 : vector<16xf32> -> vector<16xi32>
    %and3A_1126 = arith.constant 2147483647 : i32
    %and3A_1127 = vector.broadcast %and3A_1126 : i32 to vector<16xi32>
    %and3A_1128 = arith.andi %bitcast_convert_type3A_1125, %and3A_1127 : vector<16xi32>
    %eq3A_1129 = arith.cmpi eq, %and3A_1128, %min3A_225 : vector<16xi32>
    %select_n3A_1130 = arith.select %eq3A_1129, %add3A_1122, %broadcast_in_dim3A_3 : vector<16xi1>, vector<16xi32>
    %min3A_1131 = arith.minsi %min3A_1119, %select_n3A_1130 : vector<16xi32>
    %add3A_1132 = arith.constant 864 : i32
    %add3A_1133 = vector.broadcast %add3A_1132 : i32 to vector<16xi32>
    %add3A_1134 = arith.addi %add3A_485, %add3A_1133 : vector<16xi32>
    %gather3A_1135 = tpu.vector_load_idx %arg7[%add3A_1134] : memref<31264xf32, #tpu.memory_space<vmem>>[vector<16xi32>], vector<16xf32>,
    %sub3A_1136 = arith.subf %gather3A_1135, %get3A_46 : vector<16xf32>
    %bitcast_convert_type3A_1137 = tpu.bitcast %sub3A_1136 : vector<16xf32> -> vector<16xi32>
    %and3A_1138 = arith.constant 2147483647 : i32
    %and3A_1139 = vector.broadcast %and3A_1138 : i32 to vector<16xi32>
    %and3A_1140 = arith.andi %bitcast_convert_type3A_1137, %and3A_1139 : vector<16xi32>
    %eq3A_1141 = arith.cmpi eq, %and3A_1140, %min3A_225 : vector<16xi32>
    %select_n3A_1142 = arith.select %eq3A_1141, %add3A_1134, %broadcast_in_dim3A_3 : vector<16xi1>, vector<16xi32>
    %min3A_1143 = arith.minsi %min3A_1131, %select_n3A_1142 : vector<16xi32>
    %add3A_1144 = arith.constant 880 : i32
    %add3A_1145 = vector.broadcast %add3A_1144 : i32 to vector<16xi32>
    %add3A_1146 = arith.addi %add3A_485, %add3A_1145 : vector<16xi32>
    %gather3A_1147 = tpu.vector_load_idx %arg7[%add3A_1146] : memref<31264xf32, #tpu.memory_space<vmem>>[vector<16xi32>], vector<16xf32>,
    %sub3A_1148 = arith.subf %gather3A_1147, %get3A_46 : vector<16xf32>
    %bitcast_convert_type3A_1149 = tpu.bitcast %sub3A_1148 : vector<16xf32> -> vector<16xi32>
    %and3A_1150 = arith.constant 2147483647 : i32
    %and3A_1151 = vector.broadcast %and3A_1150 : i32 to vector<16xi32>
    %and3A_1152 = arith.andi %bitcast_convert_type3A_1149, %and3A_1151 : vector<16xi32>
    %eq3A_1153 = arith.cmpi eq, %and3A_1152, %min3A_225 : vector<16xi32>
    %select_n3A_1154 = arith.select %eq3A_1153, %add3A_1146, %broadcast_in_dim3A_3 : vector<16xi1>, vector<16xi32>
    %min3A_1155 = arith.minsi %min3A_1143, %select_n3A_1154 : vector<16xi32>
    %add3A_1156 = arith.constant 896 : i32
    %add3A_1157 = vector.broadcast %add3A_1156 : i32 to vector<16xi32>
    %add3A_1158 = arith.addi %add3A_485, %add3A_1157 : vector<16xi32>
    %gather3A_1159 = tpu.vector_load_idx %arg7[%add3A_1158] : memref<31264xf32, #tpu.memory_space<vmem>>[vector<16xi32>], vector<16xf32>,
    %sub3A_1160 = arith.subf %gather3A_1159, %get3A_46 : vector<16xf32>
    %bitcast_convert_type3A_1161 = tpu.bitcast %sub3A_1160 : vector<16xf32> -> vector<16xi32>
    %and3A_1162 = arith.constant 2147483647 : i32
    %and3A_1163 = vector.broadcast %and3A_1162 : i32 to vector<16xi32>
    %and3A_1164 = arith.andi %bitcast_convert_type3A_1161, %and3A_1163 : vector<16xi32>
    %eq3A_1165 = arith.cmpi eq, %and3A_1164, %min3A_225 : vector<16xi32>
    %select_n3A_1166 = arith.select %eq3A_1165, %add3A_1158, %broadcast_in_dim3A_3 : vector<16xi1>, vector<16xi32>
    %min3A_1167 = arith.minsi %min3A_1155, %select_n3A_1166 : vector<16xi32>
    %add3A_1168 = arith.constant 912 : i32
    %add3A_1169 = vector.broadcast %add3A_1168 : i32 to vector<16xi32>
    %add3A_1170 = arith.addi %add3A_485, %add3A_1169 : vector<16xi32>
    %gather3A_1171 = tpu.vector_load_idx %arg7[%add3A_1170] : memref<31264xf32, #tpu.memory_space<vmem>>[vector<16xi32>], vector<16xf32>,
    %sub3A_1172 = arith.subf %gather3A_1171, %get3A_46 : vector<16xf32>
    %bitcast_convert_type3A_1173 = tpu.bitcast %sub3A_1172 : vector<16xf32> -> vector<16xi32>
    %and3A_1174 = arith.constant 2147483647 : i32
    %and3A_1175 = vector.broadcast %and3A_1174 : i32 to vector<16xi32>
    %and3A_1176 = arith.andi %bitcast_convert_type3A_1173, %and3A_1175 : vector<16xi32>
    %eq3A_1177 = arith.cmpi eq, %and3A_1176, %min3A_225 : vector<16xi32>
    %select_n3A_1178 = arith.select %eq3A_1177, %add3A_1170, %broadcast_in_dim3A_3 : vector<16xi1>, vector<16xi32>
    %min3A_1179 = arith.minsi %min3A_1167, %select_n3A_1178 : vector<16xi32>
    %add3A_1180 = arith.constant 928 : i32
    %add3A_1181 = vector.broadcast %add3A_1180 : i32 to vector<16xi32>
    %add3A_1182 = arith.addi %add3A_485, %add3A_1181 : vector<16xi32>
    %gather3A_1183 = tpu.vector_load_idx %arg7[%add3A_1182] : memref<31264xf32, #tpu.memory_space<vmem>>[vector<16xi32>], vector<16xf32>,
    %sub3A_1184 = arith.subf %gather3A_1183, %get3A_46 : vector<16xf32>
    %bitcast_convert_type3A_1185 = tpu.bitcast %sub3A_1184 : vector<16xf32> -> vector<16xi32>
    %and3A_1186 = arith.constant 2147483647 : i32
    %and3A_1187 = vector.broadcast %and3A_1186 : i32 to vector<16xi32>
    %and3A_1188 = arith.andi %bitcast_convert_type3A_1185, %and3A_1187 : vector<16xi32>
    %eq3A_1189 = arith.cmpi eq, %and3A_1188, %min3A_225 : vector<16xi32>
    %select_n3A_1190 = arith.select %eq3A_1189, %add3A_1182, %broadcast_in_dim3A_3 : vector<16xi1>, vector<16xi32>
    %min3A_1191 = arith.minsi %min3A_1179, %select_n3A_1190 : vector<16xi32>
    %add3A_1192 = arith.constant 944 : i32
    %add3A_1193 = vector.broadcast %add3A_1192 : i32 to vector<16xi32>
    %add3A_1194 = arith.addi %add3A_485, %add3A_1193 : vector<16xi32>
    %gather3A_1195 = tpu.vector_load_idx %arg7[%add3A_1194] : memref<31264xf32, #tpu.memory_space<vmem>>[vector<16xi32>], vector<16xf32>,
    %sub3A_1196 = arith.subf %gather3A_1195, %get3A_46 : vector<16xf32>
    %bitcast_convert_type3A_1197 = tpu.bitcast %sub3A_1196 : vector<16xf32> -> vector<16xi32>
    %and3A_1198 = arith.constant 2147483647 : i32
    %and3A_1199 = vector.broadcast %and3A_1198 : i32 to vector<16xi32>
    %and3A_1200 = arith.andi %bitcast_convert_type3A_1197, %and3A_1199 : vector<16xi32>
    %eq3A_1201 = arith.cmpi eq, %and3A_1200, %min3A_225 : vector<16xi32>
    %select_n3A_1202 = arith.select %eq3A_1201, %add3A_1194, %broadcast_in_dim3A_3 : vector<16xi1>, vector<16xi32>
    %min3A_1203 = arith.minsi %min3A_1191, %select_n3A_1202 : vector<16xi32>
    %add3A_1204 = arith.constant 960 : i32
    %add3A_1205 = vector.broadcast %add3A_1204 : i32 to vector<16xi32>
    %add3A_1206 = arith.addi %add3A_485, %add3A_1205 : vector<16xi32>
    %gather3A_1207 = tpu.vector_load_idx %arg7[%add3A_1206] : memref<31264xf32, #tpu.memory_space<vmem>>[vector<16xi32>], vector<16xf32>,
    %sub3A_1208 = arith.subf %gather3A_1207, %get3A_46 : vector<16xf32>
    %bitcast_convert_type3A_1209 = tpu.bitcast %sub3A_1208 : vector<16xf32> -> vector<16xi32>
    %and3A_1210 = arith.constant 2147483647 : i32
    %and3A_1211 = vector.broadcast %and3A_1210 : i32 to vector<16xi32>
    %and3A_1212 = arith.andi %bitcast_convert_type3A_1209, %and3A_1211 : vector<16xi32>
    %eq3A_1213 = arith.cmpi eq, %and3A_1212, %min3A_225 : vector<16xi32>
    %select_n3A_1214 = arith.select %eq3A_1213, %add3A_1206, %broadcast_in_dim3A_3 : vector<16xi1>, vector<16xi32>
    %min3A_1215 = arith.minsi %min3A_1203, %select_n3A_1214 : vector<16xi32>
    %add3A_1216 = arith.constant 976 : i32
    %add3A_1217 = vector.broadcast %add3A_1216 : i32 to vector<16xi32>
    %add3A_1218 = arith.addi %add3A_485, %add3A_1217 : vector<16xi32>
    %gather3A_1219 = tpu.vector_load_idx %arg7[%add3A_1218] : memref<31264xf32, #tpu.memory_space<vmem>>[vector<16xi32>], vector<16xf32>,
    %sub3A_1220 = arith.subf %gather3A_1219, %get3A_46 : vector<16xf32>
    %bitcast_convert_type3A_1221 = tpu.bitcast %sub3A_1220 : vector<16xf32> -> vector<16xi32>
    %and3A_1222 = arith.constant 2147483647 : i32
    %and3A_1223 = vector.broadcast %and3A_1222 : i32 to vector<16xi32>
    %and3A_1224 = arith.andi %bitcast_convert_type3A_1221, %and3A_1223 : vector<16xi32>
    %eq3A_1225 = arith.cmpi eq, %and3A_1224, %min3A_225 : vector<16xi32>
    %select_n3A_1226 = arith.select %eq3A_1225, %add3A_1218, %broadcast_in_dim3A_3 : vector<16xi1>, vector<16xi32>
    %min3A_1227 = arith.minsi %min3A_1215, %select_n3A_1226 : vector<16xi32>
    %add3A_1228 = arith.constant 992 : i32
    %add3A_1229 = vector.broadcast %add3A_1228 : i32 to vector<16xi32>
    %add3A_1230 = arith.addi %add3A_485, %add3A_1229 : vector<16xi32>
    %gather3A_1231 = tpu.vector_load_idx %arg7[%add3A_1230] : memref<31264xf32, #tpu.memory_space<vmem>>[vector<16xi32>], vector<16xf32>,
    %sub3A_1232 = arith.subf %gather3A_1231, %get3A_46 : vector<16xf32>
    %bitcast_convert_type3A_1233 = tpu.bitcast %sub3A_1232 : vector<16xf32> -> vector<16xi32>
    %and3A_1234 = arith.constant 2147483647 : i32
    %and3A_1235 = vector.broadcast %and3A_1234 : i32 to vector<16xi32>
    %and3A_1236 = arith.andi %bitcast_convert_type3A_1233, %and3A_1235 : vector<16xi32>
    %eq3A_1237 = arith.cmpi eq, %and3A_1236, %min3A_225 : vector<16xi32>
    %select_n3A_1238 = arith.select %eq3A_1237, %add3A_1230, %broadcast_in_dim3A_3 : vector<16xi1>, vector<16xi32>
    %min3A_1239 = arith.minsi %min3A_1227, %select_n3A_1238 : vector<16xi32>
    %swap3A_1240 = arith.constant 0 : index
    %swap3A_1241 = tpu.vector_load %arg10[%swap3A_1240] {strides = array<i32>} : memref<16xi32, #tpu.memory_space<vmem>>, vector<16xi32>,
    tpu.vector_store %arg10[%swap3A_1240], %min3A_1239 {strides = array<i32>} : memref<16xi32, #tpu.memory_space<vmem>>, vector<16xi32>,
    %add3A_1242 = arith.constant 8 : i32
    %add3A_1243 = vector.broadcast %add3A_1242 : i32 to vector<16xi32>
    %add3A_1244 = arith.addi %iota3A, %add3A_1243 : vector<16xi32>
    %and3A_1245 = arith.constant 15 : i32
    %and3A_1246 = vector.broadcast %and3A_1245 : i32 to vector<16xi32>
    %and3A_1247 = arith.andi %add3A_1244, %and3A_1246 : vector<16xi32>
    %gather3A_1248 = tpu.vector_load_idx %arg10[%and3A_1247] : memref<16xi32, #tpu.memory_space<vmem>>[vector<16xi32>], vector<16xi32>,
    %min3A_1249 = arith.minsi %min3A_1239, %gather3A_1248 : vector<16xi32>
    %swap3A_1250 = arith.constant 0 : index
    %swap3A_1251 = tpu.vector_load %arg10[%swap3A_1250] {strides = array<i32>} : memref<16xi32, #tpu.memory_space<vmem>>, vector<16xi32>,
    tpu.vector_store %arg10[%swap3A_1250], %min3A_1249 {strides = array<i32>} : memref<16xi32, #tpu.memory_space<vmem>>, vector<16xi32>,
    %add3A_1252 = arith.constant 4 : i32
    %add3A_1253 = vector.broadcast %add3A_1252 : i32 to vector<16xi32>
    %add3A_1254 = arith.addi %iota3A, %add3A_1253 : vector<16xi32>
    %and3A_1255 = arith.constant 15 : i32
    %and3A_1256 = vector.broadcast %and3A_1255 : i32 to vector<16xi32>
    %and3A_1257 = arith.andi %add3A_1254, %and3A_1256 : vector<16xi32>
    %gather3A_1258 = tpu.vector_load_idx %arg10[%and3A_1257] : memref<16xi32, #tpu.memory_space<vmem>>[vector<16xi32>], vector<16xi32>,
    %min3A_1259 = arith.minsi %min3A_1249, %gather3A_1258 : vector<16xi32>
    %swap3A_1260 = arith.constant 0 : index
    %swap3A_1261 = tpu.vector_load %arg10[%swap3A_1260] {strides = array<i32>} : memref<16xi32, #tpu.memory_space<vmem>>, vector<16xi32>,
    tpu.vector_store %arg10[%swap3A_1260], %min3A_1259 {strides = array<i32>} : memref<16xi32, #tpu.memory_space<vmem>>, vector<16xi32>,
    %add3A_1262 = arith.constant 2 : i32
    %add3A_1263 = vector.broadcast %add3A_1262 : i32 to vector<16xi32>
    %add3A_1264 = arith.addi %iota3A, %add3A_1263 : vector<16xi32>
    %and3A_1265 = arith.constant 15 : i32
    %and3A_1266 = vector.broadcast %and3A_1265 : i32 to vector<16xi32>
    %and3A_1267 = arith.andi %add3A_1264, %and3A_1266 : vector<16xi32>
    %gather3A_1268 = tpu.vector_load_idx %arg10[%and3A_1267] : memref<16xi32, #tpu.memory_space<vmem>>[vector<16xi32>], vector<16xi32>,
    %min3A_1269 = arith.minsi %min3A_1259, %gather3A_1268 : vector<16xi32>
    %swap3A_1270 = arith.constant 0 : index
    %swap3A_1271 = tpu.vector_load %arg10[%swap3A_1270] {strides = array<i32>} : memref<16xi32, #tpu.memory_space<vmem>>, vector<16xi32>,
    tpu.vector_store %arg10[%swap3A_1270], %min3A_1269 {strides = array<i32>} : memref<16xi32, #tpu.memory_space<vmem>>, vector<16xi32>,
    %add3A_1272 = arith.constant 1 : i32
    %add3A_1273 = vector.broadcast %add3A_1272 : i32 to vector<16xi32>
    %add3A_1274 = arith.addi %iota3A, %add3A_1273 : vector<16xi32>
    %and3A_1275 = arith.constant 15 : i32
    %and3A_1276 = vector.broadcast %and3A_1275 : i32 to vector<16xi32>
    %and3A_1277 = arith.andi %add3A_1274, %and3A_1276 : vector<16xi32>
    %gather3A_1278 = tpu.vector_load_idx %arg10[%and3A_1277] : memref<16xi32, #tpu.memory_space<vmem>>[vector<16xi32>], vector<16xi32>,
    %min3A_1279 = arith.minsi %min3A_1269, %gather3A_1278 : vector<16xi32>
    %dma_wait3A_1280 = arith.constant 31248 : i32
    %dma_wait3A_1281 = tpu.memref_slice %arg7[%dma_wait3A_1280] : memref<31264xf32, #tpu.memory_space<vmem>> -> memref<16xf32, #tpu.memory_space<vmem>>
    %dma_wait3A_1282 = tpu.memref_slice %arg2[%add3A_39] : memref<1000000xf32, #tpu.memory_space<hbm>> -> memref<16xf32, #tpu.memory_space<hbm>>
    %dma_wait3A_1283 = arith.constant 31248 : i32
    %dma_wait3A_1284 = tpu.memref_slice %arg7[%dma_wait3A_1283] : memref<31264xf32, #tpu.memory_space<vmem>> -> memref<16xf32, #tpu.memory_space<vmem>>
    %dma_wait3A_1285 = tpu.memref_slice %arg2[%add3A_39] : memref<1000000xf32, #tpu.memory_space<hbm>> -> memref<16xf32, #tpu.memory_space<hbm>>
    tpu.wait_dma2 semaphore(%arg19 : memref<!tpu.dma_semaphore, #tpu.memory_space<semaphore_mem>>) src(%dma_wait3A_1285 : memref<16xf32, #tpu.memory_space<hbm>>) dst(%dma_wait3A_1284 : memref<16xf32, #tpu.memory_space<vmem>>)
    %get3A_1286 = arith.constant 31248 : index
    %get3A_1287 = tpu.vector_load %arg7[%get3A_1286] {strides = array<i32>} : memref<31264xf32, #tpu.memory_space<vmem>>, vector<16xf32>,
    %sub3A_1288 = arith.subf %get3A_1287, %get3A_46 : vector<16xf32>
    %bitcast_convert_type3A_1289 = tpu.bitcast %sub3A_1288 : vector<16xf32> -> vector<16xi32>
    %and3A_1290 = arith.constant 2147483647 : i32
    %and3A_1291 = vector.broadcast %and3A_1290 : i32 to vector<16xi32>
    %and3A_1292 = arith.andi %bitcast_convert_type3A_1289, %and3A_1291 : vector<16xi32>
    %broadcast_in_dim3A_1293 = vector.broadcast %lt3A_35 : i1 to vector<16xi1>
    %select_n3A_1294 = arith.select %broadcast_in_dim3A_1293, %and3A_1292, %broadcast_in_dim3A_3 : vector<16xi1>, vector<16xi32>
    %broadcast_in_dim3A_1295 = arith.constant 31248 : i32
    %broadcast_in_dim3A_1296 = vector.broadcast %broadcast_in_dim3A_1295 : i32 to vector<16xi32>
    %add3A_1297 = arith.addi %broadcast_in_dim3A_1296, %iota3A : vector<16xi32>
    %lt3A_1298 = arith.cmpi slt, %select_n3A_1294, %min3A_225 : vector<16xi32>
    %eq3A_1299 = arith.cmpi eq, %select_n3A_1294, %min3A_225 : vector<16xi32>
    %lt3A_1300 = arith.cmpi slt, %add3A_1297, %min3A_1279 : vector<16xi32>
    %and3A_1301 = arith.andi %eq3A_1299, %lt3A_1300 : vector<16xi1>
    %or3A = arith.ori %lt3A_1298, %and3A_1301 : vector<16xi1>
    %select_n3A_1302 = arith.select %or3A, %select_n3A_1294, %min3A_225 : vector<16xi1>, vector<16xi32>
    %select_n3A_1303 = arith.select %or3A, %add3A_1297, %min3A_1279 : vector<16xi1>, vector<16xi32>
    %swap3A_1304 = arith.constant 0 : index
    %swap3A_1305 = tpu.vector_load %arg10[%swap3A_1304] {strides = array<i32>} : memref<16xi32, #tpu.memory_space<vmem>>, vector<16xi32>,
    tpu.vector_store %arg10[%swap3A_1304], %select_n3A_1302 {strides = array<i32>} : memref<16xi32, #tpu.memory_space<vmem>>, vector<16xi32>,
    %swap3A_1306 = arith.constant 0 : index
    %swap3A_1307 = tpu.vector_load %arg11[%swap3A_1306] {strides = array<i32>} : memref<16xi32, #tpu.memory_space<vmem>>, vector<16xi32>,
    tpu.vector_store %arg11[%swap3A_1306], %select_n3A_1303 {strides = array<i32>} : memref<16xi32, #tpu.memory_space<vmem>>, vector<16xi32>,
    %add3A_1308 = arith.constant 8 : i32
    %add3A_1309 = vector.broadcast %add3A_1308 : i32 to vector<16xi32>
    %add3A_1310 = arith.addi %iota3A, %add3A_1309 : vector<16xi32>
    %and3A_1311 = arith.constant 15 : i32
    %and3A_1312 = vector.broadcast %and3A_1311 : i32 to vector<16xi32>
    %and3A_1313 = arith.andi %add3A_1310, %and3A_1312 : vector<16xi32>
    %gather3A_1314 = tpu.vector_load_idx %arg10[%and3A_1313] : memref<16xi32, #tpu.memory_space<vmem>>[vector<16xi32>], vector<16xi32>,
    %gather3A_1315 = tpu.vector_load_idx %arg11[%and3A_1313] : memref<16xi32, #tpu.memory_space<vmem>>[vector<16xi32>], vector<16xi32>,
    %lt3A_1316 = arith.cmpi slt, %gather3A_1314, %select_n3A_1302 : vector<16xi32>
    %eq3A_1317 = arith.cmpi eq, %gather3A_1314, %select_n3A_1302 : vector<16xi32>
    %lt3A_1318 = arith.cmpi slt, %gather3A_1315, %select_n3A_1303 : vector<16xi32>
    %and3A_1319 = arith.andi %eq3A_1317, %lt3A_1318 : vector<16xi1>
    %or3A_1320 = arith.ori %lt3A_1316, %and3A_1319 : vector<16xi1>
    %select_n3A_1321 = arith.select %or3A_1320, %gather3A_1314, %select_n3A_1302 : vector<16xi1>, vector<16xi32>
    %select_n3A_1322 = arith.select %or3A_1320, %gather3A_1315, %select_n3A_1303 : vector<16xi1>, vector<16xi32>
    %swap3A_1323 = arith.constant 0 : index
    %swap3A_1324 = tpu.vector_load %arg10[%swap3A_1323] {strides = array<i32>} : memref<16xi32, #tpu.memory_space<vmem>>, vector<16xi32>,
    tpu.vector_store %arg10[%swap3A_1323], %select_n3A_1321 {strides = array<i32>} : memref<16xi32, #tpu.memory_space<vmem>>, vector<16xi32>,
    %swap3A_1325 = arith.constant 0 : index
    %swap3A_1326 = tpu.vector_load %arg11[%swap3A_1325] {strides = array<i32>} : memref<16xi32, #tpu.memory_space<vmem>>, vector<16xi32>,
    tpu.vector_store %arg11[%swap3A_1325], %select_n3A_1322 {strides = array<i32>} : memref<16xi32, #tpu.memory_space<vmem>>, vector<16xi32>,
    %add3A_1327 = arith.constant 4 : i32
    %add3A_1328 = vector.broadcast %add3A_1327 : i32 to vector<16xi32>
    %add3A_1329 = arith.addi %iota3A, %add3A_1328 : vector<16xi32>
    %and3A_1330 = arith.constant 15 : i32
    %and3A_1331 = vector.broadcast %and3A_1330 : i32 to vector<16xi32>
    %and3A_1332 = arith.andi %add3A_1329, %and3A_1331 : vector<16xi32>
    %gather3A_1333 = tpu.vector_load_idx %arg10[%and3A_1332] : memref<16xi32, #tpu.memory_space<vmem>>[vector<16xi32>], vector<16xi32>,
    %gather3A_1334 = tpu.vector_load_idx %arg11[%and3A_1332] : memref<16xi32, #tpu.memory_space<vmem>>[vector<16xi32>], vector<16xi32>,
    %lt3A_1335 = arith.cmpi slt, %gather3A_1333, %select_n3A_1321 : vector<16xi32>
    %eq3A_1336 = arith.cmpi eq, %gather3A_1333, %select_n3A_1321 : vector<16xi32>
    %lt3A_1337 = arith.cmpi slt, %gather3A_1334, %select_n3A_1322 : vector<16xi32>
    %and3A_1338 = arith.andi %eq3A_1336, %lt3A_1337 : vector<16xi1>
    %or3A_1339 = arith.ori %lt3A_1335, %and3A_1338 : vector<16xi1>
    %select_n3A_1340 = arith.select %or3A_1339, %gather3A_1333, %select_n3A_1321 : vector<16xi1>, vector<16xi32>
    %select_n3A_1341 = arith.select %or3A_1339, %gather3A_1334, %select_n3A_1322 : vector<16xi1>, vector<16xi32>
    %swap3A_1342 = arith.constant 0 : index
    %swap3A_1343 = tpu.vector_load %arg10[%swap3A_1342] {strides = array<i32>} : memref<16xi32, #tpu.memory_space<vmem>>, vector<16xi32>,
    tpu.vector_store %arg10[%swap3A_1342], %select_n3A_1340 {strides = array<i32>} : memref<16xi32, #tpu.memory_space<vmem>>, vector<16xi32>,
    %swap3A_1344 = arith.constant 0 : index
    %swap3A_1345 = tpu.vector_load %arg11[%swap3A_1344] {strides = array<i32>} : memref<16xi32, #tpu.memory_space<vmem>>, vector<16xi32>,
    tpu.vector_store %arg11[%swap3A_1344], %select_n3A_1341 {strides = array<i32>} : memref<16xi32, #tpu.memory_space<vmem>>, vector<16xi32>,
    %add3A_1346 = arith.constant 2 : i32
    %add3A_1347 = vector.broadcast %add3A_1346 : i32 to vector<16xi32>
    %add3A_1348 = arith.addi %iota3A, %add3A_1347 : vector<16xi32>
    %and3A_1349 = arith.constant 15 : i32
    %and3A_1350 = vector.broadcast %and3A_1349 : i32 to vector<16xi32>
    %and3A_1351 = arith.andi %add3A_1348, %and3A_1350 : vector<16xi32>
    %gather3A_1352 = tpu.vector_load_idx %arg10[%and3A_1351] : memref<16xi32, #tpu.memory_space<vmem>>[vector<16xi32>], vector<16xi32>,
    %gather3A_1353 = tpu.vector_load_idx %arg11[%and3A_1351] : memref<16xi32, #tpu.memory_space<vmem>>[vector<16xi32>], vector<16xi32>,
    %lt3A_1354 = arith.cmpi slt, %gather3A_1352, %select_n3A_1340 : vector<16xi32>
    %eq3A_1355 = arith.cmpi eq, %gather3A_1352, %select_n3A_1340 : vector<16xi32>
    %lt3A_1356 = arith.cmpi slt, %gather3A_1353, %select_n3A_1341 : vector<16xi32>
    %and3A_1357 = arith.andi %eq3A_1355, %lt3A_1356 : vector<16xi1>
    %or3A_1358 = arith.ori %lt3A_1354, %and3A_1357 : vector<16xi1>
    %select_n3A_1359 = arith.select %or3A_1358, %gather3A_1352, %select_n3A_1340 : vector<16xi1>, vector<16xi32>
    %select_n3A_1360 = arith.select %or3A_1358, %gather3A_1353, %select_n3A_1341 : vector<16xi1>, vector<16xi32>
    %swap3A_1361 = arith.constant 0 : index
    %swap3A_1362 = tpu.vector_load %arg10[%swap3A_1361] {strides = array<i32>} : memref<16xi32, #tpu.memory_space<vmem>>, vector<16xi32>,
    tpu.vector_store %arg10[%swap3A_1361], %select_n3A_1359 {strides = array<i32>} : memref<16xi32, #tpu.memory_space<vmem>>, vector<16xi32>,
    %swap3A_1363 = arith.constant 0 : index
    %swap3A_1364 = tpu.vector_load %arg11[%swap3A_1363] {strides = array<i32>} : memref<16xi32, #tpu.memory_space<vmem>>, vector<16xi32>,
    tpu.vector_store %arg11[%swap3A_1363], %select_n3A_1360 {strides = array<i32>} : memref<16xi32, #tpu.memory_space<vmem>>, vector<16xi32>,
    %add3A_1365 = arith.constant 1 : i32
    %add3A_1366 = vector.broadcast %add3A_1365 : i32 to vector<16xi32>
    %add3A_1367 = arith.addi %iota3A, %add3A_1366 : vector<16xi32>
    %and3A_1368 = arith.constant 15 : i32
    %and3A_1369 = vector.broadcast %and3A_1368 : i32 to vector<16xi32>
    %and3A_1370 = arith.andi %add3A_1367, %and3A_1369 : vector<16xi32>
    %gather3A_1371 = tpu.vector_load_idx %arg10[%and3A_1370] : memref<16xi32, #tpu.memory_space<vmem>>[vector<16xi32>], vector<16xi32>,
    %gather3A_1372 = tpu.vector_load_idx %arg11[%and3A_1370] : memref<16xi32, #tpu.memory_space<vmem>>[vector<16xi32>], vector<16xi32>,
    %lt3A_1373 = arith.cmpi slt, %gather3A_1371, %select_n3A_1359 : vector<16xi32>
    %eq3A_1374 = arith.cmpi eq, %gather3A_1371, %select_n3A_1359 : vector<16xi32>
    %lt3A_1375 = arith.cmpi slt, %gather3A_1372, %select_n3A_1360 : vector<16xi32>
    %and3A_1376 = arith.andi %eq3A_1374, %lt3A_1375 : vector<16xi1>
    %or3A_1377 = arith.ori %lt3A_1373, %and3A_1376 : vector<16xi1>
    %select_n3A_1378 = arith.select %or3A_1377, %gather3A_1371, %select_n3A_1359 : vector<16xi1>, vector<16xi32>
    %select_n3A_1379 = arith.select %or3A_1377, %gather3A_1372, %select_n3A_1360 : vector<16xi1>, vector<16xi32>
    %gather3A_1380 = tpu.vector_load_idx %arg7[%select_n3A_1379] : memref<31264xf32, #tpu.memory_space<vmem>>[vector<16xi32>], vector<16xf32>,
    %lt3A_1381 = arith.constant 31248 : i32
    %lt3A_1382 = vector.broadcast %lt3A_1381 : i32 to vector<16xi32>
    %lt3A_1383 = arith.cmpi slt, %select_n3A_1379, %lt3A_1382 : vector<16xi32>
    %add3A_1384 = vector.broadcast %mul3A_2 : i32 to vector<16xi32>
    %add3A_1385 = arith.addi %select_n3A_1379, %add3A_1384 : vector<16xi32>
    %sub3A_1386 = arith.constant 31248 : i32
    %sub3A_1387 = vector.broadcast %sub3A_1386 : i32 to vector<16xi32>
    %sub3A_1388 = arith.subi %select_n3A_1379, %sub3A_1387 : vector<16xi32>
    %mul3A_1389 = arith.constant 16 : i32
    %mul3A_1390 = arith.muli %add3A, %mul3A_1389 : i32
    %add3A_1391 = arith.constant 999936 : i32
    %add3A_1392 = arith.addi %add3A_1391, %mul3A_1390 : i32
    %add3A_1393 = vector.broadcast %add3A_1392 : i32 to vector<16xi32>
    %add3A_1394 = arith.addi %sub3A_1388, %add3A_1393 : vector<16xi32>
    %select_n3A_1395 = arith.select %lt3A_1383, %add3A_1385, %add3A_1394 : vector<16xi1>, vector<16xi32>
    %bitcast_convert_type3A_1396 = tpu.bitcast %select_n3A_1378 : vector<16xi32> -> vector<16xf32>
    %swap3A_1397 = arith.constant 0 : index
    %swap3A_1398 = tpu.vector_load %arg12[%swap3A_1397] {strides = array<i32>} : memref<48xf32, #tpu.memory_space<vmem>>, vector<16xf32>,
    tpu.vector_store %arg12[%swap3A_1397], %bitcast_convert_type3A_1396 {strides = array<i32>} : memref<48xf32, #tpu.memory_space<vmem>>, vector<16xf32>,
    %convert_element_type3A = arith.sitofp %select_n3A_1395 : vector<16xi32> to vector<16xf32>
    %swap3A_1399 = arith.constant 16 : index
    %swap3A_1400 = tpu.vector_load %arg12[%swap3A_1399] {strides = array<i32>} : memref<48xf32, #tpu.memory_space<vmem>>, vector<16xf32>,
    tpu.vector_store %arg12[%swap3A_1399], %convert_element_type3A {strides = array<i32>} : memref<48xf32, #tpu.memory_space<vmem>>, vector<16xf32>,
    %swap3A_1401 = arith.constant 32 : index
    %swap3A_1402 = tpu.vector_load %arg12[%swap3A_1401] {strides = array<i32>} : memref<48xf32, #tpu.memory_space<vmem>>, vector<16xf32>,
    tpu.vector_store %arg12[%swap3A_1401], %gather3A_1380 {strides = array<i32>} : memref<48xf32, #tpu.memory_space<vmem>>, vector<16xf32>,
    %mul3A_1403 = arith.constant 48 : i32
    %mul3A_1404 = arith.muli %arg1, %mul3A_1403 : i32
    "tpu.region"() ({
      %run_scoped3A = tpu.sem_alloc : memref<!tpu.dma_semaphore, #tpu.memory_space<semaphore_mem>>
      %dma_start3A_1409 = tpu.memref_slice %arg13[%mul3A_1404] : memref<768xf32, #tpu.memory_space<vmem_shared>> -> memref<48xf32, #tpu.memory_space<vmem_shared>>
      %dma_start3A_1410 = tpu.memref_slice %arg13[%mul3A_1404] : memref<768xf32, #tpu.memory_space<vmem_shared>> -> memref<48xf32, #tpu.memory_space<vmem_shared>>
      tpu.enqueue_dma source(%arg12 : memref<48xf32, #tpu.memory_space<vmem>>) target(%dma_start3A_1410 : memref<48xf32, #tpu.memory_space<vmem_shared>>) target_semaphore(%run_scoped3A : memref<!tpu.dma_semaphore, #tpu.memory_space<semaphore_mem>>)
      %dma_wait3A_1411 = tpu.memref_slice %arg13[%mul3A_1404] : memref<768xf32, #tpu.memory_space<vmem_shared>> -> memref<48xf32, #tpu.memory_space<vmem_shared>>
      %dma_wait3A_1412 = tpu.memref_slice %arg13[%mul3A_1404] : memref<768xf32, #tpu.memory_space<vmem_shared>> -> memref<48xf32, #tpu.memory_space<vmem_shared>>
      tpu.wait_dma2 semaphore(%run_scoped3A : memref<!tpu.dma_semaphore, #tpu.memory_space<semaphore_mem>>) src(%arg12 : memref<48xf32, #tpu.memory_space<vmem>>) dst(%dma_wait3A_1412 : memref<48xf32, #tpu.memory_space<vmem_shared>>)
      tpu.yield
    }) : () -> ()
    %barrier3A = arith.constant 0 : index
    tpu.barrier barrier_id(%barrier3A)
    %eq3A_1405 = arith.constant 0 : i32
    %eq3A_1406 = arith.cmpi eq, %arg1, %eq3A_1405 : i32
    %convert_element_type3A_1407 = arith.extui %eq3A_1406 : i1 to i32
    %cond3A = arith.constant 0 : i32
    %cond3A_1408 = arith.cmpi ne, %convert_element_type3A_1407, %cond3A : i32
    scf.if %cond3A_1408 {
      "tpu.region"() ({
        %run_scoped3A = tpu.sem_alloc : memref<!tpu.dma_semaphore, #tpu.memory_space<semaphore_mem>>
        tpu.enqueue_dma source(%arg13 : memref<768xf32, #tpu.memory_space<vmem_shared>>) target(%arg14 : memref<768xf32, #tpu.memory_space<vmem>>) target_semaphore(%run_scoped3A : memref<!tpu.dma_semaphore, #tpu.memory_space<semaphore_mem>>)
        tpu.wait_dma2 semaphore(%run_scoped3A : memref<!tpu.dma_semaphore, #tpu.memory_space<semaphore_mem>>) src(%arg13 : memref<768xf32, #tpu.memory_space<vmem_shared>>) dst(%arg14 : memref<768xf32, #tpu.memory_space<vmem>>)
        tpu.yield
      }) : () -> ()
      %get3A_1409 = arith.constant 0 : index
      %get3A_1410 = tpu.vector_load %arg14[%get3A_1409] {strides = array<i32>} : memref<768xf32, #tpu.memory_space<vmem>>, vector<16xf32>,
      %get3A_1411 = arith.constant 16 : index
      %get3A_1412 = tpu.vector_load %arg14[%get3A_1411] {strides = array<i32>} : memref<768xf32, #tpu.memory_space<vmem>>, vector<16xf32>,
      %get3A_1413 = arith.constant 32 : index
      %get3A_1414 = tpu.vector_load %arg14[%get3A_1413] {strides = array<i32>} : memref<768xf32, #tpu.memory_space<vmem>>, vector<16xf32>,
      %get3A_1415 = arith.constant 48 : index
      %get3A_1416 = tpu.vector_load %arg14[%get3A_1415] {strides = array<i32>} : memref<768xf32, #tpu.memory_space<vmem>>, vector<16xf32>,
      %get3A_1417 = arith.constant 64 : index
      %get3A_1418 = tpu.vector_load %arg14[%get3A_1417] {strides = array<i32>} : memref<768xf32, #tpu.memory_space<vmem>>, vector<16xf32>,
      %get3A_1419 = arith.constant 80 : index
      %get3A_1420 = tpu.vector_load %arg14[%get3A_1419] {strides = array<i32>} : memref<768xf32, #tpu.memory_space<vmem>>, vector<16xf32>,
      %lt3A_1421 = arith.cmpf olt, %get3A_1416, %get3A_1410 : vector<16xf32>
      %eq3A_1422 = arith.cmpf oeq, %get3A_1416, %get3A_1410 : vector<16xf32>
      %lt3A_1423 = arith.cmpf olt, %get3A_1418, %get3A_1412 : vector<16xf32>
      %and3A_1424 = arith.andi %eq3A_1422, %lt3A_1423 : vector<16xi1>
      %or3A_1425 = arith.ori %lt3A_1421, %and3A_1424 : vector<16xi1>
      %select_n3A_1426 = arith.select %or3A_1425, %get3A_1416, %get3A_1410 : vector<16xi1>, vector<16xf32>
      %select_n3A_1427 = arith.select %or3A_1425, %get3A_1418, %get3A_1412 : vector<16xi1>, vector<16xf32>
      %select_n3A_1428 = arith.select %or3A_1425, %get3A_1420, %get3A_1414 : vector<16xi1>, vector<16xf32>
      %get3A_1429 = arith.constant 96 : index
      %get3A_1430 = tpu.vector_load %arg14[%get3A_1429] {strides = array<i32>} : memref<768xf32, #tpu.memory_space<vmem>>, vector<16xf32>,
      %get3A_1431 = arith.constant 112 : index
      %get3A_1432 = tpu.vector_load %arg14[%get3A_1431] {strides = array<i32>} : memref<768xf32, #tpu.memory_space<vmem>>, vector<16xf32>,
      %get3A_1433 = arith.constant 128 : index
      %get3A_1434 = tpu.vector_load %arg14[%get3A_1433] {strides = array<i32>} : memref<768xf32, #tpu.memory_space<vmem>>, vector<16xf32>,
      %lt3A_1435 = arith.cmpf olt, %get3A_1430, %select_n3A_1426 : vector<16xf32>
      %eq3A_1436 = arith.cmpf oeq, %get3A_1430, %select_n3A_1426 : vector<16xf32>
      %lt3A_1437 = arith.cmpf olt, %get3A_1432, %select_n3A_1427 : vector<16xf32>
      %and3A_1438 = arith.andi %eq3A_1436, %lt3A_1437 : vector<16xi1>
      %or3A_1439 = arith.ori %lt3A_1435, %and3A_1438 : vector<16xi1>
      %select_n3A_1440 = arith.select %or3A_1439, %get3A_1430, %select_n3A_1426 : vector<16xi1>, vector<16xf32>
      %select_n3A_1441 = arith.select %or3A_1439, %get3A_1432, %select_n3A_1427 : vector<16xi1>, vector<16xf32>
      %select_n3A_1442 = arith.select %or3A_1439, %get3A_1434, %select_n3A_1428 : vector<16xi1>, vector<16xf32>
      %get3A_1443 = arith.constant 144 : index
      %get3A_1444 = tpu.vector_load %arg14[%get3A_1443] {strides = array<i32>} : memref<768xf32, #tpu.memory_space<vmem>>, vector<16xf32>,
      %get3A_1445 = arith.constant 160 : index
      %get3A_1446 = tpu.vector_load %arg14[%get3A_1445] {strides = array<i32>} : memref<768xf32, #tpu.memory_space<vmem>>, vector<16xf32>,
      %get3A_1447 = arith.constant 176 : index
      %get3A_1448 = tpu.vector_load %arg14[%get3A_1447] {strides = array<i32>} : memref<768xf32, #tpu.memory_space<vmem>>, vector<16xf32>,
      %lt3A_1449 = arith.cmpf olt, %get3A_1444, %select_n3A_1440 : vector<16xf32>
      %eq3A_1450 = arith.cmpf oeq, %get3A_1444, %select_n3A_1440 : vector<16xf32>
      %lt3A_1451 = arith.cmpf olt, %get3A_1446, %select_n3A_1441 : vector<16xf32>
      %and3A_1452 = arith.andi %eq3A_1450, %lt3A_1451 : vector<16xi1>
      %or3A_1453 = arith.ori %lt3A_1449, %and3A_1452 : vector<16xi1>
      %select_n3A_1454 = arith.select %or3A_1453, %get3A_1444, %select_n3A_1440 : vector<16xi1>, vector<16xf32>
      %select_n3A_1455 = arith.select %or3A_1453, %get3A_1446, %select_n3A_1441 : vector<16xi1>, vector<16xf32>
      %select_n3A_1456 = arith.select %or3A_1453, %get3A_1448, %select_n3A_1442 : vector<16xi1>, vector<16xf32>
      %get3A_1457 = arith.constant 192 : index
      %get3A_1458 = tpu.vector_load %arg14[%get3A_1457] {strides = array<i32>} : memref<768xf32, #tpu.memory_space<vmem>>, vector<16xf32>,
      %get3A_1459 = arith.constant 208 : index
      %get3A_1460 = tpu.vector_load %arg14[%get3A_1459] {strides = array<i32>} : memref<768xf32, #tpu.memory_space<vmem>>, vector<16xf32>,
      %get3A_1461 = arith.constant 224 : index
      %get3A_1462 = tpu.vector_load %arg14[%get3A_1461] {strides = array<i32>} : memref<768xf32, #tpu.memory_space<vmem>>, vector<16xf32>,
      %lt3A_1463 = arith.cmpf olt, %get3A_1458, %select_n3A_1454 : vector<16xf32>
      %eq3A_1464 = arith.cmpf oeq, %get3A_1458, %select_n3A_1454 : vector<16xf32>
      %lt3A_1465 = arith.cmpf olt, %get3A_1460, %select_n3A_1455 : vector<16xf32>
      %and3A_1466 = arith.andi %eq3A_1464, %lt3A_1465 : vector<16xi1>
      %or3A_1467 = arith.ori %lt3A_1463, %and3A_1466 : vector<16xi1>
      %select_n3A_1468 = arith.select %or3A_1467, %get3A_1458, %select_n3A_1454 : vector<16xi1>, vector<16xf32>
      %select_n3A_1469 = arith.select %or3A_1467, %get3A_1460, %select_n3A_1455 : vector<16xi1>, vector<16xf32>
      %select_n3A_1470 = arith.select %or3A_1467, %get3A_1462, %select_n3A_1456 : vector<16xi1>, vector<16xf32>
      %get3A_1471 = arith.constant 240 : index
      %get3A_1472 = tpu.vector_load %arg14[%get3A_1471] {strides = array<i32>} : memref<768xf32, #tpu.memory_space<vmem>>, vector<16xf32>,
      %get3A_1473 = arith.constant 256 : index
      %get3A_1474 = tpu.vector_load %arg14[%get3A_1473] {strides = array<i32>} : memref<768xf32, #tpu.memory_space<vmem>>, vector<16xf32>,
      %get3A_1475 = arith.constant 272 : index
      %get3A_1476 = tpu.vector_load %arg14[%get3A_1475] {strides = array<i32>} : memref<768xf32, #tpu.memory_space<vmem>>, vector<16xf32>,
      %lt3A_1477 = arith.cmpf olt, %get3A_1472, %select_n3A_1468 : vector<16xf32>
      %eq3A_1478 = arith.cmpf oeq, %get3A_1472, %select_n3A_1468 : vector<16xf32>
      %lt3A_1479 = arith.cmpf olt, %get3A_1474, %select_n3A_1469 : vector<16xf32>
      %and3A_1480 = arith.andi %eq3A_1478, %lt3A_1479 : vector<16xi1>
      %or3A_1481 = arith.ori %lt3A_1477, %and3A_1480 : vector<16xi1>
      %select_n3A_1482 = arith.select %or3A_1481, %get3A_1472, %select_n3A_1468 : vector<16xi1>, vector<16xf32>
      %select_n3A_1483 = arith.select %or3A_1481, %get3A_1474, %select_n3A_1469 : vector<16xi1>, vector<16xf32>
      %select_n3A_1484 = arith.select %or3A_1481, %get3A_1476, %select_n3A_1470 : vector<16xi1>, vector<16xf32>
      %get3A_1485 = arith.constant 288 : index
      %get3A_1486 = tpu.vector_load %arg14[%get3A_1485] {strides = array<i32>} : memref<768xf32, #tpu.memory_space<vmem>>, vector<16xf32>,
      %get3A_1487 = arith.constant 304 : index
      %get3A_1488 = tpu.vector_load %arg14[%get3A_1487] {strides = array<i32>} : memref<768xf32, #tpu.memory_space<vmem>>, vector<16xf32>,
      %get3A_1489 = arith.constant 320 : index
      %get3A_1490 = tpu.vector_load %arg14[%get3A_1489] {strides = array<i32>} : memref<768xf32, #tpu.memory_space<vmem>>, vector<16xf32>,
      %lt3A_1491 = arith.cmpf olt, %get3A_1486, %select_n3A_1482 : vector<16xf32>
      %eq3A_1492 = arith.cmpf oeq, %get3A_1486, %select_n3A_1482 : vector<16xf32>
      %lt3A_1493 = arith.cmpf olt, %get3A_1488, %select_n3A_1483 : vector<16xf32>
      %and3A_1494 = arith.andi %eq3A_1492, %lt3A_1493 : vector<16xi1>
      %or3A_1495 = arith.ori %lt3A_1491, %and3A_1494 : vector<16xi1>
      %select_n3A_1496 = arith.select %or3A_1495, %get3A_1486, %select_n3A_1482 : vector<16xi1>, vector<16xf32>
      %select_n3A_1497 = arith.select %or3A_1495, %get3A_1488, %select_n3A_1483 : vector<16xi1>, vector<16xf32>
      %select_n3A_1498 = arith.select %or3A_1495, %get3A_1490, %select_n3A_1484 : vector<16xi1>, vector<16xf32>
      %get3A_1499 = arith.constant 336 : index
      %get3A_1500 = tpu.vector_load %arg14[%get3A_1499] {strides = array<i32>} : memref<768xf32, #tpu.memory_space<vmem>>, vector<16xf32>,
      %get3A_1501 = arith.constant 352 : index
      %get3A_1502 = tpu.vector_load %arg14[%get3A_1501] {strides = array<i32>} : memref<768xf32, #tpu.memory_space<vmem>>, vector<16xf32>,
      %get3A_1503 = arith.constant 368 : index
      %get3A_1504 = tpu.vector_load %arg14[%get3A_1503] {strides = array<i32>} : memref<768xf32, #tpu.memory_space<vmem>>, vector<16xf32>,
      %lt3A_1505 = arith.cmpf olt, %get3A_1500, %select_n3A_1496 : vector<16xf32>
      %eq3A_1506 = arith.cmpf oeq, %get3A_1500, %select_n3A_1496 : vector<16xf32>
      %lt3A_1507 = arith.cmpf olt, %get3A_1502, %select_n3A_1497 : vector<16xf32>
      %and3A_1508 = arith.andi %eq3A_1506, %lt3A_1507 : vector<16xi1>
      %or3A_1509 = arith.ori %lt3A_1505, %and3A_1508 : vector<16xi1>
      %select_n3A_1510 = arith.select %or3A_1509, %get3A_1500, %select_n3A_1496 : vector<16xi1>, vector<16xf32>
      %select_n3A_1511 = arith.select %or3A_1509, %get3A_1502, %select_n3A_1497 : vector<16xi1>, vector<16xf32>
      %select_n3A_1512 = arith.select %or3A_1509, %get3A_1504, %select_n3A_1498 : vector<16xi1>, vector<16xf32>
      %get3A_1513 = arith.constant 384 : index
      %get3A_1514 = tpu.vector_load %arg14[%get3A_1513] {strides = array<i32>} : memref<768xf32, #tpu.memory_space<vmem>>, vector<16xf32>,
      %get3A_1515 = arith.constant 400 : index
      %get3A_1516 = tpu.vector_load %arg14[%get3A_1515] {strides = array<i32>} : memref<768xf32, #tpu.memory_space<vmem>>, vector<16xf32>,
      %get3A_1517 = arith.constant 416 : index
      %get3A_1518 = tpu.vector_load %arg14[%get3A_1517] {strides = array<i32>} : memref<768xf32, #tpu.memory_space<vmem>>, vector<16xf32>,
      %lt3A_1519 = arith.cmpf olt, %get3A_1514, %select_n3A_1510 : vector<16xf32>
      %eq3A_1520 = arith.cmpf oeq, %get3A_1514, %select_n3A_1510 : vector<16xf32>
      %lt3A_1521 = arith.cmpf olt, %get3A_1516, %select_n3A_1511 : vector<16xf32>
      %and3A_1522 = arith.andi %eq3A_1520, %lt3A_1521 : vector<16xi1>
      %or3A_1523 = arith.ori %lt3A_1519, %and3A_1522 : vector<16xi1>
      %select_n3A_1524 = arith.select %or3A_1523, %get3A_1514, %select_n3A_1510 : vector<16xi1>, vector<16xf32>
      %select_n3A_1525 = arith.select %or3A_1523, %get3A_1516, %select_n3A_1511 : vector<16xi1>, vector<16xf32>
      %select_n3A_1526 = arith.select %or3A_1523, %get3A_1518, %select_n3A_1512 : vector<16xi1>, vector<16xf32>
      %get3A_1527 = arith.constant 432 : index
      %get3A_1528 = tpu.vector_load %arg14[%get3A_1527] {strides = array<i32>} : memref<768xf32, #tpu.memory_space<vmem>>, vector<16xf32>,
      %get3A_1529 = arith.constant 448 : index
      %get3A_1530 = tpu.vector_load %arg14[%get3A_1529] {strides = array<i32>} : memref<768xf32, #tpu.memory_space<vmem>>, vector<16xf32>,
      %get3A_1531 = arith.constant 464 : index
      %get3A_1532 = tpu.vector_load %arg14[%get3A_1531] {strides = array<i32>} : memref<768xf32, #tpu.memory_space<vmem>>, vector<16xf32>,
      %lt3A_1533 = arith.cmpf olt, %get3A_1528, %select_n3A_1524 : vector<16xf32>
      %eq3A_1534 = arith.cmpf oeq, %get3A_1528, %select_n3A_1524 : vector<16xf32>
      %lt3A_1535 = arith.cmpf olt, %get3A_1530, %select_n3A_1525 : vector<16xf32>
      %and3A_1536 = arith.andi %eq3A_1534, %lt3A_1535 : vector<16xi1>
      %or3A_1537 = arith.ori %lt3A_1533, %and3A_1536 : vector<16xi1>
      %select_n3A_1538 = arith.select %or3A_1537, %get3A_1528, %select_n3A_1524 : vector<16xi1>, vector<16xf32>
      %select_n3A_1539 = arith.select %or3A_1537, %get3A_1530, %select_n3A_1525 : vector<16xi1>, vector<16xf32>
      %select_n3A_1540 = arith.select %or3A_1537, %get3A_1532, %select_n3A_1526 : vector<16xi1>, vector<16xf32>
      %get3A_1541 = arith.constant 480 : index
      %get3A_1542 = tpu.vector_load %arg14[%get3A_1541] {strides = array<i32>} : memref<768xf32, #tpu.memory_space<vmem>>, vector<16xf32>,
      %get3A_1543 = arith.constant 496 : index
      %get3A_1544 = tpu.vector_load %arg14[%get3A_1543] {strides = array<i32>} : memref<768xf32, #tpu.memory_space<vmem>>, vector<16xf32>,
      %get3A_1545 = arith.constant 512 : index
      %get3A_1546 = tpu.vector_load %arg14[%get3A_1545] {strides = array<i32>} : memref<768xf32, #tpu.memory_space<vmem>>, vector<16xf32>,
      %lt3A_1547 = arith.cmpf olt, %get3A_1542, %select_n3A_1538 : vector<16xf32>
      %eq3A_1548 = arith.cmpf oeq, %get3A_1542, %select_n3A_1538 : vector<16xf32>
      %lt3A_1549 = arith.cmpf olt, %get3A_1544, %select_n3A_1539 : vector<16xf32>
      %and3A_1550 = arith.andi %eq3A_1548, %lt3A_1549 : vector<16xi1>
      %or3A_1551 = arith.ori %lt3A_1547, %and3A_1550 : vector<16xi1>
      %select_n3A_1552 = arith.select %or3A_1551, %get3A_1542, %select_n3A_1538 : vector<16xi1>, vector<16xf32>
      %select_n3A_1553 = arith.select %or3A_1551, %get3A_1544, %select_n3A_1539 : vector<16xi1>, vector<16xf32>
      %select_n3A_1554 = arith.select %or3A_1551, %get3A_1546, %select_n3A_1540 : vector<16xi1>, vector<16xf32>
      %get3A_1555 = arith.constant 528 : index
      %get3A_1556 = tpu.vector_load %arg14[%get3A_1555] {strides = array<i32>} : memref<768xf32, #tpu.memory_space<vmem>>, vector<16xf32>,
      %get3A_1557 = arith.constant 544 : index
      %get3A_1558 = tpu.vector_load %arg14[%get3A_1557] {strides = array<i32>} : memref<768xf32, #tpu.memory_space<vmem>>, vector<16xf32>,
      %get3A_1559 = arith.constant 560 : index
      %get3A_1560 = tpu.vector_load %arg14[%get3A_1559] {strides = array<i32>} : memref<768xf32, #tpu.memory_space<vmem>>, vector<16xf32>,
      %lt3A_1561 = arith.cmpf olt, %get3A_1556, %select_n3A_1552 : vector<16xf32>
      %eq3A_1562 = arith.cmpf oeq, %get3A_1556, %select_n3A_1552 : vector<16xf32>
      %lt3A_1563 = arith.cmpf olt, %get3A_1558, %select_n3A_1553 : vector<16xf32>
      %and3A_1564 = arith.andi %eq3A_1562, %lt3A_1563 : vector<16xi1>
      %or3A_1565 = arith.ori %lt3A_1561, %and3A_1564 : vector<16xi1>
      %select_n3A_1566 = arith.select %or3A_1565, %get3A_1556, %select_n3A_1552 : vector<16xi1>, vector<16xf32>
      %select_n3A_1567 = arith.select %or3A_1565, %get3A_1558, %select_n3A_1553 : vector<16xi1>, vector<16xf32>
      %select_n3A_1568 = arith.select %or3A_1565, %get3A_1560, %select_n3A_1554 : vector<16xi1>, vector<16xf32>
      %get3A_1569 = arith.constant 576 : index
      %get3A_1570 = tpu.vector_load %arg14[%get3A_1569] {strides = array<i32>} : memref<768xf32, #tpu.memory_space<vmem>>, vector<16xf32>,
      %get3A_1571 = arith.constant 592 : index
      %get3A_1572 = tpu.vector_load %arg14[%get3A_1571] {strides = array<i32>} : memref<768xf32, #tpu.memory_space<vmem>>, vector<16xf32>,
      %get3A_1573 = arith.constant 608 : index
      %get3A_1574 = tpu.vector_load %arg14[%get3A_1573] {strides = array<i32>} : memref<768xf32, #tpu.memory_space<vmem>>, vector<16xf32>,
      %lt3A_1575 = arith.cmpf olt, %get3A_1570, %select_n3A_1566 : vector<16xf32>
      %eq3A_1576 = arith.cmpf oeq, %get3A_1570, %select_n3A_1566 : vector<16xf32>
      %lt3A_1577 = arith.cmpf olt, %get3A_1572, %select_n3A_1567 : vector<16xf32>
      %and3A_1578 = arith.andi %eq3A_1576, %lt3A_1577 : vector<16xi1>
      %or3A_1579 = arith.ori %lt3A_1575, %and3A_1578 : vector<16xi1>
      %select_n3A_1580 = arith.select %or3A_1579, %get3A_1570, %select_n3A_1566 : vector<16xi1>, vector<16xf32>
      %select_n3A_1581 = arith.select %or3A_1579, %get3A_1572, %select_n3A_1567 : vector<16xi1>, vector<16xf32>
      %select_n3A_1582 = arith.select %or3A_1579, %get3A_1574, %select_n3A_1568 : vector<16xi1>, vector<16xf32>
      %get3A_1583 = arith.constant 624 : index
      %get3A_1584 = tpu.vector_load %arg14[%get3A_1583] {strides = array<i32>} : memref<768xf32, #tpu.memory_space<vmem>>, vector<16xf32>,
      %get3A_1585 = arith.constant 640 : index
      %get3A_1586 = tpu.vector_load %arg14[%get3A_1585] {strides = array<i32>} : memref<768xf32, #tpu.memory_space<vmem>>, vector<16xf32>,
      %get3A_1587 = arith.constant 656 : index
      %get3A_1588 = tpu.vector_load %arg14[%get3A_1587] {strides = array<i32>} : memref<768xf32, #tpu.memory_space<vmem>>, vector<16xf32>,
      %lt3A_1589 = arith.cmpf olt, %get3A_1584, %select_n3A_1580 : vector<16xf32>
      %eq3A_1590 = arith.cmpf oeq, %get3A_1584, %select_n3A_1580 : vector<16xf32>
      %lt3A_1591 = arith.cmpf olt, %get3A_1586, %select_n3A_1581 : vector<16xf32>
      %and3A_1592 = arith.andi %eq3A_1590, %lt3A_1591 : vector<16xi1>
      %or3A_1593 = arith.ori %lt3A_1589, %and3A_1592 : vector<16xi1>
      %select_n3A_1594 = arith.select %or3A_1593, %get3A_1584, %select_n3A_1580 : vector<16xi1>, vector<16xf32>
      %select_n3A_1595 = arith.select %or3A_1593, %get3A_1586, %select_n3A_1581 : vector<16xi1>, vector<16xf32>
      %select_n3A_1596 = arith.select %or3A_1593, %get3A_1588, %select_n3A_1582 : vector<16xi1>, vector<16xf32>
      %get3A_1597 = arith.constant 672 : index
      %get3A_1598 = tpu.vector_load %arg14[%get3A_1597] {strides = array<i32>} : memref<768xf32, #tpu.memory_space<vmem>>, vector<16xf32>,
      %get3A_1599 = arith.constant 688 : index
      %get3A_1600 = tpu.vector_load %arg14[%get3A_1599] {strides = array<i32>} : memref<768xf32, #tpu.memory_space<vmem>>, vector<16xf32>,
      %get3A_1601 = arith.constant 704 : index
      %get3A_1602 = tpu.vector_load %arg14[%get3A_1601] {strides = array<i32>} : memref<768xf32, #tpu.memory_space<vmem>>, vector<16xf32>,
      %lt3A_1603 = arith.cmpf olt, %get3A_1598, %select_n3A_1594 : vector<16xf32>
      %eq3A_1604 = arith.cmpf oeq, %get3A_1598, %select_n3A_1594 : vector<16xf32>
      %lt3A_1605 = arith.cmpf olt, %get3A_1600, %select_n3A_1595 : vector<16xf32>
      %and3A_1606 = arith.andi %eq3A_1604, %lt3A_1605 : vector<16xi1>
      %or3A_1607 = arith.ori %lt3A_1603, %and3A_1606 : vector<16xi1>
      %select_n3A_1608 = arith.select %or3A_1607, %get3A_1598, %select_n3A_1594 : vector<16xi1>, vector<16xf32>
      %select_n3A_1609 = arith.select %or3A_1607, %get3A_1600, %select_n3A_1595 : vector<16xi1>, vector<16xf32>
      %select_n3A_1610 = arith.select %or3A_1607, %get3A_1602, %select_n3A_1596 : vector<16xi1>, vector<16xf32>
      %get3A_1611 = arith.constant 720 : index
      %get3A_1612 = tpu.vector_load %arg14[%get3A_1611] {strides = array<i32>} : memref<768xf32, #tpu.memory_space<vmem>>, vector<16xf32>,
      %get3A_1613 = arith.constant 736 : index
      %get3A_1614 = tpu.vector_load %arg14[%get3A_1613] {strides = array<i32>} : memref<768xf32, #tpu.memory_space<vmem>>, vector<16xf32>,
      %get3A_1615 = arith.constant 752 : index
      %get3A_1616 = tpu.vector_load %arg14[%get3A_1615] {strides = array<i32>} : memref<768xf32, #tpu.memory_space<vmem>>, vector<16xf32>,
      %lt3A_1617 = arith.cmpf olt, %get3A_1612, %select_n3A_1608 : vector<16xf32>
      %eq3A_1618 = arith.cmpf oeq, %get3A_1612, %select_n3A_1608 : vector<16xf32>
      %lt3A_1619 = arith.cmpf olt, %get3A_1614, %select_n3A_1609 : vector<16xf32>
      %and3A_1620 = arith.andi %eq3A_1618, %lt3A_1619 : vector<16xi1>
      %or3A_1621 = arith.ori %lt3A_1617, %and3A_1620 : vector<16xi1>
      %select_n3A_1622 = arith.select %or3A_1621, %get3A_1612, %select_n3A_1608 : vector<16xi1>, vector<16xf32>
      %select_n3A_1623 = arith.select %or3A_1621, %get3A_1614, %select_n3A_1609 : vector<16xi1>, vector<16xf32>
      %select_n3A_1624 = arith.select %or3A_1621, %get3A_1616, %select_n3A_1610 : vector<16xi1>, vector<16xf32>
      %swap3A_1625 = arith.constant 0 : index
      %swap3A_1626 = tpu.vector_load %arg12[%swap3A_1625] {strides = array<i32>} : memref<48xf32, #tpu.memory_space<vmem>>, vector<16xf32>,
      tpu.vector_store %arg12[%swap3A_1625], %select_n3A_1622 {strides = array<i32>} : memref<48xf32, #tpu.memory_space<vmem>>, vector<16xf32>,
      %swap3A_1627 = arith.constant 16 : index
      %swap3A_1628 = tpu.vector_load %arg12[%swap3A_1627] {strides = array<i32>} : memref<48xf32, #tpu.memory_space<vmem>>, vector<16xf32>,
      tpu.vector_store %arg12[%swap3A_1627], %select_n3A_1623 {strides = array<i32>} : memref<48xf32, #tpu.memory_space<vmem>>, vector<16xf32>,
      %swap3A_1629 = arith.constant 32 : index
      %swap3A_1630 = tpu.vector_load %arg12[%swap3A_1629] {strides = array<i32>} : memref<48xf32, #tpu.memory_space<vmem>>, vector<16xf32>,
      tpu.vector_store %arg12[%swap3A_1629], %select_n3A_1624 {strides = array<i32>} : memref<48xf32, #tpu.memory_space<vmem>>, vector<16xf32>,
      %mul3A_1631 = arith.constant 16 : i32
      %mul3A_1632 = arith.muli %arg0, %mul3A_1631 : i32
      "tpu.region"() ({
        %run_scoped3A = tpu.sem_alloc : memref<!tpu.dma_semaphore, #tpu.memory_space<semaphore_mem>>
        %dma_start3A_1637 = arith.constant 0 : i32
        %dma_start3A_1638 = tpu.memref_slice %arg12[%dma_start3A_1637] : memref<48xf32, #tpu.memory_space<vmem>> -> memref<16xf32, #tpu.memory_space<vmem>>
        %dma_start3A_1639 = tpu.memref_slice %arg4[%mul3A_1632] : memref<32xf32, #tpu.memory_space<hbm>> -> memref<16xf32, #tpu.memory_space<hbm>>
        %dma_start3A_1640 = tpu.memref_slice %arg4[%mul3A_1632] : memref<32xf32, #tpu.memory_space<hbm>> -> memref<16xf32, #tpu.memory_space<hbm>>
        %dma_start3A_1641 = arith.constant 0 : i32
        %dma_start3A_1642 = tpu.memref_slice %arg12[%dma_start3A_1641] : memref<48xf32, #tpu.memory_space<vmem>> -> memref<16xf32, #tpu.memory_space<vmem>>
        tpu.enqueue_dma source(%dma_start3A_1642 : memref<16xf32, #tpu.memory_space<vmem>>) target(%dma_start3A_1640 : memref<16xf32, #tpu.memory_space<hbm>>) target_semaphore(%run_scoped3A : memref<!tpu.dma_semaphore, #tpu.memory_space<semaphore_mem>>)
        %dma_wait3A_1643 = arith.constant 0 : i32
        %dma_wait3A_1644 = tpu.memref_slice %arg12[%dma_wait3A_1643] : memref<48xf32, #tpu.memory_space<vmem>> -> memref<16xf32, #tpu.memory_space<vmem>>
        %dma_wait3A_1645 = tpu.memref_slice %arg4[%mul3A_1632] : memref<32xf32, #tpu.memory_space<hbm>> -> memref<16xf32, #tpu.memory_space<hbm>>
        %dma_wait3A_1646 = tpu.memref_slice %arg4[%mul3A_1632] : memref<32xf32, #tpu.memory_space<hbm>> -> memref<16xf32, #tpu.memory_space<hbm>>
        %dma_wait3A_1647 = arith.constant 0 : i32
        %dma_wait3A_1648 = tpu.memref_slice %arg12[%dma_wait3A_1647] : memref<48xf32, #tpu.memory_space<vmem>> -> memref<16xf32, #tpu.memory_space<vmem>>
        tpu.wait_dma2 semaphore(%run_scoped3A : memref<!tpu.dma_semaphore, #tpu.memory_space<semaphore_mem>>) src(%dma_wait3A_1648 : memref<16xf32, #tpu.memory_space<vmem>>) dst(%dma_wait3A_1646 : memref<16xf32, #tpu.memory_space<hbm>>)
        tpu.yield
      }) : () -> ()
      %mul3A_1633 = arith.constant 16 : i32
      %mul3A_1634 = arith.muli %arg0, %mul3A_1633 : i32
      "tpu.region"() ({
        %run_scoped3A = tpu.sem_alloc : memref<!tpu.dma_semaphore, #tpu.memory_space<semaphore_mem>>
        %dma_start3A_1637 = arith.constant 16 : i32
        %dma_start3A_1638 = tpu.memref_slice %arg12[%dma_start3A_1637] : memref<48xf32, #tpu.memory_space<vmem>> -> memref<16xf32, #tpu.memory_space<vmem>>
        %dma_start3A_1639 = tpu.memref_slice %arg5[%mul3A_1634] : memref<32xf32, #tpu.memory_space<hbm>> -> memref<16xf32, #tpu.memory_space<hbm>>
        %dma_start3A_1640 = tpu.memref_slice %arg5[%mul3A_1634] : memref<32xf32, #tpu.memory_space<hbm>> -> memref<16xf32, #tpu.memory_space<hbm>>
        %dma_start3A_1641 = arith.constant 16 : i32
        %dma_start3A_1642 = tpu.memref_slice %arg12[%dma_start3A_1641] : memref<48xf32, #tpu.memory_space<vmem>> -> memref<16xf32, #tpu.memory_space<vmem>>
        tpu.enqueue_dma source(%dma_start3A_1642 : memref<16xf32, #tpu.memory_space<vmem>>) target(%dma_start3A_1640 : memref<16xf32, #tpu.memory_space<hbm>>) target_semaphore(%run_scoped3A : memref<!tpu.dma_semaphore, #tpu.memory_space<semaphore_mem>>)
        %dma_wait3A_1643 = arith.constant 16 : i32
        %dma_wait3A_1644 = tpu.memref_slice %arg12[%dma_wait3A_1643] : memref<48xf32, #tpu.memory_space<vmem>> -> memref<16xf32, #tpu.memory_space<vmem>>
        %dma_wait3A_1645 = tpu.memref_slice %arg5[%mul3A_1634] : memref<32xf32, #tpu.memory_space<hbm>> -> memref<16xf32, #tpu.memory_space<hbm>>
        %dma_wait3A_1646 = tpu.memref_slice %arg5[%mul3A_1634] : memref<32xf32, #tpu.memory_space<hbm>> -> memref<16xf32, #tpu.memory_space<hbm>>
        %dma_wait3A_1647 = arith.constant 16 : i32
        %dma_wait3A_1648 = tpu.memref_slice %arg12[%dma_wait3A_1647] : memref<48xf32, #tpu.memory_space<vmem>> -> memref<16xf32, #tpu.memory_space<vmem>>
        tpu.wait_dma2 semaphore(%run_scoped3A : memref<!tpu.dma_semaphore, #tpu.memory_space<semaphore_mem>>) src(%dma_wait3A_1648 : memref<16xf32, #tpu.memory_space<vmem>>) dst(%dma_wait3A_1646 : memref<16xf32, #tpu.memory_space<hbm>>)
        tpu.yield
      }) : () -> ()
      %mul3A_1635 = arith.constant 16 : i32
      %mul3A_1636 = arith.muli %arg0, %mul3A_1635 : i32
      "tpu.region"() ({
        %run_scoped3A = tpu.sem_alloc : memref<!tpu.dma_semaphore, #tpu.memory_space<semaphore_mem>>
        %dma_start3A_1637 = arith.constant 32 : i32
        %dma_start3A_1638 = tpu.memref_slice %arg12[%dma_start3A_1637] : memref<48xf32, #tpu.memory_space<vmem>> -> memref<16xf32, #tpu.memory_space<vmem>>
        %dma_start3A_1639 = tpu.memref_slice %arg6[%mul3A_1636] : memref<32xf32, #tpu.memory_space<hbm>> -> memref<16xf32, #tpu.memory_space<hbm>>
        %dma_start3A_1640 = tpu.memref_slice %arg6[%mul3A_1636] : memref<32xf32, #tpu.memory_space<hbm>> -> memref<16xf32, #tpu.memory_space<hbm>>
        %dma_start3A_1641 = arith.constant 32 : i32
        %dma_start3A_1642 = tpu.memref_slice %arg12[%dma_start3A_1641] : memref<48xf32, #tpu.memory_space<vmem>> -> memref<16xf32, #tpu.memory_space<vmem>>
        tpu.enqueue_dma source(%dma_start3A_1642 : memref<16xf32, #tpu.memory_space<vmem>>) target(%dma_start3A_1640 : memref<16xf32, #tpu.memory_space<hbm>>) target_semaphore(%run_scoped3A : memref<!tpu.dma_semaphore, #tpu.memory_space<semaphore_mem>>)
        %dma_wait3A_1643 = arith.constant 32 : i32
        %dma_wait3A_1644 = tpu.memref_slice %arg12[%dma_wait3A_1643] : memref<48xf32, #tpu.memory_space<vmem>> -> memref<16xf32, #tpu.memory_space<vmem>>
        %dma_wait3A_1645 = tpu.memref_slice %arg6[%mul3A_1636] : memref<32xf32, #tpu.memory_space<hbm>> -> memref<16xf32, #tpu.memory_space<hbm>>
        %dma_wait3A_1646 = tpu.memref_slice %arg6[%mul3A_1636] : memref<32xf32, #tpu.memory_space<hbm>> -> memref<16xf32, #tpu.memory_space<hbm>>
        %dma_wait3A_1647 = arith.constant 32 : i32
        %dma_wait3A_1648 = tpu.memref_slice %arg12[%dma_wait3A_1647] : memref<48xf32, #tpu.memory_space<vmem>> -> memref<16xf32, #tpu.memory_space<vmem>>
        tpu.wait_dma2 semaphore(%run_scoped3A : memref<!tpu.dma_semaphore, #tpu.memory_space<semaphore_mem>>) src(%dma_wait3A_1648 : memref<16xf32, #tpu.memory_space<vmem>>) dst(%dma_wait3A_1646 : memref<16xf32, #tpu.memory_space<hbm>>)
        tpu.yield
      }) : () -> ()
    } else {
    }
    return
  }
}

module attributes {stable_mosaic.version = 14 : i64} {
  func.func @_merge_body(%arg0: memref<32xf32, #tpu.memory_space<smem>>, %arg1: memref<32xf32, #tpu.memory_space<smem>>, %arg2: memref<32xf32, #tpu.memory_space<smem>>, %arg3: memref<1xf32, #tpu.memory_space<smem>>) attributes {dimension_semantics = [], scalar_prefetch = 0 : i64, scratch_operands = 0 : i64, tpu.core_type = #tpu.core_type<tc>} {
    %scan3A = arith.constant 0x7F800000 : f32
    %scan3A_0 = arith.constant 0x7F800000 : f32
    %scan3A_1 = arith.constant 0.000000e+00 : f32
    %scan3A_2 = arith.constant 0 : i32
    %scan3A_3 = arith.constant 32 : i32
    %scan3A_4 = arith.addi %scan3A_2, %scan3A_3 : i32
    %scan3A_5 = arith.constant 1 : i32
    %scan3A_6:3 = scf.for %scan3A_9 = %scan3A_2 to %scan3A_4 step %scan3A_5 iter_args(%scan3A_10 = %scan3A, %scan3A_11 = %scan3A_0, %scan3A_12 = %scan3A_1) -> (f32, f32, f32)  : i32 {
      %get3A = arith.index_cast %scan3A_9 : i32 to index
      %get3A_13 = memref.load %arg0[%get3A] : memref<32xf32, #tpu.memory_space<smem>>
      %get3A_14 = arith.index_cast %scan3A_9 : i32 to index
      %get3A_15 = memref.load %arg1[%get3A_14] : memref<32xf32, #tpu.memory_space<smem>>
      %get3A_16 = arith.index_cast %scan3A_9 : i32 to index
      %get3A_17 = memref.load %arg2[%get3A_16] : memref<32xf32, #tpu.memory_space<smem>>
      %lt3A = arith.cmpf olt, %get3A_13, %scan3A_10 : f32
      %eq3A = arith.cmpf oeq, %get3A_13, %scan3A_10 : f32
      %lt3A_18 = arith.cmpf olt, %get3A_15, %scan3A_11 : f32
      %and3A = arith.andi %eq3A, %lt3A_18 : i1
      %or3A = arith.ori %lt3A, %and3A : i1
      %select_n3A = arith.select %or3A, %get3A_13, %scan3A_10 : f32
      %select_n3A_19 = arith.select %or3A, %get3A_15, %scan3A_11 : f32
      %select_n3A_20 = arith.select %or3A, %get3A_17, %scan3A_12 : f32
      scf.yield %select_n3A, %select_n3A_19, %select_n3A_20 : f32, f32, f32
    }
    %scan3A_7 = arith.constant 32 : i32
    %swap3A = arith.constant 0 : index
    %swap3A_8 = memref.load %arg3[%swap3A] : memref<1xf32, #tpu.memory_space<smem>>
    memref.store %scan3A_6#2, %arg3[%swap3A] : memref<1xf32, #tpu.memory_space<smem>>
    return
  }
}

</mosaic_0001>

<sc_bundles>
// kernel: _closest_sc.4.cloned.1.call-start
scs
__scs_entry_jumppad:
0x0: {  	(pc) =	sbr.rel $0x88, $3  }
0x1: {  	(tag) =	ssettag $0x0;
	lr =	simm.s32 $0x1  }
0x2: {  	[smem:$0x3F9F] =	sst lr;
	_ =	strace $0xD0000000  }
0x3: {  	_ = 	snop  }
0x4: {  	_ = 	snop  }
0x5: {  	_ = 	snop  }
0x6: {  	_ = 	snop  }
0x7: {  	_ = 	snop  }
__scs_overlays_trampoline_lowered:
0x8: {  	[smem:$0x3FAE] =	sst s0  }
0x9: {  	[smem:$0x3FAF] =	sst s1  }
0xa: {  	[smem:$0x3FB0] =	sst s2  }
0xb: {  	[smem:$0x3FB1] =	sst s3  }
0xc: {  	[smem:$0x3FB2] =	sst s4  }
0xd: {  	[smem:$0x3FB3] =	sst s5  }
0xe: {  	[smem:$0x3FB4] =	sst s6  }
0xf: {  	[smem:$0x3FB5] =	sst s7  }
0x10: {  	[smem:$0x3FB6] =	sst s8  }
0x11: {  	[smem:$0x3FB7] =	sst s9;
	s0 =	simm.s32 @!p0 $0x0  }
0x12: {  	s1 =	sld [smem:$0x3F9D];
	s0 =	simm.s32 @p0 $0x1  }
0x13: {  	[smem:$0x3FB8] =	sst s0;
	s0 =	simm.s32 @!p1 $0x0  }
0x14: {  	s2 =	sld [smem:$0x3F9C];
	s0 =	simm.s32 @p1 $0x1  }
0x15: {  	[smem:$0x3FB9] =	sst s0;
	s0 =	simm.s32 @!p2 $0x0  }
0x16: {  	s3 =	sld [smem:$0x3FDB];
	s0 =	simm.s32 @p2 $0x1  }
0x17: {  	s4 =	simm.s32 $0x1BF5;
	[smem:$0x3FBB] =	sst s0  }
0x18: {  	s0 =	sld [smem:$0x3F9E];
	_ =	swait.ge [sflag:s4], $0x0  }
0x19: {  	s7 =	sld [smem:$0x3F9F]  }
0x1a: {  	s8 =	sadd.s32 $0xFFFFE003, lr  }
0x1b: {  	s9 =	sadd.s32 $0xFFFFFEF7, lr;
	s5 =	simm.s32 $0xFFFFFFFF;
	p2 =	slt.u32 s8, $0xFFFFF086  }
0x1c: {  	p1 =	slt.u32 s9, $0xF7A;
	s5 =	simm.s32 @!p2 $0x0  }
0x1d: {  	s5 =	simm.s32 @p1 $0x1;
	p0 =	seq.s32 s7, s2  }
0x1e: {  	s7 =	smul.u32 @!p0 $0xF7A, s2;
	p2 =	seq.s32 @!p0 s5, $0x0  }
0x1f: {  	s9 =	smul.u32 $0xF7A, s1;
	s8 =	simm.s32 @!p0 $0x1BF5;
	p2 =	por !p2, p0  }
0x20: {  	[sflag:s8] =	ssyncset.s32 @!p0 $0xFFFFF086;
	s6 =	sadd.s32 @!p0 s3, s7;
	s7 =	simm.s32 @!p0 $0x108  }
0x21: {  	s3 =	sadd.s32 s3, s9;
	s6 =	sadd.s32 @!p0 $0x88, s6;
	s7 =	simm.s32 @p2 $0x1082  }
0x22: {  	[simem:s7], [sflag:s8] =	dma.local @!p0 [hbm:s6], $0xF7A  }
0x23: {  	s9 =	sor.u32 $0xD0000000, s2;
	s6 =	simm.s32 $0x108;
	_ =	swait.ge @!p0 [sflag:s8], $0x0  }
0x24: {  	s3 =	sadd.s32 $0x88, s3;
	s6 =	simm.s32 @!p1 $0x1082;
	[sflag:s4] =	ssyncset.s32 $0xFFFFF086  }
0x25: {  	[simem:s6], [sflag:s4] =	dma.local [hbm:s3], $0xF7A  }
0x26: {  	[smem:$0x3F9F] =	sst s1;
	(tag) =	ssettag s2;
	_ =	strace s9  }
0x27: {  	s1 =	sld [smem:$0x3FAF]  }
0x28: {  	s2 =	sld [smem:$0x3FB0]  }
0x29: {  	s4 =	sld [smem:$0x3FB2]  }
0x2a: {  	p0 =	seq.s32 s5, $0x0;
	s5 =	sld [smem:$0x3FB3]  }
0x2b: {  	s6 =	sld [smem:$0x3FB4]  }
0x2c: {  	s7 =	sld [smem:$0x3FB5]  }
0x2d: {  	s3 =	simm.s32 $0x108;
	s8 =	sld [smem:$0x3FB6]  }
0x2e: {  	s3 =	simm.s32 @!p0 $0x1082;
	s9 =	sld [smem:$0x3FB7]  }
0x2f: {  	lr =	sadd.s32 s0, s3;
	s0 =	sld [smem:$0x3FAE]  }
0x30: {  	s3 =	sld [smem:$0x3FB1]  }
0x31: {  	[smem:$0x3FBA] =	sst s10  }
0x32: {  	s10 =	sld [smem:$0x3FB8];
	_ =	sdelay $0x3  }
0x33: {  	p0 =	seq.s32 s10, $0x1;
	s10 =	sld [smem:$0x3FBA];
	_ =	sdelay $0x3  }
0x34: {  	[smem:$0x3FBA] =	sst s10  }
0x35: {  	s10 =	sld [smem:$0x3FB9];
	_ =	sdelay $0x3  }
0x36: {  	p1 =	seq.s32 s10, $0x1;
	s10 =	sld [smem:$0x3FBA];
	_ =	sdelay $0x3  }
0x37: {  	[smem:$0x3FBA] =	sst s10  }
0x38: {  	s10 =	sld [smem:$0x3FBB]  }
0x39: {  	_ = 	snop;
	(pc) =	sbr.ind lr, $3  }
0x3a: {  	_ = 	snop  }
0x3b: {  	_ = 	snop  }
0x3c: {  	p2 =	seq.s32 s10, $0x1;
	s10 =	sld [smem:$0x3FBA]  }
0x3d: {  	_ =	shalt  }
0x3e: {  	_ =	shalt  }
0x3f: {  	_ =	shalt  }
0x40: {  	_ =	shalt  }
0x41: {  	_ =	shalt  }
0x42: {  	_ =	shalt  }
0x43: {  	_ =	shalt  }
0x44: {  	_ =	shalt  }
0x45: {  	_ =	shalt  }
0x46: {  	_ =	shalt  }
0x47: {  	_ =	shalt  }
0x48: {  	_ =	shalt  }
0x49: {  	_ =	shalt  }
0x4a: {  	_ =	shalt  }
0x4b: {  	_ =	shalt  }
0x4c: {  	_ =	shalt  }
0x4d: {  	_ =	shalt  }
0x4e: {  	_ =	shalt  }
0x4f: {  	_ =	shalt  }
0x50: {  	_ =	shalt  }
0x51: {  	_ =	shalt  }
0x52: {  	_ =	shalt  }
0x53: {  	_ =	shalt  }
0x54: {  	_ =	shalt  }
0x55: {  	_ =	shalt  }
0x56: {  	_ =	shalt  }
0x57: {  	_ =	shalt  }
0x58: {  	_ =	shalt  }
0x59: {  	_ =	shalt  }
0x5a: {  	_ =	shalt  }
0x5b: {  	_ =	shalt  }
0x5c: {  	_ =	shalt  }
0x5d: {  	_ =	shalt  }
0x5e: {  	_ =	shalt  }
0x5f: {  	_ =	shalt  }
0x60: {  	_ =	shalt  }
0x61: {  	_ =	shalt  }
0x62: {  	_ =	shalt  }
0x63: {  	_ =	shalt  }
0x64: {  	_ =	shalt  }
0x65: {  	_ =	shalt  }
0x66: {  	_ =	shalt  }
0x67: {  	_ =	shalt  }
0x68: {  	_ =	shalt  }
0x69: {  	_ =	shalt  }
0x6a: {  	_ =	shalt  }
0x6b: {  	_ =	shalt  }
0x6c: {  	_ =	shalt  }
0x6d: {  	_ =	shalt  }
0x6e: {  	_ =	shalt  }
0x6f: {  	_ =	shalt  }
0x70: {  	_ =	shalt  }
0x71: {  	_ =	shalt  }
0x72: {  	_ =	shalt  }
0x73: {  	_ =	shalt  }
0x74: {  	_ =	shalt  }
0x75: {  	_ =	shalt  }
0x76: {  	_ =	shalt  }
0x77: {  	_ =	shalt  }
0x78: {  	_ =	shalt  }
0x79: {  	_ =	shalt  }
0x7a: {  	_ =	shalt  }
0x7b: {  	_ =	shalt  }
0x7c: {  	_ =	shalt  }
0x7d: {  	_ =	shalt  }
0x7e: {  	_ =	shalt  }
0x7f: {  	_ =	shalt  }
0x80: {  	_ =	shalt  }
0x81: {  	_ =	shalt  }
0x82: {  	_ =	shalt  }
0x83: {  	_ =	shalt  }
0x84: {  	_ =	shalt  }
0x85: {  	_ =	shalt  }
0x86: {  	_ =	shalt  }
0x87: {  	_ =	shalt  }
.Lfunc_end0:
.L_simem_size_0:
called_computation_lowered:
.L_overlay_start_0:
0x88: {  	s2 =	sld [smem:$0x3FD9]  }
0x89: {  	s3 =	sld [smem:$0x3FFE];
	_ =	sdelay $0x1  }
0x8a: {  	s1 =	srdreg.scid  }
0x8b: {  	s0 =	sand.u32 $0x1, s1  }
0x8c: {  	s17 =	sshll.u32 s0, $0xA;
	s2 =	sadd.s32 s3, s2  }
0x8d: {  	s2 =	sadd.s32 s2, s17  }
0x8e: {  	[smem:$0x3FC6] =	sst s2  }
0x8f: {  	_ = 	snop  }
0x90: {  	s2 =	sld [smem:$0x3FC9]  }
0x91: {  	s18 =	sld [smem:$0x3FC8]  }
0x92: {  	s4 =	sld [smem:$0x3FD0];
	(tm) =	ssettm $0x1  }
0x93: {  	s5 =	sld [smem:$0x3FFB];
	_ =	sdelay $0x3  }
0x94: {  	_ =	strace s5  }
0x95: {  	s5 =	sld [smem:$0x3FFC];
	_ =	sdelay $0x3  }
0x96: {  	_ =	strace s5  }
0x97: {  	s5 =	sld [smem:$0x3FFD];
	_ =	sdelay $0x3  }
0x98: {  	_ =	strace s5  }
0x99: {  	_ =	strace $0x8FFFFFFF  }
0x9a: {  	s19 =	sld [smem:$0x3FDB];
	_ =	sdelay $0x1  }
0x9b: {  	s6 =	simm.s32 $_scs_section_size  }
0x9c: {  	s7 =	simm.s32 $_size__tile_overlayer_lowered;
	s8 =	simm.s32 $_tile_overlayer_lowered  }
0x9d: {  	s22 =	simm.s32 $0x1BFF;
	s21 =	sshll.u32 s8, $0x1;
	s5 =	sadd.s32 s6, s19  }
0x9e: {  	s9 =	simm.s32 $0x0;
	s20 =	sshll.u32 s7, $0x1;
	s7 =	sadd.s32 s21, s5  }
0x9f: {  	[timem:s9], [sflag:s22] =	dma.local [hbm:s7], s20  }
0xa0: {  	_ =	swait.ge [sflag:s22], s20  }
0xa1: {  	s6 =	ssub.s32 $0x0, s20;
	[sflag:s22] =	ssyncset.done $0x0  }
0xa2: {  	[sflag:s22] =	ssyncadd.s32 s6;
	_ =	sdelay $0x1  }
0xa3: {  	s23 =	simm.s32 $0x1B8B  }
0xa4: {  	_ =	swait.ge [sflag:s23], $0x1  }
0xa5: {  	[sflag:s23] =	ssyncset.done $0x0  }
0xa6: {  	s25 =	simm.s32 $0x1B8E;
	s24 =	sld [smem:$0x3FFE];
	[sflag:s23] =	ssyncadd.s32 $0xFFFFFFFF  }
0xa7: {  	s26 =	simm.s32 $execute0_lowered;
	[smem:$0x3FD2] =	sst s25  }
0xa8: {  	s7 =	sshll.u32 s26, $0x1;
	_ =	strace $0x80000046;
	[dreg:$0x1] =	wrdreg $0xFFFFFFFF  }
0xa9: {  	s28 =	simm.s32 $_size_execute0_lowered;
	s5 =	sadd.s32 s5, s7;
	[dreg:$0x0] =	wrdreg $0x0  }
0xaa: {  	s7 =	sshll.u32 s28, $0x1;
	[dreg:$0x2] =	wrdreg s5  }
0xab: {  	[dreg:$0x3] =	wrdreg s7  }
0xac: {  	[dreg:$0x4] =	wrdreg $0xC0  }
0xad: {  	_ =	task [dreg:s9], $0x5FFFF  }
0xae: {  	[dreg:$0x1] =	wrdreg $0xFFFFFFFF  }
0xaf: {  	[dreg:$0x0] =	wrdreg $0x60  }
0xb0: {  	[dreg:$0x2] =	wrdreg s2  }
0xb1: {  	[dreg:$0x3] =	wrdreg s18  }
0xb2: {  	[dreg:$0x4] =	wrdreg s4  }
0xb3: {  	[dreg:$0x5] =	wrdreg s24  }
0xb4: {  	[dreg:$0x6] =	wrdreg $0x7C700  }
0xb5: {  	[dreg:$0x7] =	wrdreg $0x9  }
0xb6: {  	_ =	task.clear_ibuf [dreg:s9], $0x8FFFF;
	_ =	strace $0x90000046  }
0xb7: {  	s29 =	simm.s32 $0x9;
	_ =	strace $0x80000048  }
0xb8: {  	_ =	swait.ge [sflag:s29], $0x1  }
0xb9: {  	[sflag:s29] =	ssyncadd.s32 $0xFFFFFFFF  }
0xba: {  	_ =	strace $0x90000048  }
0xbb: {  	_ =	sfence  }
0xbc: {  	s30 =	sld [smem:$0x0];
	_ =	sdelay $0x2  }
0xbd: {  	s31 =	sshll.u32 s1, $0xD;
	s1 =	sshrl.u32 s1, $0x2  }
0xbe: {  	s3 =	sand.u32 $0x4000, s31;
	s1 =	sadd.s32 s1, s30  }
0xbf: {  	s0 =	sor.u32 s3, s0;
	s1 =	sshll.u32 s1, $0x11  }
0xc0: {  	s0 =	sor.u32 s1, s0  }
0xc1: {  	s0 =	sadd.s32 $0x8F2B, s0  }
0xc2: {  	[sflag:s0] =	ssyncadd.remote.s32 $0x1  }
0xc3: {  	_ =	sfence.sel $0xFFFF  }
0xc4: {  	[dreg:$0x0] =	wrdreg $0xFFFFFFFF;
	(pc) =	sbr.abs _section_cstart, $3  }
0xc5: {  	[dreg:$0x1] =	wrdreg $0xFFFFFFFF  }
0xc6: {  	_ =	task.clear_ibuf [dreg:s9], $0x2FFFF;
	_ =	strace $0x9FFFFFFF  }
0xc7: {  	(tm) =	ssettm $0x7FFFFFFF  }
tec
execute0_lowered:
.L_overlay_start_1:
0x0: {  	(tag) =	ssettag $0x1  }
0x1: {  	s2 =	rddreg [dreg:$0x0]  }
0x2: {  	s0 =	rddreg [dreg:$0x1]  }
0x3: {  	s10 =	rddreg [dreg:$0x2]  }
0x4: {  	s4 =	rddreg [dreg:$0x3];
	s3 =	srdreg.scid  }
0x5: {  	s1 =	stileid.u32;
	s14 =	rddreg [dreg:$0x4]  }
0x6: {  	s16 =	simm.s32 $0x1F80;
	s17 =	simm.s32 $0x3F00;
	s18 =	simm.s32 $0x5E80  }
0x7: {  	s19 =	simm.s32 $0x7A10;
	s20 =	simm.s32 $0x1;
	s22 =	simm.s32 $0x3  }
0x8: {  	v0 =	vimm.s32 $0x3210FEDC;
	v1 =	vimm.s32 $0xBA987654;
	s23 =	simm.s32 $0x4;
	s24 =	simm.s32 $0x7C20;
	s25 =	simm.s32 $0x5  }
0x9: {  	s26 =	simm.s32 $0x7C30;
	s28 =	simm.s32 $0x7C40;
	s5 =	sand.u32 $0x1, s3;
	v0 =	vunpack.c.l.s4.s8 v0;
	v1 =	vunpack.c.l.s4.s8 v1  }
0xa: {  	v2 =	vimm.s32 $0x76543210;
	v3 =	vimm.s32 $0x10FEDCBA;
	s6 =	sshll.u32 s1, $0x1;
	s3 =	simm.s32 $0x0;
	p0 =	slt.u32 s1, $0x2  }
0xb: {  	v4 =	vimm.s32 $0xFEDCBA98;
	s9 =	smul.u32 $0xC0, s1;
	p1 =	sne.s32 s1, $0x0;
	s1 =	simm.s32 $0x0;
	v0 =	vunpack.c.0.s8.s32 v0;
	v1 =	vunpack.c.0.s8.s32 v1  }
0xc: {  	v5 =	vimm.s32 $0x98765432;
	v3 =	vunpack.c.l.s4.s8 v3;
	v4 =	vunpack.c.l.s4.s8 v4;
	s6 =	sor.u32 s5, s6;
	[smem:$0x7FF] =	sst s3;
	s11 =	sshll.u32 s5, $0x1  }
0xd: {  	v2 =	vunpack.c.l.s4.s8 v2;
	s29 =	ssub.s32 $0x2, s5;
	s21 =	smul.u32 $0x7A10, s6;
	_ =	strace $0x80000047;
	v6 =	vcombine.low v1, v0;
	v0 =	vunpack.c.l.s4.s8 v5  }
0xe: {  	s12 =	sadd.s32 s11, s4;
	s5 =	sshrl.u32 s29, $0x1;
	s6 =	sshll.u32 s6, $0x4;
	v1 =	vunpack.c.0.s8.s32 v3;
	v3 =	vimm.s32 $0xFEDCBA9;
	v5 =	vimm.s32 $0x87654321  }
0xf: {  	s30 =	sshrl.u32 s9, $0x2;
	s31 =	sadd.s32 s10, s11;
	v4 =	vunpack.c.0.s8.s32 v4;
	s13 =	ssub.s32 s29, s5;
	v3 =	vunpack.c.l.s4.s8 v3;
	v5 =	vunpack.c.l.s4.s8 v5  }
0x10: {  	v2 =	vunpack.c.0.s8.s32 v2;
	s15 =	sor.u32 $0xF4200, s6;
	s9 =	sadd.s32 s30, s14;
	[dreg:$0x6] =	wrdreg s31;
	v0 =	vunpack.c.0.s8.s32 v0  }
.Ltmp0:
0x11: {  	s11 =	sadd.s32 $0xE00, s12;
	s12 =	sadd.s32 $0x1000, s12;
	v4 =	vand.u32 $0xF, v4;
	v3 =	vunpack.c.0.s8.s32 v3;
	v5 =	vunpack.c.0.s8.s32 v5;
	(pc) =	sbr.rel .LBB2_1-.Ltmp0, $4  }
0x12: {  	s14 =	simm.s32 $0x7A20;
	s7 =	sshrl.u32 s21, $0x3;
	s8 =	sshrl.u32 s15, $0x3;
	v7 =	vmov s15;
	v2 =	vcombine.low v4, v2;
	v8 =	vcombine.low v0, v1  }
0x13: {  	s13 =	smax.u32 s13, $0x1;
	s15 =	simm.s32 $0x6;
	s4 =	sadd.s32 s2, s7;
	v0 =	vmov s21;
	v1 =	vadd.s32 $0xFFFF85F0, v7;
	v5 =	vcombine.low v5, v3  }
0x14: {  	s8 =	simm.s32 @!p0 $0x1E840;
	s5 =	sadd.s32 $0x3F0, s4;
	s6 =	sadd.s32 $0x7E0, s4;
	v7 =	vlaneseq.u32;
	v1 =	vbroadcast v1, $0x0;
	v3 =	vand.u32 $0xF, v6  }
0x15: {  	s7 =	sadd.s32 $0xBD0, s4;
	s8 =	sadd.s32 s2, s8;
	s21 =	simm.s32 $0x2;
	v6 =	vimm.s32 $0x7FFFFFFF;
	v4 =	vand.u32 $0xF, v8;
	v5 =	vand.u32 $0xF, v5  }
.LBB2_19:
0x16: {  	s1 =	sadd.s32 $0x1, s1  }
0x17: {  	p2 =	sne.s32 s1, s13  }
.Ltmp1:
0x18: {  	_ = 	snop;
	(pc) =	sbr.rel @!p2 .LBB2_20-.Ltmp1, $1  }
0x19: {  	_ =	sdelay $0x3  }
.LBB2_1:
0x1a: {  	[tilespmem:s14], [sflag:$0x6] =	stream.linear.gather [hbm4b:s0+s3], $0x10, $0x38;
	[tilespmem:$0x7FA0] =	vst v63  }
0x1b: {  	_ =	swait.ge [sflag:s15], $0x10  }
0x1c: {  	[sflag:s15] =	ssyncset.done $0x0  }
0x1d: {  	[sflag:s15] =	ssyncadd.s32 $0xFFFFFFF0  }
0x1e: {  	[tilespmem:s3], [sflag:$0x1] =	stream.linear.gather [hbm4b:s4+s3], $0x1F80, $0x38;
	[tilespmem:$0x7FA0] =	vst v63  }
0x1f: {  	_ = 	snop  }
0x20: {  	[tilespmem:s16], [sflag:$0x2] =	stream.linear.gather [hbm4b:s5+s3], $0x1F80, $0x38;
	[tilespmem:$0x7FA0] =	vst v63  }
0x21: {  	_ = 	snop  }
0x22: {  	[tilespmem:s17], [sflag:$0x3] =	stream.linear.gather [hbm4b:s6+s3], $0x1F80, $0x38;
	[tilespmem:$0x7FA0] =	vst v63  }
0x23: {  	_ = 	snop  }
0x24: {  	[tilespmem:s18], [sflag:$0x4] =	stream.linear.gather [hbm4b:s7+s3], $0x1B90, $0x38;
	[tilespmem:$0x7FA0] =	vst v63  }
0x25: {  	_ = 	snop  }
0x26: {  	[tilespmem:s19], [sflag:$0x5] =	stream.linear.gather [hbm4b:s8+s3], $0x10, $0x38;
	[tilespmem:$0x7FA0] =	vst v63  }
0x27: {  	v8 =	vld [tilespmem:$0x7A20];
	_ =	swait.ge [sflag:s20], $0x1F80  }
0x28: {  	[sflag:s20] =	ssyncset.done $0x0  }
0x29: {  	s29 =	simm.s32 $0xA0;
	s30 =	simm.s32 $0x0;
	[sflag:s20] =	ssyncadd.s32 $0xFFFFE080  }
.LBB2_2:
0x2a: {  	v10 =	vmov s29;
	_ =	sdelay $0x3  }
0x2b: {  	s2 =	simm.s32 $0x0  }
0x2c: {  	v9 =	vld.idx.msk [tilespmem:v10+s2+$0x90 ss:$0x1], $0xffff  }
0x2d: {  	v11 =	vld.idx.msk [tilespmem:v10+s2+$0x50 ss:$0x1], $0xffff  }
0x2e: {  	v12 =	vld.idx.msk [tilespmem:v10+s2+$0x60 ss:$0x1], $0xffff  }
0x2f: {  	v13 =	vld.idx.msk [tilespmem:v10+s2+$0x70 ss:$0x1], $0xffff  }
0x30: {  	v14 =	vld.idx.msk [tilespmem:v10+s2+$0x30 ss:$0x1], $0xffff  }
0x31: {  	v15 =	vld.idx.msk [tilespmem:v10+s2+$0xFFFFFFF0 ss:$0x1], $0xffff  }
0x32: {  	v16 =	vld.idx.msk [tilespmem:v10+s2+$0x0 ss:$0x1], $0xffff  }
0x33: {  	v18 =	vld.idx.msk [tilespmem:v10+s2+$0x10 ss:$0x1], $0xffff  }
0x34: {  	v20 =	vld.idx.msk [tilespmem:v10+s2+$0x80 ss:$0x1], $0xffff  }
0x35: {  	v22 =	vld.idx.msk [tilespmem:v10+s2+$0xA0 ss:$0x1], $0xffff  }
0x36: {  	v21 =	vld.idx.msk [tilespmem:v10+s2+$0xFFFFFF90 ss:$0x1], $0xffff  }
0x37: {  	v24 =	vld.idx.msk [tilespmem:v10+s2+$0xFFFFFF80 ss:$0x1], $0xffff  }
0x38: {  	v30 =	vld.idx.msk [tilespmem:v10+s2+$0xFFFFFFC0 ss:$0x1], $0xffff;
	v11 =	vsub.f32 v11, v8  }
0x39: {  	v33 =	vld.idx.msk [tilespmem:v10+s2+$0xFFFFFFA0 ss:$0x1], $0xffff;
	v12 =	vsub.f32 v12, v8;
	v25 =	vsub.f32 v13, v8  }
0x3a: {  	v23 =	vld.idx.msk [tilespmem:v10+s2+$0xFFFFFF70 ss:$0x1], $0xffff;
	v13 =	vsub.f32 v15, v8;
	v28 =	vsub.f32 v14, v8  }
0x3b: {  	v27 =	vld.idx.msk [tilespmem:v10+s2+$0xFFFFFFB0 ss:$0x1], $0xffff;
	v19 =	vsub.f32 v16, v8;
	v16 =	vsub.f32 v21, v8  }
0x3c: {  	v31 =	vld.idx.msk [tilespmem:v10+s2+$0x40 ss:$0x1], $0xffff;
	v18 =	vsub.f32 v18, v8;
	v21 =	vsub.f32 v9, v8  }
0x3d: {  	v32 =	vld.idx.msk [tilespmem:v10+s2+$0xFFFFFFE0 ss:$0x1], $0xffff;
	v24 =	vsub.f32 v24, v8;
	v22 =	vsub.f32 v22, v8  }
0x3e: {  	v17 =	vimm.s32 $0x7FFFFFFF;
	v35 =	vld.idx.msk [tilespmem:v10+s2+$0x20 ss:$0x1], $0xffff;
	v33 =	vsub.f32 v33, v8;
	v34 =	vsub.f32 v30, v8  }
0x3f: {  	v29 =	vld.idx.msk [tilespmem:v10+s2+$0xFFFFFFD0 ss:$0x1], $0xffff;
	v15 =	vand.u32 $0x7FFFFFFF, v12;
	v14 =	vand.u32 $0x7FFFFFFF, v13;
	v12 =	vsub.f32 v20, v8  }
0x40: {  	v13 =	vand.u32 $0x7FFFFFFF, v11;
	v20 =	vsub.f32 v23, v8;
	v26 =	vand.u32 $0x7FFFFFFF, v16  }
0x41: {  	v11 =	vand.u32 $0x7FFFFFFF, v28;
	v9 =	vand.u32 $0x7FFFFFFF, v25;
	v23 =	vld.idx.msk [tilespmem:v10+s2+$0xFFFFFF60 ss:$0x1], $0xffff;
	v16 =	vand.u32 $0x7FFFFFFF, v18  }
0x42: {  	v24 =	vand.u32 $0x7FFFFFFF, v24;
	v25 =	vsub.f32 v31, v8;
	v28 =	vsub.f32 v32, v8  }
0x43: {  	v32 =	vsub.f32 v35, v8;
	vm0 =	vlt.s32 v17, v26;
	v18 =	vand.u32 $0x7FFFFFFF, v20  }
0x44: {  	v20 =	vsub.f32 v29, v8;
	v29 =	vsub.f32 v27, v8;
	vm1 =	vlt.s32 v17, v18  }
0x45: {  	v12 =	vand.u32 $0x7FFFFFFF, v12;
	v18 =	vsel vm1, v17, v18;
	vm1 =	vlt.s32 v17, v24  }
0x46: {  	v31 =	vand.u32 $0x7FFFFFFF, v29;
	v29 =	vimm.s32 $0x7FFFFFFF;
	v63 =	vsub.f32 v23, v8  }
0x47: {  	v27 =	vsel vm1, v17, v24;
	v23 =	vand.u32 $0x7FFFFFFF, v22;
	vm1 =	vlt.s32 v17, v31  }
0x48: {  	s31 =	simm.s32 $0x540;
	v24 =	vimm.s32 $0x7FFFFFFF;
	v22 =	vimm.s32 $0x7FFFFFFF;
	v30 =	vand.u32 $0x7FFFFFFF, v63  }
.LBB2_3:
0x49: {  	s2 =	sshra.s32 s31, $0x2;
	p2 =	sne.s32 s31, $0xA80;
	s31 =	sadd.s32 $0x540, s31;
	vm2 =	vlt.s32 v17, v30;
	v33 =	vand.u32 $0x7FFFFFFF, v33;
	v34 =	vand.u32 $0x7FFFFFFF, v34  }
0x4a: {  	v24 =	vsel vm0, v24, v26;
	v26 =	vsel vm1, v29, v31;
	v35 =	vld.idx.msk [tilespmem:v10+s2+$0x90 ss:$0x1], $0xffff;
	vm0 =	vlt.s32 v22, v33  }
0x4b: {  	v19 =	vand.u32 $0x7FFFFFFF, v19;
	v31 =	vand.u32 $0x7FFFFFFF, v32;
	v29 =	vld.idx.msk [tilespmem:v10+s2+$0x50 ss:$0x1], $0xffff;
	v22 =	vsel vm0, v22, v33  }
0x4c: {  	v28 =	vand.u32 $0x7FFFFFFF, v28;
	v17 =	vsel vm2, v17, v30;
	v32 =	vld.idx.msk [tilespmem:v10+s2+$0x60 ss:$0x1], $0xffff;
	vm0 =	vlt.s32 v22, v19  }
0x4d: {  	vm1 =	vlt.s32 v17, v34;
	v33 =	vand.u32 $0x7FFFFFFF, v21;
	v30 =	vld.idx.msk [tilespmem:v10+s2+$0x70 ss:$0x1], $0xffff;
	v19 =	vsel vm0, v22, v19  }
0x4e: {  	vm2 =	vlt.s32 v27, v28;
	vm0 =	vlt.s32 v26, v16;
	v21 =	vld.idx.msk [tilespmem:v10+s2+$0x30 ss:$0x1], $0xffff;
	vm3 =	vlt.s32 v19, v15  }
0x4f: {  	v25 =	vand.u32 $0x7FFFFFFF, v25;
	v27 =	vsel vm2, v27, v28;
	v36 =	vld.idx.msk [tilespmem:v10+s2+$0xFFFFFFF0 ss:$0x1], $0xffff;
	v22 =	vsel vm3, v19, v15  }
0x50: {  	v17 =	vsel vm1, v17, v34;
	vm1 =	vlt.s32 v24, v14;
	vm2 =	vlt.s32 v27, v25;
	v15 =	vld.idx.msk [tilespmem:v10+s2+$0x0 ss:$0x1], $0xffff  }
0x51: {  	v14 =	vsel vm1, v24, v14;
	vm1 =	vlt.s32 v17, v31;
	v19 =	vsel vm2, v27, v25;
	v28 =	vld.idx.msk [tilespmem:v10+s2+$0x10 ss:$0x1], $0xffff  }
0x52: {  	v17 =	vsel vm1, v17, v31;
	vm1 =	vlt.s32 v14, v13;
	v25 =	vsub.f32 v29, v8;
	v27 =	vld.idx.msk [tilespmem:v10+s2+$0x80 ss:$0x1], $0xffff  }
0x53: {  	v24 =	vsel vm1, v14, v13;
	vm1 =	vlt.s32 v19, v23;
	v29 =	vsub.f32 v30, v8;
	v30 =	vld.idx.msk [tilespmem:v10+s2+$0xA0 ss:$0x1], $0xffff  }
0x54: {  	v13 =	vsub.f32 v32, v8;
	v23 =	vsel vm1, v19, v23;
	v34 =	vsub.f32 v21, v8;
	v31 =	vld.idx.msk [tilespmem:v10+s2+$0xFFFFFF90 ss:$0x1], $0xffff  }
0x55: {  	v14 =	vand.u32 $0x7FFFFFFF, v20;
	v20 =	vsel vm0, v26, v16;
	vm0 =	vlt.s32 v17, v12;
	v32 =	vld.idx.msk [tilespmem:v10+s2+$0xFFFFFF70 ss:$0x1], $0xffff  }
0x56: {  	v17 =	vsel vm0, v17, v12;
	vm1 =	vlt.s32 v18, v14;
	v16 =	vsub.f32 v36, v8;
	v37 =	vld.idx.msk [tilespmem:v10+s2+$0xFFFFFF80 ss:$0x1], $0xffff  }
0x57: {  	v18 =	vsel vm1, v18, v14;
	v19 =	vsub.f32 v15, v8;
	v15 =	vand.u32 $0x7FFFFFFF, v13;
	v36 =	vld.idx.msk [tilespmem:v10+s2+$0xFFFFFFB0 ss:$0x1], $0xffff  }
0x58: {  	v14 =	vand.u32 $0x7FFFFFFF, v16;
	v16 =	vsub.f32 v28, v8;
	v12 =	vsub.f32 v27, v8;
	v38 =	vld.idx.msk [tilespmem:v10+s2+$0xFFFFFFD0 ss:$0x1], $0xffff  }
0x59: {  	vm1 =	vlt.s32 v20, v9;
	v21 =	vsub.f32 v35, v8;
	v13 =	vand.u32 $0x7FFFFFFF, v25;
	v39 =	vld.idx.msk [tilespmem:v10+s2+$0xFFFFFFC0 ss:$0x1], $0xffff  }
0x5a: {  	vm0 =	vlt.s32 v18, v11;
	v25 =	vsub.f32 v31, v8;
	v12 =	vand.u32 $0x7FFFFFFF, v12;
	v27 =	vld.idx.msk [tilespmem:v10+s2+$0x40 ss:$0x1], $0xffff  }
0x5b: {  	v18 =	vsel vm0, v18, v11;
	v11 =	vand.u32 $0x7FFFFFFF, v34;
	v31 =	vand.u32 $0x7FFFFFFF, v29;
	v28 =	vld.idx.msk [tilespmem:v10+s2+$0xFFFFFFE0 ss:$0x1], $0xffff  }
0x5c: {  	vm2 =	vlt.s32 v18, v33;
	v29 =	vsub.f32 v32, v8;
	v26 =	vand.u32 $0x7FFFFFFF, v25;
	v34 =	vld.idx.msk [tilespmem:v10+s2+$0xFFFFFF60 ss:$0x1], $0xffff  }
0x5d: {  	v18 =	vsel vm2, v18, v33;
	v16 =	vand.u32 $0x7FFFFFFF, v16;
	vm0 =	vlt.s32 v24, v26;
	v32 =	vld.idx.msk [tilespmem:v10+s2+$0xFFFFFFA0 ss:$0x1], $0xffff  }
0x5e: {  	v33 =	vsub.f32 v37, v8;
	v25 =	vand.u32 $0x7FFFFFFF, v29;
	v29 =	vsel vm1, v20, v9;
	v9 =	vmovc v31;
	v35 =	vld.idx.msk [tilespmem:v10+s2+$0x20 ss:$0x1], $0xffff  }
0x5f: {  	v30 =	vsub.f32 v30, v8;
	vm1 =	vlt.s32 v18, v25;
	v20 =	vsub.f32 v38, v8  }
.Ltmp2:
0x60: {  	v31 =	vand.u32 $0x7FFFFFFF, v33;
	v18 =	vsel vm1, v18, v25;
	v25 =	vsub.f32 v27, v8;
	(pc) =	sbr.rel @p2 .LBB2_3-.Ltmp2, $4  }
0x61: {  	v36 =	vsub.f32 v36, v8;
	vm1 =	vlt.s32 v23, v31;
	v28 =	vsub.f32 v28, v8  }
0x62: {  	v27 =	vsel vm1, v23, v31;
	v23 =	vand.u32 $0x7FFFFFFF, v30;
	v37 =	vsub.f32 v34, v8  }
0x63: {  	v31 =	vand.u32 $0x7FFFFFFF, v36;
	v34 =	vsub.f32 v39, v8;
	v33 =	vsub.f32 v32, v8  }
0x64: {  	vm1 =	vlt.s32 v29, v31;
	v30 =	vand.u32 $0x7FFFFFFF, v37;
	v32 =	vsub.f32 v35, v8  }
0x65: {  	vm2 =	vlt.s32 v17, v30;
	v10 =	vand.u32 $0x7FFFFFFF, v33;
	v54 =	vand.u32 $0x7FFFFFFF, v34  }
0x66: {  	v24 =	vsel vm0, v24, v26;
	v55 =	vsel vm1, v29, v31;
	v19 =	vand.u32 $0x7FFFFFFF, v19  }
0x67: {  	v28 =	vand.u32 $0x7FFFFFFF, v28;
	v57 =	vand.u32 $0x7FFFFFFF, v21;
	v25 =	vand.u32 $0x7FFFFFFF, v25  }
0x68: {  	v60 =	vand.u32 $0x7FFFFFFF, v20;
	vm12 =	vlt.s32 v22, v10;
	v56 =	vand.u32 $0x7FFFFFFF, v32  }
0x69: {  	v17 =	vsel vm2, v17, v30;
	vm14 =	vlt.s32 v27, v28;
	vm15 =	vlt.s32 v55, v16  }
0x6a: {  	vm6 =	vlt.s32 v24, v14;
	vm8 =	vlt.s32 v18, v60;
	v10 =	vsel vm12, v22, v10  }
0x6b: {  	vm13 =	vlt.s32 v17, v54;
	v58 =	vsel vm14, v27, v28;
	v14 =	vsel vm6, v24, v14  }
0x6c: {  	v16 =	vsel vm15, v55, v16;
	vm0 =	vlt.s32 v10, v19;
	v59 =	vsel vm13, v17, v54  }
0x6d: {  	vm7 =	vlt.s32 v58, v25;
	v17 =	vsel vm8, v18, v60;
	vm10 =	vlt.s32 v14, v13  }
0x6e: {  	v10 =	vsel vm0, v10, v19;
	vm9 =	vlt.s32 v59, v56;
	v61 =	vsel vm7, v58, v25  }
0x6f: {  	vm11 =	vlt.s32 v17, v11;
	v13 =	vsel vm10, v14, v13;
	vm3 =	vlt.s32 v10, v15  }
0x70: {  	v11 =	vsel vm11, v17, v11;
	v10 =	vsel vm3, v10, v15;
	v15 =	vsel vm9, v59, v56  }
0x71: {  	vm12 =	vlt.s32 v61, v23;
	vm1 =	vlt.s32 v11, v57;
	vm13 =	vlt.s32 v15, v12  }
0x72: {  	v62 =	vsel vm12, v61, v23;
	v11 =	vsel vm1, v11, v57;
	v12 =	vsel vm13, v15, v12  }
0x73: {  	s2 =	sshll.u32 s30, $0x4;
	s30 =	sadd.s32 $0x1, s30;
	vm14 =	vlt.s32 v16, v9;
	vm15 =	vlt.s32 v62, v13;
	vm1 =	vlt.s32 v12, v11  }
0x74: {  	p2 =	sne.s32 s30, $0x8;
	v9 =	vsel vm14, v16, v9;
	v63 =	vsel vm15, v62, v13;
	v11 =	vsel vm1, v12, v11  }
.Ltmp3:
0x75: {  	vm0 =	vlt.s32 v10, v9;
	vm1 =	vlt.s32 v11, v63;
	(pc) =	sbr.rel @p2 .LBB2_2-.Ltmp3, $4  }
0x76: {  	v9 =	vsel vm0, v10, v9;
	v10 =	vsel vm1, v11, v63  }
0x77: {  	vm0 =	vlt.s32 v10, v9  }
0x78: {  	s2 =	sand.u32 $0x3FFFFFF0, s2;
	v9 =	vsel vm0, v10, v9  }
0x79: {  	s29 =	sadd.s32 $0x3F0, s29;
	[tilespmem:s2+$0x7A30] =	vst v9  }
0x7a: {  	_ =	swait.ge [sflag:s21], $0x1F80  }
0x7b: {  	[sflag:s21] =	ssyncset.done $0x0  }
0x7c: {  	s29 =	simm.s32 $0x0;
	s30 =	simm.s32 $0x1F80;
	[sflag:s21] =	ssyncadd.s32 $0xFFFFE080  }
.LBB2_6:
0x7d: {  	v10 =	vmov s30;
	_ =	sdelay $0x3  }
0x7e: {  	s2 =	simm.s32 $0x0  }
0x7f: {  	v9 =	vld.idx.msk [tilespmem:v10+s2+$0x130 ss:$0x1], $0xffff  }
0x80: {  	v11 =	vld.idx.msk [tilespmem:v10+s2+$0xF0 ss:$0x1], $0xffff  }
0x81: {  	v12 =	vld.idx.msk [tilespmem:v10+s2+$0x100 ss:$0x1], $0xffff  }
0x82: {  	v13 =	vld.idx.msk [tilespmem:v10+s2+$0x110 ss:$0x1], $0xffff  }
0x83: {  	v14 =	vld.idx.msk [tilespmem:v10+s2+$0xD0 ss:$0x1], $0xffff  }
0x84: {  	v15 =	vld.idx.msk [tilespmem:v10+s2+$0x90 ss:$0x1], $0xffff  }
0x85: {  	v16 =	vld.idx.msk [tilespmem:v10+s2+$0xA0 ss:$0x1], $0xffff  }
0x86: {  	v18 =	vld.idx.msk [tilespmem:v10+s2+$0xB0 ss:$0x1], $0xffff  }
0x87: {  	v20 =	vld.idx.msk [tilespmem:v10+s2+$0x120 ss:$0x1], $0xffff  }
0x88: {  	v22 =	vld.idx.msk [tilespmem:v10+s2+$0x140 ss:$0x1], $0xffff  }
0x89: {  	v21 =	vld.idx.msk [tilespmem:v10+s2+$0x30 ss:$0x1], $0xffff  }
0x8a: {  	v24 =	vld.idx.msk [tilespmem:v10+s2+$0x20 ss:$0x1], $0xffff  }
0x8b: {  	v30 =	vld.idx.msk [tilespmem:v10+s2+$0x60 ss:$0x1], $0xffff;
	v11 =	vsub.f32 v11, v8  }
0x8c: {  	v33 =	vld.idx.msk [tilespmem:v10+s2+$0x40 ss:$0x1], $0xffff;
	v12 =	vsub.f32 v12, v8;
	v25 =	vsub.f32 v13, v8  }
0x8d: {  	v23 =	vld.idx.msk [tilespmem:v10+s2+$0x10 ss:$0x1], $0xffff;
	v13 =	vsub.f32 v15, v8;
	v28 =	vsub.f32 v14, v8  }
0x8e: {  	v27 =	vld.idx.msk [tilespmem:v10+s2+$0x50 ss:$0x1], $0xffff;
	v19 =	vsub.f32 v16, v8;
	v16 =	vsub.f32 v21, v8  }
0x8f: {  	v31 =	vld.idx.msk [tilespmem:v10+s2+$0xE0 ss:$0x1], $0xffff;
	v18 =	vsub.f32 v18, v8;
	v21 =	vsub.f32 v9, v8  }
0x90: {  	v32 =	vld.idx.msk [tilespmem:v10+s2+$0x80 ss:$0x1], $0xffff;
	v24 =	vsub.f32 v24, v8;
	v22 =	vsub.f32 v22, v8  }
0x91: {  	v17 =	vimm.s32 $0x7FFFFFFF;
	v35 =	vld.idx.msk [tilespmem:v10+s2+$0xC0 ss:$0x1], $0xffff;
	v33 =	vsub.f32 v33, v8;
	v34 =	vsub.f32 v30, v8  }
0x92: {  	v29 =	vld.idx.msk [tilespmem:v10+s2+$0x70 ss:$0x1], $0xffff;
	v15 =	vand.u32 $0x7FFFFFFF, v12;
	v14 =	vand.u32 $0x7FFFFFFF, v13;
	v12 =	vsub.f32 v20, v8  }
0x93: {  	v13 =	vand.u32 $0x7FFFFFFF, v11;
	v20 =	vsub.f32 v23, v8;
	v26 =	vand.u32 $0x7FFFFFFF, v16  }
0x94: {  	v11 =	vand.u32 $0x7FFFFFFF, v28;
	v9 =	vand.u32 $0x7FFFFFFF, v25;
	v23 =	vld.idx.msk [tilespmem:v10+s2+$0x0 ss:$0x1], $0xffff;
	v16 =	vand.u32 $0x7FFFFFFF, v18  }
0x95: {  	v24 =	vand.u32 $0x7FFFFFFF, v24;
	v25 =	vsub.f32 v31, v8;
	v28 =	vsub.f32 v32, v8  }
0x96: {  	v32 =	vsub.f32 v35, v8;
	vm0 =	vlt.s32 v17, v26;
	v18 =	vand.u32 $0x7FFFFFFF, v20  }
0x97: {  	v20 =	vsub.f32 v29, v8;
	v29 =	vsub.f32 v27, v8;
	vm1 =	vlt.s32 v17, v18  }
0x98: {  	v12 =	vand.u32 $0x7FFFFFFF, v12;
	v18 =	vsel vm1, v17, v18;
	vm1 =	vlt.s32 v17, v24  }
0x99: {  	v31 =	vand.u32 $0x7FFFFFFF, v29;
	v29 =	vimm.s32 $0x7FFFFFFF;
	v63 =	vsub.f32 v23, v8  }
0x9a: {  	v27 =	vsel vm1, v17, v24;
	v23 =	vand.u32 $0x7FFFFFFF, v22;
	vm1 =	vlt.s32 v17, v31  }
0x9b: {  	s31 =	sor.u32 $0x8, s29;
	s2 =	simm.s32 $0x540;
	v24 =	vimm.s32 $0x7FFFFFFF;
	v22 =	vimm.s32 $0x7FFFFFFF;
	v30 =	vand.u32 $0x7FFFFFFF, v63  }
.LBB2_7:
0x9c: {  	s10 =	sshra.s32 s2, $0x2;
	p2 =	sne.s32 s2, $0xA80;
	s2 =	sadd.s32 $0x540, s2;
	vm2 =	vlt.s32 v17, v30;
	v33 =	vand.u32 $0x7FFFFFFF, v33;
	v34 =	vand.u32 $0x7FFFFFFF, v34  }
0x9d: {  	v24 =	vsel vm0, v24, v26;
	v26 =	vsel vm1, v29, v31;
	v35 =	vld.idx.msk [tilespmem:v10+s10+$0x130 ss:$0x1], $0xffff;
	vm0 =	vlt.s32 v22, v33  }
0x9e: {  	v19 =	vand.u32 $0x7FFFFFFF, v19;
	v31 =	vand.u32 $0x7FFFFFFF, v32;
	v29 =	vld.idx.msk [tilespmem:v10+s10+$0xF0 ss:$0x1], $0xffff;
	v22 =	vsel vm0, v22, v33  }
0x9f: {  	v28 =	vand.u32 $0x7FFFFFFF, v28;
	v17 =	vsel vm2, v17, v30;
	v32 =	vld.idx.msk [tilespmem:v10+s10+$0x100 ss:$0x1], $0xffff;
	vm0 =	vlt.s32 v22, v19  }
0xa0: {  	vm1 =	vlt.s32 v17, v34;
	v33 =	vand.u32 $0x7FFFFFFF, v21;
	v30 =	vld.idx.msk [tilespmem:v10+s10+$0x110 ss:$0x1], $0xffff;
	v19 =	vsel vm0, v22, v19  }
0xa1: {  	vm2 =	vlt.s32 v27, v28;
	vm0 =	vlt.s32 v26, v16;
	v21 =	vld.idx.msk [tilespmem:v10+s10+$0xD0 ss:$0x1], $0xffff;
	vm3 =	vlt.s32 v19, v15  }
0xa2: {  	v25 =	vand.u32 $0x7FFFFFFF, v25;
	v27 =	vsel vm2, v27, v28;
	v36 =	vld.idx.msk [tilespmem:v10+s10+$0x90 ss:$0x1], $0xffff;
	v22 =	vsel vm3, v19, v15  }
0xa3: {  	v17 =	vsel vm1, v17, v34;
	vm1 =	vlt.s32 v24, v14;
	vm2 =	vlt.s32 v27, v25;
	v15 =	vld.idx.msk [tilespmem:v10+s10+$0xA0 ss:$0x1], $0xffff  }
0xa4: {  	v14 =	vsel vm1, v24, v14;
	vm1 =	vlt.s32 v17, v31;
	v19 =	vsel vm2, v27, v25;
	v28 =	vld.idx.msk [tilespmem:v10+s10+$0xB0 ss:$0x1], $0xffff  }
0xa5: {  	v17 =	vsel vm1, v17, v31;
	vm1 =	vlt.s32 v14, v13;
	v25 =	vsub.f32 v29, v8;
	v27 =	vld.idx.msk [tilespmem:v10+s10+$0x120 ss:$0x1], $0xffff  }
0xa6: {  	v24 =	vsel vm1, v14, v13;
	vm1 =	vlt.s32 v19, v23;
	v29 =	vsub.f32 v30, v8;
	v30 =	vld.idx.msk [tilespmem:v10+s10+$0x140 ss:$0x1], $0xffff  }
0xa7: {  	v13 =	vsub.f32 v32, v8;
	v23 =	vsel vm1, v19, v23;
	v34 =	vsub.f32 v21, v8;
	v31 =	vld.idx.msk [tilespmem:v10+s10+$0x30 ss:$0x1], $0xffff  }
0xa8: {  	v14 =	vand.u32 $0x7FFFFFFF, v20;
	v20 =	vsel vm0, v26, v16;
	vm0 =	vlt.s32 v17, v12;
	v32 =	vld.idx.msk [tilespmem:v10+s10+$0x10 ss:$0x1], $0xffff  }
0xa9: {  	v17 =	vsel vm0, v17, v12;
	vm1 =	vlt.s32 v18, v14;
	v16 =	vsub.f32 v36, v8;
	v37 =	vld.idx.msk [tilespmem:v10+s10+$0x20 ss:$0x1], $0xffff  }
0xaa: {  	v18 =	vsel vm1, v18, v14;
	v19 =	vsub.f32 v15, v8;
	v15 =	vand.u32 $0x7FFFFFFF, v13;
	v36 =	vld.idx.msk [tilespmem:v10+s10+$0x50 ss:$0x1], $0xffff  }
0xab: {  	v14 =	vand.u32 $0x7FFFFFFF, v16;
	v16 =	vsub.f32 v28, v8;
	v12 =	vsub.f32 v27, v8;
	v38 =	vld.idx.msk [tilespmem:v10+s10+$0x70 ss:$0x1], $0xffff  }
0xac: {  	vm1 =	vlt.s32 v20, v9;
	v21 =	vsub.f32 v35, v8;
	v13 =	vand.u32 $0x7FFFFFFF, v25;
	v39 =	vld.idx.msk [tilespmem:v10+s10+$0x60 ss:$0x1], $0xffff  }
0xad: {  	vm0 =	vlt.s32 v18, v11;
	v25 =	vsub.f32 v31, v8;
	v12 =	vand.u32 $0x7FFFFFFF, v12;
	v27 =	vld.idx.msk [tilespmem:v10+s10+$0xE0 ss:$0x1], $0xffff  }
0xae: {  	v18 =	vsel vm0, v18, v11;
	v11 =	vand.u32 $0x7FFFFFFF, v34;
	v31 =	vand.u32 $0x7FFFFFFF, v29;
	v28 =	vld.idx.msk [tilespmem:v10+s10+$0x80 ss:$0x1], $0xffff  }
0xaf: {  	vm2 =	vlt.s32 v18, v33;
	v29 =	vsub.f32 v32, v8;
	v26 =	vand.u32 $0x7FFFFFFF, v25;
	v34 =	vld.idx.msk [tilespmem:v10+s10+$0x0 ss:$0x1], $0xffff  }
0xb0: {  	v18 =	vsel vm2, v18, v33;
	v16 =	vand.u32 $0x7FFFFFFF, v16;
	vm0 =	vlt.s32 v24, v26;
	v32 =	vld.idx.msk [tilespmem:v10+s10+$0x40 ss:$0x1], $0xffff  }
0xb1: {  	v33 =	vsub.f32 v37, v8;
	v25 =	vand.u32 $0x7FFFFFFF, v29;
	v29 =	vsel vm1, v20, v9;
	v9 =	vmovc v31;
	v35 =	vld.idx.msk [tilespmem:v10+s10+$0xC0 ss:$0x1], $0xffff  }
0xb2: {  	v30 =	vsub.f32 v30, v8;
	vm1 =	vlt.s32 v18, v25;
	v20 =	vsub.f32 v38, v8  }
.Ltmp4:
0xb3: {  	v31 =	vand.u32 $0x7FFFFFFF, v33;
	v18 =	vsel vm1, v18, v25;
	v25 =	vsub.f32 v27, v8;
	(pc) =	sbr.rel @p2 .LBB2_7-.Ltmp4, $4  }
0xb4: {  	v36 =	vsub.f32 v36, v8;
	vm1 =	vlt.s32 v23, v31;
	v28 =	vsub.f32 v28, v8  }
0xb5: {  	v27 =	vsel vm1, v23, v31;
	v23 =	vand.u32 $0x7FFFFFFF, v30;
	v37 =	vsub.f32 v34, v8  }
0xb6: {  	v31 =	vand.u32 $0x7FFFFFFF, v36;
	v34 =	vsub.f32 v39, v8;
	v33 =	vsub.f32 v32, v8  }
0xb7: {  	vm1 =	vlt.s32 v29, v31;
	v30 =	vand.u32 $0x7FFFFFFF, v37;
	v32 =	vsub.f32 v35, v8  }
0xb8: {  	vm2 =	vlt.s32 v17, v30;
	v10 =	vand.u32 $0x7FFFFFFF, v33;
	v54 =	vand.u32 $0x7FFFFFFF, v34  }
0xb9: {  	v24 =	vsel vm0, v24, v26;
	v55 =	vsel vm1, v29, v31;
	v19 =	vand.u32 $0x7FFFFFFF, v19  }
0xba: {  	v28 =	vand.u32 $0x7FFFFFFF, v28;
	v57 =	vand.u32 $0x7FFFFFFF, v21;
	v25 =	vand.u32 $0x7FFFFFFF, v25  }
0xbb: {  	v60 =	vand.u32 $0x7FFFFFFF, v20;
	vm12 =	vlt.s32 v22, v10;
	v56 =	vand.u32 $0x7FFFFFFF, v32  }
0xbc: {  	v17 =	vsel vm2, v17, v30;
	vm14 =	vlt.s32 v27, v28;
	vm15 =	vlt.s32 v55, v16  }
0xbd: {  	vm6 =	vlt.s32 v24, v14;
	vm8 =	vlt.s32 v18, v60;
	v10 =	vsel vm12, v22, v10  }
0xbe: {  	vm13 =	vlt.s32 v17, v54;
	v58 =	vsel vm14, v27, v28;
	v14 =	vsel vm6, v24, v14  }
0xbf: {  	v16 =	vsel vm15, v55, v16;
	vm0 =	vlt.s32 v10, v19;
	v59 =	vsel vm13, v17, v54  }
0xc0: {  	vm7 =	vlt.s32 v58, v25;
	v17 =	vsel vm8, v18, v60;
	vm10 =	vlt.s32 v14, v13  }
0xc1: {  	v10 =	vsel vm0, v10, v19;
	vm9 =	vlt.s32 v59, v56;
	v61 =	vsel vm7, v58, v25  }
0xc2: {  	vm11 =	vlt.s32 v17, v11;
	v13 =	vsel vm10, v14, v13;
	vm3 =	vlt.s32 v10, v15  }
0xc3: {  	v11 =	vsel vm11, v17, v11;
	v10 =	vsel vm3, v10, v15;
	v15 =	vsel vm9, v59, v56  }
0xc4: {  	vm12 =	vlt.s32 v61, v23;
	vm1 =	vlt.s32 v11, v57;
	vm13 =	vlt.s32 v15, v12  }
0xc5: {  	v62 =	vsel vm12, v61, v23;
	v11 =	vsel vm1, v11, v57;
	v12 =	vsel vm13, v15, v12  }
0xc6: {  	s29 =	sadd.s32 $0x1, s29;
	vm14 =	vlt.s32 v16, v9;
	vm15 =	vlt.s32 v62, v13;
	vm1 =	vlt.s32 v12, v11  }
0xc7: {  	p2 =	sne.s32 s29, $0x8;
	v9 =	vsel vm14, v16, v9;
	v63 =	vsel vm15, v62, v13;
	v11 =	vsel vm1, v12, v11  }
.Ltmp5:
0xc8: {  	vm0 =	vlt.s32 v10, v9;
	vm1 =	vlt.s32 v11, v63;
	(pc) =	sbr.rel @p2 .LBB2_6-.Ltmp5, $4  }
0xc9: {  	v9 =	vsel vm0, v10, v9;
	v10 =	vsel vm1, v11, v63  }
0xca: {  	s2 =	sshll.u32 s31, $0x4;
	vm0 =	vlt.s32 v10, v9  }
0xcb: {  	s2 =	sand.u32 $0x3FFFFFF0, s2;
	v9 =	vsel vm0, v10, v9  }
0xcc: {  	s30 =	sadd.s32 $0x3F0, s30;
	[tilespmem:s2+$0x7A30] =	vst v9  }
0xcd: {  	_ =	swait.ge [sflag:s22], $0x1F80  }
0xce: {  	[sflag:s22] =	ssyncset.done $0x0  }
0xcf: {  	s29 =	simm.s32 $0x0;
	s30 =	simm.s32 $0x0;
	[sflag:s22] =	ssyncadd.s32 $0xFFFFE080  }
.LBB2_10:
0xd0: {  	v10 =	vmov s29;
	_ =	sdelay $0x3  }
0xd1: {  	s2 =	simm.s32 $0x0  }
0xd2: {  	v9 =	vld.idx.msk [tilespmem:v10+s2+$0x4030 ss:$0x1], $0xffff  }
0xd3: {  	v11 =	vld.idx.msk [tilespmem:v10+s2+$0x3FF0 ss:$0x1], $0xffff  }
0xd4: {  	v12 =	vld.idx.msk [tilespmem:v10+s2+$0x4000 ss:$0x1], $0xffff  }
0xd5: {  	v13 =	vld.idx.msk [tilespmem:v10+s2+$0x4010 ss:$0x1], $0xffff  }
0xd6: {  	v14 =	vld.idx.msk [tilespmem:v10+s2+$0x3FD0 ss:$0x1], $0xffff  }
0xd7: {  	v15 =	vld.idx.msk [tilespmem:v10+s2+$0x3F90 ss:$0x1], $0xffff  }
0xd8: {  	v16 =	vld.idx.msk [tilespmem:v10+s2+$0x3FA0 ss:$0x1], $0xffff  }
0xd9: {  	v18 =	vld.idx.msk [tilespmem:v10+s2+$0x3FB0 ss:$0x1], $0xffff  }
0xda: {  	v20 =	vld.idx.msk [tilespmem:v10+s2+$0x4020 ss:$0x1], $0xffff  }
0xdb: {  	v22 =	vld.idx.msk [tilespmem:v10+s2+$0x4040 ss:$0x1], $0xffff  }
0xdc: {  	v21 =	vld.idx.msk [tilespmem:v10+s2+$0x3F30 ss:$0x1], $0xffff  }
0xdd: {  	v24 =	vld.idx.msk [tilespmem:v10+s2+$0x3F20 ss:$0x1], $0xffff  }
0xde: {  	v30 =	vld.idx.msk [tilespmem:v10+s2+$0x3F60 ss:$0x1], $0xffff;
	v11 =	vsub.f32 v11, v8  }
0xdf: {  	v33 =	vld.idx.msk [tilespmem:v10+s2+$0x3F40 ss:$0x1], $0xffff;
	v12 =	vsub.f32 v12, v8;
	v25 =	vsub.f32 v13, v8  }
0xe0: {  	v23 =	vld.idx.msk [tilespmem:v10+s2+$0x3F10 ss:$0x1], $0xffff;
	v13 =	vsub.f32 v15, v8;
	v28 =	vsub.f32 v14, v8  }
0xe1: {  	v27 =	vld.idx.msk [tilespmem:v10+s2+$0x3F50 ss:$0x1], $0xffff;
	v19 =	vsub.f32 v16, v8;
	v16 =	vsub.f32 v21, v8  }
0xe2: {  	v31 =	vld.idx.msk [tilespmem:v10+s2+$0x3FE0 ss:$0x1], $0xffff;
	v18 =	vsub.f32 v18, v8;
	v21 =	vsub.f32 v9, v8  }
0xe3: {  	v32 =	vld.idx.msk [tilespmem:v10+s2+$0x3F80 ss:$0x1], $0xffff;
	v24 =	vsub.f32 v24, v8;
	v22 =	vsub.f32 v22, v8  }
0xe4: {  	v17 =	vimm.s32 $0x7FFFFFFF;
	v35 =	vld.idx.msk [tilespmem:v10+s2+$0x3FC0 ss:$0x1], $0xffff;
	v33 =	vsub.f32 v33, v8;
	v34 =	vsub.f32 v30, v8  }
0xe5: {  	v29 =	vld.idx.msk [tilespmem:v10+s2+$0x3F70 ss:$0x1], $0xffff;
	v15 =	vand.u32 $0x7FFFFFFF, v12;
	v14 =	vand.u32 $0x7FFFFFFF, v13;
	v12 =	vsub.f32 v20, v8  }
0xe6: {  	v13 =	vand.u32 $0x7FFFFFFF, v11;
	v20 =	vsub.f32 v23, v8;
	v26 =	vand.u32 $0x7FFFFFFF, v16  }
0xe7: {  	v11 =	vand.u32 $0x7FFFFFFF, v28;
	v9 =	vand.u32 $0x7FFFFFFF, v25;
	v23 =	vld.idx.msk [tilespmem:v10+s2+$0x3F00 ss:$0x1], $0xffff;
	v16 =	vand.u32 $0x7FFFFFFF, v18  }
0xe8: {  	v24 =	vand.u32 $0x7FFFFFFF, v24;
	v25 =	vsub.f32 v31, v8;
	v28 =	vsub.f32 v32, v8  }
0xe9: {  	v32 =	vsub.f32 v35, v8;
	vm0 =	vlt.s32 v17, v26;
	v18 =	vand.u32 $0x7FFFFFFF, v20  }
0xea: {  	v20 =	vsub.f32 v29, v8;
	v29 =	vsub.f32 v27, v8;
	vm1 =	vlt.s32 v17, v18  }
0xeb: {  	v12 =	vand.u32 $0x7FFFFFFF, v12;
	v18 =	vsel vm1, v17, v18;
	vm1 =	vlt.s32 v17, v24  }
0xec: {  	v31 =	vand.u32 $0x7FFFFFFF, v29;
	v29 =	vimm.s32 $0x7FFFFFFF;
	v63 =	vsub.f32 v23, v8  }
0xed: {  	v27 =	vsel vm1, v17, v24;
	v23 =	vand.u32 $0x7FFFFFFF, v22;
	vm1 =	vlt.s32 v17, v31  }
0xee: {  	s31 =	sor.u32 $0x10, s30;
	s2 =	simm.s32 $0x540;
	v24 =	vimm.s32 $0x7FFFFFFF;
	v22 =	vimm.s32 $0x7FFFFFFF;
	v30 =	vand.u32 $0x7FFFFFFF, v63  }
.LBB2_11:
0xef: {  	s10 =	sshra.s32 s2, $0x2;
	p2 =	sne.s32 s2, $0xA80;
	s2 =	sadd.s32 $0x540, s2;
	vm2 =	vlt.s32 v17, v30;
	v33 =	vand.u32 $0x7FFFFFFF, v33;
	v34 =	vand.u32 $0x7FFFFFFF, v34  }
0xf0: {  	v24 =	vsel vm0, v24, v26;
	v26 =	vsel vm1, v29, v31;
	v35 =	vld.idx.msk [tilespmem:v10+s10+$0x4030 ss:$0x1], $0xffff;
	vm0 =	vlt.s32 v22, v33  }
0xf1: {  	v19 =	vand.u32 $0x7FFFFFFF, v19;
	v31 =	vand.u32 $0x7FFFFFFF, v32;
	v29 =	vld.idx.msk [tilespmem:v10+s10+$0x3FF0 ss:$0x1], $0xffff;
	v22 =	vsel vm0, v22, v33  }
0xf2: {  	v28 =	vand.u32 $0x7FFFFFFF, v28;
	v17 =	vsel vm2, v17, v30;
	v32 =	vld.idx.msk [tilespmem:v10+s10+$0x4000 ss:$0x1], $0xffff;
	vm0 =	vlt.s32 v22, v19  }
0xf3: {  	vm1 =	vlt.s32 v17, v34;
	v33 =	vand.u32 $0x7FFFFFFF, v21;
	v30 =	vld.idx.msk [tilespmem:v10+s10+$0x4010 ss:$0x1], $0xffff;
	v19 =	vsel vm0, v22, v19  }
0xf4: {  	vm2 =	vlt.s32 v27, v28;
	vm0 =	vlt.s32 v26, v16;
	v21 =	vld.idx.msk [tilespmem:v10+s10+$0x3FD0 ss:$0x1], $0xffff;
	vm3 =	vlt.s32 v19, v15  }
0xf5: {  	v25 =	vand.u32 $0x7FFFFFFF, v25;
	v27 =	vsel vm2, v27, v28;
	v36 =	vld.idx.msk [tilespmem:v10+s10+$0x3F90 ss:$0x1], $0xffff;
	v22 =	vsel vm3, v19, v15  }
0xf6: {  	v17 =	vsel vm1, v17, v34;
	vm1 =	vlt.s32 v24, v14;
	vm2 =	vlt.s32 v27, v25;
	v15 =	vld.idx.msk [tilespmem:v10+s10+$0x3FA0 ss:$0x1], $0xffff  }
0xf7: {  	v14 =	vsel vm1, v24, v14;
	vm1 =	vlt.s32 v17, v31;
	v19 =	vsel vm2, v27, v25;
	v28 =	vld.idx.msk [tilespmem:v10+s10+$0x3FB0 ss:$0x1], $0xffff  }
0xf8: {  	v17 =	vsel vm1, v17, v31;
	vm1 =	vlt.s32 v14, v13;
	v25 =	vsub.f32 v29, v8;
	v27 =	vld.idx.msk [tilespmem:v10+s10+$0x4020 ss:$0x1], $0xffff  }
0xf9: {  	v24 =	vsel vm1, v14, v13;
	vm1 =	vlt.s32 v19, v23;
	v29 =	vsub.f32 v30, v8;
	v30 =	vld.idx.msk [tilespmem:v10+s10+$0x4040 ss:$0x1], $0xffff  }
0xfa: {  	v13 =	vsub.f32 v32, v8;
	v23 =	vsel vm1, v19, v23;
	v34 =	vsub.f32 v21, v8;
	v31 =	vld.idx.msk [tilespmem:v10+s10+$0x3F30 ss:$0x1], $0xffff  }
0xfb: {  	v14 =	vand.u32 $0x7FFFFFFF, v20;
	v20 =	vsel vm0, v26, v16;
	vm0 =	vlt.s32 v17, v12;
	v32 =	vld.idx.msk [tilespmem:v10+s10+$0x3F10 ss:$0x1], $0xffff  }
0xfc: {  	v17 =	vsel vm0, v17, v12;
	vm1 =	vlt.s32 v18, v14;
	v16 =	vsub.f32 v36, v8;
	v37 =	vld.idx.msk [tilespmem:v10+s10+$0x3F20 ss:$0x1], $0xffff  }
0xfd: {  	v18 =	vsel vm1, v18, v14;
	v19 =	vsub.f32 v15, v8;
	v15 =	vand.u32 $0x7FFFFFFF, v13;
	v36 =	vld.idx.msk [tilespmem:v10+s10+$0x3F50 ss:$0x1], $0xffff  }
0xfe: {  	v14 =	vand.u32 $0x7FFFFFFF, v16;
	v16 =	vsub.f32 v28, v8;
	v12 =	vsub.f32 v27, v8;
	v38 =	vld.idx.msk [tilespmem:v10+s10+$0x3F70 ss:$0x1], $0xffff  }
0xff: {  	vm1 =	vlt.s32 v20, v9;
	v21 =	vsub.f32 v35, v8;
	v13 =	vand.u32 $0x7FFFFFFF, v25;
	v39 =	vld.idx.msk [tilespmem:v10+s10+$0x3F60 ss:$0x1], $0xffff  }
0x100: {  	vm0 =	vlt.s32 v18, v11;
	v25 =	vsub.f32 v31, v8;
	v12 =	vand.u32 $0x7FFFFFFF, v12;
	v27 =	vld.idx.msk [tilespmem:v10+s10+$0x3FE0 ss:$0x1], $0xffff  }
0x101: {  	v18 =	vsel vm0, v18, v11;
	v11 =	vand.u32 $0x7FFFFFFF, v34;
	v31 =	vand.u32 $0x7FFFFFFF, v29;
	v28 =	vld.idx.msk [tilespmem:v10+s10+$0x3F80 ss:$0x1], $0xffff  }
0x102: {  	vm2 =	vlt.s32 v18, v33;
	v29 =	vsub.f32 v32, v8;
	v26 =	vand.u32 $0x7FFFFFFF, v25;
	v34 =	vld.idx.msk [tilespmem:v10+s10+$0x3F00 ss:$0x1], $0xffff  }
0x103: {  	v18 =	vsel vm2, v18, v33;
	v16 =	vand.u32 $0x7FFFFFFF, v16;
	vm0 =	vlt.s32 v24, v26;
	v32 =	vld.idx.msk [tilespmem:v10+s10+$0x3F40 ss:$0x1], $0xffff  }
0x104: {  	v33 =	vsub.f32 v37, v8;
	v25 =	vand.u32 $0x7FFFFFFF, v29;
	v29 =	vsel vm1, v20, v9;
	v9 =	vmovc v31;
	v35 =	vld.idx.msk [tilespmem:v10+s10+$0x3FC0 ss:$0x1], $0xffff  }
0x105: {  	v30 =	vsub.f32 v30, v8;
	vm1 =	vlt.s32 v18, v25;
	v20 =	vsub.f32 v38, v8  }
.Ltmp6:
0x106: {  	v31 =	vand.u32 $0x7FFFFFFF, v33;
	v18 =	vsel vm1, v18, v25;
	v25 =	vsub.f32 v27, v8;
	(pc) =	sbr.rel @p2 .LBB2_11-.Ltmp6, $4  }
0x107: {  	v36 =	vsub.f32 v36, v8;
	vm1 =	vlt.s32 v23, v31;
	v28 =	vsub.f32 v28, v8  }
0x108: {  	v27 =	vsel vm1, v23, v31;
	v23 =	vand.u32 $0x7FFFFFFF, v30;
	v37 =	vsub.f32 v34, v8  }
0x109: {  	v31 =	vand.u32 $0x7FFFFFFF, v36;
	v34 =	vsub.f32 v39, v8;
	v33 =	vsub.f32 v32, v8  }
0x10a: {  	vm1 =	vlt.s32 v29, v31;
	v30 =	vand.u32 $0x7FFFFFFF, v37;
	v32 =	vsub.f32 v35, v8  }
0x10b: {  	vm2 =	vlt.s32 v17, v30;
	v10 =	vand.u32 $0x7FFFFFFF, v33;
	v54 =	vand.u32 $0x7FFFFFFF, v34  }
0x10c: {  	v24 =	vsel vm0, v24, v26;
	v55 =	vsel vm1, v29, v31;
	v19 =	vand.u32 $0x7FFFFFFF, v19  }
0x10d: {  	v28 =	vand.u32 $0x7FFFFFFF, v28;
	v57 =	vand.u32 $0x7FFFFFFF, v21;
	v25 =	vand.u32 $0x7FFFFFFF, v25  }
0x10e: {  	v60 =	vand.u32 $0x7FFFFFFF, v20;
	vm12 =	vlt.s32 v22, v10;
	v56 =	vand.u32 $0x7FFFFFFF, v32  }
0x10f: {  	v17 =	vsel vm2, v17, v30;
	vm14 =	vlt.s32 v27, v28;
	vm15 =	vlt.s32 v55, v16  }
0x110: {  	vm6 =	vlt.s32 v24, v14;
	vm8 =	vlt.s32 v18, v60;
	v10 =	vsel vm12, v22, v10  }
0x111: {  	vm13 =	vlt.s32 v17, v54;
	v58 =	vsel vm14, v27, v28;
	v14 =	vsel vm6, v24, v14  }
0x112: {  	v16 =	vsel vm15, v55, v16;
	vm0 =	vlt.s32 v10, v19;
	v59 =	vsel vm13, v17, v54  }
0x113: {  	vm7 =	vlt.s32 v58, v25;
	v17 =	vsel vm8, v18, v60;
	vm10 =	vlt.s32 v14, v13  }
0x114: {  	v10 =	vsel vm0, v10, v19;
	vm9 =	vlt.s32 v59, v56;
	v61 =	vsel vm7, v58, v25  }
0x115: {  	vm11 =	vlt.s32 v17, v11;
	v13 =	vsel vm10, v14, v13;
	vm3 =	vlt.s32 v10, v15  }
0x116: {  	v11 =	vsel vm11, v17, v11;
	v10 =	vsel vm3, v10, v15;
	v15 =	vsel vm9, v59, v56  }
0x117: {  	vm12 =	vlt.s32 v61, v23;
	vm1 =	vlt.s32 v11, v57;
	vm13 =	vlt.s32 v15, v12  }
0x118: {  	v62 =	vsel vm12, v61, v23;
	v11 =	vsel vm1, v11, v57;
	v12 =	vsel vm13, v15, v12  }
0x119: {  	s30 =	sadd.s32 $0x1, s30;
	vm14 =	vlt.s32 v16, v9;
	vm15 =	vlt.s32 v62, v13;
	vm1 =	vlt.s32 v12, v11  }
0x11a: {  	p2 =	sne.s32 s30, $0x8;
	v9 =	vsel vm14, v16, v9;
	v63 =	vsel vm15, v62, v13;
	v11 =	vsel vm1, v12, v11  }
.Ltmp7:
0x11b: {  	vm0 =	vlt.s32 v10, v9;
	vm1 =	vlt.s32 v11, v63;
	(pc) =	sbr.rel @p2 .LBB2_10-.Ltmp7, $4  }
0x11c: {  	v9 =	vsel vm0, v10, v9;
	v10 =	vsel vm1, v11, v63  }
0x11d: {  	s2 =	sshll.u32 s31, $0x4;
	vm0 =	vlt.s32 v10, v9  }
0x11e: {  	s2 =	sand.u32 $0x3FFFFFF0, s2;
	v9 =	vsel vm0, v10, v9  }
0x11f: {  	s29 =	sadd.s32 $0x3F0, s29;
	[tilespmem:s2+$0x7A30] =	vst v9  }
0x120: {  	_ =	swait.ge [sflag:s23], $0x1B90  }
0x121: {  	[sflag:s23] =	ssyncset.done $0x0  }
0x122: {  	s29 =	simm.s32 $0x0;
	s30 =	simm.s32 $0x0;
	[sflag:s23] =	ssyncadd.s32 $0xFFFFE470  }
.LBB2_14:
0x123: {  	v10 =	vmov s29;
	_ =	sdelay $0x3  }
0x124: {  	s2 =	simm.s32 $0x0  }
0x125: {  	v9 =	vld.idx.msk [tilespmem:v10+s2+$0x5FB0 ss:$0x1], $0xffff  }
0x126: {  	v11 =	vld.idx.msk [tilespmem:v10+s2+$0x5F70 ss:$0x1], $0xffff  }
0x127: {  	v12 =	vld.idx.msk [tilespmem:v10+s2+$0x5F80 ss:$0x1], $0xffff  }
0x128: {  	v13 =	vld.idx.msk [tilespmem:v10+s2+$0x5F90 ss:$0x1], $0xffff  }
0x129: {  	v14 =	vld.idx.msk [tilespmem:v10+s2+$0x5F50 ss:$0x1], $0xffff  }
0x12a: {  	v15 =	vld.idx.msk [tilespmem:v10+s2+$0x5F10 ss:$0x1], $0xffff  }
0x12b: {  	v16 =	vld.idx.msk [tilespmem:v10+s2+$0x5F20 ss:$0x1], $0xffff  }
0x12c: {  	v18 =	vld.idx.msk [tilespmem:v10+s2+$0x5F30 ss:$0x1], $0xffff  }
0x12d: {  	v20 =	vld.idx.msk [tilespmem:v10+s2+$0x5FA0 ss:$0x1], $0xffff  }
0x12e: {  	v22 =	vld.idx.msk [tilespmem:v10+s2+$0x5FC0 ss:$0x1], $0xffff  }
0x12f: {  	v21 =	vld.idx.msk [tilespmem:v10+s2+$0x5EB0 ss:$0x1], $0xffff  }
0x130: {  	v24 =	vld.idx.msk [tilespmem:v10+s2+$0x5EA0 ss:$0x1], $0xffff  }
0x131: {  	v30 =	vld.idx.msk [tilespmem:v10+s2+$0x5EE0 ss:$0x1], $0xffff;
	v11 =	vsub.f32 v11, v8  }
0x132: {  	v33 =	vld.idx.msk [tilespmem:v10+s2+$0x5EC0 ss:$0x1], $0xffff;
	v12 =	vsub.f32 v12, v8;
	v25 =	vsub.f32 v13, v8  }
0x133: {  	v23 =	vld.idx.msk [tilespmem:v10+s2+$0x5E90 ss:$0x1], $0xffff;
	v13 =	vsub.f32 v15, v8;
	v28 =	vsub.f32 v14, v8  }
0x134: {  	v27 =	vld.idx.msk [tilespmem:v10+s2+$0x5ED0 ss:$0x1], $0xffff;
	v19 =	vsub.f32 v16, v8;
	v16 =	vsub.f32 v21, v8  }
0x135: {  	v31 =	vld.idx.msk [tilespmem:v10+s2+$0x5F60 ss:$0x1], $0xffff;
	v18 =	vsub.f32 v18, v8;
	v21 =	vsub.f32 v9, v8  }
0x136: {  	v32 =	vld.idx.msk [tilespmem:v10+s2+$0x5F00 ss:$0x1], $0xffff;
	v24 =	vsub.f32 v24, v8;
	v22 =	vsub.f32 v22, v8  }
0x137: {  	v17 =	vimm.s32 $0x7FFFFFFF;
	v35 =	vld.idx.msk [tilespmem:v10+s2+$0x5F40 ss:$0x1], $0xffff;
	v33 =	vsub.f32 v33, v8;
	v34 =	vsub.f32 v30, v8  }
0x138: {  	v29 =	vld.idx.msk [tilespmem:v10+s2+$0x5EF0 ss:$0x1], $0xffff;
	v15 =	vand.u32 $0x7FFFFFFF, v12;
	v14 =	vand.u32 $0x7FFFFFFF, v13;
	v12 =	vsub.f32 v20, v8  }
0x139: {  	v13 =	vand.u32 $0x7FFFFFFF, v11;
	v20 =	vsub.f32 v23, v8;
	v26 =	vand.u32 $0x7FFFFFFF, v16  }
0x13a: {  	v11 =	vand.u32 $0x7FFFFFFF, v28;
	v9 =	vand.u32 $0x7FFFFFFF, v25;
	v23 =	vld.idx.msk [tilespmem:v10+s2+$0x5E80 ss:$0x1], $0xffff;
	v16 =	vand.u32 $0x7FFFFFFF, v18  }
0x13b: {  	v24 =	vand.u32 $0x7FFFFFFF, v24;
	v25 =	vsub.f32 v31, v8;
	v28 =	vsub.f32 v32, v8  }
0x13c: {  	v32 =	vsub.f32 v35, v8;
	vm0 =	vlt.s32 v17, v26;
	v18 =	vand.u32 $0x7FFFFFFF, v20  }
0x13d: {  	v20 =	vsub.f32 v29, v8;
	v29 =	vsub.f32 v27, v8;
	vm1 =	vlt.s32 v17, v18  }
0x13e: {  	v12 =	vand.u32 $0x7FFFFFFF, v12;
	v18 =	vsel vm1, v17, v18;
	vm1 =	vlt.s32 v17, v24  }
0x13f: {  	v31 =	vand.u32 $0x7FFFFFFF, v29;
	v29 =	vimm.s32 $0x7FFFFFFF;
	v63 =	vsub.f32 v23, v8  }
0x140: {  	v27 =	vsel vm1, v17, v24;
	v23 =	vand.u32 $0x7FFFFFFF, v22;
	vm1 =	vlt.s32 v17, v31  }
0x141: {  	s31 =	sor.u32 $0x18, s30;
	s2 =	simm.s32 $0x540;
	v24 =	vimm.s32 $0x7FFFFFFF;
	v22 =	vimm.s32 $0x7FFFFFFF;
	v30 =	vand.u32 $0x7FFFFFFF, v63  }
.LBB2_15:
0x142: {  	s10 =	sshra.s32 s2, $0x2;
	p2 =	sne.s32 s2, $0xA80;
	s2 =	sadd.s32 $0x540, s2;
	vm2 =	vlt.s32 v17, v30;
	v33 =	vand.u32 $0x7FFFFFFF, v33;
	v34 =	vand.u32 $0x7FFFFFFF, v34  }
0x143: {  	v24 =	vsel vm0, v24, v26;
	v26 =	vsel vm1, v29, v31;
	v35 =	vld.idx.msk [tilespmem:v10+s10+$0x5FB0 ss:$0x1], $0xffff;
	vm0 =	vlt.s32 v22, v33  }
0x144: {  	v19 =	vand.u32 $0x7FFFFFFF, v19;
	v31 =	vand.u32 $0x7FFFFFFF, v32;
	v29 =	vld.idx.msk [tilespmem:v10+s10+$0x5F70 ss:$0x1], $0xffff;
	v22 =	vsel vm0, v22, v33  }
0x145: {  	v28 =	vand.u32 $0x7FFFFFFF, v28;
	v17 =	vsel vm2, v17, v30;
	v32 =	vld.idx.msk [tilespmem:v10+s10+$0x5F80 ss:$0x1], $0xffff;
	vm0 =	vlt.s32 v22, v19  }
0x146: {  	vm1 =	vlt.s32 v17, v34;
	v33 =	vand.u32 $0x7FFFFFFF, v21;
	v30 =	vld.idx.msk [tilespmem:v10+s10+$0x5F90 ss:$0x1], $0xffff;
	v19 =	vsel vm0, v22, v19  }
0x147: {  	vm2 =	vlt.s32 v27, v28;
	vm0 =	vlt.s32 v26, v16;
	v21 =	vld.idx.msk [tilespmem:v10+s10+$0x5F50 ss:$0x1], $0xffff;
	vm3 =	vlt.s32 v19, v15  }
0x148: {  	v25 =	vand.u32 $0x7FFFFFFF, v25;
	v27 =	vsel vm2, v27, v28;
	v36 =	vld.idx.msk [tilespmem:v10+s10+$0x5F10 ss:$0x1], $0xffff;
	v22 =	vsel vm3, v19, v15  }
0x149: {  	v17 =	vsel vm1, v17, v34;
	vm1 =	vlt.s32 v24, v14;
	vm2 =	vlt.s32 v27, v25;
	v15 =	vld.idx.msk [tilespmem:v10+s10+$0x5F20 ss:$0x1], $0xffff  }
0x14a: {  	v14 =	vsel vm1, v24, v14;
	vm1 =	vlt.s32 v17, v31;
	v19 =	vsel vm2, v27, v25;
	v28 =	vld.idx.msk [tilespmem:v10+s10+$0x5F30 ss:$0x1], $0xffff  }
0x14b: {  	v17 =	vsel vm1, v17, v31;
	vm1 =	vlt.s32 v14, v13;
	v25 =	vsub.f32 v29, v8;
	v27 =	vld.idx.msk [tilespmem:v10+s10+$0x5FA0 ss:$0x1], $0xffff  }
0x14c: {  	v24 =	vsel vm1, v14, v13;
	vm1 =	vlt.s32 v19, v23;
	v29 =	vsub.f32 v30, v8;
	v30 =	vld.idx.msk [tilespmem:v10+s10+$0x5FC0 ss:$0x1], $0xffff  }
0x14d: {  	v13 =	vsub.f32 v32, v8;
	v23 =	vsel vm1, v19, v23;
	v34 =	vsub.f32 v21, v8;
	v31 =	vld.idx.msk [tilespmem:v10+s10+$0x5EB0 ss:$0x1], $0xffff  }
0x14e: {  	v14 =	vand.u32 $0x7FFFFFFF, v20;
	v20 =	vsel vm0, v26, v16;
	vm0 =	vlt.s32 v17, v12;
	v32 =	vld.idx.msk [tilespmem:v10+s10+$0x5E90 ss:$0x1], $0xffff  }
0x14f: {  	v17 =	vsel vm0, v17, v12;
	vm1 =	vlt.s32 v18, v14;
	v16 =	vsub.f32 v36, v8;
	v37 =	vld.idx.msk [tilespmem:v10+s10+$0x5EA0 ss:$0x1], $0xffff  }
0x150: {  	v18 =	vsel vm1, v18, v14;
	v19 =	vsub.f32 v15, v8;
	v15 =	vand.u32 $0x7FFFFFFF, v13;
	v36 =	vld.idx.msk [tilespmem:v10+s10+$0x5ED0 ss:$0x1], $0xffff  }
0x151: {  	v14 =	vand.u32 $0x7FFFFFFF, v16;
	v16 =	vsub.f32 v28, v8;
	v12 =	vsub.f32 v27, v8;
	v38 =	vld.idx.msk [tilespmem:v10+s10+$0x5EF0 ss:$0x1], $0xffff  }
0x152: {  	vm1 =	vlt.s32 v20, v9;
	v21 =	vsub.f32 v35, v8;
	v13 =	vand.u32 $0x7FFFFFFF, v25;
	v39 =	vld.idx.msk [tilespmem:v10+s10+$0x5EE0 ss:$0x1], $0xffff  }
0x153: {  	vm0 =	vlt.s32 v18, v11;
	v25 =	vsub.f32 v31, v8;
	v12 =	vand.u32 $0x7FFFFFFF, v12;
	v27 =	vld.idx.msk [tilespmem:v10+s10+$0x5F60 ss:$0x1], $0xffff  }
0x154: {  	v18 =	vsel vm0, v18, v11;
	v11 =	vand.u32 $0x7FFFFFFF, v34;
	v31 =	vand.u32 $0x7FFFFFFF, v29;
	v28 =	vld.idx.msk [tilespmem:v10+s10+$0x5F00 ss:$0x1], $0xffff  }
0x155: {  	vm2 =	vlt.s32 v18, v33;
	v29 =	vsub.f32 v32, v8;
	v26 =	vand.u32 $0x7FFFFFFF, v25;
	v34 =	vld.idx.msk [tilespmem:v10+s10+$0x5E80 ss:$0x1], $0xffff  }
0x156: {  	v18 =	vsel vm2, v18, v33;
	v16 =	vand.u32 $0x7FFFFFFF, v16;
	vm0 =	vlt.s32 v24, v26;
	v32 =	vld.idx.msk [tilespmem:v10+s10+$0x5EC0 ss:$0x1], $0xffff  }
0x157: {  	v33 =	vsub.f32 v37, v8;
	v25 =	vand.u32 $0x7FFFFFFF, v29;
	v29 =	vsel vm1, v20, v9;
	v9 =	vmovc v31;
	v35 =	vld.idx.msk [tilespmem:v10+s10+$0x5F40 ss:$0x1], $0xffff  }
0x158: {  	v30 =	vsub.f32 v30, v8;
	vm1 =	vlt.s32 v18, v25;
	v20 =	vsub.f32 v38, v8  }
.Ltmp8:
0x159: {  	v31 =	vand.u32 $0x7FFFFFFF, v33;
	v18 =	vsel vm1, v18, v25;
	v25 =	vsub.f32 v27, v8;
	(pc) =	sbr.rel @p2 .LBB2_15-.Ltmp8, $4  }
0x15a: {  	v36 =	vsub.f32 v36, v8;
	vm1 =	vlt.s32 v23, v31;
	v28 =	vsub.f32 v28, v8  }
0x15b: {  	v27 =	vsel vm1, v23, v31;
	v23 =	vand.u32 $0x7FFFFFFF, v30;
	v37 =	vsub.f32 v34, v8  }
0x15c: {  	v31 =	vand.u32 $0x7FFFFFFF, v36;
	v34 =	vsub.f32 v39, v8;
	v33 =	vsub.f32 v32, v8  }
0x15d: {  	vm1 =	vlt.s32 v29, v31;
	v30 =	vand.u32 $0x7FFFFFFF, v37;
	v32 =	vsub.f32 v35, v8  }
0x15e: {  	vm2 =	vlt.s32 v17, v30;
	v10 =	vand.u32 $0x7FFFFFFF, v33;
	v54 =	vand.u32 $0x7FFFFFFF, v34  }
0x15f: {  	v24 =	vsel vm0, v24, v26;
	v55 =	vsel vm1, v29, v31;
	v19 =	vand.u32 $0x7FFFFFFF, v19  }
0x160: {  	v28 =	vand.u32 $0x7FFFFFFF, v28;
	v57 =	vand.u32 $0x7FFFFFFF, v21;
	v25 =	vand.u32 $0x7FFFFFFF, v25  }
0x161: {  	v60 =	vand.u32 $0x7FFFFFFF, v20;
	vm12 =	vlt.s32 v22, v10;
	v56 =	vand.u32 $0x7FFFFFFF, v32  }
0x162: {  	v17 =	vsel vm2, v17, v30;
	vm14 =	vlt.s32 v27, v28;
	vm15 =	vlt.s32 v55, v16  }
0x163: {  	vm6 =	vlt.s32 v24, v14;
	vm8 =	vlt.s32 v18, v60;
	v10 =	vsel vm12, v22, v10  }
0x164: {  	vm13 =	vlt.s32 v17, v54;
	v58 =	vsel vm14, v27, v28;
	v14 =	vsel vm6, v24, v14  }
0x165: {  	v16 =	vsel vm15, v55, v16;
	vm0 =	vlt.s32 v10, v19;
	v59 =	vsel vm13, v17, v54  }
0x166: {  	vm7 =	vlt.s32 v58, v25;
	v17 =	vsel vm8, v18, v60;
	vm10 =	vlt.s32 v14, v13  }
0x167: {  	v10 =	vsel vm0, v10, v19;
	vm9 =	vlt.s32 v59, v56;
	v61 =	vsel vm7, v58, v25  }
0x168: {  	vm11 =	vlt.s32 v17, v11;
	v13 =	vsel vm10, v14, v13;
	vm3 =	vlt.s32 v10, v15  }
0x169: {  	v11 =	vsel vm11, v17, v11;
	v10 =	vsel vm3, v10, v15;
	v15 =	vsel vm9, v59, v56  }
0x16a: {  	vm12 =	vlt.s32 v61, v23;
	vm1 =	vlt.s32 v11, v57;
	vm13 =	vlt.s32 v15, v12  }
0x16b: {  	v62 =	vsel vm12, v61, v23;
	v11 =	vsel vm1, v11, v57;
	v12 =	vsel vm13, v15, v12  }
0x16c: {  	s30 =	sadd.s32 $0x1, s30;
	vm14 =	vlt.s32 v16, v9;
	vm15 =	vlt.s32 v62, v13;
	vm1 =	vlt.s32 v12, v11  }
0x16d: {  	p2 =	sne.s32 s30, $0x7;
	v9 =	vsel vm14, v16, v9;
	v63 =	vsel vm15, v62, v13;
	v11 =	vsel vm1, v12, v11  }
.Ltmp9:
0x16e: {  	vm0 =	vlt.s32 v10, v9;
	vm1 =	vlt.s32 v11, v63;
	(pc) =	sbr.rel @p2 .LBB2_14-.Ltmp9, $4  }
0x16f: {  	v9 =	vsel vm0, v10, v9;
	v10 =	vsel vm1, v11, v63  }
0x170: {  	s2 =	sshll.u32 s31, $0x4;
	vm0 =	vlt.s32 v10, v9  }
0x171: {  	s2 =	sand.u32 $0x3FFFFFF0, s2;
	v9 =	vsel vm0, v10, v9  }
0x172: {  	s29 =	sadd.s32 $0x3F0, s29;
	[tilespmem:s2+$0x7A30] =	vst v9  }
0x173: {  	v9 =	vld [tilespmem:$0x7A30]  }
0x174: {  	v10 =	vld [tilespmem:$0x7A40];
	_ =	sdelay $0x1  }
0x175: {  	v11 =	vld [tilespmem:$0x7A50];
	_ =	sdelay $0x1  }
0x176: {  	v12 =	vld [tilespmem:$0x7A60]  }
0x177: {  	vm0 =	vlt.s32 v9, v10  }
0x178: {  	v40 =	vld [tilespmem:$0x7A70];
	v9 =	vsel vm0, v9, v10  }
0x179: {  	vm0 =	vlt.s32 v9, v11  }
0x17a: {  	v41 =	vld [tilespmem:$0x7A80];
	v9 =	vsel vm0, v9, v11  }
0x17b: {  	vm0 =	vlt.s32 v9, v12  }
0x17c: {  	v42 =	vld [tilespmem:$0x7A90];
	v9 =	vsel vm0, v9, v12  }
0x17d: {  	vm0 =	vlt.s32 v9, v40  }
0x17e: {  	v43 =	vld [tilespmem:$0x7AA0];
	v9 =	vsel vm0, v9, v40  }
0x17f: {  	vm0 =	vlt.s32 v9, v41  }
0x180: {  	v44 =	vld [tilespmem:$0x7AB0];
	v9 =	vsel vm0, v9, v41  }
0x181: {  	vm0 =	vlt.s32 v9, v42  }
0x182: {  	v45 =	vld [tilespmem:$0x7AC0];
	v9 =	vsel vm0, v9, v42  }
0x183: {  	vm0 =	vlt.s32 v9, v43  }
0x184: {  	v46 =	vld [tilespmem:$0x7AD0];
	v9 =	vsel vm0, v9, v43  }
0x185: {  	vm0 =	vlt.s32 v9, v44  }
0x186: {  	v47 =	vld [tilespmem:$0x7AE0];
	v9 =	vsel vm0, v9, v44  }
0x187: {  	vm0 =	vlt.s32 v9, v45  }
0x188: {  	v48 =	vld [tilespmem:$0x7AF0];
	v9 =	vsel vm0, v9, v45  }
0x189: {  	vm0 =	vlt.s32 v9, v46  }
0x18a: {  	v49 =	vld [tilespmem:$0x7B00];
	v9 =	vsel vm0, v9, v46  }
0x18b: {  	vm0 =	vlt.s32 v9, v47  }
0x18c: {  	v50 =	vld [tilespmem:$0x7B10];
	v9 =	vsel vm0, v9, v47  }
0x18d: {  	vm0 =	vlt.s32 v9, v48  }
0x18e: {  	v51 =	vld [tilespmem:$0x7B20];
	v9 =	vsel vm0, v9, v48  }
0x18f: {  	vm0 =	vlt.s32 v9, v49  }
0x190: {  	v52 =	vld [tilespmem:$0x7B30];
	v9 =	vsel vm0, v9, v49  }
0x191: {  	vm0 =	vlt.s32 v9, v50  }
0x192: {  	v53 =	vld [tilespmem:$0x7B40];
	v9 =	vsel vm0, v9, v50  }
0x193: {  	vm0 =	vlt.s32 v9, v51  }
0x194: {  	v54 =	vld [tilespmem:$0x7B50];
	v9 =	vsel vm0, v9, v51  }
0x195: {  	vm0 =	vlt.s32 v9, v52  }
0x196: {  	v55 =	vld [tilespmem:$0x7B60];
	v9 =	vsel vm0, v9, v52  }
0x197: {  	vm0 =	vlt.s32 v9, v53  }
0x198: {  	v56 =	vld [tilespmem:$0x7B70];
	v9 =	vsel vm0, v9, v53  }
0x199: {  	vm0 =	vlt.s32 v9, v54  }
0x19a: {  	v57 =	vld [tilespmem:$0x7B80];
	v9 =	vsel vm0, v9, v54  }
0x19b: {  	vm0 =	vlt.s32 v9, v55  }
0x19c: {  	v58 =	vld [tilespmem:$0x7B90];
	v9 =	vsel vm0, v9, v55  }
0x19d: {  	vm0 =	vlt.s32 v9, v56  }
0x19e: {  	v59 =	vld [tilespmem:$0x7BA0];
	v9 =	vsel vm0, v9, v56  }
0x19f: {  	vm0 =	vlt.s32 v9, v57  }
0x1a0: {  	v60 =	vld [tilespmem:$0x7BB0];
	v9 =	vsel vm0, v9, v57  }
0x1a1: {  	vm0 =	vlt.s32 v9, v58  }
0x1a2: {  	v61 =	vld [tilespmem:$0x7BC0];
	v9 =	vsel vm0, v9, v58  }
0x1a3: {  	vm0 =	vlt.s32 v9, v59  }
0x1a4: {  	v62 =	vld [tilespmem:$0x7BD0];
	v9 =	vsel vm0, v9, v59  }
0x1a5: {  	vm0 =	vlt.s32 v9, v60  }
0x1a6: {  	v63 =	vld [tilespmem:$0x7BE0];
	v9 =	vsel vm0, v9, v60  }
0x1a7: {  	vm0 =	vlt.s32 v9, v61  }
0x1a8: {  	v16 =	vld [tilespmem:$0x7BF0];
	v9 =	vsel vm0, v9, v61  }
0x1a9: {  	vm0 =	vlt.s32 v9, v62  }
0x1aa: {  	v17 =	vld [tilespmem:$0x7C00];
	v9 =	vsel vm0, v9, v62  }
0x1ab: {  	vm0 =	vlt.s32 v9, v63  }
0x1ac: {  	v18 =	vld [tilespmem:$0x7C10];
	v9 =	vsel vm0, v9, v63  }
0x1ad: {  	vm0 =	vlt.s32 v9, v16  }
0x1ae: {  	v9 =	vsel vm0, v9, v16  }
0x1af: {  	vm0 =	vlt.s32 v9, v17  }
0x1b0: {  	v9 =	vsel vm0, v9, v17  }
0x1b1: {  	vm0 =	vlt.s32 v9, v18  }
0x1b2: {  	v9 =	vsel vm0, v9, v18  }
0x1b3: {  	[tilespmem:$0x7C20] =	vst v9  }
0x1b4: {  	v19 =	vld.idx.msk [tilespmem:v2+s24+$0x0], $0xffff;
	_ =	sdelay $0x4  }
0x1b5: {  	vm0 =	vlt.s32 v9, v19  }
0x1b6: {  	v9 =	vsel vm0, v9, v19  }
0x1b7: {  	[tilespmem:$0x7C20] =	vst v9  }
0x1b8: {  	v20 =	vld.idx.msk [tilespmem:v3+s24+$0x0], $0xffff;
	_ =	sdelay $0x4  }
0x1b9: {  	vm0 =	vlt.s32 v9, v20  }
0x1ba: {  	v9 =	vsel vm0, v9, v20  }
0x1bb: {  	[tilespmem:$0x7C20] =	vst v9  }
0x1bc: {  	v21 =	vld.idx.msk [tilespmem:v4+s24+$0x0], $0xffff;
	_ =	sdelay $0x4  }
0x1bd: {  	vm0 =	vlt.s32 v9, v21  }
0x1be: {  	v9 =	vsel vm0, v9, v21  }
0x1bf: {  	[tilespmem:$0x7C20] =	vst v9  }
0x1c0: {  	v22 =	vld.idx.msk [tilespmem:v5+s24+$0x0], $0xffff;
	_ =	sdelay $0x1  }
0x1c1: {  	v23 =	vld [tilespmem:$0x7C10]  }
0x1c2: {  	v24 =	vld [tilespmem:$0x7C00]  }
0x1c3: {  	v13 =	vld [tilespmem:$0x7BF0]  }
0x1c4: {  	v14 =	vld [tilespmem:$0x7BE0];
	vm0 =	vlt.s32 v9, v22  }
0x1c5: {  	v25 =	vld [tilespmem:$0x7BD0];
	v9 =	vsel vm0, v9, v22  }
0x1c6: {  	v15 =	vld [tilespmem:$0x7BC0];
	vm0 =	veq.s32 v23, v9  }
0x1c7: {  	v26 =	vld [tilespmem:$0x7BB0];
	vm1 =	veq.s32 v24, v9;
	v27 =	vsel vm0, $0x1E, v6  }
0x1c8: {  	v16 =	vld [tilespmem:$0x7BA0];
	vm10 =	veq.s32 v13, v9;
	v12 =	vsel vm1, $0x1D, v27  }
0x1c9: {  	v28 =	vld [tilespmem:$0x7B90];
	vm11 =	veq.s32 v14, v9;
	v12 =	vsel vm10, $0x1C, v12  }
0x1ca: {  	v29 =	vld [tilespmem:$0x7B80];
	vm12 =	veq.s32 v25, v9;
	v30 =	vsel vm11, $0x1B, v12  }
0x1cb: {  	v31 =	vld [tilespmem:$0x7B70];
	vm13 =	veq.s32 v15, v9;
	v10 =	vsel vm12, $0x1A, v30  }
0x1cc: {  	v32 =	vld [tilespmem:$0x7B60];
	vm14 =	veq.s32 v26, v9;
	v10 =	vsel vm13, $0x19, v10  }
0x1cd: {  	v33 =	vld [tilespmem:$0x7B50];
	vm15 =	veq.s32 v16, v9;
	v10 =	vsel vm14, $0x18, v10  }
0x1ce: {  	v34 =	vld [tilespmem:$0x7B40];
	vm4 =	veq.s32 v28, v9;
	v10 =	vsel vm15, $0x17, v10  }
0x1cf: {  	v35 =	vld [tilespmem:$0x7B30];
	vm5 =	veq.s32 v29, v9;
	v10 =	vsel vm4, $0x16, v10  }
0x1d0: {  	v36 =	vld [tilespmem:$0x7B20];
	vm6 =	veq.s32 v31, v9;
	v10 =	vsel vm5, $0x15, v10  }
0x1d1: {  	v37 =	vld [tilespmem:$0x7B10];
	vm7 =	veq.s32 v32, v9;
	v10 =	vsel vm6, $0x14, v10  }
0x1d2: {  	v38 =	vld [tilespmem:$0x7B00];
	vm8 =	veq.s32 v33, v9;
	v10 =	vsel vm7, $0x13, v10  }
0x1d3: {  	v39 =	vld [tilespmem:$0x7AF0];
	vm9 =	veq.s32 v34, v9;
	v10 =	vsel vm8, $0x12, v10  }
0x1d4: {  	v40 =	vld [tilespmem:$0x7AE0];
	vm10 =	veq.s32 v35, v9;
	v10 =	vsel vm9, $0x11, v10  }
0x1d5: {  	v41 =	vld [tilespmem:$0x7AD0];
	vm11 =	veq.s32 v36, v9;
	v10 =	vsel vm10, $0x10, v10  }
0x1d6: {  	v42 =	vld [tilespmem:$0x7AC0];
	vm12 =	veq.s32 v37, v9;
	v10 =	vsel vm11, $0xF, v10  }
0x1d7: {  	v43 =	vld [tilespmem:$0x7AB0];
	vm13 =	veq.s32 v38, v9;
	v10 =	vsel vm12, $0xE, v10  }
0x1d8: {  	v44 =	vld [tilespmem:$0x7AA0];
	vm14 =	veq.s32 v39, v9;
	v10 =	vsel vm13, $0xD, v10  }
0x1d9: {  	v45 =	vld [tilespmem:$0x7A90];
	vm15 =	veq.s32 v40, v9;
	v10 =	vsel vm14, $0xC, v10  }
0x1da: {  	v46 =	vld [tilespmem:$0x7A80];
	vm4 =	veq.s32 v41, v9;
	v10 =	vsel vm15, $0xB, v10  }
0x1db: {  	v47 =	vld [tilespmem:$0x7A70];
	vm5 =	veq.s32 v42, v9;
	v10 =	vsel vm4, $0xA, v10  }
0x1dc: {  	v48 =	vld [tilespmem:$0x7A60];
	vm6 =	veq.s32 v43, v9;
	v10 =	vsel vm5, $0x9, v10  }
0x1dd: {  	v49 =	vld [tilespmem:$0x7A50];
	vm7 =	veq.s32 v44, v9;
	v10 =	vsel vm6, $0x8, v10  }
0x1de: {  	v50 =	vld [tilespmem:$0x7A40];
	vm8 =	veq.s32 v45, v9;
	v10 =	vsel vm7, $0x7, v10  }
0x1df: {  	v51 =	vld [tilespmem:$0x7A30];
	vm9 =	veq.s32 v46, v9;
	v10 =	vsel vm8, $0x6, v10  }
0x1e0: {  	vm10 =	veq.s32 v47, v9;
	v10 =	vsel vm9, $0x5, v10  }
0x1e1: {  	vm11 =	veq.s32 v48, v9;
	v10 =	vsel vm10, $0x4, v10  }
0x1e2: {  	vm12 =	veq.s32 v49, v9;
	v10 =	vsel vm11, $0x3, v10  }
0x1e3: {  	vm13 =	veq.s32 v50, v9;
	v10 =	vsel vm12, $0x2, v10  }
0x1e4: {  	vm14 =	veq.s32 v51, v9;
	v10 =	vsel vm13, $0x1, v10  }
0x1e5: {  	v10 =	vsel vm14, $0x0, v10  }
0x1e6: {  	[tilespmem:$0x7C20] =	vst v10  }
0x1e7: {  	v52 =	vld.idx.msk [tilespmem:v2+s24+$0x0], $0xffff;
	_ =	sdelay $0x4  }
0x1e8: {  	vm0 =	vlt.s32 v10, v52  }
0x1e9: {  	v10 =	vsel vm0, v10, v52  }
0x1ea: {  	[tilespmem:$0x7C20] =	vst v10  }
0x1eb: {  	v53 =	vld.idx.msk [tilespmem:v3+s24+$0x0], $0xffff;
	_ =	sdelay $0x4  }
0x1ec: {  	vm0 =	vlt.s32 v10, v53  }
0x1ed: {  	v10 =	vsel vm0, v10, v53  }
0x1ee: {  	[tilespmem:$0x7C20] =	vst v10  }
0x1ef: {  	v54 =	vld.idx.msk [tilespmem:v4+s24+$0x0], $0xffff;
	_ =	sdelay $0x4  }
0x1f0: {  	vm0 =	vlt.s32 v10, v54  }
0x1f1: {  	v10 =	vsel vm0, v10, v54  }
0x1f2: {  	[tilespmem:$0x7C20] =	vst v10  }
0x1f3: {  	v55 =	vld.idx.msk [tilespmem:v5+s24+$0x0], $0xffff;
	_ =	sdelay $0x4  }
0x1f4: {  	vm0 =	vlt.s32 v10, v55  }
0x1f5: {  	v10 =	vsel vm0, v10, v55  }
0x1f6: {  	v56 =	vor.u32 $0x10, v7;
	v61 =	vor.u32 $0x20, v7;
	v11 =	vmul.u32 $0x3F0, v10  }
0x1f7: {  	v62 =	vor.u32 $0x50, v7;
	v18 =	vor.u32 $0x30, v7;
	v10 =	vand.u32 $0x7, v7  }
0x1f8: {  	v60 =	vor.u32 $0xFFFFFFF8, v10;
	v57 =	vadd.s32 v56, v11;
	v59 =	vor.u32 v7, v11  }
0x1f9: {  	v16 =	vadd.s32 v61, v11;
	v58 =	vand.u32 $0xFFFFFFF8, v57;
	v15 =	vand.u32 v60, v59  }
0x1fa: {  	v18 =	vadd.s32 v18, v11;
	v17 =	vand.u32 $0xFFFFFFF8, v16;
	v13 =	vor.u32 v10, v58  }
0x1fb: {  	v20 =	vor.u32 $0x40, v7;
	v19 =	vand.u32 $0xFFFFFFF8, v18;
	v17 =	vor.u32 v10, v17  }
0x1fc: {  	v23 =	vor.u32 $0x60, v7;
	v29 =	vor.u32 $0x70, v7;
	v19 =	vor.u32 v10, v19  }
0x1fd: {  	v33 =	vor.u32 $0x80, v7;
	v36 =	vor.u32 $0x90, v7;
	v40 =	vor.u32 $0xA0, v7  }
0x1fe: {  	v43 =	vor.u32 $0xB0, v7;
	v46 =	vor.u32 $0xC0, v7;
	v48 =	vor.u32 $0xD0, v7;
	v15 =	vld.idx.msk [tilespmem:v15+s3+$0x0], $0xffff  }
0x1ff: {  	v20 =	vadd.s32 v20, v11;
	v24 =	vadd.s32 v23, v11;
	v34 =	vadd.s32 v33, v11;
	v13 =	vld.idx.msk [tilespmem:v13+s3+$0x0], $0xffff  }
0x200: {  	v37 =	vadd.s32 v36, v11;
	v47 =	vadd.s32 v46, v11;
	v21 =	vand.u32 $0xFFFFFFF8, v20;
	v17 =	vld.idx.msk [tilespmem:v17+s3+$0x0], $0xffff  }
0x201: {  	v51 =	vadd.s32 v48, v11;
	v56 =	vor.u32 $0xE0, v7;
	v21 =	vor.u32 v10, v21;
	v19 =	vld.idx.msk [tilespmem:v19+s3+$0x0], $0xffff  }
0x202: {  	v33 =	vor.u32 $0x120, v7;
	v48 =	vor.u32 $0x150, v7;
	v26 =	vand.u32 $0xFFFFFFF8, v24  }
0x203: {  	v35 =	vand.u32 $0xFFFFFFF8, v34;
	v53 =	vand.u32 $0xFFFFFFF8, v51;
	v60 =	vor.u32 $0xF0, v7  }
0x204: {  	v27 =	vor.u32 v10, v26;
	v54 =	vor.u32 v10, v53;
	v15 =	vsub.f32 v15, v8  }
0x205: {  	v61 =	vadd.s32 v60, v11;
	v13 =	vsub.f32 v13, v8;
	v17 =	vsub.f32 v17, v8  }
0x206: {  	v63 =	vld.idx.msk [tilespmem:v21+s3+$0x0], $0xffff;
	v28 =	vsub.f32 v19, v8;
	v19 =	vadd.s32 v29, v11;
	v29 =	vor.u32 $0x110, v7  }
0x207: {  	v15 =	vand.u32 $0x7FFFFFFF, v15;
	v31 =	vand.u32 $0xFFFFFFF8, v19;
	v13 =	vand.u32 $0x7FFFFFFF, v13  }
0x208: {  	v32 =	vor.u32 v10, v31;
	vm15 =	veq.s32 v9, v13;
	v13 =	vadd.s32 v62, v11  }
0x209: {  	vm4 =	veq.s32 v9, v15;
	v12 =	vnsel vm15, $0x7FFFFFFF, v57;
	v22 =	vand.u32 $0xFFFFFFF8, v13  }
0x20a: {  	v25 =	vand.u32 $0x7FFFFFFF, v17;
	vm0 =	vlt.s32 v59, v12;
	v22 =	vor.u32 v10, v22  }
0x20b: {  	v17 =	vand.u32 $0x7FFFFFFF, v28;
	v15 =	vsub.f32 v63, v8;
	v14 =	vsel vm0, v59, v12  }
0x20c: {  	v63 =	vand.u32 $0xFFFFFFF8, v61;
	vm5 =	veq.s32 v9, v25;
	v12 =	vsel vm4, v14, v12;
	v14 =	vld.idx.msk [tilespmem:v27+s3+$0x0], $0xffff  }
0x20d: {  	vm6 =	veq.s32 v9, v17;
	v25 =	vor.u32 $0x100, v7;
	v17 =	vld.idx.msk [tilespmem:v32+s3+$0x0], $0xffff;
	vm1 =	vlt.s32 v12, v16  }
0x20e: {  	v15 =	vand.u32 $0x7FFFFFFF, v15;
	v26 =	vadd.s32 v25, v11;
	v16 =	vsel vm1, v12, v16  }
0x20f: {  	v25 =	vor.u32 $0x190, v7;
	v12 =	vsel vm5, v16, v12;
	v30 =	vld.idx.msk [tilespmem:v22+s3+$0x0], $0xffff;
	v22 =	vand.u32 $0xFFFFFFF8, v37  }
0x210: {  	vm8 =	veq.s32 v9, v15;
	vm7 =	vlt.s32 v12, v18;
	v38 =	vor.u32 v10, v22  }
0x211: {  	v22 =	vadd.s32 v43, v11;
	v18 =	vsel vm7, v12, v18;
	v14 =	vsub.f32 v14, v8  }
0x212: {  	v17 =	vsub.f32 v17, v8;
	v44 =	vand.u32 $0xFFFFFFF8, v22;
	v12 =	vsel vm6, v18, v12  }
0x213: {  	v18 =	vor.u32 v10, v35;
	v45 =	vor.u32 v10, v44;
	vm9 =	vlt.s32 v12, v20  }
0x214: {  	v39 =	vand.u32 $0x7FFFFFFF, v14;
	v14 =	vadd.s32 v40, v11;
	v17 =	vand.u32 $0x7FFFFFFF, v17  }
0x215: {  	v40 =	vor.u32 $0x140, v7;
	v16 =	vsub.f32 v30, v8;
	v20 =	vsel vm9, v12, v20  }
0x216: {  	vm11 =	veq.s32 v9, v39;
	v42 =	vand.u32 $0xFFFFFFF8, v14;
	v12 =	vsel vm8, v20, v12  }
0x217: {  	vm12 =	veq.s32 v9, v17;
	v16 =	vand.u32 $0x7FFFFFFF, v16;
	vm0 =	vlt.s32 v12, v13  }
0x218: {  	v20 =	vadd.s32 v56, v11;
	vm10 =	veq.s32 v9, v16;
	v13 =	vsel vm0, v12, v13;
	v41 =	vld.idx.msk [tilespmem:v18+s3+$0x0], $0xffff  }
0x219: {  	v43 =	vadd.s32 v40, v11;
	v58 =	vand.u32 $0xFFFFFFF8, v20;
	v16 =	vld.idx.msk [tilespmem:v38+s3+$0x0], $0xffff;
	v12 =	vsel vm10, v13, v12  }
0x21a: {  	v18 =	vor.u32 v10, v42;
	v50 =	vld.idx.msk [tilespmem:v45+s3+$0x0], $0xffff;
	v59 =	vor.u32 v10, v58;
	vm1 =	vlt.s32 v12, v24  }
0x21b: {  	v38 =	vor.u32 $0x130, v7;
	v45 =	vand.u32 $0xFFFFFFF8, v43;
	v21 =	vsel vm1, v12, v24  }
0x21c: {  	v39 =	vadd.s32 v38, v11;
	v46 =	vor.u32 v10, v45;
	v12 =	vsel vm11, v21, v12  }
0x21d: {  	v21 =	vand.u32 $0xFFFFFFF8, v47;
	vm13 =	vlt.s32 v12, v19;
	v13 =	vsub.f32 v41, v8  }
0x21e: {  	v16 =	vsub.f32 v16, v8;
	v21 =	vor.u32 v10, v21;
	v19 =	vsel vm13, v12, v19  }
0x21f: {  	v18 =	vld.idx.msk [tilespmem:v18+s3+$0x0], $0xffff;
	v15 =	vsub.f32 v50, v8;
	v12 =	vsel vm12, v19, v12;
	v13 =	vand.u32 $0x7FFFFFFF, v13  }
0x220: {  	v52 =	vand.u32 $0x7FFFFFFF, v16;
	v16 =	vor.u32 v10, v63;
	vm0 =	vlt.s32 v12, v34  }
0x221: {  	v45 =	vor.u32 $0x1D0, v7;
	vm14 =	veq.s32 v9, v13;
	v13 =	vld.idx.msk [tilespmem:v54+s3+$0x0], $0xffff;
	v49 =	vsel vm0, v12, v34  }
0x222: {  	v50 =	vadd.s32 v48, v11;
	v15 =	vand.u32 $0x7FFFFFFF, v15;
	v12 =	vsel vm14, v49, v12  }
0x223: {  	vm15 =	veq.s32 v9, v52;
	vm6 =	veq.s32 v9, v15;
	v57 =	vld.idx.msk [tilespmem:v21+s3+$0x0], $0xffff;
	vm1 =	vlt.s32 v12, v37  }
0x224: {  	v52 =	vor.u32 $0x160, v7;
	v18 =	vsub.f32 v18, v8;
	v55 =	vsel vm1, v12, v37  }
0x225: {  	v53 =	vadd.s32 v52, v11;
	v21 =	vand.u32 $0xFFFFFFF8, v50;
	v30 =	vld.idx.msk [tilespmem:v16+s3+$0x0], $0xffff;
	v12 =	vsel vm15, v55, v12  }
0x226: {  	v18 =	vand.u32 $0x7FFFFFFF, v18;
	v13 =	vsub.f32 v13, v8;
	vm5 =	vlt.s32 v12, v14  }
0x227: {  	vm4 =	veq.s32 v9, v18;
	v18 =	vld.idx.msk [tilespmem:v59+s3+$0x0], $0xffff;
	v55 =	vand.u32 $0xFFFFFFF8, v53;
	v14 =	vsel vm5, v12, v14  }
0x228: {  	v62 =	vsub.f32 v57, v8;
	v13 =	vand.u32 $0x7FFFFFFF, v13;
	v57 =	vor.u32 $0x170, v7  }
0x229: {  	v12 =	vsel vm4, v14, v12;
	vm9 =	veq.s32 v9, v13;
	v58 =	vadd.s32 v57, v11  }
0x22a: {  	vm7 =	vlt.s32 v12, v22;
	v15 =	vand.u32 $0x7FFFFFFF, v62;
	v13 =	vsub.f32 v30, v8  }
0x22b: {  	v24 =	vsel vm7, v12, v22;
	v22 =	vand.u32 $0xFFFFFFF8, v26;
	vm8 =	veq.s32 v9, v15  }
0x22c: {  	v15 =	vadd.s32 v29, v11;
	v31 =	vsub.f32 v18, v8;
	v12 =	vsel vm6, v24, v12  }
0x22d: {  	v28 =	vor.u32 v10, v22;
	v32 =	vand.u32 $0xFFFFFFF8, v15;
	vm0 =	vlt.s32 v12, v47  }
0x22e: {  	v22 =	vadd.s32 v33, v11;
	v18 =	vor.u32 v10, v32;
	v27 =	vsel vm0, v12, v47  }
0x22f: {  	v13 =	vand.u32 $0x7FFFFFFF, v13;
	v33 =	vor.u32 $0x1B0, v7;
	v12 =	vsel vm8, v27, v12  }
0x230: {  	v35 =	vand.u32 $0xFFFFFFF8, v22;
	vm12 =	veq.s32 v9, v13;
	v13 =	vld.idx.msk [tilespmem:v46+s3+$0x0], $0xffff;
	vm1 =	vlt.s32 v12, v51  }
0x231: {  	v16 =	vand.u32 $0x7FFFFFFF, v31;
	v36 =	vor.u32 v10, v35;
	v17 =	vsel vm1, v12, v51  }
0x232: {  	v31 =	vor.u32 $0x1A0, v7;
	v46 =	vadd.s32 v45, v11;
	v34 =	vld.idx.msk [tilespmem:v28+s3+$0x0], $0xffff;
	v12 =	vsel vm9, v17, v12  }
0x233: {  	vm10 =	veq.s32 v9, v16;
	v32 =	vadd.s32 v31, v11;
	v18 =	vld.idx.msk [tilespmem:v18+s3+$0x0], $0xffff;
	vm11 =	vlt.s32 v12, v20  }
0x234: {  	v48 =	vand.u32 $0xFFFFFFF8, v46;
	v37 =	vsel vm11, v12, v20;
	v20 =	vand.u32 $0xFFFFFFF8, v39  }
0x235: {  	v13 =	vsub.f32 v13, v8;
	v12 =	vsel vm10, v37, v12;
	v20 =	vor.u32 v10, v20  }
0x236: {  	v51 =	vor.u32 v10, v21;
	v42 =	vld.idx.msk [tilespmem:v36+s3+$0x0], $0xffff;
	v36 =	vadd.s32 v33, v11;
	vm0 =	vlt.s32 v12, v61  }
0x237: {  	v13 =	vand.u32 $0x7FFFFFFF, v13;
	v17 =	vsub.f32 v34, v8;
	v41 =	vsel vm0, v12, v61  }
0x238: {  	v38 =	vand.u32 $0xFFFFFFF8, v36;
	v18 =	vsub.f32 v18, v8;
	v12 =	vsel vm12, v41, v12  }
0x239: {  	v44 =	vand.u32 $0x7FFFFFFF, v17;
	v17 =	vor.u32 v10, v55;
	vm1 =	vlt.s32 v12, v26  }
0x23a: {  	vm13 =	veq.s32 v9, v44;
	v18 =	vand.u32 $0x7FFFFFFF, v18;
	v47 =	vsel vm1, v12, v26;
	v49 =	vld.idx.msk [tilespmem:v20+s3+$0x0], $0xffff  }
0x23b: {  	v14 =	vsub.f32 v42, v8;
	vm14 =	veq.s32 v9, v18;
	v18 =	vld.idx.msk [tilespmem:v51+s3+$0x0], $0xffff;
	v12 =	vsel vm13, v47, v12  }
0x23c: {  	vm7 =	veq.s32 v9, v13;
	v61 =	vor.u32 $0x180, v7;
	vm15 =	vlt.s32 v12, v15  }
0x23d: {  	v41 =	vor.u32 $0x1C0, v7;
	v14 =	vand.u32 $0x7FFFFFFF, v14;
	v15 =	vsel vm15, v12, v15  }
0x23e: {  	v20 =	vand.u32 $0xFFFFFFF8, v32;
	vm4 =	veq.s32 v9, v14;
	v12 =	vsel vm14, v15, v12  }
0x23f: {  	v20 =	vor.u32 v10, v20;
	v62 =	vld.idx.msk [tilespmem:v17+s3+$0x0], $0xffff;
	vm5 =	vlt.s32 v12, v22;
	v54 =	vsub.f32 v49, v8  }
0x240: {  	v63 =	vsub.f32 v18, v8;
	v56 =	vsel vm5, v12, v22;
	v22 =	vand.u32 $0xFFFFFFF8, v58  }
0x241: {  	v12 =	vsel vm4, v56, v12;
	v15 =	vand.u32 $0x7FFFFFFF, v54;
	v60 =	vor.u32 v10, v22  }
0x242: {  	v22 =	vadd.s32 v25, v11;
	v26 =	vand.u32 $0x7FFFFFFF, v63;
	v54 =	vor.u32 $0x1F0, v7  }
0x243: {  	vm0 =	vlt.s32 v12, v39;
	vm6 =	veq.s32 v9, v15;
	v15 =	vadd.s32 v61, v11  }
0x244: {  	v42 =	vld.idx.msk [tilespmem:v20+s3+$0x0], $0xffff;
	v28 =	vand.u32 $0xFFFFFFF8, v22;
	vm8 =	veq.s32 v9, v26;
	v13 =	vsub.f32 v62, v8  }
0x245: {  	v26 =	vor.u32 $0x220, v7;
	v59 =	vsel vm0, v12, v39;
	v24 =	vand.u32 $0xFFFFFFF8, v15  }
0x246: {  	v29 =	vor.u32 v10, v28;
	v39 =	vor.u32 v10, v38;
	v38 =	vor.u32 $0x240, v7  }
0x247: {  	v12 =	vsel vm6, v59, v12;
	v18 =	vor.u32 v10, v24;
	v13 =	vand.u32 $0x7FFFFFFF, v13  }
0x248: {  	v24 =	vor.u32 $0x210, v7;
	vm1 =	vlt.s32 v12, v43;
	vm10 =	veq.s32 v9, v13  }
0x249: {  	v47 =	vsub.f32 v42, v8;
	v25 =	vadd.s32 v24, v11;
	v16 =	vsel vm1, v12, v43;
	v27 =	vld.idx.msk [tilespmem:v60+s3+$0x0], $0xffff  }
0x24a: {  	v43 =	vadd.s32 v41, v11;
	v20 =	vand.u32 $0xFFFFFFF8, v25;
	v12 =	vsel vm7, v16, v12  }
0x24b: {  	v21 =	vand.u32 $0xFFFFFFF8, v43;
	v20 =	vor.u32 v10, v20;
	vm9 =	vlt.s32 v12, v50;
	v35 =	vld.idx.msk [tilespmem:v29+s3+$0x0], $0xffff  }
0x24c: {  	v44 =	vor.u32 v10, v21;
	v13 =	vld.idx.msk [tilespmem:v39+s3+$0x0], $0xffff;
	v29 =	vadd.s32 v26, v11;
	v30 =	vsel vm9, v12, v50  }
0x24d: {  	v39 =	vadd.s32 v38, v11;
	v26 =	vor.u32 $0x2A0, v7;
	v12 =	vsel vm8, v30, v12  }
0x24e: {  	v18 =	vld.idx.msk [tilespmem:v18+s3+$0x0], $0xffff;
	v50 =	vor.u32 $0x1E0, v7;
	vm0 =	vlt.s32 v12, v53;
	v17 =	vsub.f32 v27, v8  }
0x24f: {  	v31 =	vand.u32 $0xFFFFFFF8, v29;
	v41 =	vand.u32 $0xFFFFFFF8, v39;
	v34 =	vsel vm0, v12, v53  }
0x250: {  	v51 =	vadd.s32 v50, v11;
	v12 =	vsel vm10, v34, v12;
	v37 =	vand.u32 $0x7FFFFFFF, v17  }
0x251: {  	v14 =	vsub.f32 v35, v8;
	v17 =	vor.u32 v10, v48;
	v13 =	vsub.f32 v13, v8  }
0x252: {  	v34 =	vor.u32 $0x230, v7;
	v35 =	vld.idx.msk [tilespmem:v20+s3+$0x0], $0xffff;
	vm11 =	veq.s32 v9, v37;
	vm1 =	vlt.s32 v12, v58  }
0x253: {  	v18 =	vsub.f32 v18, v8;
	v40 =	vsel vm1, v12, v58;
	v14 =	vand.u32 $0x7FFFFFFF, v14  }
0x254: {  	v13 =	vand.u32 $0x7FFFFFFF, v13;
	v58 =	vor.u32 $0x200, v7;
	v12 =	vsel vm11, v40, v12  }
0x255: {  	v18 =	vand.u32 $0x7FFFFFFF, v18;
	vm14 =	veq.s32 v9, v14;
	vm13 =	vlt.s32 v12, v15  }
0x256: {  	vm5 =	veq.s32 v9, v13;
	vm12 =	veq.s32 v9, v18;
	v18 =	vld.idx.msk [tilespmem:v44+s3+$0x0], $0xffff;
	v15 =	vsel vm13, v12, v15  }
0x257: {  	v40 =	vsub.f32 v35, v8;
	v35 =	vor.u32 $0x2C0, v7;
	v12 =	vsel vm12, v15, v12  }
0x258: {  	v55 =	vld.idx.msk [tilespmem:v17+s3+$0x0], $0xffff;
	v15 =	vand.u32 $0x7FFFFFFF, v47;
	v47 =	vor.u32 $0x260, v7;
	vm15 =	vlt.s32 v12, v22  }
0x259: {  	vm4 =	veq.s32 v9, v15;
	v15 =	vadd.s32 v54, v11;
	v49 =	vsel vm15, v12, v22  }
0x25a: {  	v22 =	vand.u32 $0xFFFFFFF8, v51;
	v57 =	vand.u32 $0xFFFFFFF8, v15;
	v12 =	vsel vm14, v49, v12  }
0x25b: {  	v53 =	vor.u32 v10, v22;
	v56 =	vsub.f32 v18, v8;
	v18 =	vor.u32 v10, v57  }
0x25c: {  	v22 =	vadd.s32 v58, v11;
	v57 =	vor.u32 $0x280, v7;
	vm0 =	vlt.s32 v12, v32  }
0x25d: {  	v61 =	vand.u32 $0xFFFFFFF8, v22;
	v13 =	vsub.f32 v55, v8;
	v58 =	vadd.s32 v57, v11  }
0x25e: {  	v52 =	vsel vm0, v12, v32;
	v59 =	vand.u32 $0x7FFFFFFF, v56;
	v62 =	vor.u32 v10, v61  }
0x25f: {  	v32 =	vor.u32 v10, v31;
	v20 =	vand.u32 $0xFFFFFFF8, v58;
	v12 =	vsel vm4, v52, v12  }
0x260: {  	vm6 =	veq.s32 v9, v59;
	v13 =	vand.u32 $0x7FFFFFFF, v13;
	vm1 =	vlt.s32 v12, v36  }
0x261: {  	v20 =	vor.u32 v10, v20;
	v16 =	vsel vm1, v12, v36;
	v60 =	vld.idx.msk [tilespmem:v53+s3+$0x0], $0xffff;
	v36 =	vadd.s32 v34, v11  }
0x262: {  	v59 =	vor.u32 $0x290, v7;
	v18 =	vld.idx.msk [tilespmem:v18+s3+$0x0], $0xffff;
	v12 =	vsel vm5, v16, v12;
	v21 =	vand.u32 $0xFFFFFFF8, v36  }
0x263: {  	vm8 =	veq.s32 v9, v13;
	vm7 =	vlt.s32 v12, v43;
	v37 =	vor.u32 v10, v21  }
0x264: {  	v28 =	vld.idx.msk [tilespmem:v62+s3+$0x0], $0xffff;
	v62 =	vadd.s32 v59, v11;
	v59 =	vor.u32 $0x310, v7;
	v63 =	vsel vm7, v12, v43  }
0x265: {  	v13 =	vld.idx.msk [tilespmem:v32+s3+$0x0], $0xffff;
	v43 =	vor.u32 $0x250, v7;
	v23 =	vand.u32 $0xFFFFFFF8, v62;
	v12 =	vsel vm6, v63, v12  }
0x266: {  	v44 =	vadd.s32 v43, v11;
	vm0 =	vlt.s32 v12, v46;
	v17 =	vsub.f32 v60, v8  }
0x267: {  	v24 =	vor.u32 v10, v23;
	v18 =	vsub.f32 v18, v8;
	v27 =	vsel vm0, v12, v46  }
0x268: {  	v43 =	vor.u32 $0x2E0, v7;
	v12 =	vsel vm8, v27, v12;
	v30 =	vand.u32 $0x7FFFFFFF, v17  }
0x269: {  	v18 =	vand.u32 $0x7FFFFFFF, v18;
	v14 =	vsub.f32 v28, v8;
	v17 =	vor.u32 v10, v41  }
0x26a: {  	v13 =	vsub.f32 v13, v8;
	v28 =	vadd.s32 v26, v11;
	vm1 =	vlt.s32 v12, v51  }
0x26b: {  	vm9 =	veq.s32 v9, v30;
	vm10 =	veq.s32 v9, v18;
	v33 =	vsel vm1, v12, v51  }
0x26c: {  	v18 =	vld.idx.msk [tilespmem:v37+s3+$0x0], $0xffff;
	v21 =	vand.u32 $0xFFFFFFF8, v28;
	v30 =	vor.u32 $0x2B0, v7;
	v12 =	vsel vm9, v33, v12  }
0x26d: {  	v14 =	vand.u32 $0x7FFFFFFF, v14;
	v13 =	vand.u32 $0x7FFFFFFF, v13;
	vm11 =	vlt.s32 v12, v15  }
0x26e: {  	v51 =	vor.u32 $0x270, v7;
	v31 =	vadd.s32 v30, v11;
	v15 =	vsel vm11, v12, v15  }
0x26f: {  	vm12 =	veq.s32 v9, v14;
	vm15 =	veq.s32 v9, v13;
	v48 =	vld.idx.msk [tilespmem:v17+s3+$0x0], $0xffff;
	v12 =	vsel vm10, v15, v12  }
0x270: {  	v27 =	vld.idx.msk [tilespmem:v20+s3+$0x0], $0xffff;
	v33 =	vand.u32 $0xFFFFFFF8, v31;
	v15 =	vand.u32 $0x7FFFFFFF, v40;
	vm13 =	vlt.s32 v12, v22  }
0x271: {  	v49 =	vsub.f32 v18, v8;
	vm14 =	veq.s32 v9, v15;
	v42 =	vsel vm13, v12, v22  }
0x272: {  	v15 =	vadd.s32 v47, v11;
	v22 =	vand.u32 $0xFFFFFFF8, v44;
	v12 =	vsel vm12, v42, v12  }
0x273: {  	v50 =	vand.u32 $0xFFFFFFF8, v15;
	v46 =	vor.u32 v10, v22;
	vm0 =	vlt.s32 v12, v25  }
0x274: {  	v18 =	vor.u32 v10, v50;
	v13 =	vsub.f32 v48, v8;
	v45 =	vsel vm0, v12, v25  }
0x275: {  	v32 =	vsub.f32 v27, v8;
	v52 =	vand.u32 $0x7FFFFFFF, v49;
	v12 =	vsel vm14, v45, v12  }
0x276: {  	v22 =	vadd.s32 v51, v11;
	v13 =	vand.u32 $0x7FFFFFFF, v13;
	vm1 =	vlt.s32 v12, v29  }
0x277: {  	v54 =	vand.u32 $0xFFFFFFF8, v22;
	vm6 =	veq.s32 v9, v13;
	v13 =	vld.idx.msk [tilespmem:v24+s3+$0x0], $0xffff;
	v16 =	vsel vm1, v12, v29  }
0x278: {  	v49 =	vor.u32 $0x2F0, v7;
	v55 =	vor.u32 v10, v54;
	v53 =	vld.idx.msk [tilespmem:v46+s3+$0x0], $0xffff;
	v12 =	vsel vm15, v16, v12  }
0x279: {  	vm4 =	veq.s32 v9, v52;
	v50 =	vadd.s32 v49, v11;
	v18 =	vld.idx.msk [tilespmem:v18+s3+$0x0], $0xffff;
	vm5 =	vlt.s32 v12, v36  }
0x27a: {  	v51 =	vor.u32 $0x300, v7;
	v20 =	vand.u32 $0xFFFFFFF8, v50;
	v56 =	vsel vm5, v12, v36  }
0x27b: {  	v20 =	vor.u32 v10, v20;
	v54 =	vadd.s32 v51, v11;
	v12 =	vsel vm4, v56, v12  }
0x27c: {  	v29 =	vor.u32 v10, v21;
	v36 =	vadd.s32 v35, v11;
	vm0 =	vlt.s32 v12, v39  }
0x27d: {  	v61 =	vld.idx.msk [tilespmem:v55+s3+$0x0], $0xffff;
	v13 =	vsub.f32 v13, v8;
	v17 =	vsub.f32 v53, v8;
	v60 =	vsel vm0, v12, v39  }
0x27e: {  	v56 =	vand.u32 $0xFFFFFFF8, v54;
	v18 =	vsub.f32 v18, v8;
	v12 =	vsel vm6, v60, v12  }
0x27f: {  	v57 =	vor.u32 v10, v56;
	v63 =	vand.u32 $0x7FFFFFFF, v17;
	vm1 =	vlt.s32 v12, v44  }
0x280: {  	v13 =	vand.u32 $0x7FFFFFFF, v13;
	vm7 =	veq.s32 v9, v63;
	v25 =	vsel vm1, v12, v44  }
0x281: {  	v39 =	vor.u32 $0x2D0, v7;
	v18 =	vand.u32 $0x7FFFFFFF, v18;
	v12 =	vsel vm7, v25, v12  }
0x282: {  	v14 =	vsub.f32 v61, v8;
	v17 =	vor.u32 v10, v33;
	vm9 =	vlt.s32 v12, v15  }
0x283: {  	v61 =	vadd.s32 v59, v11;
	vm8 =	veq.s32 v9, v18;
	v15 =	vsel vm9, v12, v15  }
0x284: {  	vm13 =	veq.s32 v9, v13;
	v21 =	vand.u32 $0xFFFFFFF8, v61;
	v12 =	vsel vm8, v15, v12  }
0x285: {  	v63 =	vor.u32 $0x320, v7;
	v14 =	vand.u32 $0x7FFFFFFF, v14;
	vm11 =	vlt.s32 v12, v22  }
0x286: {  	v18 =	vld.idx.msk [tilespmem:v29+s3+$0x0], $0xffff;
	v24 =	vadd.s32 v63, v11;
	vm10 =	veq.s32 v9, v14;
	v34 =	vsel vm11, v12, v22  }
0x287: {  	v60 =	vld.idx.msk [tilespmem:v20+s3+$0x0], $0xffff;
	v63 =	vor.u32 $0x3B0, v7;
	v22 =	vand.u32 $0xFFFFFFF8, v36;
	v12 =	vsel vm10, v34, v12  }
0x288: {  	v15 =	vand.u32 $0x7FFFFFFF, v32;
	v38 =	vor.u32 v10, v22;
	vm0 =	vlt.s32 v12, v58  }
0x289: {  	vm12 =	veq.s32 v9, v15;
	v15 =	vadd.s32 v39, v11;
	v37 =	vsel vm0, v12, v58  }
0x28a: {  	v26 =	vand.u32 $0xFFFFFFF8, v24;
	v40 =	vld.idx.msk [tilespmem:v17+s3+$0x0], $0xffff;
	v42 =	vand.u32 $0xFFFFFFF8, v15;
	v12 =	vsel vm12, v37, v12  }
0x28b: {  	v41 =	vsub.f32 v18, v8;
	v18 =	vor.u32 v10, v42;
	vm1 =	vlt.s32 v12, v62  }
0x28c: {  	v25 =	vsub.f32 v60, v8;
	v22 =	vadd.s32 v43, v11;
	v16 =	vsel vm1, v12, v62  }
0x28d: {  	v60 =	vor.u32 $0x3A0, v7;
	v46 =	vand.u32 $0xFFFFFFF8, v22;
	v45 =	vld.idx.msk [tilespmem:v38+s3+$0x0], $0xffff;
	v12 =	vsel vm13, v16, v12  }
0x28e: {  	v44 =	vand.u32 $0x7FFFFFFF, v41;
	v47 =	vor.u32 v10, v46;
	vm15 =	vlt.s32 v12, v28  }
0x28f: {  	vm14 =	veq.s32 v9, v44;
	v13 =	vsub.f32 v40, v8;
	v48 =	vsel vm15, v12, v28  }
0x290: {  	v32 =	vor.u32 $0x340, v7;
	v42 =	vor.u32 $0x370, v7;
	v18 =	vld.idx.msk [tilespmem:v18+s3+$0x0], $0xffff;
	v12 =	vsel vm14, v48, v12  }
0x291: {  	v40 =	vor.u32 $0x360, v7;
	v13 =	vand.u32 $0x7FFFFFFF, v13;
	vm0 =	vlt.s32 v12, v31  }
0x292: {  	vm4 =	veq.s32 v9, v13;
	v17 =	vsub.f32 v45, v8;
	v52 =	vsel vm0, v12, v31  }
0x293: {  	v44 =	vadd.s32 v42, v11;
	v41 =	vadd.s32 v40, v11;
	v53 =	vld.idx.msk [tilespmem:v47+s3+$0x0], $0xffff;
	v12 =	vsel vm4, v52, v12  }
0x294: {  	v13 =	vld.idx.msk [tilespmem:v57+s3+$0x0], $0xffff;
	v62 =	vor.u32 v10, v21;
	v55 =	vand.u32 $0x7FFFFFFF, v17;
	vm1 =	vlt.s32 v12, v36  }
0x295: {  	v18 =	vsub.f32 v18, v8;
	vm5 =	veq.s32 v9, v55;
	v58 =	vsel vm1, v12, v36  }
0x296: {  	v37 =	vor.u32 $0x350, v7;
	v47 =	vand.u32 $0xFFFFFFF8, v44;
	v12 =	vsel vm5, v58, v12  }
0x297: {  	v28 =	vor.u32 $0x330, v7;
	v18 =	vand.u32 $0x7FFFFFFF, v18;
	vm7 =	vlt.s32 v12, v15  }
0x298: {  	v14 =	vsub.f32 v53, v8;
	vm6 =	veq.s32 v9, v18;
	v15 =	vsel vm7, v12, v15  }
0x299: {  	v29 =	vadd.s32 v28, v11;
	v13 =	vsub.f32 v13, v8;
	v12 =	vsel vm6, v15, v12  }
0x29a: {  	v17 =	vor.u32 v10, v26;
	v18 =	vld.idx.msk [tilespmem:v62+s3+$0x0], $0xffff;
	v14 =	vand.u32 $0x7FFFFFFF, v14;
	vm9 =	vlt.s32 v12, v22  }
0x29b: {  	v48 =	vor.u32 v10, v47;
	vm8 =	veq.s32 v9, v14;
	v27 =	vsel vm9, v12, v22  }
0x29c: {  	v13 =	vand.u32 $0x7FFFFFFF, v13;
	v22 =	vand.u32 $0xFFFFFFF8, v29;
	v12 =	vsel vm8, v27, v12  }
0x29d: {  	v15 =	vand.u32 $0x7FFFFFFF, v25;
	v31 =	vor.u32 v10, v22;
	vm0 =	vlt.s32 v12, v50  }
0x29e: {  	vm10 =	veq.s32 v9, v15;
	v15 =	vadd.s32 v32, v11;
	v30 =	vsel vm0, v12, v50  }
0x29f: {  	v33 =	vld.idx.msk [tilespmem:v17+s3+$0x0], $0xffff;
	v34 =	vsub.f32 v18, v8;
	v35 =	vand.u32 $0xFFFFFFF8, v15;
	v12 =	vsel vm10, v30, v12  }
0x2a0: {  	v18 =	vadd.s32 v37, v11;
	v36 =	vor.u32 v10, v35;
	vm1 =	vlt.s32 v12, v54  }
0x2a1: {  	vm11 =	veq.s32 v9, v13;
	v39 =	vand.u32 $0xFFFFFFF8, v18;
	v16 =	vsel vm1, v12, v54  }
0x2a2: {  	v20 =	vor.u32 v10, v39;
	v22 =	vand.u32 $0xFFFFFFF8, v41;
	v19 =	vld.idx.msk [tilespmem:v31+s3+$0x0], $0xffff;
	v12 =	vsel vm11, v16, v12  }
0x2a3: {  	v17 =	vand.u32 $0x7FFFFFFF, v34;
	v22 =	vor.u32 v10, v22;
	vm0 =	vlt.s32 v12, v61  }
0x2a4: {  	vm12 =	veq.s32 v9, v17;
	v13 =	vsub.f32 v33, v8;
	v38 =	vsel vm0, v12, v61  }
0x2a5: {  	v53 =	vor.u32 $0x390, v7;
	v50 =	vor.u32 $0x380, v7;
	v16 =	vld.idx.msk [tilespmem:v36+s3+$0x0], $0xffff;
	v12 =	vsel vm12, v38, v12  }
0x2a6: {  	v13 =	vand.u32 $0x7FFFFFFF, v13;
	v21 =	vadd.s32 v50, v11;
	vm13 =	vlt.s32 v12, v24  }
0x2a7: {  	vm14 =	veq.s32 v9, v13;
	v46 =	vld.idx.msk [tilespmem:v20+s3+$0x0], $0xffff;
	v19 =	vsub.f32 v19, v8;
	v43 =	vsel vm13, v12, v24  }
0x2a8: {  	v32 =	vor.u32 $0x3D0, v7;
	v52 =	vand.u32 $0xFFFFFFF8, v21;
	v51 =	vld.idx.msk [tilespmem:v22+s3+$0x0], $0xffff;
	v12 =	vsel vm14, v43, v12  }
0x2a9: {  	v54 =	vadd.s32 v53, v11;
	v45 =	vand.u32 $0x7FFFFFFF, v19;
	vm1 =	vlt.s32 v12, v29  }
0x2aa: {  	v16 =	vsub.f32 v16, v8;
	vm15 =	veq.s32 v9, v45;
	v49 =	vsel vm1, v12, v29  }
0x2ab: {  	v22 =	vor.u32 v10, v52;
	v56 =	vand.u32 $0xFFFFFFF8, v54;
	v12 =	vsel vm15, v49, v12  }
0x2ac: {  	v19 =	vsub.f32 v46, v8;
	v16 =	vand.u32 $0x7FFFFFFF, v16;
	vm0 =	vlt.s32 v12, v15  }
0x2ad: {  	v13 =	vld.idx.msk [tilespmem:v48+s3+$0x0], $0xffff;
	v20 =	vsub.f32 v51, v8;
	vm4 =	veq.s32 v9, v16;
	v15 =	vsel vm0, v12, v15  }
0x2ae: {  	v55 =	vand.u32 $0x7FFFFFFF, v19;
	v19 =	vor.u32 v10, v56;
	v12 =	vsel vm4, v15, v12  }
0x2af: {  	v27 =	vor.u32 $0x3C0, v7;
	v58 =	vand.u32 $0x7FFFFFFF, v20;
	vm5 =	vlt.s32 v12, v18  }
0x2b0: {  	v59 =	vld.idx.msk [tilespmem:v22+s3+$0x0], $0xffff;
	v20 =	vadd.s32 v60, v11;
	vm6 =	veq.s32 v9, v55;
	v57 =	vsel vm5, v12, v18  }
0x2b1: {  	v35 =	vor.u32 $0x3E0, v7;
	v62 =	vand.u32 $0xFFFFFFF8, v20;
	v12 =	vsel vm6, v57, v12  }
0x2b2: {  	v13 =	vsub.f32 v13, v8;
	v17 =	vor.u32 v10, v62;
	vm7 =	vlt.s32 v12, v41  }
0x2b3: {  	v24 =	vadd.s32 v63, v11;
	vm8 =	veq.s32 v9, v58;
	v19 =	vld.idx.msk [tilespmem:v19+s3+$0x0], $0xffff;
	v61 =	vsel vm7, v12, v41  }
0x2b4: {  	v13 =	vand.u32 $0x7FFFFFFF, v13;
	v26 =	vand.u32 $0xFFFFFFF8, v24;
	v12 =	vsel vm8, v61, v12  }
0x2b5: {  	v25 =	vsub.f32 v59, v8;
	v18 =	vor.u32 v10, v26;
	vm1 =	vlt.s32 v12, v44  }
0x2b6: {  	vm9 =	veq.s32 v9, v13;
	v29 =	vadd.s32 v27, v11;
	v14 =	vsel vm1, v12, v44  }
0x2b7: {  	v31 =	vand.u32 $0xFFFFFFF8, v29;
	v28 =	vand.u32 $0x7FFFFFFF, v25;
	v17 =	vld.idx.msk [tilespmem:v17+s3+$0x0], $0xffff;
	v12 =	vsel vm9, v14, v12  }
0x2b8: {  	v30 =	vsub.f32 v19, v8;
	v19 =	vor.u32 v10, v31;
	vm11 =	vlt.s32 v12, v21  }
0x2b9: {  	v22 =	vadd.s32 v32, v11;
	vm10 =	veq.s32 v9, v28;
	v21 =	vsel vm11, v12, v21  }
0x2ba: {  	v34 =	vand.u32 $0xFFFFFFF8, v22;
	v11 =	vadd.s32 v35, v11;
	v33 =	vld.idx.msk [tilespmem:v18+s3+$0x0], $0xffff;
	v12 =	vsel vm10, v21, v12  }
0x2bb: {  	v18 =	vor.u32 v10, v34;
	v14 =	vand.u32 $0x7FFFFFFF, v30;
	vm13 =	vlt.s32 v12, v54  }
0x2bc: {  	v17 =	vsub.f32 v17, v8;
	vm12 =	veq.s32 v9, v14;
	v16 =	vsel vm13, v12, v54  }
0x2bd: {  	v37 =	vand.u32 $0xFFFFFFF8, v11;
	v36 =	vld.idx.msk [tilespmem:v19+s3+$0x0], $0xffff;
	v12 =	vsel vm12, v16, v12  }
0x2be: {  	v10 =	vor.u32 v10, v37;
	v17 =	vand.u32 $0x7FFFFFFF, v17;
	vm0 =	vlt.s32 v12, v20  }
0x2bf: {  	vm14 =	veq.s32 v9, v17;
	v14 =	vsub.f32 v33, v8;
	v38 =	vsel vm0, v12, v20  }
0x2c0: {  	v39 =	vld.idx.msk [tilespmem:v18+s3+$0x0], $0xffff;
	v12 =	vsel vm14, v38, v12  }
0x2c1: {  	v14 =	vand.u32 $0x7FFFFFFF, v14;
	vm15 =	vlt.s32 v12, v24  }
0x2c2: {  	vm4 =	veq.s32 v9, v14;
	v40 =	vsub.f32 v36, v8;
	v13 =	vsel vm15, v12, v24  }
0x2c3: {  	v10 =	vld.idx.msk [tilespmem:v10+s3+$0x0], $0xffff;
	v12 =	vsel vm4, v13, v12  }
0x2c4: {  	v41 =	vand.u32 $0x7FFFFFFF, v40;
	vm5 =	vlt.s32 v12, v29  }
0x2c5: {  	v43 =	vsub.f32 v39, v8;
	vm6 =	veq.s32 v9, v41;
	v42 =	vsel vm5, v12, v29  }
0x2c6: {  	v12 =	vsel vm6, v42, v12  }
0x2c7: {  	v44 =	vand.u32 $0x7FFFFFFF, v43;
	vm7 =	vlt.s32 v12, v22  }
0x2c8: {  	v10 =	vsub.f32 v10, v8;
	vm8 =	veq.s32 v9, v44;
	v45 =	vsel vm7, v12, v22  }
0x2c9: {  	v12 =	vsel vm8, v45, v12  }
0x2ca: {  	v10 =	vand.u32 $0x7FFFFFFF, v10;
	vm9 =	vlt.s32 v12, v11  }
0x2cb: {  	vm10 =	veq.s32 v9, v10;
	v46 =	vsel vm9, v12, v11  }
0x2cc: {  	v10 =	vsel vm10, v46, v12  }
0x2cd: {  	[tilespmem:$0x7C20] =	vst v10  }
0x2ce: {  	v47 =	vld.idx.msk [tilespmem:v2+s24+$0x0], $0xffff;
	_ =	sdelay $0x4  }
0x2cf: {  	vm11 =	vlt.s32 v10, v47  }
0x2d0: {  	v10 =	vsel vm11, v10, v47  }
0x2d1: {  	[tilespmem:$0x7C20] =	vst v10  }
0x2d2: {  	v48 =	vld.idx.msk [tilespmem:v3+s24+$0x0], $0xffff;
	_ =	sdelay $0x4  }
0x2d3: {  	vm0 =	vlt.s32 v10, v48  }
0x2d4: {  	v10 =	vsel vm0, v10, v48  }
0x2d5: {  	[tilespmem:$0x7C20] =	vst v10  }
0x2d6: {  	v49 =	vld.idx.msk [tilespmem:v4+s24+$0x0], $0xffff;
	_ =	sdelay $0x4  }
0x2d7: {  	vm0 =	vlt.s32 v10, v49  }
0x2d8: {  	v10 =	vsel vm0, v10, v49  }
0x2d9: {  	[tilespmem:$0x7C20] =	vst v10  }
0x2da: {  	v50 =	vld.idx.msk [tilespmem:v5+s24+$0x0], $0xffff;
	_ =	swait.ge [sflag:s25], $0x10  }
0x2db: {  	[sflag:s25] =	ssyncset.done $0x0  }
0x2dc: {  	[sflag:s25] =	ssyncadd.s32 $0xFFFFFFF0  }
0x2dd: {  	v51 =	vld [tilespmem:$0x7A10];
	_ =	sdelay $0x4  }
0x2de: {  	v8 =	vsub.f32 v51, v8;
	_ =	sdelay $0x1  }
0x2df: {  	vm0 =	vlt.s32 v10, v50;
	v8 =	vand.u32 $0x7FFFFFFF, v8  }
0x2e0: {  	v52 =	vor.u32 $0x7A10, v7;
	v10 =	vsel vm0, v10, v50;
	v8 =	vpsel !p0, $0x7FFFFFFF, v8  }
0x2e1: {  	vm13 =	vgt.s32 v10, v52;
	vm12 =	veq.s32 v8, v9  }
0x2e2: {  	vm14 =	vlt.s32 v8, v9;
	vm0 =	vmand vm12, vm13  }
0x2e3: {  	vm0 =	vmor vm14, vm0  }
0x2e4: {  	v8 =	vsel vm0, v8, v9  }
0x2e5: {  	v53 =	vsel vm0, v52, v10;
	[tilespmem:$0x7C20] =	vst v8  }
0x2e6: {  	[tilespmem:$0x7C30] =	vst v53  }
0x2e7: {  	v54 =	vld.idx.msk [tilespmem:v2+s24+$0x0], $0xffff  }
0x2e8: {  	v55 =	vld.idx.msk [tilespmem:v2+s26+$0x0], $0xffff;
	_ =	sdelay $0x4  }
0x2e9: {  	vm15 =	veq.s32 v54, v8;
	vm4 =	vlt.s32 v55, v53  }
0x2ea: {  	vm5 =	vlt.s32 v54, v8;
	vm0 =	vmand vm15, vm4  }
0x2eb: {  	vm0 =	vmor vm5, vm0  }
0x2ec: {  	v8 =	vsel vm0, v54, v8  }
0x2ed: {  	v9 =	vsel vm0, v55, v53;
	[tilespmem:$0x7C20] =	vst v8  }
0x2ee: {  	[tilespmem:$0x7C30] =	vst v9  }
0x2ef: {  	v56 =	vld.idx.msk [tilespmem:v3+s24+$0x0], $0xffff  }
0x2f0: {  	v57 =	vld.idx.msk [tilespmem:v3+s26+$0x0], $0xffff;
	_ =	sdelay $0x4  }
0x2f1: {  	vm6 =	veq.s32 v56, v8;
	vm7 =	vlt.s32 v57, v9  }
0x2f2: {  	vm8 =	vlt.s32 v56, v8;
	vm0 =	vmand vm6, vm7  }
0x2f3: {  	vm0 =	vmor vm8, vm0  }
0x2f4: {  	v8 =	vsel vm0, v56, v8  }
0x2f5: {  	v9 =	vsel vm0, v57, v9;
	[tilespmem:$0x7C20] =	vst v8  }
0x2f6: {  	[tilespmem:$0x7C30] =	vst v9  }
0x2f7: {  	v58 =	vld.idx.msk [tilespmem:v4+s24+$0x0], $0xffff  }
0x2f8: {  	v59 =	vld.idx.msk [tilespmem:v4+s26+$0x0], $0xffff;
	_ =	sdelay $0x4  }
0x2f9: {  	vm9 =	veq.s32 v58, v8;
	vm10 =	vlt.s32 v59, v9  }
0x2fa: {  	vm11 =	vlt.s32 v58, v8;
	vm0 =	vmand vm9, vm10  }
0x2fb: {  	vm0 =	vmor vm11, vm0  }
0x2fc: {  	v8 =	vsel vm0, v58, v8  }
0x2fd: {  	v9 =	vsel vm0, v59, v9;
	[tilespmem:$0x7C20] =	vst v8  }
0x2fe: {  	[tilespmem:$0x7C30] =	vst v9  }
0x2ff: {  	v60 =	vld.idx.msk [tilespmem:v5+s24+$0x0], $0xffff  }
0x300: {  	v61 =	vld.idx.msk [tilespmem:v5+s26+$0x0], $0xffff;
	_ =	sdelay $0x4  }
0x301: {  	vm12 =	veq.s32 v60, v8;
	vm13 =	vlt.s32 v61, v9  }
0x302: {  	vm14 =	vlt.s32 v60, v8;
	vm0 =	vmand vm12, vm13  }
0x303: {  	vm0 =	vmor vm14, vm0  }
0x304: {  	v9 =	vsel vm0, v61, v9;
	_ =	sdelay $0x3  }
0x305: {  	vm15 =	vlt.s32 v9, $0x7A10  }
0x306: {  	v62 =	vsel vm15, v0, v1;
	v63 =	vld.idx.msk [tilespmem:v9+s3+$0x0], $0xffff  }
0x307: {  	v9 =	vadd.s32 v9, v62  }
0x308: {  	v8 =	vsel vm0, v60, v8;
	v9 =	vcvt.s32.f32 v9  }
0x309: {  	[tilespmem:$0x7C40] =	vst v8  }
0x30a: {  	[tilespmem:$0x7C50] =	vst v9  }
0x30b: {  	[tilespmem:$0x7C60] =	vst v63  }
0x30c: {  	[spmem:s9] =	stream.linear.scatter [tilespmem:s28], [sflag:$0x6], $0x30, $0x38;
	[tilespmem:$0x7FA0] =	vst v63  }
.Ltmp10:
0x30d: {  	_ =	swait.ge [sflag:s15], $0x30;
	(pc) =	sbr.rel @p1 .LBB2_19-.Ltmp10, $3  }
0x30e: {  	[sflag:s15] =	ssyncset.done $0x0  }
0x30f: {  	[sflag:s15] =	ssyncadd.s32 $0xFFFFFFD0  }
0x310: {  	[bflag:$0x0] =	sbarrier.arrive $0xFFFF;
	_ =	sdelay $0x1  }
0x311: {  	s2 =	rddreg [dreg:$0x4];
	s10 =	simm.s32 $0x7CA0  }
0x312: {  	[tilespmem:s10], [sflag:$0x6] =	stream.linear.gather [spmem:s2], $0x300, $0x38;
	[tilespmem:$0x7FA0] =	vst v63  }
0x313: {  	_ =	swait.ge [sflag:s15], $0x300  }
0x314: {  	[sflag:s15] =	ssyncset.done $0x0  }
0x315: {  	[sflag:s15] =	ssyncadd.s32 $0xFFFFFD00  }
0x316: {  	v8 =	vld [tilespmem:$0x7CA0]  }
0x317: {  	v9 =	vld [tilespmem:$0x7CB0]  }
0x318: {  	v10 =	vld [tilespmem:$0x7CD0]  }
0x319: {  	v11 =	vld [tilespmem:$0x7CE0];
	_ =	sdelay $0x2  }
0x31a: {  	v12 =	vld [tilespmem:$0x7D00]  }
0x31b: {  	v13 =	vld [tilespmem:$0x7D10]  }
0x31c: {  	vm0 =	veq.f32 v10, v8;
	vm1 =	vlt.f32 v11, v9  }
0x31d: {  	vm2 =	vlt.f32 v10, v8;
	vm0 =	vmand vm0, vm1  }
0x31e: {  	v14 =	vld [tilespmem:$0x7D30];
	vm0 =	vmor vm2, vm0  }
0x31f: {  	v32 =	vld [tilespmem:$0x7D40];
	v8 =	vsel vm0, v10, v8;
	v9 =	vsel vm0, v11, v9  }
0x320: {  	vm11 =	veq.f32 v12, v8;
	vm12 =	vlt.f32 v13, v9  }
0x321: {  	vm3 =	vlt.f32 v12, v8;
	vm1 =	vmand vm11, vm12  }
0x322: {  	v33 =	vld [tilespmem:$0x7D60];
	vm1 =	vmor vm3, vm1  }
0x323: {  	v34 =	vld [tilespmem:$0x7D70];
	v8 =	vsel vm1, v12, v8;
	v9 =	vsel vm1, v13, v9  }
0x324: {  	vm13 =	veq.f32 v14, v8;
	vm14 =	vlt.f32 v32, v9  }
0x325: {  	vm4 =	vlt.f32 v14, v8;
	vm2 =	vmand vm13, vm14  }
0x326: {  	v35 =	vld [tilespmem:$0x7D90];
	vm2 =	vmor vm4, vm2  }
0x327: {  	v36 =	vld [tilespmem:$0x7DA0];
	v8 =	vsel vm2, v14, v8;
	v9 =	vsel vm2, v32, v9  }
0x328: {  	vm15 =	veq.f32 v33, v8;
	vm8 =	vlt.f32 v34, v9  }
0x329: {  	vm5 =	vlt.f32 v33, v8;
	vm3 =	vmand vm15, vm8  }
0x32a: {  	v37 =	vld [tilespmem:$0x7DC0];
	vm3 =	vmor vm5, vm3  }
0x32b: {  	v38 =	vld [tilespmem:$0x7DD0];
	v8 =	vsel vm3, v33, v8;
	v9 =	vsel vm3, v34, v9  }
0x32c: {  	vm9 =	veq.f32 v35, v8;
	vm10 =	vlt.f32 v36, v9  }
0x32d: {  	vm6 =	vlt.f32 v35, v8;
	vm4 =	vmand vm9, vm10  }
0x32e: {  	v39 =	vld [tilespmem:$0x7DF0];
	vm4 =	vmor vm6, vm4  }
0x32f: {  	v40 =	vld [tilespmem:$0x7E00];
	v8 =	vsel vm4, v35, v8;
	v9 =	vsel vm4, v36, v9  }
0x330: {  	vm11 =	veq.f32 v37, v8;
	vm12 =	vlt.f32 v38, v9  }
0x331: {  	vm7 =	vlt.f32 v37, v8;
	vm5 =	vmand vm11, vm12  }
0x332: {  	v41 =	vld [tilespmem:$0x7E20];
	vm5 =	vmor vm7, vm5  }
0x333: {  	v42 =	vld [tilespmem:$0x7E30];
	v8 =	vsel vm5, v37, v8;
	v9 =	vsel vm5, v38, v9  }
0x334: {  	vm13 =	veq.f32 v39, v8;
	vm14 =	vlt.f32 v40, v9  }
0x335: {  	vm8 =	vlt.f32 v39, v8;
	vm6 =	vmand vm13, vm14  }
0x336: {  	v43 =	vld [tilespmem:$0x7E50];
	vm6 =	vmor vm8, vm6  }
0x337: {  	v44 =	vld [tilespmem:$0x7E60];
	v8 =	vsel vm6, v39, v8;
	v9 =	vsel vm6, v40, v9  }
0x338: {  	vm15 =	veq.f32 v41, v8;
	vm12 =	vlt.f32 v42, v9  }
0x339: {  	v45 =	vld [tilespmem:$0x7CC0];
	vm9 =	vlt.f32 v41, v8;
	vm7 =	vmand vm15, vm12  }
0x33a: {  	v15 =	vld [tilespmem:$0x7E80];
	vm7 =	vmor vm9, vm7  }
0x33b: {  	v46 =	vld [tilespmem:$0x7E90];
	v8 =	vsel vm7, v41, v8;
	v9 =	vsel vm7, v42, v9  }
0x33c: {  	v47 =	vld [tilespmem:$0x7CF0];
	vm13 =	veq.f32 v43, v8;
	vm14 =	vlt.f32 v44, v9  }
0x33d: {  	v16 =	vld [tilespmem:$0x7D20];
	vm10 =	vlt.f32 v43, v8;
	vm8 =	vmand vm13, vm14  }
0x33e: {  	v17 =	vld [tilespmem:$0x7EB0];
	vm8 =	vmor vm10, vm8  }
0x33f: {  	v48 =	vld [tilespmem:$0x7EC0];
	v8 =	vsel vm8, v43, v8;
	v9 =	vsel vm8, v44, v9  }
0x340: {  	v49 =	vld [tilespmem:$0x7D50];
	vm15 =	veq.f32 v15, v8;
	vm12 =	vlt.f32 v46, v9  }
0x341: {  	v18 =	vld [tilespmem:$0x7D80];
	vm11 =	vlt.f32 v15, v8;
	vm9 =	vmand vm15, vm12  }
0x342: {  	v19 =	vld [tilespmem:$0x7EE0];
	vm9 =	vmor vm11, vm9  }
0x343: {  	v50 =	vld [tilespmem:$0x7EF0];
	v8 =	vsel vm9, v15, v8;
	v9 =	vsel vm9, v46, v9  }
0x344: {  	v51 =	vld [tilespmem:$0x7DB0];
	vm10 =	veq.f32 v17, v8;
	vm11 =	vlt.f32 v48, v9  }
0x345: {  	v20 =	vld [tilespmem:$0x7DE0];
	vm12 =	vlt.f32 v17, v8;
	vm10 =	vmand vm10, vm11  }
0x346: {  	v21 =	vld [tilespmem:$0x7F10];
	vm10 =	vmor vm12, vm10  }
0x347: {  	v52 =	vld [tilespmem:$0x7F20];
	v8 =	vsel vm10, v17, v8;
	v9 =	vsel vm10, v48, v9  }
0x348: {  	v53 =	vld [tilespmem:$0x7E10];
	vm11 =	veq.f32 v19, v8;
	vm12 =	vlt.f32 v50, v9  }
0x349: {  	v22 =	vld [tilespmem:$0x7E40];
	vm11 =	vmand vm11, vm12;
	vm12 =	vlt.f32 v19, v8  }
0x34a: {  	v23 =	vld [tilespmem:$0x7F40];
	vm11 =	vmor vm12, vm11  }
0x34b: {  	v54 =	vld [tilespmem:$0x7F50];
	v12 =	vsel vm0, v47, v45;
	v8 =	vsel vm11, v19, v8;
	v9 =	vsel vm11, v50, v9  }
0x34c: {  	v55 =	vld [tilespmem:$0x7E70];
	v12 =	vsel vm1, v16, v12;
	vm13 =	veq.f32 v21, v8;
	vm14 =	vlt.f32 v52, v9  }
0x34d: {  	v56 =	vld [tilespmem:$0x7EA0];
	v12 =	vsel vm2, v49, v12;
	vm15 =	vlt.f32 v21, v8;
	vm0 =	vmand vm13, vm14  }
0x34e: {  	v57 =	vld [tilespmem:$0x7F70];
	v12 =	vsel vm3, v18, v12;
	vm0 =	vmor vm15, vm0  }
0x34f: {  	v58 =	vld [tilespmem:$0x7F80];
	v12 =	vsel vm4, v51, v12;
	v8 =	vsel vm0, v21, v8;
	v9 =	vsel vm0, v52, v9  }
0x350: {  	v59 =	vld [tilespmem:$0x7ED0];
	v12 =	vsel vm5, v20, v12;
	vm4 =	veq.f32 v23, v8;
	vm5 =	vlt.f32 v54, v9  }
0x351: {  	v60 =	vld [tilespmem:$0x7F00];
	v12 =	vsel vm6, v53, v12;
	vm12 =	vlt.f32 v23, v8;
	vm1 =	vmand vm4, vm5  }
0x352: {  	v61 =	vld [tilespmem:$0x7F30];
	v12 =	vsel vm7, v22, v12;
	vm1 =	vmor vm12, vm1  }
0x353: {  	v62 =	vld [tilespmem:$0x7F60];
	v12 =	vsel vm8, v55, v12;
	v8 =	vsel vm1, v23, v8;
	v9 =	vsel vm1, v54, v9  }
0x354: {  	v63 =	vld [tilespmem:$0x7F90];
	v12 =	vsel vm9, v56, v12;
	vm13 =	veq.f32 v57, v8;
	vm14 =	vlt.f32 v58, v9  }
0x355: {  	v12 =	vsel vm10, v59, v12;
	vm15 =	vlt.f32 v57, v8;
	vm2 =	vmand vm13, vm14  }
0x356: {  	v12 =	vsel vm11, v60, v12;
	vm2 =	vmor vm15, vm2  }
0x357: {  	v12 =	vsel vm0, v61, v12;
	v8 =	vsel vm2, v57, v8  }
0x358: {  	v11 =	vsel vm1, v62, v12;
	v9 =	vsel vm2, v58, v9;
	[tilespmem:$0x7C40] =	vst v8  }
0x359: {  	v8 =	vsel vm2, v63, v11;
	[tilespmem:$0x7C50] =	vst v9  }
0x35a: {  	s29 =	rddreg [dreg:$0x6];
	[tilespmem:$0x7C60] =	vst v8  }
0x35b: {  	[hbm4b:s29+s3] =	stream.linear.scatter [tilespmem:s28], [sflag:$0x6], $0x10, $0x38;
	[tilespmem:$0x7FA0] =	vst v63  }
0x35c: {  	_ =	swait.ge [sflag:s15], $0x10  }
0x35d: {  	[sflag:s15] =	ssyncset.done $0x0  }
0x35e: {  	s30 =	simm.s32 $0x7C50;
	[sflag:s15] =	ssyncadd.s32 $0xFFFFFFF0  }
0x35f: {  	[hbm4b:s11+s3] =	stream.linear.scatter [tilespmem:s30], [sflag:$0x6], $0x10, $0x38;
	[tilespmem:$0x7FA0] =	vst v63  }
0x360: {  	_ =	swait.ge [sflag:s15], $0x10  }
0x361: {  	[sflag:s15] =	ssyncset.done $0x0  }
.Ltmp11:
0x362: {  	s31 =	simm.s32 $0x7C60;
	[sflag:s15] =	ssyncadd.s32 $0xFFFFFFF0;
	(pc) =	sbr.rel .LBB2_19-.Ltmp11, $4  }
0x363: {  	[hbm4b:s12+s3] =	stream.linear.scatter [tilespmem:s31], [sflag:$0x6], $0x10, $0x38;
	[tilespmem:$0x7FA0] =	vst v63  }
0x364: {  	_ =	swait.ge [sflag:s15], $0x10  }
0x365: {  	[sflag:s15] =	ssyncset.done $0x0  }
0x366: {  	[sflag:s15] =	ssyncadd.s32 $0xFFFFFFF0  }
.LBB2_20:
0x367: {  	_ =	sfence.sel $0x180000  }
0x368: {  	[bflag:$0x0] =	sbarrier.arrive $0xFFFF  }
0x369: {  	_ =	strace $0x90000047  }
0x36a: {  	[bflag:$0x2] =	sbarrier.arrive $0xFFFF  }
0x36b: {  	s0 =	rddreg [dreg:$0x5]  }
0x36c: {  	s0 =	sadd.s32 @!p1 $0x100000, s0  }
0x36d: {  	[sflag:s0] =	ssyncadd.tile.s32 @!p1 $0x1;
	_ =	shalt  }
.Lfunc_end2:
_tile_overlayer_lowered:
.L_overlay_start_2:
0x36e: {  	(tag) =	ssettag $0x2  }
0x36f: {  	s0 =	rddreg [dreg:$0x0];
	s2 =	stileid.u32  }
0x370: {  	s1 =	rddreg [dreg:$0x1];
	p0 =	sne.s32 s2, $0x0  }
0x371: {  	s3 =	rddreg [dreg:$0x2];
	[bflag:$0x3] =	sbarrier.arrive $0xFFFF;
	s2 =	simm.s32 @!p0 $0x1C06  }
0x372: {  	[timem:s3], [sflag:s2] =	dma.local @!p0 [hbm:s0], s1  }
0x373: {  	s0 =	simm.s32 @!p0 $0x6  }
0x374: {  	_ =	swait.ge @!p0 [sflag:s0], s1  }
0x375: {  	s1 =	ssub.s32 @!p0 $0x0, s1;
	[sflag:s0] =	ssyncset.done @!p0 $0x0  }
0x376: {  	[sflag:s0] =	ssyncadd.s32 @!p0 s1  }
0x377: {  	[bflag:$0x3] =	sbarrier.arrive $0xFFFF  }
0x378: {  	_ =	shalt  }

</sc_bundles>
